<compile_context>
chip_gen: v7x
topology: tpu7x:2x2x1
jax: 0.10.2.dev20260603
libtpu: 0.0.44.dev20260713+nightly
codegen_flags: <defaults>
</compile_context>

<pallas_src>
import functools

import jax
import jax.numpy as jnp
import numpy as np
from jax import lax
from jax.experimental import pallas as pl
from jax.experimental.pallas import tpu as pltpu
from jax.experimental.pallas import tpu_sc as plsc

_NC, _NS, _L = 2, 16, 16
_NW = _NC * _NS


@functools.lru_cache(maxsize=None)
def _make_sc_kernel(N, D, E):
    EW = E // _NW
    C = 80
    n_chunks = EW // C
    n_groups = C // _L
    n_pairs = (n_chunks - 1) // 2
    assert EW % C == 0 and C % _L == 0 and D % _L == 0 and E % _NW == 0
    assert n_chunks == 2 * n_pairs + 1

    mesh = plsc.VectorSubcoreMesh(core_axis_name="c", subcore_axis_name="s")

    @functools.partial(
        pl.kernel,
        mesh=mesh,
        compiler_params=pltpu.CompilerParams(needs_layout_passes=False),
        out_type=jax.ShapeDtypeStruct((E,), jnp.float32),
        scratch_types=[
            pltpu.VMEM((EW,), jnp.int32),
            pltpu.VMEM((EW,), jnp.int32),
            pltpu.VMEM((C, D), jnp.int32),
            pltpu.VMEM((C, D), jnp.int32),
            pltpu.VMEM((C, D), jnp.int32),
            pltpu.VMEM((C, D), jnp.int32),
            pltpu.VMEM((EW,), jnp.float32),
            pltpu.VMEM((_L, _L), jnp.int32),
            pltpu.SemaphoreType.DMA,
            pltpu.SemaphoreType.DMA,
            pltpu.SemaphoreType.DMA,
            pltpu.SemaphoreType.DMA,
        ],
    )
    def k(h_hbm, src_hbm, dst_hbm, out_hbm, isrc, idst, a0, b0, a1, b1,
          out_w, tt, sa0, sb0, sa1, sb1):
        wid = lax.axis_index("s") * _NC + lax.axis_index("c")
        base = wid * EW
        pltpu.sync_copy(src_hbm.at[pl.ds(base, EW)], isrc)
        pltpu.sync_copy(dst_hbm.at[pl.ds(base, EW)], idst)

        lane = jnp.arange(_L, dtype=jnp.int32)
        rots = [(lane + j) & (_L - 1) for j in range(_L)]
        rows = [jnp.full((_L,), j, jnp.int32) for j in range(_L)]

        def issue(c, ba, bb, sema, semb):
            off = c * C
            pltpu.async_copy(h_hbm.at[isrc.at[pl.ds(off, C)]], ba, sema)
            pltpu.async_copy(h_hbm.at[idst.at[pl.ds(off, C)]], bb, semb)

        def wait_pair(ba, bb, sema, semb):
            pltpu.make_async_copy(h_hbm.at[pl.ds(0, C)], ba, sema).wait()
            pltpu.make_async_copy(h_hbm.at[pl.ds(0, C)], bb, semb).wait()

        def compute(c, ba, bb):
            off = c * C

            def group_body(g, carry):
                eb = g * _L
                for j in range(_L):
                    acc = None
                    for kk in range(D // (2 * _L)):
                        va = plsc.bitcast(ba[eb + j, pl.ds(kk * _L, _L)],
                                          jnp.bfloat16)
                        vb = plsc.bitcast(bb[eb + j, pl.ds(kk * _L, _L)],
                                          jnp.bfloat16)
                        p = va * vb
                        acc = p if acc is None else acc + p
                    plsc.store_scatter(tt, [rows[j], rots[j]],
                                       plsc.bitcast(acc, jnp.int32))
                cols = [plsc.bitcast(plsc.load_gather(tt, [lane, rots[l]]),
                                     jnp.bfloat16)
                        for l in range(_L)]
                while len(cols) > 1:
                    cols = [cols[i] + cols[i + 1]
                            for i in range(0, len(cols), 2)]
                lo, hi = plsc.unpack(
                    cols[0], format=plsc.PackFormat.INTERLEAVED,
                    preferred_element_type=jnp.float32)
                out_w[pl.ds(off + eb, _L)] = lo + hi
                return carry

            lax.fori_loop(0, n_groups, group_body, 0)

        issue(0, a0, b0, sa0, sb0)

        def pair_body(i, carry):
            c0 = 2 * i
            issue(c0 + 1, a1, b1, sa1, sb1)
            wait_pair(a0, b0, sa0, sb0)
            compute(c0, a0, b0)
            issue(c0 + 2, a0, b0, sa0, sb0)
            wait_pair(a1, b1, sa1, sb1)
            compute(c0 + 1, a1, b1)
            return carry

        lax.fori_loop(0, n_pairs, pair_body, 0)
        wait_pair(a0, b0, sa0, sb0)
        compute(n_chunks - 1, a0, b0)

        pltpu.sync_copy(out_w, out_hbm.at[pl.ds(base, EW)])

    return k


def kernel(h, edge_index):
    N, D = h.shape
    E = edge_index.shape[1]
    src = edge_index[0]
    dst = edge_index[1]
    hb = jax.lax.bitcast_convert_type(
        h.astype(jnp.bfloat16).reshape(N, D // 2, 2), jnp.int32)
    hb = jnp.concatenate([hb, jnp.zeros((N, D - D // 2), jnp.int32)], axis=1)
    out = _make_sc_kernel(N, D, E)(hb, src, dst)
    return out.reshape(E, 1)

# --- scband reference (transcript-rebuilt; emitter-appended) ---
"""Pipeline reference for scband-intra-predictor-12481174962473 (READ-ONLY COPY).

The authoritative reference and input builder live on the scoring server;
editing this copy changes nothing except your own understanding.
"""

import jax, jax.numpy as jnp
import numpy as np

N_NODES = 10000
N_EDGES = 320000
D_FEAT = 128

def setup_inputs(seed: int = 0) -> dict:
    key = jax.random.key(seed)
    k1, k2 = jax.random.split(key)
    h = jax.random.normal(k1, (N_NODES, D_FEAT), dtype=jnp.float32)
    edge_index = jax.random.randint(k2, (2, N_EDGES), 0, N_NODES, dtype=jnp.int32)
    return {"h": h, "edge_index": edge_index}

def reference(h, edge_index):
    # DGL u_dot_v: for each edge e=(u,v), score[e] = dot(h[u], h[v]), shape [E, 1]
    src = edge_index[0]
    dst = edge_index[1]
    h_src = jnp.take(h, src, axis=0)
    h_dst = jnp.take(h, dst, axis=0)
    score = jnp.sum(h_src * h_dst, axis=-1, keepdims=True)
    return score

if __name__ == "__main__":
    import jax
    _d = setup_inputs()
    print(jax.jit(kernel)(*tuple(_d.values())))

</pallas_src>

<mosaic_0001>
#map = affine_map<(d0, d1) -> (0, 0)>
#map1 = affine_map<(d0, d1) -> (0)>
module attributes {stable_mosaic.version = 14 : i64} {
  func.func @k(%arg0: i32, %arg1: i32, %arg2: memref<10000x128xi32, #tpu.memory_space<hbm>>, %arg3: memref<320000xi32, #tpu.memory_space<hbm>>, %arg4: memref<320000xi32, #tpu.memory_space<hbm>>, %arg5: memref<320000xf32, #tpu.memory_space<hbm>>, %arg6: memref<10000xi32, #tpu.memory_space<vmem>>, %arg7: memref<10000xi32, #tpu.memory_space<vmem>>, %arg8: memref<80x128xi32, #tpu.memory_space<vmem>>, %arg9: memref<80x128xi32, #tpu.memory_space<vmem>>, %arg10: memref<80x128xi32, #tpu.memory_space<vmem>>, %arg11: memref<80x128xi32, #tpu.memory_space<vmem>>, %arg12: memref<10000xf32, #tpu.memory_space<vmem>>, %arg13: memref<16x16xi32, #tpu.memory_space<vmem>>, %arg14: memref<!tpu.dma_semaphore, #tpu.memory_space<semaphore_mem>>, %arg15: memref<!tpu.dma_semaphore, #tpu.memory_space<semaphore_mem>>, %arg16: memref<!tpu.dma_semaphore, #tpu.memory_space<semaphore_mem>>, %arg17: memref<!tpu.dma_semaphore, #tpu.memory_space<semaphore_mem>>) attributes {dimension_semantics = [#tpu.dimension_semantics<core_parallel>, #tpu.dimension_semantics<subcore_parallel>], iteration_bounds = array<i64: 2, 16>, scalar_prefetch = 0 : i64, scratch_operands = 12 : i64, tpu.core_type = #tpu.core_type<sc_vector_subcore>, window_params = [{transform_indices = #map}, {transform_indices = #map1}, {transform_indices = #map1}, {transform_indices = #map1}]} {
    %mul3A = arith.constant 2 : i32
    %mul3A_0 = arith.muli %arg1, %mul3A : i32
    %add3A = arith.addi %mul3A_0, %arg0 : i32
    %mul3A_1 = arith.constant 10000 : i32
    %mul3A_2 = arith.muli %add3A, %mul3A_1 : i32
    "tpu.region"() ({
      %run_scoped3A = tpu.sem_alloc : memref<!tpu.dma_semaphore, #tpu.memory_space<semaphore_mem>>
      %dma_start3A_160 = tpu.memref_slice %arg3[%mul3A_2] : memref<320000xi32, #tpu.memory_space<hbm>> -> memref<10000xi32, #tpu.memory_space<hbm>>
      %dma_start3A_161 = tpu.memref_slice %arg3[%mul3A_2] : memref<320000xi32, #tpu.memory_space<hbm>> -> memref<10000xi32, #tpu.memory_space<hbm>>
      tpu.enqueue_dma source(%dma_start3A_161 : memref<10000xi32, #tpu.memory_space<hbm>>) target(%arg6 : memref<10000xi32, #tpu.memory_space<vmem>>) target_semaphore(%run_scoped3A : memref<!tpu.dma_semaphore, #tpu.memory_space<semaphore_mem>>)
      %dma_wait3A_162 = tpu.memref_slice %arg3[%mul3A_2] : memref<320000xi32, #tpu.memory_space<hbm>> -> memref<10000xi32, #tpu.memory_space<hbm>>
      %dma_wait3A_163 = tpu.memref_slice %arg3[%mul3A_2] : memref<320000xi32, #tpu.memory_space<hbm>> -> memref<10000xi32, #tpu.memory_space<hbm>>
      tpu.wait_dma2 semaphore(%run_scoped3A : memref<!tpu.dma_semaphore, #tpu.memory_space<semaphore_mem>>) src(%dma_wait3A_163 : memref<10000xi32, #tpu.memory_space<hbm>>) dst(%arg6 : memref<10000xi32, #tpu.memory_space<vmem>>)
      tpu.yield
    }) : () -> ()
    "tpu.region"() ({
      %run_scoped3A = tpu.sem_alloc : memref<!tpu.dma_semaphore, #tpu.memory_space<semaphore_mem>>
      %dma_start3A_160 = tpu.memref_slice %arg4[%mul3A_2] : memref<320000xi32, #tpu.memory_space<hbm>> -> memref<10000xi32, #tpu.memory_space<hbm>>
      %dma_start3A_161 = tpu.memref_slice %arg4[%mul3A_2] : memref<320000xi32, #tpu.memory_space<hbm>> -> memref<10000xi32, #tpu.memory_space<hbm>>
      tpu.enqueue_dma source(%dma_start3A_161 : memref<10000xi32, #tpu.memory_space<hbm>>) target(%arg7 : memref<10000xi32, #tpu.memory_space<vmem>>) target_semaphore(%run_scoped3A : memref<!tpu.dma_semaphore, #tpu.memory_space<semaphore_mem>>)
      %dma_wait3A_162 = tpu.memref_slice %arg4[%mul3A_2] : memref<320000xi32, #tpu.memory_space<hbm>> -> memref<10000xi32, #tpu.memory_space<hbm>>
      %dma_wait3A_163 = tpu.memref_slice %arg4[%mul3A_2] : memref<320000xi32, #tpu.memory_space<hbm>> -> memref<10000xi32, #tpu.memory_space<hbm>>
      tpu.wait_dma2 semaphore(%run_scoped3A : memref<!tpu.dma_semaphore, #tpu.memory_space<semaphore_mem>>) src(%dma_wait3A_163 : memref<10000xi32, #tpu.memory_space<hbm>>) dst(%arg7 : memref<10000xi32, #tpu.memory_space<vmem>>)
      tpu.yield
    }) : () -> ()
    %iota3A = tpu.iota {dimensions = array<i32: 0>} : vector<16xi32>
    %add3A_3 = arith.constant 0 : i32
    %add3A_4 = vector.broadcast %add3A_3 : i32 to vector<16xi32>
    %add3A_5 = arith.addi %iota3A, %add3A_4 : vector<16xi32>
    %and3A = arith.constant 15 : i32
    %and3A_6 = vector.broadcast %and3A : i32 to vector<16xi32>
    %and3A_7 = arith.andi %add3A_5, %and3A_6 : vector<16xi32>
    %add3A_8 = arith.constant 1 : i32
    %add3A_9 = vector.broadcast %add3A_8 : i32 to vector<16xi32>
    %add3A_10 = arith.addi %iota3A, %add3A_9 : vector<16xi32>
    %and3A_11 = arith.constant 15 : i32
    %and3A_12 = vector.broadcast %and3A_11 : i32 to vector<16xi32>
    %and3A_13 = arith.andi %add3A_10, %and3A_12 : vector<16xi32>
    %add3A_14 = arith.constant 2 : i32
    %add3A_15 = vector.broadcast %add3A_14 : i32 to vector<16xi32>
    %add3A_16 = arith.addi %iota3A, %add3A_15 : vector<16xi32>
    %and3A_17 = arith.constant 15 : i32
    %and3A_18 = vector.broadcast %and3A_17 : i32 to vector<16xi32>
    %and3A_19 = arith.andi %add3A_16, %and3A_18 : vector<16xi32>
    %add3A_20 = arith.constant 3 : i32
    %add3A_21 = vector.broadcast %add3A_20 : i32 to vector<16xi32>
    %add3A_22 = arith.addi %iota3A, %add3A_21 : vector<16xi32>
    %and3A_23 = arith.constant 15 : i32
    %and3A_24 = vector.broadcast %and3A_23 : i32 to vector<16xi32>
    %and3A_25 = arith.andi %add3A_22, %and3A_24 : vector<16xi32>
    %add3A_26 = arith.constant 4 : i32
    %add3A_27 = vector.broadcast %add3A_26 : i32 to vector<16xi32>
    %add3A_28 = arith.addi %iota3A, %add3A_27 : vector<16xi32>
    %and3A_29 = arith.constant 15 : i32
    %and3A_30 = vector.broadcast %and3A_29 : i32 to vector<16xi32>
    %and3A_31 = arith.andi %add3A_28, %and3A_30 : vector<16xi32>
    %add3A_32 = arith.constant 5 : i32
    %add3A_33 = vector.broadcast %add3A_32 : i32 to vector<16xi32>
    %add3A_34 = arith.addi %iota3A, %add3A_33 : vector<16xi32>
    %and3A_35 = arith.constant 15 : i32
    %and3A_36 = vector.broadcast %and3A_35 : i32 to vector<16xi32>
    %and3A_37 = arith.andi %add3A_34, %and3A_36 : vector<16xi32>
    %add3A_38 = arith.constant 6 : i32
    %add3A_39 = vector.broadcast %add3A_38 : i32 to vector<16xi32>
    %add3A_40 = arith.addi %iota3A, %add3A_39 : vector<16xi32>
    %and3A_41 = arith.constant 15 : i32
    %and3A_42 = vector.broadcast %and3A_41 : i32 to vector<16xi32>
    %and3A_43 = arith.andi %add3A_40, %and3A_42 : vector<16xi32>
    %add3A_44 = arith.constant 7 : i32
    %add3A_45 = vector.broadcast %add3A_44 : i32 to vector<16xi32>
    %add3A_46 = arith.addi %iota3A, %add3A_45 : vector<16xi32>
    %and3A_47 = arith.constant 15 : i32
    %and3A_48 = vector.broadcast %and3A_47 : i32 to vector<16xi32>
    %and3A_49 = arith.andi %add3A_46, %and3A_48 : vector<16xi32>
    %add3A_50 = arith.constant 8 : i32
    %add3A_51 = vector.broadcast %add3A_50 : i32 to vector<16xi32>
    %add3A_52 = arith.addi %iota3A, %add3A_51 : vector<16xi32>
    %and3A_53 = arith.constant 15 : i32
    %and3A_54 = vector.broadcast %and3A_53 : i32 to vector<16xi32>
    %and3A_55 = arith.andi %add3A_52, %and3A_54 : vector<16xi32>
    %add3A_56 = arith.constant 9 : i32
    %add3A_57 = vector.broadcast %add3A_56 : i32 to vector<16xi32>
    %add3A_58 = arith.addi %iota3A, %add3A_57 : vector<16xi32>
    %and3A_59 = arith.constant 15 : i32
    %and3A_60 = vector.broadcast %and3A_59 : i32 to vector<16xi32>
    %and3A_61 = arith.andi %add3A_58, %and3A_60 : vector<16xi32>
    %add3A_62 = arith.constant 10 : i32
    %add3A_63 = vector.broadcast %add3A_62 : i32 to vector<16xi32>
    %add3A_64 = arith.addi %iota3A, %add3A_63 : vector<16xi32>
    %and3A_65 = arith.constant 15 : i32
    %and3A_66 = vector.broadcast %and3A_65 : i32 to vector<16xi32>
    %and3A_67 = arith.andi %add3A_64, %and3A_66 : vector<16xi32>
    %add3A_68 = arith.constant 11 : i32
    %add3A_69 = vector.broadcast %add3A_68 : i32 to vector<16xi32>
    %add3A_70 = arith.addi %iota3A, %add3A_69 : vector<16xi32>
    %and3A_71 = arith.constant 15 : i32
    %and3A_72 = vector.broadcast %and3A_71 : i32 to vector<16xi32>
    %and3A_73 = arith.andi %add3A_70, %and3A_72 : vector<16xi32>
    %add3A_74 = arith.constant 12 : i32
    %add3A_75 = vector.broadcast %add3A_74 : i32 to vector<16xi32>
    %add3A_76 = arith.addi %iota3A, %add3A_75 : vector<16xi32>
    %and3A_77 = arith.constant 15 : i32
    %and3A_78 = vector.broadcast %and3A_77 : i32 to vector<16xi32>
    %and3A_79 = arith.andi %add3A_76, %and3A_78 : vector<16xi32>
    %add3A_80 = arith.constant 13 : i32
    %add3A_81 = vector.broadcast %add3A_80 : i32 to vector<16xi32>
    %add3A_82 = arith.addi %iota3A, %add3A_81 : vector<16xi32>
    %and3A_83 = arith.constant 15 : i32
    %and3A_84 = vector.broadcast %and3A_83 : i32 to vector<16xi32>
    %and3A_85 = arith.andi %add3A_82, %and3A_84 : vector<16xi32>
    %add3A_86 = arith.constant 14 : i32
    %add3A_87 = vector.broadcast %add3A_86 : i32 to vector<16xi32>
    %add3A_88 = arith.addi %iota3A, %add3A_87 : vector<16xi32>
    %and3A_89 = arith.constant 15 : i32
    %and3A_90 = vector.broadcast %and3A_89 : i32 to vector<16xi32>
    %and3A_91 = arith.andi %add3A_88, %and3A_90 : vector<16xi32>
    %add3A_92 = arith.constant 15 : i32
    %add3A_93 = vector.broadcast %add3A_92 : i32 to vector<16xi32>
    %add3A_94 = arith.addi %iota3A, %add3A_93 : vector<16xi32>
    %and3A_95 = arith.constant 15 : i32
    %and3A_96 = vector.broadcast %and3A_95 : i32 to vector<16xi32>
    %and3A_97 = arith.andi %add3A_94, %and3A_96 : vector<16xi32>
    %broadcast_in_dim3A = arith.constant 0 : i32
    %broadcast_in_dim3A_98 = vector.broadcast %broadcast_in_dim3A : i32 to vector<16xi32>
    %broadcast_in_dim3A_99 = arith.constant 1 : i32
    %broadcast_in_dim3A_100 = vector.broadcast %broadcast_in_dim3A_99 : i32 to vector<16xi32>
    %broadcast_in_dim3A_101 = arith.constant 2 : i32
    %broadcast_in_dim3A_102 = vector.broadcast %broadcast_in_dim3A_101 : i32 to vector<16xi32>
    %broadcast_in_dim3A_103 = arith.constant 3 : i32
    %broadcast_in_dim3A_104 = vector.broadcast %broadcast_in_dim3A_103 : i32 to vector<16xi32>
    %broadcast_in_dim3A_105 = arith.constant 4 : i32
    %broadcast_in_dim3A_106 = vector.broadcast %broadcast_in_dim3A_105 : i32 to vector<16xi32>
    %broadcast_in_dim3A_107 = arith.constant 5 : i32
    %broadcast_in_dim3A_108 = vector.broadcast %broadcast_in_dim3A_107 : i32 to vector<16xi32>
    %broadcast_in_dim3A_109 = arith.constant 6 : i32
    %broadcast_in_dim3A_110 = vector.broadcast %broadcast_in_dim3A_109 : i32 to vector<16xi32>
    %broadcast_in_dim3A_111 = arith.constant 7 : i32
    %broadcast_in_dim3A_112 = vector.broadcast %broadcast_in_dim3A_111 : i32 to vector<16xi32>
    %broadcast_in_dim3A_113 = arith.constant 8 : i32
    %broadcast_in_dim3A_114 = vector.broadcast %broadcast_in_dim3A_113 : i32 to vector<16xi32>
    %broadcast_in_dim3A_115 = arith.constant 9 : i32
    %broadcast_in_dim3A_116 = vector.broadcast %broadcast_in_dim3A_115 : i32 to vector<16xi32>
    %broadcast_in_dim3A_117 = arith.constant 10 : i32
    %broadcast_in_dim3A_118 = vector.broadcast %broadcast_in_dim3A_117 : i32 to vector<16xi32>
    %broadcast_in_dim3A_119 = arith.constant 11 : i32
    %broadcast_in_dim3A_120 = vector.broadcast %broadcast_in_dim3A_119 : i32 to vector<16xi32>
    %broadcast_in_dim3A_121 = arith.constant 12 : i32
    %broadcast_in_dim3A_122 = vector.broadcast %broadcast_in_dim3A_121 : i32 to vector<16xi32>
    %broadcast_in_dim3A_123 = arith.constant 13 : i32
    %broadcast_in_dim3A_124 = vector.broadcast %broadcast_in_dim3A_123 : i32 to vector<16xi32>
    %broadcast_in_dim3A_125 = arith.constant 14 : i32
    %broadcast_in_dim3A_126 = vector.broadcast %broadcast_in_dim3A_125 : i32 to vector<16xi32>
    %broadcast_in_dim3A_127 = arith.constant 15 : i32
    %broadcast_in_dim3A_128 = vector.broadcast %broadcast_in_dim3A_127 : i32 to vector<16xi32>
    %dma_start3A = arith.constant 0 : i32
    %dma_start3A_129 = tpu.memref_slice %arg6[%dma_start3A] : memref<10000xi32, #tpu.memory_space<vmem>> -> memref<80xi32, #tpu.memory_space<vmem>>
    %dma_start3A_130 = arith.constant 0 : i32
    %dma_start3A_131 = arith.constant 0 : i32
    %dma_start3A_132 = tpu.memref_slice %arg2[%dma_start3A_130, %dma_start3A_131] : memref<10000x128xi32, #tpu.memory_space<hbm>> -> memref<10000x128xi32, #tpu.memory_space<hbm>>
    tpu.enqueue_indirect_dma source(%dma_start3A_132 : memref<10000x128xi32, #tpu.memory_space<hbm>>) target(%arg8 : memref<80x128xi32, #tpu.memory_space<vmem>>) offsets(%dma_start3A_129 : memref<80xi32, #tpu.memory_space<vmem>>) semaphore(%arg14 : memref<!tpu.dma_semaphore, #tpu.memory_space<semaphore_mem>>)
    %dma_start3A_133 = arith.constant 0 : i32
    %dma_start3A_134 = tpu.memref_slice %arg7[%dma_start3A_133] : memref<10000xi32, #tpu.memory_space<vmem>> -> memref<80xi32, #tpu.memory_space<vmem>>
    %dma_start3A_135 = arith.constant 0 : i32
    %dma_start3A_136 = arith.constant 0 : i32
    %dma_start3A_137 = tpu.memref_slice %arg2[%dma_start3A_135, %dma_start3A_136] : memref<10000x128xi32, #tpu.memory_space<hbm>> -> memref<10000x128xi32, #tpu.memory_space<hbm>>
    tpu.enqueue_indirect_dma source(%dma_start3A_137 : memref<10000x128xi32, #tpu.memory_space<hbm>>) target(%arg9 : memref<80x128xi32, #tpu.memory_space<vmem>>) offsets(%dma_start3A_134 : memref<80xi32, #tpu.memory_space<vmem>>) semaphore(%arg15 : memref<!tpu.dma_semaphore, #tpu.memory_space<semaphore_mem>>)
    %scan3A = arith.constant 0 : i32
    %scan3A_138 = arith.constant 0 : i32
    %scan3A_139 = arith.constant 62 : i32
    %scan3A_140 = arith.addi %scan3A_138, %scan3A_139 : i32
    %scan3A_141 = arith.constant 1 : i32
    scf.for %scan3A_160 = %scan3A_138 to %scan3A_140 step %scan3A_141  : i32 {
      %mul3A_161 = arith.constant 2 : i32
      %mul3A_162 = arith.muli %mul3A_161, %scan3A_160 : i32
      %add3A_163 = arith.constant 1 : i32
      %add3A_164 = arith.addi %mul3A_162, %add3A_163 : i32
      %mul3A_165 = arith.constant 80 : i32
      %mul3A_166 = arith.muli %add3A_164, %mul3A_165 : i32
      %dma_start3A_167 = tpu.memref_slice %arg6[%mul3A_166] : memref<10000xi32, #tpu.memory_space<vmem>> -> memref<80xi32, #tpu.memory_space<vmem>>
      %dma_start3A_168 = arith.constant 0 : i32
      %dma_start3A_169 = arith.constant 0 : i32
      %dma_start3A_170 = tpu.memref_slice %arg2[%dma_start3A_168, %dma_start3A_169] : memref<10000x128xi32, #tpu.memory_space<hbm>> -> memref<10000x128xi32, #tpu.memory_space<hbm>>
      tpu.enqueue_indirect_dma source(%dma_start3A_170 : memref<10000x128xi32, #tpu.memory_space<hbm>>) target(%arg10 : memref<80x128xi32, #tpu.memory_space<vmem>>) offsets(%dma_start3A_167 : memref<80xi32, #tpu.memory_space<vmem>>) semaphore(%arg16 : memref<!tpu.dma_semaphore, #tpu.memory_space<semaphore_mem>>)
      %dma_start3A_171 = tpu.memref_slice %arg7[%mul3A_166] : memref<10000xi32, #tpu.memory_space<vmem>> -> memref<80xi32, #tpu.memory_space<vmem>>
      %dma_start3A_172 = arith.constant 0 : i32
      %dma_start3A_173 = arith.constant 0 : i32
      %dma_start3A_174 = tpu.memref_slice %arg2[%dma_start3A_172, %dma_start3A_173] : memref<10000x128xi32, #tpu.memory_space<hbm>> -> memref<10000x128xi32, #tpu.memory_space<hbm>>
      tpu.enqueue_indirect_dma source(%dma_start3A_174 : memref<10000x128xi32, #tpu.memory_space<hbm>>) target(%arg11 : memref<80x128xi32, #tpu.memory_space<vmem>>) offsets(%dma_start3A_171 : memref<80xi32, #tpu.memory_space<vmem>>) semaphore(%arg17 : memref<!tpu.dma_semaphore, #tpu.memory_space<semaphore_mem>>)
      %dma_wait3A_175 = arith.constant 0 : i32
      %dma_wait3A_176 = arith.constant 0 : i32
      %dma_wait3A_177 = tpu.memref_slice %arg2[%dma_wait3A_175, %dma_wait3A_176] : memref<10000x128xi32, #tpu.memory_space<hbm>> -> memref<80x128xi32, #tpu.memory_space<hbm>>
      %dma_wait3A_178 = arith.constant 0 : i32
      %dma_wait3A_179 = arith.constant 0 : i32
      %dma_wait3A_180 = tpu.memref_slice %arg2[%dma_wait3A_178, %dma_wait3A_179] : memref<10000x128xi32, #tpu.memory_space<hbm>> -> memref<80x128xi32, #tpu.memory_space<hbm>>
      tpu.wait_dma2 semaphore(%arg14 : memref<!tpu.dma_semaphore, #tpu.memory_space<semaphore_mem>>) src(%dma_wait3A_180 : memref<80x128xi32, #tpu.memory_space<hbm>>) dst(%arg8 : memref<80x128xi32, #tpu.memory_space<vmem>>)
      %dma_wait3A_181 = arith.constant 0 : i32
      %dma_wait3A_182 = arith.constant 0 : i32
      %dma_wait3A_183 = tpu.memref_slice %arg2[%dma_wait3A_181, %dma_wait3A_182] : memref<10000x128xi32, #tpu.memory_space<hbm>> -> memref<80x128xi32, #tpu.memory_space<hbm>>
      %dma_wait3A_184 = arith.constant 0 : i32
      %dma_wait3A_185 = arith.constant 0 : i32
      %dma_wait3A_186 = tpu.memref_slice %arg2[%dma_wait3A_184, %dma_wait3A_185] : memref<10000x128xi32, #tpu.memory_space<hbm>> -> memref<80x128xi32, #tpu.memory_space<hbm>>
      tpu.wait_dma2 semaphore(%arg15 : memref<!tpu.dma_semaphore, #tpu.memory_space<semaphore_mem>>) src(%dma_wait3A_186 : memref<80x128xi32, #tpu.memory_space<hbm>>) dst(%arg9 : memref<80x128xi32, #tpu.memory_space<vmem>>)
      %mul3A_187 = arith.constant 80 : i32
      %mul3A_188 = arith.muli %mul3A_162, %mul3A_187 : i32
      %scan3A_189 = arith.constant 0 : i32
      %scan3A_190 = arith.constant 0 : i32
      %scan3A_191 = arith.constant 5 : i32
      %scan3A_192 = arith.addi %scan3A_190, %scan3A_191 : i32
      %scan3A_193 = arith.constant 1 : i32
      scf.for %scan3A_229 = %scan3A_190 to %scan3A_192 step %scan3A_193  : i32 {
        %mul3A_230 = arith.constant 16 : i32
        %mul3A_231 = arith.muli %scan3A_229, %mul3A_230 : i32
        %add3A_232 = arith.constant 0 : i32
        %add3A_233 = arith.addi %mul3A_231, %add3A_232 : i32
        %get3A = arith.index_cast %add3A_233 : i32 to index
        %get3A_234 = arith.constant 0 : index
        %get3A_235 = tpu.vector_load %arg8[%get3A, %get3A_234] {strides = array<i32>} : memref<80x128xi32, #tpu.memory_space<vmem>>, vector<16xi32>,
        %bitcast3A = vector.bitcast %get3A_235 : vector<16xi32> to vector<32xbf16>
        %add3A_236 = arith.constant 0 : i32
        %add3A_237 = arith.addi %mul3A_231, %add3A_236 : i32
        %get3A_238 = arith.index_cast %add3A_237 : i32 to index
        %get3A_239 = arith.constant 0 : index
        %get3A_240 = tpu.vector_load %arg9[%get3A_238, %get3A_239] {strides = array<i32>} : memref<80x128xi32, #tpu.memory_space<vmem>>, vector<16xi32>,
        %bitcast3A_241 = vector.bitcast %get3A_240 : vector<16xi32> to vector<32xbf16>
        %mul3A_242 = arith.mulf %bitcast3A, %bitcast3A_241 : vector<32xbf16>
        %add3A_243 = arith.constant 0 : i32
        %add3A_244 = arith.addi %mul3A_231, %add3A_243 : i32
        %get3A_245 = arith.index_cast %add3A_244 : i32 to index
        %get3A_246 = arith.constant 16 : index
        %get3A_247 = tpu.vector_load %arg8[%get3A_245, %get3A_246] {strides = array<i32>} : memref<80x128xi32, #tpu.memory_space<vmem>>, vector<16xi32>,
        %bitcast3A_248 = vector.bitcast %get3A_247 : vector<16xi32> to vector<32xbf16>
        %add3A_249 = arith.constant 0 : i32
        %add3A_250 = arith.addi %mul3A_231, %add3A_249 : i32
        %get3A_251 = arith.index_cast %add3A_250 : i32 to index
        %get3A_252 = arith.constant 16 : index
        %get3A_253 = tpu.vector_load %arg9[%get3A_251, %get3A_252] {strides = array<i32>} : memref<80x128xi32, #tpu.memory_space<vmem>>, vector<16xi32>,
        %bitcast3A_254 = vector.bitcast %get3A_253 : vector<16xi32> to vector<32xbf16>
        %mul3A_255 = arith.mulf %bitcast3A_248, %bitcast3A_254 : vector<32xbf16>
        %add3A_256 = arith.addf %mul3A_242, %mul3A_255 : vector<32xbf16>
        %add3A_257 = arith.constant 0 : i32
        %add3A_258 = arith.addi %mul3A_231, %add3A_257 : i32
        %get3A_259 = arith.index_cast %add3A_258 : i32 to index
        %get3A_260 = arith.constant 32 : index
        %get3A_261 = tpu.vector_load %arg8[%get3A_259, %get3A_260] {strides = array<i32>} : memref<80x128xi32, #tpu.memory_space<vmem>>, vector<16xi32>,
        %bitcast3A_262 = vector.bitcast %get3A_261 : vector<16xi32> to vector<32xbf16>
        %add3A_263 = arith.constant 0 : i32
        %add3A_264 = arith.addi %mul3A_231, %add3A_263 : i32
        %get3A_265 = arith.index_cast %add3A_264 : i32 to index
        %get3A_266 = arith.constant 32 : index
        %get3A_267 = tpu.vector_load %arg9[%get3A_265, %get3A_266] {strides = array<i32>} : memref<80x128xi32, #tpu.memory_space<vmem>>, vector<16xi32>,
        %bitcast3A_268 = vector.bitcast %get3A_267 : vector<16xi32> to vector<32xbf16>
        %mul3A_269 = arith.mulf %bitcast3A_262, %bitcast3A_268 : vector<32xbf16>
        %add3A_270 = arith.addf %add3A_256, %mul3A_269 : vector<32xbf16>
        %add3A_271 = arith.constant 0 : i32
        %add3A_272 = arith.addi %mul3A_231, %add3A_271 : i32
        %get3A_273 = arith.index_cast %add3A_272 : i32 to index
        %get3A_274 = arith.constant 48 : index
        %get3A_275 = tpu.vector_load %arg8[%get3A_273, %get3A_274] {strides = array<i32>} : memref<80x128xi32, #tpu.memory_space<vmem>>, vector<16xi32>,
        %bitcast3A_276 = vector.bitcast %get3A_275 : vector<16xi32> to vector<32xbf16>
        %add3A_277 = arith.constant 0 : i32
        %add3A_278 = arith.addi %mul3A_231, %add3A_277 : i32
        %get3A_279 = arith.index_cast %add3A_278 : i32 to index
        %get3A_280 = arith.constant 48 : index
        %get3A_281 = tpu.vector_load %arg9[%get3A_279, %get3A_280] {strides = array<i32>} : memref<80x128xi32, #tpu.memory_space<vmem>>, vector<16xi32>,
        %bitcast3A_282 = vector.bitcast %get3A_281 : vector<16xi32> to vector<32xbf16>
        %mul3A_283 = arith.mulf %bitcast3A_276, %bitcast3A_282 : vector<32xbf16>
        %add3A_284 = arith.addf %add3A_270, %mul3A_283 : vector<32xbf16>
        %bitcast3A_285 = vector.bitcast %add3A_284 : vector<32xbf16> to vector<16xi32>
        tpu.vector_store_idx %arg13[%broadcast_in_dim3A_98, %and3A_7], %bitcast3A_285 : memref<16x16xi32, #tpu.memory_space<vmem>>[vector<16xi32>, vector<16xi32>], vector<16xi32>,
        %add3A_286 = arith.constant 1 : i32
        %add3A_287 = arith.addi %mul3A_231, %add3A_286 : i32
        %get3A_288 = arith.index_cast %add3A_287 : i32 to index
        %get3A_289 = arith.constant 0 : index
        %get3A_290 = tpu.vector_load %arg8[%get3A_288, %get3A_289] {strides = array<i32>} : memref<80x128xi32, #tpu.memory_space<vmem>>, vector<16xi32>,
        %bitcast3A_291 = vector.bitcast %get3A_290 : vector<16xi32> to vector<32xbf16>
        %add3A_292 = arith.constant 1 : i32
        %add3A_293 = arith.addi %mul3A_231, %add3A_292 : i32
        %get3A_294 = arith.index_cast %add3A_293 : i32 to index
        %get3A_295 = arith.constant 0 : index
        %get3A_296 = tpu.vector_load %arg9[%get3A_294, %get3A_295] {strides = array<i32>} : memref<80x128xi32, #tpu.memory_space<vmem>>, vector<16xi32>,
        %bitcast3A_297 = vector.bitcast %get3A_296 : vector<16xi32> to vector<32xbf16>
        %mul3A_298 = arith.mulf %bitcast3A_291, %bitcast3A_297 : vector<32xbf16>
        %add3A_299 = arith.constant 1 : i32
        %add3A_300 = arith.addi %mul3A_231, %add3A_299 : i32
        %get3A_301 = arith.index_cast %add3A_300 : i32 to index
        %get3A_302 = arith.constant 16 : index
        %get3A_303 = tpu.vector_load %arg8[%get3A_301, %get3A_302] {strides = array<i32>} : memref<80x128xi32, #tpu.memory_space<vmem>>, vector<16xi32>,
        %bitcast3A_304 = vector.bitcast %get3A_303 : vector<16xi32> to vector<32xbf16>
        %add3A_305 = arith.constant 1 : i32
        %add3A_306 = arith.addi %mul3A_231, %add3A_305 : i32
        %get3A_307 = arith.index_cast %add3A_306 : i32 to index
        %get3A_308 = arith.constant 16 : index
        %get3A_309 = tpu.vector_load %arg9[%get3A_307, %get3A_308] {strides = array<i32>} : memref<80x128xi32, #tpu.memory_space<vmem>>, vector<16xi32>,
        %bitcast3A_310 = vector.bitcast %get3A_309 : vector<16xi32> to vector<32xbf16>
        %mul3A_311 = arith.mulf %bitcast3A_304, %bitcast3A_310 : vector<32xbf16>
        %add3A_312 = arith.addf %mul3A_298, %mul3A_311 : vector<32xbf16>
        %add3A_313 = arith.constant 1 : i32
        %add3A_314 = arith.addi %mul3A_231, %add3A_313 : i32
        %get3A_315 = arith.index_cast %add3A_314 : i32 to index
        %get3A_316 = arith.constant 32 : index
        %get3A_317 = tpu.vector_load %arg8[%get3A_315, %get3A_316] {strides = array<i32>} : memref<80x128xi32, #tpu.memory_space<vmem>>, vector<16xi32>,
        %bitcast3A_318 = vector.bitcast %get3A_317 : vector<16xi32> to vector<32xbf16>
        %add3A_319 = arith.constant 1 : i32
        %add3A_320 = arith.addi %mul3A_231, %add3A_319 : i32
        %get3A_321 = arith.index_cast %add3A_320 : i32 to index
        %get3A_322 = arith.constant 32 : index
        %get3A_323 = tpu.vector_load %arg9[%get3A_321, %get3A_322] {strides = array<i32>} : memref<80x128xi32, #tpu.memory_space<vmem>>, vector<16xi32>,
        %bitcast3A_324 = vector.bitcast %get3A_323 : vector<16xi32> to vector<32xbf16>
        %mul3A_325 = arith.mulf %bitcast3A_318, %bitcast3A_324 : vector<32xbf16>
        %add3A_326 = arith.addf %add3A_312, %mul3A_325 : vector<32xbf16>
        %add3A_327 = arith.constant 1 : i32
        %add3A_328 = arith.addi %mul3A_231, %add3A_327 : i32
        %get3A_329 = arith.index_cast %add3A_328 : i32 to index
        %get3A_330 = arith.constant 48 : index
        %get3A_331 = tpu.vector_load %arg8[%get3A_329, %get3A_330] {strides = array<i32>} : memref<80x128xi32, #tpu.memory_space<vmem>>, vector<16xi32>,
        %bitcast3A_332 = vector.bitcast %get3A_331 : vector<16xi32> to vector<32xbf16>
        %add3A_333 = arith.constant 1 : i32
        %add3A_334 = arith.addi %mul3A_231, %add3A_333 : i32
        %get3A_335 = arith.index_cast %add3A_334 : i32 to index
        %get3A_336 = arith.constant 48 : index
        %get3A_337 = tpu.vector_load %arg9[%get3A_335, %get3A_336] {strides = array<i32>} : memref<80x128xi32, #tpu.memory_space<vmem>>, vector<16xi32>,
        %bitcast3A_338 = vector.bitcast %get3A_337 : vector<16xi32> to vector<32xbf16>
        %mul3A_339 = arith.mulf %bitcast3A_332, %bitcast3A_338 : vector<32xbf16>
        %add3A_340 = arith.addf %add3A_326, %mul3A_339 : vector<32xbf16>
        %bitcast3A_341 = vector.bitcast %add3A_340 : vector<32xbf16> to vector<16xi32>
        tpu.vector_store_idx %arg13[%broadcast_in_dim3A_100, %and3A_13], %bitcast3A_341 : memref<16x16xi32, #tpu.memory_space<vmem>>[vector<16xi32>, vector<16xi32>], vector<16xi32>,
        %add3A_342 = arith.constant 2 : i32
        %add3A_343 = arith.addi %mul3A_231, %add3A_342 : i32
        %get3A_344 = arith.index_cast %add3A_343 : i32 to index
        %get3A_345 = arith.constant 0 : index
        %get3A_346 = tpu.vector_load %arg8[%get3A_344, %get3A_345] {strides = array<i32>} : memref<80x128xi32, #tpu.memory_space<vmem>>, vector<16xi32>,
        %bitcast3A_347 = vector.bitcast %get3A_346 : vector<16xi32> to vector<32xbf16>
        %add3A_348 = arith.constant 2 : i32
        %add3A_349 = arith.addi %mul3A_231, %add3A_348 : i32
        %get3A_350 = arith.index_cast %add3A_349 : i32 to index
        %get3A_351 = arith.constant 0 : index
        %get3A_352 = tpu.vector_load %arg9[%get3A_350, %get3A_351] {strides = array<i32>} : memref<80x128xi32, #tpu.memory_space<vmem>>, vector<16xi32>,
        %bitcast3A_353 = vector.bitcast %get3A_352 : vector<16xi32> to vector<32xbf16>
        %mul3A_354 = arith.mulf %bitcast3A_347, %bitcast3A_353 : vector<32xbf16>
        %add3A_355 = arith.constant 2 : i32
        %add3A_356 = arith.addi %mul3A_231, %add3A_355 : i32
        %get3A_357 = arith.index_cast %add3A_356 : i32 to index
        %get3A_358 = arith.constant 16 : index
        %get3A_359 = tpu.vector_load %arg8[%get3A_357, %get3A_358] {strides = array<i32>} : memref<80x128xi32, #tpu.memory_space<vmem>>, vector<16xi32>,
        %bitcast3A_360 = vector.bitcast %get3A_359 : vector<16xi32> to vector<32xbf16>
        %add3A_361 = arith.constant 2 : i32
        %add3A_362 = arith.addi %mul3A_231, %add3A_361 : i32
        %get3A_363 = arith.index_cast %add3A_362 : i32 to index
        %get3A_364 = arith.constant 16 : index
        %get3A_365 = tpu.vector_load %arg9[%get3A_363, %get3A_364] {strides = array<i32>} : memref<80x128xi32, #tpu.memory_space<vmem>>, vector<16xi32>,
        %bitcast3A_366 = vector.bitcast %get3A_365 : vector<16xi32> to vector<32xbf16>
        %mul3A_367 = arith.mulf %bitcast3A_360, %bitcast3A_366 : vector<32xbf16>
        %add3A_368 = arith.addf %mul3A_354, %mul3A_367 : vector<32xbf16>
        %add3A_369 = arith.constant 2 : i32
        %add3A_370 = arith.addi %mul3A_231, %add3A_369 : i32
        %get3A_371 = arith.index_cast %add3A_370 : i32 to index
        %get3A_372 = arith.constant 32 : index
        %get3A_373 = tpu.vector_load %arg8[%get3A_371, %get3A_372] {strides = array<i32>} : memref<80x128xi32, #tpu.memory_space<vmem>>, vector<16xi32>,
        %bitcast3A_374 = vector.bitcast %get3A_373 : vector<16xi32> to vector<32xbf16>
        %add3A_375 = arith.constant 2 : i32
        %add3A_376 = arith.addi %mul3A_231, %add3A_375 : i32
        %get3A_377 = arith.index_cast %add3A_376 : i32 to index
        %get3A_378 = arith.constant 32 : index
        %get3A_379 = tpu.vector_load %arg9[%get3A_377, %get3A_378] {strides = array<i32>} : memref<80x128xi32, #tpu.memory_space<vmem>>, vector<16xi32>,
        %bitcast3A_380 = vector.bitcast %get3A_379 : vector<16xi32> to vector<32xbf16>
        %mul3A_381 = arith.mulf %bitcast3A_374, %bitcast3A_380 : vector<32xbf16>
        %add3A_382 = arith.addf %add3A_368, %mul3A_381 : vector<32xbf16>
        %add3A_383 = arith.constant 2 : i32
        %add3A_384 = arith.addi %mul3A_231, %add3A_383 : i32
        %get3A_385 = arith.index_cast %add3A_384 : i32 to index
        %get3A_386 = arith.constant 48 : index
        %get3A_387 = tpu.vector_load %arg8[%get3A_385, %get3A_386] {strides = array<i32>} : memref<80x128xi32, #tpu.memory_space<vmem>>, vector<16xi32>,
        %bitcast3A_388 = vector.bitcast %get3A_387 : vector<16xi32> to vector<32xbf16>
        %add3A_389 = arith.constant 2 : i32
        %add3A_390 = arith.addi %mul3A_231, %add3A_389 : i32
        %get3A_391 = arith.index_cast %add3A_390 : i32 to index
        %get3A_392 = arith.constant 48 : index
        %get3A_393 = tpu.vector_load %arg9[%get3A_391, %get3A_392] {strides = array<i32>} : memref<80x128xi32, #tpu.memory_space<vmem>>, vector<16xi32>,
        %bitcast3A_394 = vector.bitcast %get3A_393 : vector<16xi32> to vector<32xbf16>
        %mul3A_395 = arith.mulf %bitcast3A_388, %bitcast3A_394 : vector<32xbf16>
        %add3A_396 = arith.addf %add3A_382, %mul3A_395 : vector<32xbf16>
        %bitcast3A_397 = vector.bitcast %add3A_396 : vector<32xbf16> to vector<16xi32>
        tpu.vector_store_idx %arg13[%broadcast_in_dim3A_102, %and3A_19], %bitcast3A_397 : memref<16x16xi32, #tpu.memory_space<vmem>>[vector<16xi32>, vector<16xi32>], vector<16xi32>,
        %add3A_398 = arith.constant 3 : i32
        %add3A_399 = arith.addi %mul3A_231, %add3A_398 : i32
        %get3A_400 = arith.index_cast %add3A_399 : i32 to index
        %get3A_401 = arith.constant 0 : index
        %get3A_402 = tpu.vector_load %arg8[%get3A_400, %get3A_401] {strides = array<i32>} : memref<80x128xi32, #tpu.memory_space<vmem>>, vector<16xi32>,
        %bitcast3A_403 = vector.bitcast %get3A_402 : vector<16xi32> to vector<32xbf16>
        %add3A_404 = arith.constant 3 : i32
        %add3A_405 = arith.addi %mul3A_231, %add3A_404 : i32
        %get3A_406 = arith.index_cast %add3A_405 : i32 to index
        %get3A_407 = arith.constant 0 : index
        %get3A_408 = tpu.vector_load %arg9[%get3A_406, %get3A_407] {strides = array<i32>} : memref<80x128xi32, #tpu.memory_space<vmem>>, vector<16xi32>,
        %bitcast3A_409 = vector.bitcast %get3A_408 : vector<16xi32> to vector<32xbf16>
        %mul3A_410 = arith.mulf %bitcast3A_403, %bitcast3A_409 : vector<32xbf16>
        %add3A_411 = arith.constant 3 : i32
        %add3A_412 = arith.addi %mul3A_231, %add3A_411 : i32
        %get3A_413 = arith.index_cast %add3A_412 : i32 to index
        %get3A_414 = arith.constant 16 : index
        %get3A_415 = tpu.vector_load %arg8[%get3A_413, %get3A_414] {strides = array<i32>} : memref<80x128xi32, #tpu.memory_space<vmem>>, vector<16xi32>,
        %bitcast3A_416 = vector.bitcast %get3A_415 : vector<16xi32> to vector<32xbf16>
        %add3A_417 = arith.constant 3 : i32
        %add3A_418 = arith.addi %mul3A_231, %add3A_417 : i32
        %get3A_419 = arith.index_cast %add3A_418 : i32 to index
        %get3A_420 = arith.constant 16 : index
        %get3A_421 = tpu.vector_load %arg9[%get3A_419, %get3A_420] {strides = array<i32>} : memref<80x128xi32, #tpu.memory_space<vmem>>, vector<16xi32>,
        %bitcast3A_422 = vector.bitcast %get3A_421 : vector<16xi32> to vector<32xbf16>
        %mul3A_423 = arith.mulf %bitcast3A_416, %bitcast3A_422 : vector<32xbf16>
        %add3A_424 = arith.addf %mul3A_410, %mul3A_423 : vector<32xbf16>
        %add3A_425 = arith.constant 3 : i32
        %add3A_426 = arith.addi %mul3A_231, %add3A_425 : i32
        %get3A_427 = arith.index_cast %add3A_426 : i32 to index
        %get3A_428 = arith.constant 32 : index
        %get3A_429 = tpu.vector_load %arg8[%get3A_427, %get3A_428] {strides = array<i32>} : memref<80x128xi32, #tpu.memory_space<vmem>>, vector<16xi32>,
        %bitcast3A_430 = vector.bitcast %get3A_429 : vector<16xi32> to vector<32xbf16>
        %add3A_431 = arith.constant 3 : i32
        %add3A_432 = arith.addi %mul3A_231, %add3A_431 : i32
        %get3A_433 = arith.index_cast %add3A_432 : i32 to index
        %get3A_434 = arith.constant 32 : index
        %get3A_435 = tpu.vector_load %arg9[%get3A_433, %get3A_434] {strides = array<i32>} : memref<80x128xi32, #tpu.memory_space<vmem>>, vector<16xi32>,
        %bitcast3A_436 = vector.bitcast %get3A_435 : vector<16xi32> to vector<32xbf16>
        %mul3A_437 = arith.mulf %bitcast3A_430, %bitcast3A_436 : vector<32xbf16>
        %add3A_438 = arith.addf %add3A_424, %mul3A_437 : vector<32xbf16>
        %add3A_439 = arith.constant 3 : i32
        %add3A_440 = arith.addi %mul3A_231, %add3A_439 : i32
        %get3A_441 = arith.index_cast %add3A_440 : i32 to index
        %get3A_442 = arith.constant 48 : index
        %get3A_443 = tpu.vector_load %arg8[%get3A_441, %get3A_442] {strides = array<i32>} : memref<80x128xi32, #tpu.memory_space<vmem>>, vector<16xi32>,
        %bitcast3A_444 = vector.bitcast %get3A_443 : vector<16xi32> to vector<32xbf16>
        %add3A_445 = arith.constant 3 : i32
        %add3A_446 = arith.addi %mul3A_231, %add3A_445 : i32
        %get3A_447 = arith.index_cast %add3A_446 : i32 to index
        %get3A_448 = arith.constant 48 : index
        %get3A_449 = tpu.vector_load %arg9[%get3A_447, %get3A_448] {strides = array<i32>} : memref<80x128xi32, #tpu.memory_space<vmem>>, vector<16xi32>,
        %bitcast3A_450 = vector.bitcast %get3A_449 : vector<16xi32> to vector<32xbf16>
        %mul3A_451 = arith.mulf %bitcast3A_444, %bitcast3A_450 : vector<32xbf16>
        %add3A_452 = arith.addf %add3A_438, %mul3A_451 : vector<32xbf16>
        %bitcast3A_453 = vector.bitcast %add3A_452 : vector<32xbf16> to vector<16xi32>
        tpu.vector_store_idx %arg13[%broadcast_in_dim3A_104, %and3A_25], %bitcast3A_453 : memref<16x16xi32, #tpu.memory_space<vmem>>[vector<16xi32>, vector<16xi32>], vector<16xi32>,
        %add3A_454 = arith.constant 4 : i32
        %add3A_455 = arith.addi %mul3A_231, %add3A_454 : i32
        %get3A_456 = arith.index_cast %add3A_455 : i32 to index
        %get3A_457 = arith.constant 0 : index
        %get3A_458 = tpu.vector_load %arg8[%get3A_456, %get3A_457] {strides = array<i32>} : memref<80x128xi32, #tpu.memory_space<vmem>>, vector<16xi32>,
        %bitcast3A_459 = vector.bitcast %get3A_458 : vector<16xi32> to vector<32xbf16>
        %add3A_460 = arith.constant 4 : i32
        %add3A_461 = arith.addi %mul3A_231, %add3A_460 : i32
        %get3A_462 = arith.index_cast %add3A_461 : i32 to index
        %get3A_463 = arith.constant 0 : index
        %get3A_464 = tpu.vector_load %arg9[%get3A_462, %get3A_463] {strides = array<i32>} : memref<80x128xi32, #tpu.memory_space<vmem>>, vector<16xi32>,
        %bitcast3A_465 = vector.bitcast %get3A_464 : vector<16xi32> to vector<32xbf16>
        %mul3A_466 = arith.mulf %bitcast3A_459, %bitcast3A_465 : vector<32xbf16>
        %add3A_467 = arith.constant 4 : i32
        %add3A_468 = arith.addi %mul3A_231, %add3A_467 : i32
        %get3A_469 = arith.index_cast %add3A_468 : i32 to index
        %get3A_470 = arith.constant 16 : index
        %get3A_471 = tpu.vector_load %arg8[%get3A_469, %get3A_470] {strides = array<i32>} : memref<80x128xi32, #tpu.memory_space<vmem>>, vector<16xi32>,
        %bitcast3A_472 = vector.bitcast %get3A_471 : vector<16xi32> to vector<32xbf16>
        %add3A_473 = arith.constant 4 : i32
        %add3A_474 = arith.addi %mul3A_231, %add3A_473 : i32
        %get3A_475 = arith.index_cast %add3A_474 : i32 to index
        %get3A_476 = arith.constant 16 : index
        %get3A_477 = tpu.vector_load %arg9[%get3A_475, %get3A_476] {strides = array<i32>} : memref<80x128xi32, #tpu.memory_space<vmem>>, vector<16xi32>,
        %bitcast3A_478 = vector.bitcast %get3A_477 : vector<16xi32> to vector<32xbf16>
        %mul3A_479 = arith.mulf %bitcast3A_472, %bitcast3A_478 : vector<32xbf16>
        %add3A_480 = arith.addf %mul3A_466, %mul3A_479 : vector<32xbf16>
        %add3A_481 = arith.constant 4 : i32
        %add3A_482 = arith.addi %mul3A_231, %add3A_481 : i32
        %get3A_483 = arith.index_cast %add3A_482 : i32 to index
        %get3A_484 = arith.constant 32 : index
        %get3A_485 = tpu.vector_load %arg8[%get3A_483, %get3A_484] {strides = array<i32>} : memref<80x128xi32, #tpu.memory_space<vmem>>, vector<16xi32>,
        %bitcast3A_486 = vector.bitcast %get3A_485 : vector<16xi32> to vector<32xbf16>
        %add3A_487 = arith.constant 4 : i32
        %add3A_488 = arith.addi %mul3A_231, %add3A_487 : i32
        %get3A_489 = arith.index_cast %add3A_488 : i32 to index
        %get3A_490 = arith.constant 32 : index
        %get3A_491 = tpu.vector_load %arg9[%get3A_489, %get3A_490] {strides = array<i32>} : memref<80x128xi32, #tpu.memory_space<vmem>>, vector<16xi32>,
        %bitcast3A_492 = vector.bitcast %get3A_491 : vector<16xi32> to vector<32xbf16>
        %mul3A_493 = arith.mulf %bitcast3A_486, %bitcast3A_492 : vector<32xbf16>
        %add3A_494 = arith.addf %add3A_480, %mul3A_493 : vector<32xbf16>
        %add3A_495 = arith.constant 4 : i32
        %add3A_496 = arith.addi %mul3A_231, %add3A_495 : i32
        %get3A_497 = arith.index_cast %add3A_496 : i32 to index
        %get3A_498 = arith.constant 48 : index
        %get3A_499 = tpu.vector_load %arg8[%get3A_497, %get3A_498] {strides = array<i32>} : memref<80x128xi32, #tpu.memory_space<vmem>>, vector<16xi32>,
        %bitcast3A_500 = vector.bitcast %get3A_499 : vector<16xi32> to vector<32xbf16>
        %add3A_501 = arith.constant 4 : i32
        %add3A_502 = arith.addi %mul3A_231, %add3A_501 : i32
        %get3A_503 = arith.index_cast %add3A_502 : i32 to index
        %get3A_504 = arith.constant 48 : index
        %get3A_505 = tpu.vector_load %arg9[%get3A_503, %get3A_504] {strides = array<i32>} : memref<80x128xi32, #tpu.memory_space<vmem>>, vector<16xi32>,
        %bitcast3A_506 = vector.bitcast %get3A_505 : vector<16xi32> to vector<32xbf16>
        %mul3A_507 = arith.mulf %bitcast3A_500, %bitcast3A_506 : vector<32xbf16>
        %add3A_508 = arith.addf %add3A_494, %mul3A_507 : vector<32xbf16>
        %bitcast3A_509 = vector.bitcast %add3A_508 : vector<32xbf16> to vector<16xi32>
        tpu.vector_store_idx %arg13[%broadcast_in_dim3A_106, %and3A_31], %bitcast3A_509 : memref<16x16xi32, #tpu.memory_space<vmem>>[vector<16xi32>, vector<16xi32>], vector<16xi32>,
        %add3A_510 = arith.constant 5 : i32
        %add3A_511 = arith.addi %mul3A_231, %add3A_510 : i32
        %get3A_512 = arith.index_cast %add3A_511 : i32 to index
        %get3A_513 = arith.constant 0 : index
        %get3A_514 = tpu.vector_load %arg8[%get3A_512, %get3A_513] {strides = array<i32>} : memref<80x128xi32, #tpu.memory_space<vmem>>, vector<16xi32>,
        %bitcast3A_515 = vector.bitcast %get3A_514 : vector<16xi32> to vector<32xbf16>
        %add3A_516 = arith.constant 5 : i32
        %add3A_517 = arith.addi %mul3A_231, %add3A_516 : i32
        %get3A_518 = arith.index_cast %add3A_517 : i32 to index
        %get3A_519 = arith.constant 0 : index
        %get3A_520 = tpu.vector_load %arg9[%get3A_518, %get3A_519] {strides = array<i32>} : memref<80x128xi32, #tpu.memory_space<vmem>>, vector<16xi32>,
        %bitcast3A_521 = vector.bitcast %get3A_520 : vector<16xi32> to vector<32xbf16>
        %mul3A_522 = arith.mulf %bitcast3A_515, %bitcast3A_521 : vector<32xbf16>
        %add3A_523 = arith.constant 5 : i32
        %add3A_524 = arith.addi %mul3A_231, %add3A_523 : i32
        %get3A_525 = arith.index_cast %add3A_524 : i32 to index
        %get3A_526 = arith.constant 16 : index
        %get3A_527 = tpu.vector_load %arg8[%get3A_525, %get3A_526] {strides = array<i32>} : memref<80x128xi32, #tpu.memory_space<vmem>>, vector<16xi32>,
        %bitcast3A_528 = vector.bitcast %get3A_527 : vector<16xi32> to vector<32xbf16>
        %add3A_529 = arith.constant 5 : i32
        %add3A_530 = arith.addi %mul3A_231, %add3A_529 : i32
        %get3A_531 = arith.index_cast %add3A_530 : i32 to index
        %get3A_532 = arith.constant 16 : index
        %get3A_533 = tpu.vector_load %arg9[%get3A_531, %get3A_532] {strides = array<i32>} : memref<80x128xi32, #tpu.memory_space<vmem>>, vector<16xi32>,
        %bitcast3A_534 = vector.bitcast %get3A_533 : vector<16xi32> to vector<32xbf16>
        %mul3A_535 = arith.mulf %bitcast3A_528, %bitcast3A_534 : vector<32xbf16>
        %add3A_536 = arith.addf %mul3A_522, %mul3A_535 : vector<32xbf16>
        %add3A_537 = arith.constant 5 : i32
        %add3A_538 = arith.addi %mul3A_231, %add3A_537 : i32
        %get3A_539 = arith.index_cast %add3A_538 : i32 to index
        %get3A_540 = arith.constant 32 : index
        %get3A_541 = tpu.vector_load %arg8[%get3A_539, %get3A_540] {strides = array<i32>} : memref<80x128xi32, #tpu.memory_space<vmem>>, vector<16xi32>,
        %bitcast3A_542 = vector.bitcast %get3A_541 : vector<16xi32> to vector<32xbf16>
        %add3A_543 = arith.constant 5 : i32
        %add3A_544 = arith.addi %mul3A_231, %add3A_543 : i32
        %get3A_545 = arith.index_cast %add3A_544 : i32 to index
        %get3A_546 = arith.constant 32 : index
        %get3A_547 = tpu.vector_load %arg9[%get3A_545, %get3A_546] {strides = array<i32>} : memref<80x128xi32, #tpu.memory_space<vmem>>, vector<16xi32>,
        %bitcast3A_548 = vector.bitcast %get3A_547 : vector<16xi32> to vector<32xbf16>
        %mul3A_549 = arith.mulf %bitcast3A_542, %bitcast3A_548 : vector<32xbf16>
        %add3A_550 = arith.addf %add3A_536, %mul3A_549 : vector<32xbf16>
        %add3A_551 = arith.constant 5 : i32
        %add3A_552 = arith.addi %mul3A_231, %add3A_551 : i32
        %get3A_553 = arith.index_cast %add3A_552 : i32 to index
        %get3A_554 = arith.constant 48 : index
        %get3A_555 = tpu.vector_load %arg8[%get3A_553, %get3A_554] {strides = array<i32>} : memref<80x128xi32, #tpu.memory_space<vmem>>, vector<16xi32>,
        %bitcast3A_556 = vector.bitcast %get3A_555 : vector<16xi32> to vector<32xbf16>
        %add3A_557 = arith.constant 5 : i32
        %add3A_558 = arith.addi %mul3A_231, %add3A_557 : i32
        %get3A_559 = arith.index_cast %add3A_558 : i32 to index
        %get3A_560 = arith.constant 48 : index
        %get3A_561 = tpu.vector_load %arg9[%get3A_559, %get3A_560] {strides = array<i32>} : memref<80x128xi32, #tpu.memory_space<vmem>>, vector<16xi32>,
        %bitcast3A_562 = vector.bitcast %get3A_561 : vector<16xi32> to vector<32xbf16>
        %mul3A_563 = arith.mulf %bitcast3A_556, %bitcast3A_562 : vector<32xbf16>
        %add3A_564 = arith.addf %add3A_550, %mul3A_563 : vector<32xbf16>
        %bitcast3A_565 = vector.bitcast %add3A_564 : vector<32xbf16> to vector<16xi32>
        tpu.vector_store_idx %arg13[%broadcast_in_dim3A_108, %and3A_37], %bitcast3A_565 : memref<16x16xi32, #tpu.memory_space<vmem>>[vector<16xi32>, vector<16xi32>], vector<16xi32>,
        %add3A_566 = arith.constant 6 : i32
        %add3A_567 = arith.addi %mul3A_231, %add3A_566 : i32
        %get3A_568 = arith.index_cast %add3A_567 : i32 to index
        %get3A_569 = arith.constant 0 : index
        %get3A_570 = tpu.vector_load %arg8[%get3A_568, %get3A_569] {strides = array<i32>} : memref<80x128xi32, #tpu.memory_space<vmem>>, vector<16xi32>,
        %bitcast3A_571 = vector.bitcast %get3A_570 : vector<16xi32> to vector<32xbf16>
        %add3A_572 = arith.constant 6 : i32
        %add3A_573 = arith.addi %mul3A_231, %add3A_572 : i32
        %get3A_574 = arith.index_cast %add3A_573 : i32 to index
        %get3A_575 = arith.constant 0 : index
        %get3A_576 = tpu.vector_load %arg9[%get3A_574, %get3A_575] {strides = array<i32>} : memref<80x128xi32, #tpu.memory_space<vmem>>, vector<16xi32>,
        %bitcast3A_577 = vector.bitcast %get3A_576 : vector<16xi32> to vector<32xbf16>
        %mul3A_578 = arith.mulf %bitcast3A_571, %bitcast3A_577 : vector<32xbf16>
        %add3A_579 = arith.constant 6 : i32
        %add3A_580 = arith.addi %mul3A_231, %add3A_579 : i32
        %get3A_581 = arith.index_cast %add3A_580 : i32 to index
        %get3A_582 = arith.constant 16 : index
        %get3A_583 = tpu.vector_load %arg8[%get3A_581, %get3A_582] {strides = array<i32>} : memref<80x128xi32, #tpu.memory_space<vmem>>, vector<16xi32>,
        %bitcast3A_584 = vector.bitcast %get3A_583 : vector<16xi32> to vector<32xbf16>
        %add3A_585 = arith.constant 6 : i32
        %add3A_586 = arith.addi %mul3A_231, %add3A_585 : i32
        %get3A_587 = arith.index_cast %add3A_586 : i32 to index
        %get3A_588 = arith.constant 16 : index
        %get3A_589 = tpu.vector_load %arg9[%get3A_587, %get3A_588] {strides = array<i32>} : memref<80x128xi32, #tpu.memory_space<vmem>>, vector<16xi32>,
        %bitcast3A_590 = vector.bitcast %get3A_589 : vector<16xi32> to vector<32xbf16>
        %mul3A_591 = arith.mulf %bitcast3A_584, %bitcast3A_590 : vector<32xbf16>
        %add3A_592 = arith.addf %mul3A_578, %mul3A_591 : vector<32xbf16>
        %add3A_593 = arith.constant 6 : i32
        %add3A_594 = arith.addi %mul3A_231, %add3A_593 : i32
        %get3A_595 = arith.index_cast %add3A_594 : i32 to index
        %get3A_596 = arith.constant 32 : index
        %get3A_597 = tpu.vector_load %arg8[%get3A_595, %get3A_596] {strides = array<i32>} : memref<80x128xi32, #tpu.memory_space<vmem>>, vector<16xi32>,
        %bitcast3A_598 = vector.bitcast %get3A_597 : vector<16xi32> to vector<32xbf16>
        %add3A_599 = arith.constant 6 : i32
        %add3A_600 = arith.addi %mul3A_231, %add3A_599 : i32
        %get3A_601 = arith.index_cast %add3A_600 : i32 to index
        %get3A_602 = arith.constant 32 : index
        %get3A_603 = tpu.vector_load %arg9[%get3A_601, %get3A_602] {strides = array<i32>} : memref<80x128xi32, #tpu.memory_space<vmem>>, vector<16xi32>,
        %bitcast3A_604 = vector.bitcast %get3A_603 : vector<16xi32> to vector<32xbf16>
        %mul3A_605 = arith.mulf %bitcast3A_598, %bitcast3A_604 : vector<32xbf16>
        %add3A_606 = arith.addf %add3A_592, %mul3A_605 : vector<32xbf16>
        %add3A_607 = arith.constant 6 : i32
        %add3A_608 = arith.addi %mul3A_231, %add3A_607 : i32
        %get3A_609 = arith.index_cast %add3A_608 : i32 to index
        %get3A_610 = arith.constant 48 : index
        %get3A_611 = tpu.vector_load %arg8[%get3A_609, %get3A_610] {strides = array<i32>} : memref<80x128xi32, #tpu.memory_space<vmem>>, vector<16xi32>,
        %bitcast3A_612 = vector.bitcast %get3A_611 : vector<16xi32> to vector<32xbf16>
        %add3A_613 = arith.constant 6 : i32
        %add3A_614 = arith.addi %mul3A_231, %add3A_613 : i32
        %get3A_615 = arith.index_cast %add3A_614 : i32 to index
        %get3A_616 = arith.constant 48 : index
        %get3A_617 = tpu.vector_load %arg9[%get3A_615, %get3A_616] {strides = array<i32>} : memref<80x128xi32, #tpu.memory_space<vmem>>, vector<16xi32>,
        %bitcast3A_618 = vector.bitcast %get3A_617 : vector<16xi32> to vector<32xbf16>
        %mul3A_619 = arith.mulf %bitcast3A_612, %bitcast3A_618 : vector<32xbf16>
        %add3A_620 = arith.addf %add3A_606, %mul3A_619 : vector<32xbf16>
        %bitcast3A_621 = vector.bitcast %add3A_620 : vector<32xbf16> to vector<16xi32>
        tpu.vector_store_idx %arg13[%broadcast_in_dim3A_110, %and3A_43], %bitcast3A_621 : memref<16x16xi32, #tpu.memory_space<vmem>>[vector<16xi32>, vector<16xi32>], vector<16xi32>,
        %add3A_622 = arith.constant 7 : i32
        %add3A_623 = arith.addi %mul3A_231, %add3A_622 : i32
        %get3A_624 = arith.index_cast %add3A_623 : i32 to index
        %get3A_625 = arith.constant 0 : index
        %get3A_626 = tpu.vector_load %arg8[%get3A_624, %get3A_625] {strides = array<i32>} : memref<80x128xi32, #tpu.memory_space<vmem>>, vector<16xi32>,
        %bitcast3A_627 = vector.bitcast %get3A_626 : vector<16xi32> to vector<32xbf16>
        %add3A_628 = arith.constant 7 : i32
        %add3A_629 = arith.addi %mul3A_231, %add3A_628 : i32
        %get3A_630 = arith.index_cast %add3A_629 : i32 to index
        %get3A_631 = arith.constant 0 : index
        %get3A_632 = tpu.vector_load %arg9[%get3A_630, %get3A_631] {strides = array<i32>} : memref<80x128xi32, #tpu.memory_space<vmem>>, vector<16xi32>,
        %bitcast3A_633 = vector.bitcast %get3A_632 : vector<16xi32> to vector<32xbf16>
        %mul3A_634 = arith.mulf %bitcast3A_627, %bitcast3A_633 : vector<32xbf16>
        %add3A_635 = arith.constant 7 : i32
        %add3A_636 = arith.addi %mul3A_231, %add3A_635 : i32
        %get3A_637 = arith.index_cast %add3A_636 : i32 to index
        %get3A_638 = arith.constant 16 : index
        %get3A_639 = tpu.vector_load %arg8[%get3A_637, %get3A_638] {strides = array<i32>} : memref<80x128xi32, #tpu.memory_space<vmem>>, vector<16xi32>,
        %bitcast3A_640 = vector.bitcast %get3A_639 : vector<16xi32> to vector<32xbf16>
        %add3A_641 = arith.constant 7 : i32
        %add3A_642 = arith.addi %mul3A_231, %add3A_641 : i32
        %get3A_643 = arith.index_cast %add3A_642 : i32 to index
        %get3A_644 = arith.constant 16 : index
        %get3A_645 = tpu.vector_load %arg9[%get3A_643, %get3A_644] {strides = array<i32>} : memref<80x128xi32, #tpu.memory_space<vmem>>, vector<16xi32>,
        %bitcast3A_646 = vector.bitcast %get3A_645 : vector<16xi32> to vector<32xbf16>
        %mul3A_647 = arith.mulf %bitcast3A_640, %bitcast3A_646 : vector<32xbf16>
        %add3A_648 = arith.addf %mul3A_634, %mul3A_647 : vector<32xbf16>
        %add3A_649 = arith.constant 7 : i32
        %add3A_650 = arith.addi %mul3A_231, %add3A_649 : i32
        %get3A_651 = arith.index_cast %add3A_650 : i32 to index
        %get3A_652 = arith.constant 32 : index
        %get3A_653 = tpu.vector_load %arg8[%get3A_651, %get3A_652] {strides = array<i32>} : memref<80x128xi32, #tpu.memory_space<vmem>>, vector<16xi32>,
        %bitcast3A_654 = vector.bitcast %get3A_653 : vector<16xi32> to vector<32xbf16>
        %add3A_655 = arith.constant 7 : i32
        %add3A_656 = arith.addi %mul3A_231, %add3A_655 : i32
        %get3A_657 = arith.index_cast %add3A_656 : i32 to index
        %get3A_658 = arith.constant 32 : index
        %get3A_659 = tpu.vector_load %arg9[%get3A_657, %get3A_658] {strides = array<i32>} : memref<80x128xi32, #tpu.memory_space<vmem>>, vector<16xi32>,
        %bitcast3A_660 = vector.bitcast %get3A_659 : vector<16xi32> to vector<32xbf16>
        %mul3A_661 = arith.mulf %bitcast3A_654, %bitcast3A_660 : vector<32xbf16>
        %add3A_662 = arith.addf %add3A_648, %mul3A_661 : vector<32xbf16>
        %add3A_663 = arith.constant 7 : i32
        %add3A_664 = arith.addi %mul3A_231, %add3A_663 : i32
        %get3A_665 = arith.index_cast %add3A_664 : i32 to index
        %get3A_666 = arith.constant 48 : index
        %get3A_667 = tpu.vector_load %arg8[%get3A_665, %get3A_666] {strides = array<i32>} : memref<80x128xi32, #tpu.memory_space<vmem>>, vector<16xi32>,
        %bitcast3A_668 = vector.bitcast %get3A_667 : vector<16xi32> to vector<32xbf16>
        %add3A_669 = arith.constant 7 : i32
        %add3A_670 = arith.addi %mul3A_231, %add3A_669 : i32
        %get3A_671 = arith.index_cast %add3A_670 : i32 to index
        %get3A_672 = arith.constant 48 : index
        %get3A_673 = tpu.vector_load %arg9[%get3A_671, %get3A_672] {strides = array<i32>} : memref<80x128xi32, #tpu.memory_space<vmem>>, vector<16xi32>,
        %bitcast3A_674 = vector.bitcast %get3A_673 : vector<16xi32> to vector<32xbf16>
        %mul3A_675 = arith.mulf %bitcast3A_668, %bitcast3A_674 : vector<32xbf16>
        %add3A_676 = arith.addf %add3A_662, %mul3A_675 : vector<32xbf16>
        %bitcast3A_677 = vector.bitcast %add3A_676 : vector<32xbf16> to vector<16xi32>
        tpu.vector_store_idx %arg13[%broadcast_in_dim3A_112, %and3A_49], %bitcast3A_677 : memref<16x16xi32, #tpu.memory_space<vmem>>[vector<16xi32>, vector<16xi32>], vector<16xi32>,
        %add3A_678 = arith.constant 8 : i32
        %add3A_679 = arith.addi %mul3A_231, %add3A_678 : i32
        %get3A_680 = arith.index_cast %add3A_679 : i32 to index
        %get3A_681 = arith.constant 0 : index
        %get3A_682 = tpu.vector_load %arg8[%get3A_680, %get3A_681] {strides = array<i32>} : memref<80x128xi32, #tpu.memory_space<vmem>>, vector<16xi32>,
        %bitcast3A_683 = vector.bitcast %get3A_682 : vector<16xi32> to vector<32xbf16>
        %add3A_684 = arith.constant 8 : i32
        %add3A_685 = arith.addi %mul3A_231, %add3A_684 : i32
        %get3A_686 = arith.index_cast %add3A_685 : i32 to index
        %get3A_687 = arith.constant 0 : index
        %get3A_688 = tpu.vector_load %arg9[%get3A_686, %get3A_687] {strides = array<i32>} : memref<80x128xi32, #tpu.memory_space<vmem>>, vector<16xi32>,
        %bitcast3A_689 = vector.bitcast %get3A_688 : vector<16xi32> to vector<32xbf16>
        %mul3A_690 = arith.mulf %bitcast3A_683, %bitcast3A_689 : vector<32xbf16>
        %add3A_691 = arith.constant 8 : i32
        %add3A_692 = arith.addi %mul3A_231, %add3A_691 : i32
        %get3A_693 = arith.index_cast %add3A_692 : i32 to index
        %get3A_694 = arith.constant 16 : index
        %get3A_695 = tpu.vector_load %arg8[%get3A_693, %get3A_694] {strides = array<i32>} : memref<80x128xi32, #tpu.memory_space<vmem>>, vector<16xi32>,
        %bitcast3A_696 = vector.bitcast %get3A_695 : vector<16xi32> to vector<32xbf16>
        %add3A_697 = arith.constant 8 : i32
        %add3A_698 = arith.addi %mul3A_231, %add3A_697 : i32
        %get3A_699 = arith.index_cast %add3A_698 : i32 to index
        %get3A_700 = arith.constant 16 : index
        %get3A_701 = tpu.vector_load %arg9[%get3A_699, %get3A_700] {strides = array<i32>} : memref<80x128xi32, #tpu.memory_space<vmem>>, vector<16xi32>,
        %bitcast3A_702 = vector.bitcast %get3A_701 : vector<16xi32> to vector<32xbf16>
        %mul3A_703 = arith.mulf %bitcast3A_696, %bitcast3A_702 : vector<32xbf16>
        %add3A_704 = arith.addf %mul3A_690, %mul3A_703 : vector<32xbf16>
        %add3A_705 = arith.constant 8 : i32
        %add3A_706 = arith.addi %mul3A_231, %add3A_705 : i32
        %get3A_707 = arith.index_cast %add3A_706 : i32 to index
        %get3A_708 = arith.constant 32 : index
        %get3A_709 = tpu.vector_load %arg8[%get3A_707, %get3A_708] {strides = array<i32>} : memref<80x128xi32, #tpu.memory_space<vmem>>, vector<16xi32>,
        %bitcast3A_710 = vector.bitcast %get3A_709 : vector<16xi32> to vector<32xbf16>
        %add3A_711 = arith.constant 8 : i32
        %add3A_712 = arith.addi %mul3A_231, %add3A_711 : i32
        %get3A_713 = arith.index_cast %add3A_712 : i32 to index
        %get3A_714 = arith.constant 32 : index
        %get3A_715 = tpu.vector_load %arg9[%get3A_713, %get3A_714] {strides = array<i32>} : memref<80x128xi32, #tpu.memory_space<vmem>>, vector<16xi32>,
        %bitcast3A_716 = vector.bitcast %get3A_715 : vector<16xi32> to vector<32xbf16>
        %mul3A_717 = arith.mulf %bitcast3A_710, %bitcast3A_716 : vector<32xbf16>
        %add3A_718 = arith.addf %add3A_704, %mul3A_717 : vector<32xbf16>
        %add3A_719 = arith.constant 8 : i32
        %add3A_720 = arith.addi %mul3A_231, %add3A_719 : i32
        %get3A_721 = arith.index_cast %add3A_720 : i32 to index
        %get3A_722 = arith.constant 48 : index
        %get3A_723 = tpu.vector_load %arg8[%get3A_721, %get3A_722] {strides = array<i32>} : memref<80x128xi32, #tpu.memory_space<vmem>>, vector<16xi32>,
        %bitcast3A_724 = vector.bitcast %get3A_723 : vector<16xi32> to vector<32xbf16>
        %add3A_725 = arith.constant 8 : i32
        %add3A_726 = arith.addi %mul3A_231, %add3A_725 : i32
        %get3A_727 = arith.index_cast %add3A_726 : i32 to index
        %get3A_728 = arith.constant 48 : index
        %get3A_729 = tpu.vector_load %arg9[%get3A_727, %get3A_728] {strides = array<i32>} : memref<80x128xi32, #tpu.memory_space<vmem>>, vector<16xi32>,
        %bitcast3A_730 = vector.bitcast %get3A_729 : vector<16xi32> to vector<32xbf16>
        %mul3A_731 = arith.mulf %bitcast3A_724, %bitcast3A_730 : vector<32xbf16>
        %add3A_732 = arith.addf %add3A_718, %mul3A_731 : vector<32xbf16>
        %bitcast3A_733 = vector.bitcast %add3A_732 : vector<32xbf16> to vector<16xi32>
        tpu.vector_store_idx %arg13[%broadcast_in_dim3A_114, %and3A_55], %bitcast3A_733 : memref<16x16xi32, #tpu.memory_space<vmem>>[vector<16xi32>, vector<16xi32>], vector<16xi32>,
        %add3A_734 = arith.constant 9 : i32
        %add3A_735 = arith.addi %mul3A_231, %add3A_734 : i32
        %get3A_736 = arith.index_cast %add3A_735 : i32 to index
        %get3A_737 = arith.constant 0 : index
        %get3A_738 = tpu.vector_load %arg8[%get3A_736, %get3A_737] {strides = array<i32>} : memref<80x128xi32, #tpu.memory_space<vmem>>, vector<16xi32>,
        %bitcast3A_739 = vector.bitcast %get3A_738 : vector<16xi32> to vector<32xbf16>
        %add3A_740 = arith.constant 9 : i32
        %add3A_741 = arith.addi %mul3A_231, %add3A_740 : i32
        %get3A_742 = arith.index_cast %add3A_741 : i32 to index
        %get3A_743 = arith.constant 0 : index
        %get3A_744 = tpu.vector_load %arg9[%get3A_742, %get3A_743] {strides = array<i32>} : memref<80x128xi32, #tpu.memory_space<vmem>>, vector<16xi32>,
        %bitcast3A_745 = vector.bitcast %get3A_744 : vector<16xi32> to vector<32xbf16>
        %mul3A_746 = arith.mulf %bitcast3A_739, %bitcast3A_745 : vector<32xbf16>
        %add3A_747 = arith.constant 9 : i32
        %add3A_748 = arith.addi %mul3A_231, %add3A_747 : i32
        %get3A_749 = arith.index_cast %add3A_748 : i32 to index
        %get3A_750 = arith.constant 16 : index
        %get3A_751 = tpu.vector_load %arg8[%get3A_749, %get3A_750] {strides = array<i32>} : memref<80x128xi32, #tpu.memory_space<vmem>>, vector<16xi32>,
        %bitcast3A_752 = vector.bitcast %get3A_751 : vector<16xi32> to vector<32xbf16>
        %add3A_753 = arith.constant 9 : i32
        %add3A_754 = arith.addi %mul3A_231, %add3A_753 : i32
        %get3A_755 = arith.index_cast %add3A_754 : i32 to index
        %get3A_756 = arith.constant 16 : index
        %get3A_757 = tpu.vector_load %arg9[%get3A_755, %get3A_756] {strides = array<i32>} : memref<80x128xi32, #tpu.memory_space<vmem>>, vector<16xi32>,
        %bitcast3A_758 = vector.bitcast %get3A_757 : vector<16xi32> to vector<32xbf16>
        %mul3A_759 = arith.mulf %bitcast3A_752, %bitcast3A_758 : vector<32xbf16>
        %add3A_760 = arith.addf %mul3A_746, %mul3A_759 : vector<32xbf16>
        %add3A_761 = arith.constant 9 : i32
        %add3A_762 = arith.addi %mul3A_231, %add3A_761 : i32
        %get3A_763 = arith.index_cast %add3A_762 : i32 to index
        %get3A_764 = arith.constant 32 : index
        %get3A_765 = tpu.vector_load %arg8[%get3A_763, %get3A_764] {strides = array<i32>} : memref<80x128xi32, #tpu.memory_space<vmem>>, vector<16xi32>,
        %bitcast3A_766 = vector.bitcast %get3A_765 : vector<16xi32> to vector<32xbf16>
        %add3A_767 = arith.constant 9 : i32
        %add3A_768 = arith.addi %mul3A_231, %add3A_767 : i32
        %get3A_769 = arith.index_cast %add3A_768 : i32 to index
        %get3A_770 = arith.constant 32 : index
        %get3A_771 = tpu.vector_load %arg9[%get3A_769, %get3A_770] {strides = array<i32>} : memref<80x128xi32, #tpu.memory_space<vmem>>, vector<16xi32>,
        %bitcast3A_772 = vector.bitcast %get3A_771 : vector<16xi32> to vector<32xbf16>
        %mul3A_773 = arith.mulf %bitcast3A_766, %bitcast3A_772 : vector<32xbf16>
        %add3A_774 = arith.addf %add3A_760, %mul3A_773 : vector<32xbf16>
        %add3A_775 = arith.constant 9 : i32
        %add3A_776 = arith.addi %mul3A_231, %add3A_775 : i32
        %get3A_777 = arith.index_cast %add3A_776 : i32 to index
        %get3A_778 = arith.constant 48 : index
        %get3A_779 = tpu.vector_load %arg8[%get3A_777, %get3A_778] {strides = array<i32>} : memref<80x128xi32, #tpu.memory_space<vmem>>, vector<16xi32>,
        %bitcast3A_780 = vector.bitcast %get3A_779 : vector<16xi32> to vector<32xbf16>
        %add3A_781 = arith.constant 9 : i32
        %add3A_782 = arith.addi %mul3A_231, %add3A_781 : i32
        %get3A_783 = arith.index_cast %add3A_782 : i32 to index
        %get3A_784 = arith.constant 48 : index
        %get3A_785 = tpu.vector_load %arg9[%get3A_783, %get3A_784] {strides = array<i32>} : memref<80x128xi32, #tpu.memory_space<vmem>>, vector<16xi32>,
        %bitcast3A_786 = vector.bitcast %get3A_785 : vector<16xi32> to vector<32xbf16>
        %mul3A_787 = arith.mulf %bitcast3A_780, %bitcast3A_786 : vector<32xbf16>
        %add3A_788 = arith.addf %add3A_774, %mul3A_787 : vector<32xbf16>
        %bitcast3A_789 = vector.bitcast %add3A_788 : vector<32xbf16> to vector<16xi32>
        tpu.vector_store_idx %arg13[%broadcast_in_dim3A_116, %and3A_61], %bitcast3A_789 : memref<16x16xi32, #tpu.memory_space<vmem>>[vector<16xi32>, vector<16xi32>], vector<16xi32>,
        %add3A_790 = arith.constant 10 : i32
        %add3A_791 = arith.addi %mul3A_231, %add3A_790 : i32
        %get3A_792 = arith.index_cast %add3A_791 : i32 to index
        %get3A_793 = arith.constant 0 : index
        %get3A_794 = tpu.vector_load %arg8[%get3A_792, %get3A_793] {strides = array<i32>} : memref<80x128xi32, #tpu.memory_space<vmem>>, vector<16xi32>,
        %bitcast3A_795 = vector.bitcast %get3A_794 : vector<16xi32> to vector<32xbf16>
        %add3A_796 = arith.constant 10 : i32
        %add3A_797 = arith.addi %mul3A_231, %add3A_796 : i32
        %get3A_798 = arith.index_cast %add3A_797 : i32 to index
        %get3A_799 = arith.constant 0 : index
        %get3A_800 = tpu.vector_load %arg9[%get3A_798, %get3A_799] {strides = array<i32>} : memref<80x128xi32, #tpu.memory_space<vmem>>, vector<16xi32>,
        %bitcast3A_801 = vector.bitcast %get3A_800 : vector<16xi32> to vector<32xbf16>
        %mul3A_802 = arith.mulf %bitcast3A_795, %bitcast3A_801 : vector<32xbf16>
        %add3A_803 = arith.constant 10 : i32
        %add3A_804 = arith.addi %mul3A_231, %add3A_803 : i32
        %get3A_805 = arith.index_cast %add3A_804 : i32 to index
        %get3A_806 = arith.constant 16 : index
        %get3A_807 = tpu.vector_load %arg8[%get3A_805, %get3A_806] {strides = array<i32>} : memref<80x128xi32, #tpu.memory_space<vmem>>, vector<16xi32>,
        %bitcast3A_808 = vector.bitcast %get3A_807 : vector<16xi32> to vector<32xbf16>
        %add3A_809 = arith.constant 10 : i32
        %add3A_810 = arith.addi %mul3A_231, %add3A_809 : i32
        %get3A_811 = arith.index_cast %add3A_810 : i32 to index
        %get3A_812 = arith.constant 16 : index
        %get3A_813 = tpu.vector_load %arg9[%get3A_811, %get3A_812] {strides = array<i32>} : memref<80x128xi32, #tpu.memory_space<vmem>>, vector<16xi32>,
        %bitcast3A_814 = vector.bitcast %get3A_813 : vector<16xi32> to vector<32xbf16>
        %mul3A_815 = arith.mulf %bitcast3A_808, %bitcast3A_814 : vector<32xbf16>
        %add3A_816 = arith.addf %mul3A_802, %mul3A_815 : vector<32xbf16>
        %add3A_817 = arith.constant 10 : i32
        %add3A_818 = arith.addi %mul3A_231, %add3A_817 : i32
        %get3A_819 = arith.index_cast %add3A_818 : i32 to index
        %get3A_820 = arith.constant 32 : index
        %get3A_821 = tpu.vector_load %arg8[%get3A_819, %get3A_820] {strides = array<i32>} : memref<80x128xi32, #tpu.memory_space<vmem>>, vector<16xi32>,
        %bitcast3A_822 = vector.bitcast %get3A_821 : vector<16xi32> to vector<32xbf16>
        %add3A_823 = arith.constant 10 : i32
        %add3A_824 = arith.addi %mul3A_231, %add3A_823 : i32
        %get3A_825 = arith.index_cast %add3A_824 : i32 to index
        %get3A_826 = arith.constant 32 : index
        %get3A_827 = tpu.vector_load %arg9[%get3A_825, %get3A_826] {strides = array<i32>} : memref<80x128xi32, #tpu.memory_space<vmem>>, vector<16xi32>,
        %bitcast3A_828 = vector.bitcast %get3A_827 : vector<16xi32> to vector<32xbf16>
        %mul3A_829 = arith.mulf %bitcast3A_822, %bitcast3A_828 : vector<32xbf16>
        %add3A_830 = arith.addf %add3A_816, %mul3A_829 : vector<32xbf16>
        %add3A_831 = arith.constant 10 : i32
        %add3A_832 = arith.addi %mul3A_231, %add3A_831 : i32
        %get3A_833 = arith.index_cast %add3A_832 : i32 to index
        %get3A_834 = arith.constant 48 : index
        %get3A_835 = tpu.vector_load %arg8[%get3A_833, %get3A_834] {strides = array<i32>} : memref<80x128xi32, #tpu.memory_space<vmem>>, vector<16xi32>,
        %bitcast3A_836 = vector.bitcast %get3A_835 : vector<16xi32> to vector<32xbf16>
        %add3A_837 = arith.constant 10 : i32
        %add3A_838 = arith.addi %mul3A_231, %add3A_837 : i32
        %get3A_839 = arith.index_cast %add3A_838 : i32 to index
        %get3A_840 = arith.constant 48 : index
        %get3A_841 = tpu.vector_load %arg9[%get3A_839, %get3A_840] {strides = array<i32>} : memref<80x128xi32, #tpu.memory_space<vmem>>, vector<16xi32>,
        %bitcast3A_842 = vector.bitcast %get3A_841 : vector<16xi32> to vector<32xbf16>
        %mul3A_843 = arith.mulf %bitcast3A_836, %bitcast3A_842 : vector<32xbf16>
        %add3A_844 = arith.addf %add3A_830, %mul3A_843 : vector<32xbf16>
        %bitcast3A_845 = vector.bitcast %add3A_844 : vector<32xbf16> to vector<16xi32>
        tpu.vector_store_idx %arg13[%broadcast_in_dim3A_118, %and3A_67], %bitcast3A_845 : memref<16x16xi32, #tpu.memory_space<vmem>>[vector<16xi32>, vector<16xi32>], vector<16xi32>,
        %add3A_846 = arith.constant 11 : i32
        %add3A_847 = arith.addi %mul3A_231, %add3A_846 : i32
        %get3A_848 = arith.index_cast %add3A_847 : i32 to index
        %get3A_849 = arith.constant 0 : index
        %get3A_850 = tpu.vector_load %arg8[%get3A_848, %get3A_849] {strides = array<i32>} : memref<80x128xi32, #tpu.memory_space<vmem>>, vector<16xi32>,
        %bitcast3A_851 = vector.bitcast %get3A_850 : vector<16xi32> to vector<32xbf16>
        %add3A_852 = arith.constant 11 : i32
        %add3A_853 = arith.addi %mul3A_231, %add3A_852 : i32
        %get3A_854 = arith.index_cast %add3A_853 : i32 to index
        %get3A_855 = arith.constant 0 : index
        %get3A_856 = tpu.vector_load %arg9[%get3A_854, %get3A_855] {strides = array<i32>} : memref<80x128xi32, #tpu.memory_space<vmem>>, vector<16xi32>,
        %bitcast3A_857 = vector.bitcast %get3A_856 : vector<16xi32> to vector<32xbf16>
        %mul3A_858 = arith.mulf %bitcast3A_851, %bitcast3A_857 : vector<32xbf16>
        %add3A_859 = arith.constant 11 : i32
        %add3A_860 = arith.addi %mul3A_231, %add3A_859 : i32
        %get3A_861 = arith.index_cast %add3A_860 : i32 to index
        %get3A_862 = arith.constant 16 : index
        %get3A_863 = tpu.vector_load %arg8[%get3A_861, %get3A_862] {strides = array<i32>} : memref<80x128xi32, #tpu.memory_space<vmem>>, vector<16xi32>,
        %bitcast3A_864 = vector.bitcast %get3A_863 : vector<16xi32> to vector<32xbf16>
        %add3A_865 = arith.constant 11 : i32
        %add3A_866 = arith.addi %mul3A_231, %add3A_865 : i32
        %get3A_867 = arith.index_cast %add3A_866 : i32 to index
        %get3A_868 = arith.constant 16 : index
        %get3A_869 = tpu.vector_load %arg9[%get3A_867, %get3A_868] {strides = array<i32>} : memref<80x128xi32, #tpu.memory_space<vmem>>, vector<16xi32>,
        %bitcast3A_870 = vector.bitcast %get3A_869 : vector<16xi32> to vector<32xbf16>
        %mul3A_871 = arith.mulf %bitcast3A_864, %bitcast3A_870 : vector<32xbf16>
        %add3A_872 = arith.addf %mul3A_858, %mul3A_871 : vector<32xbf16>
        %add3A_873 = arith.constant 11 : i32
        %add3A_874 = arith.addi %mul3A_231, %add3A_873 : i32
        %get3A_875 = arith.index_cast %add3A_874 : i32 to index
        %get3A_876 = arith.constant 32 : index
        %get3A_877 = tpu.vector_load %arg8[%get3A_875, %get3A_876] {strides = array<i32>} : memref<80x128xi32, #tpu.memory_space<vmem>>, vector<16xi32>,
        %bitcast3A_878 = vector.bitcast %get3A_877 : vector<16xi32> to vector<32xbf16>
        %add3A_879 = arith.constant 11 : i32
        %add3A_880 = arith.addi %mul3A_231, %add3A_879 : i32
        %get3A_881 = arith.index_cast %add3A_880 : i32 to index
        %get3A_882 = arith.constant 32 : index
        %get3A_883 = tpu.vector_load %arg9[%get3A_881, %get3A_882] {strides = array<i32>} : memref<80x128xi32, #tpu.memory_space<vmem>>, vector<16xi32>,
        %bitcast3A_884 = vector.bitcast %get3A_883 : vector<16xi32> to vector<32xbf16>
        %mul3A_885 = arith.mulf %bitcast3A_878, %bitcast3A_884 : vector<32xbf16>
        %add3A_886 = arith.addf %add3A_872, %mul3A_885 : vector<32xbf16>
        %add3A_887 = arith.constant 11 : i32
        %add3A_888 = arith.addi %mul3A_231, %add3A_887 : i32
        %get3A_889 = arith.index_cast %add3A_888 : i32 to index
        %get3A_890 = arith.constant 48 : index
        %get3A_891 = tpu.vector_load %arg8[%get3A_889, %get3A_890] {strides = array<i32>} : memref<80x128xi32, #tpu.memory_space<vmem>>, vector<16xi32>,
        %bitcast3A_892 = vector.bitcast %get3A_891 : vector<16xi32> to vector<32xbf16>
        %add3A_893 = arith.constant 11 : i32
        %add3A_894 = arith.addi %mul3A_231, %add3A_893 : i32
        %get3A_895 = arith.index_cast %add3A_894 : i32 to index
        %get3A_896 = arith.constant 48 : index
        %get3A_897 = tpu.vector_load %arg9[%get3A_895, %get3A_896] {strides = array<i32>} : memref<80x128xi32, #tpu.memory_space<vmem>>, vector<16xi32>,
        %bitcast3A_898 = vector.bitcast %get3A_897 : vector<16xi32> to vector<32xbf16>
        %mul3A_899 = arith.mulf %bitcast3A_892, %bitcast3A_898 : vector<32xbf16>
        %add3A_900 = arith.addf %add3A_886, %mul3A_899 : vector<32xbf16>
        %bitcast3A_901 = vector.bitcast %add3A_900 : vector<32xbf16> to vector<16xi32>
        tpu.vector_store_idx %arg13[%broadcast_in_dim3A_120, %and3A_73], %bitcast3A_901 : memref<16x16xi32, #tpu.memory_space<vmem>>[vector<16xi32>, vector<16xi32>], vector<16xi32>,
        %add3A_902 = arith.constant 12 : i32
        %add3A_903 = arith.addi %mul3A_231, %add3A_902 : i32
        %get3A_904 = arith.index_cast %add3A_903 : i32 to index
        %get3A_905 = arith.constant 0 : index
        %get3A_906 = tpu.vector_load %arg8[%get3A_904, %get3A_905] {strides = array<i32>} : memref<80x128xi32, #tpu.memory_space<vmem>>, vector<16xi32>,
        %bitcast3A_907 = vector.bitcast %get3A_906 : vector<16xi32> to vector<32xbf16>
        %add3A_908 = arith.constant 12 : i32
        %add3A_909 = arith.addi %mul3A_231, %add3A_908 : i32
        %get3A_910 = arith.index_cast %add3A_909 : i32 to index
        %get3A_911 = arith.constant 0 : index
        %get3A_912 = tpu.vector_load %arg9[%get3A_910, %get3A_911] {strides = array<i32>} : memref<80x128xi32, #tpu.memory_space<vmem>>, vector<16xi32>,
        %bitcast3A_913 = vector.bitcast %get3A_912 : vector<16xi32> to vector<32xbf16>
        %mul3A_914 = arith.mulf %bitcast3A_907, %bitcast3A_913 : vector<32xbf16>
        %add3A_915 = arith.constant 12 : i32
        %add3A_916 = arith.addi %mul3A_231, %add3A_915 : i32
        %get3A_917 = arith.index_cast %add3A_916 : i32 to index
        %get3A_918 = arith.constant 16 : index
        %get3A_919 = tpu.vector_load %arg8[%get3A_917, %get3A_918] {strides = array<i32>} : memref<80x128xi32, #tpu.memory_space<vmem>>, vector<16xi32>,
        %bitcast3A_920 = vector.bitcast %get3A_919 : vector<16xi32> to vector<32xbf16>
        %add3A_921 = arith.constant 12 : i32
        %add3A_922 = arith.addi %mul3A_231, %add3A_921 : i32
        %get3A_923 = arith.index_cast %add3A_922 : i32 to index
        %get3A_924 = arith.constant 16 : index
        %get3A_925 = tpu.vector_load %arg9[%get3A_923, %get3A_924] {strides = array<i32>} : memref<80x128xi32, #tpu.memory_space<vmem>>, vector<16xi32>,
        %bitcast3A_926 = vector.bitcast %get3A_925 : vector<16xi32> to vector<32xbf16>
        %mul3A_927 = arith.mulf %bitcast3A_920, %bitcast3A_926 : vector<32xbf16>
        %add3A_928 = arith.addf %mul3A_914, %mul3A_927 : vector<32xbf16>
        %add3A_929 = arith.constant 12 : i32
        %add3A_930 = arith.addi %mul3A_231, %add3A_929 : i32
        %get3A_931 = arith.index_cast %add3A_930 : i32 to index
        %get3A_932 = arith.constant 32 : index
        %get3A_933 = tpu.vector_load %arg8[%get3A_931, %get3A_932] {strides = array<i32>} : memref<80x128xi32, #tpu.memory_space<vmem>>, vector<16xi32>,
        %bitcast3A_934 = vector.bitcast %get3A_933 : vector<16xi32> to vector<32xbf16>
        %add3A_935 = arith.constant 12 : i32
        %add3A_936 = arith.addi %mul3A_231, %add3A_935 : i32
        %get3A_937 = arith.index_cast %add3A_936 : i32 to index
        %get3A_938 = arith.constant 32 : index
        %get3A_939 = tpu.vector_load %arg9[%get3A_937, %get3A_938] {strides = array<i32>} : memref<80x128xi32, #tpu.memory_space<vmem>>, vector<16xi32>,
        %bitcast3A_940 = vector.bitcast %get3A_939 : vector<16xi32> to vector<32xbf16>
        %mul3A_941 = arith.mulf %bitcast3A_934, %bitcast3A_940 : vector<32xbf16>
        %add3A_942 = arith.addf %add3A_928, %mul3A_941 : vector<32xbf16>
        %add3A_943 = arith.constant 12 : i32
        %add3A_944 = arith.addi %mul3A_231, %add3A_943 : i32
        %get3A_945 = arith.index_cast %add3A_944 : i32 to index
        %get3A_946 = arith.constant 48 : index
        %get3A_947 = tpu.vector_load %arg8[%get3A_945, %get3A_946] {strides = array<i32>} : memref<80x128xi32, #tpu.memory_space<vmem>>, vector<16xi32>,
        %bitcast3A_948 = vector.bitcast %get3A_947 : vector<16xi32> to vector<32xbf16>
        %add3A_949 = arith.constant 12 : i32
        %add3A_950 = arith.addi %mul3A_231, %add3A_949 : i32
        %get3A_951 = arith.index_cast %add3A_950 : i32 to index
        %get3A_952 = arith.constant 48 : index
        %get3A_953 = tpu.vector_load %arg9[%get3A_951, %get3A_952] {strides = array<i32>} : memref<80x128xi32, #tpu.memory_space<vmem>>, vector<16xi32>,
        %bitcast3A_954 = vector.bitcast %get3A_953 : vector<16xi32> to vector<32xbf16>
        %mul3A_955 = arith.mulf %bitcast3A_948, %bitcast3A_954 : vector<32xbf16>
        %add3A_956 = arith.addf %add3A_942, %mul3A_955 : vector<32xbf16>
        %bitcast3A_957 = vector.bitcast %add3A_956 : vector<32xbf16> to vector<16xi32>
        tpu.vector_store_idx %arg13[%broadcast_in_dim3A_122, %and3A_79], %bitcast3A_957 : memref<16x16xi32, #tpu.memory_space<vmem>>[vector<16xi32>, vector<16xi32>], vector<16xi32>,
        %add3A_958 = arith.constant 13 : i32
        %add3A_959 = arith.addi %mul3A_231, %add3A_958 : i32
        %get3A_960 = arith.index_cast %add3A_959 : i32 to index
        %get3A_961 = arith.constant 0 : index
        %get3A_962 = tpu.vector_load %arg8[%get3A_960, %get3A_961] {strides = array<i32>} : memref<80x128xi32, #tpu.memory_space<vmem>>, vector<16xi32>,
        %bitcast3A_963 = vector.bitcast %get3A_962 : vector<16xi32> to vector<32xbf16>
        %add3A_964 = arith.constant 13 : i32
        %add3A_965 = arith.addi %mul3A_231, %add3A_964 : i32
        %get3A_966 = arith.index_cast %add3A_965 : i32 to index
        %get3A_967 = arith.constant 0 : index
        %get3A_968 = tpu.vector_load %arg9[%get3A_966, %get3A_967] {strides = array<i32>} : memref<80x128xi32, #tpu.memory_space<vmem>>, vector<16xi32>,
        %bitcast3A_969 = vector.bitcast %get3A_968 : vector<16xi32> to vector<32xbf16>
        %mul3A_970 = arith.mulf %bitcast3A_963, %bitcast3A_969 : vector<32xbf16>
        %add3A_971 = arith.constant 13 : i32
        %add3A_972 = arith.addi %mul3A_231, %add3A_971 : i32
        %get3A_973 = arith.index_cast %add3A_972 : i32 to index
        %get3A_974 = arith.constant 16 : index
        %get3A_975 = tpu.vector_load %arg8[%get3A_973, %get3A_974] {strides = array<i32>} : memref<80x128xi32, #tpu.memory_space<vmem>>, vector<16xi32>,
        %bitcast3A_976 = vector.bitcast %get3A_975 : vector<16xi32> to vector<32xbf16>
        %add3A_977 = arith.constant 13 : i32
        %add3A_978 = arith.addi %mul3A_231, %add3A_977 : i32
        %get3A_979 = arith.index_cast %add3A_978 : i32 to index
        %get3A_980 = arith.constant 16 : index
        %get3A_981 = tpu.vector_load %arg9[%get3A_979, %get3A_980] {strides = array<i32>} : memref<80x128xi32, #tpu.memory_space<vmem>>, vector<16xi32>,
        %bitcast3A_982 = vector.bitcast %get3A_981 : vector<16xi32> to vector<32xbf16>
        %mul3A_983 = arith.mulf %bitcast3A_976, %bitcast3A_982 : vector<32xbf16>
        %add3A_984 = arith.addf %mul3A_970, %mul3A_983 : vector<32xbf16>
        %add3A_985 = arith.constant 13 : i32
        %add3A_986 = arith.addi %mul3A_231, %add3A_985 : i32
        %get3A_987 = arith.index_cast %add3A_986 : i32 to index
        %get3A_988 = arith.constant 32 : index
        %get3A_989 = tpu.vector_load %arg8[%get3A_987, %get3A_988] {strides = array<i32>} : memref<80x128xi32, #tpu.memory_space<vmem>>, vector<16xi32>,
        %bitcast3A_990 = vector.bitcast %get3A_989 : vector<16xi32> to vector<32xbf16>
        %add3A_991 = arith.constant 13 : i32
        %add3A_992 = arith.addi %mul3A_231, %add3A_991 : i32
        %get3A_993 = arith.index_cast %add3A_992 : i32 to index
        %get3A_994 = arith.constant 32 : index
        %get3A_995 = tpu.vector_load %arg9[%get3A_993, %get3A_994] {strides = array<i32>} : memref<80x128xi32, #tpu.memory_space<vmem>>, vector<16xi32>,
        %bitcast3A_996 = vector.bitcast %get3A_995 : vector<16xi32> to vector<32xbf16>
        %mul3A_997 = arith.mulf %bitcast3A_990, %bitcast3A_996 : vector<32xbf16>
        %add3A_998 = arith.addf %add3A_984, %mul3A_997 : vector<32xbf16>
        %add3A_999 = arith.constant 13 : i32
        %add3A_1000 = arith.addi %mul3A_231, %add3A_999 : i32
        %get3A_1001 = arith.index_cast %add3A_1000 : i32 to index
        %get3A_1002 = arith.constant 48 : index
        %get3A_1003 = tpu.vector_load %arg8[%get3A_1001, %get3A_1002] {strides = array<i32>} : memref<80x128xi32, #tpu.memory_space<vmem>>, vector<16xi32>,
        %bitcast3A_1004 = vector.bitcast %get3A_1003 : vector<16xi32> to vector<32xbf16>
        %add3A_1005 = arith.constant 13 : i32
        %add3A_1006 = arith.addi %mul3A_231, %add3A_1005 : i32
        %get3A_1007 = arith.index_cast %add3A_1006 : i32 to index
        %get3A_1008 = arith.constant 48 : index
        %get3A_1009 = tpu.vector_load %arg9[%get3A_1007, %get3A_1008] {strides = array<i32>} : memref<80x128xi32, #tpu.memory_space<vmem>>, vector<16xi32>,
        %bitcast3A_1010 = vector.bitcast %get3A_1009 : vector<16xi32> to vector<32xbf16>
        %mul3A_1011 = arith.mulf %bitcast3A_1004, %bitcast3A_1010 : vector<32xbf16>
        %add3A_1012 = arith.addf %add3A_998, %mul3A_1011 : vector<32xbf16>
        %bitcast3A_1013 = vector.bitcast %add3A_1012 : vector<32xbf16> to vector<16xi32>
        tpu.vector_store_idx %arg13[%broadcast_in_dim3A_124, %and3A_85], %bitcast3A_1013 : memref<16x16xi32, #tpu.memory_space<vmem>>[vector<16xi32>, vector<16xi32>], vector<16xi32>,
        %add3A_1014 = arith.constant 14 : i32
        %add3A_1015 = arith.addi %mul3A_231, %add3A_1014 : i32
        %get3A_1016 = arith.index_cast %add3A_1015 : i32 to index
        %get3A_1017 = arith.constant 0 : index
        %get3A_1018 = tpu.vector_load %arg8[%get3A_1016, %get3A_1017] {strides = array<i32>} : memref<80x128xi32, #tpu.memory_space<vmem>>, vector<16xi32>,
        %bitcast3A_1019 = vector.bitcast %get3A_1018 : vector<16xi32> to vector<32xbf16>
        %add3A_1020 = arith.constant 14 : i32
        %add3A_1021 = arith.addi %mul3A_231, %add3A_1020 : i32
        %get3A_1022 = arith.index_cast %add3A_1021 : i32 to index
        %get3A_1023 = arith.constant 0 : index
        %get3A_1024 = tpu.vector_load %arg9[%get3A_1022, %get3A_1023] {strides = array<i32>} : memref<80x128xi32, #tpu.memory_space<vmem>>, vector<16xi32>,
        %bitcast3A_1025 = vector.bitcast %get3A_1024 : vector<16xi32> to vector<32xbf16>
        %mul3A_1026 = arith.mulf %bitcast3A_1019, %bitcast3A_1025 : vector<32xbf16>
        %add3A_1027 = arith.constant 14 : i32
        %add3A_1028 = arith.addi %mul3A_231, %add3A_1027 : i32
        %get3A_1029 = arith.index_cast %add3A_1028 : i32 to index
        %get3A_1030 = arith.constant 16 : index
        %get3A_1031 = tpu.vector_load %arg8[%get3A_1029, %get3A_1030] {strides = array<i32>} : memref<80x128xi32, #tpu.memory_space<vmem>>, vector<16xi32>,
        %bitcast3A_1032 = vector.bitcast %get3A_1031 : vector<16xi32> to vector<32xbf16>
        %add3A_1033 = arith.constant 14 : i32
        %add3A_1034 = arith.addi %mul3A_231, %add3A_1033 : i32
        %get3A_1035 = arith.index_cast %add3A_1034 : i32 to index
        %get3A_1036 = arith.constant 16 : index
        %get3A_1037 = tpu.vector_load %arg9[%get3A_1035, %get3A_1036] {strides = array<i32>} : memref<80x128xi32, #tpu.memory_space<vmem>>, vector<16xi32>,
        %bitcast3A_1038 = vector.bitcast %get3A_1037 : vector<16xi32> to vector<32xbf16>
        %mul3A_1039 = arith.mulf %bitcast3A_1032, %bitcast3A_1038 : vector<32xbf16>
        %add3A_1040 = arith.addf %mul3A_1026, %mul3A_1039 : vector<32xbf16>
        %add3A_1041 = arith.constant 14 : i32
        %add3A_1042 = arith.addi %mul3A_231, %add3A_1041 : i32
        %get3A_1043 = arith.index_cast %add3A_1042 : i32 to index
        %get3A_1044 = arith.constant 32 : index
        %get3A_1045 = tpu.vector_load %arg8[%get3A_1043, %get3A_1044] {strides = array<i32>} : memref<80x128xi32, #tpu.memory_space<vmem>>, vector<16xi32>,
        %bitcast3A_1046 = vector.bitcast %get3A_1045 : vector<16xi32> to vector<32xbf16>
        %add3A_1047 = arith.constant 14 : i32
        %add3A_1048 = arith.addi %mul3A_231, %add3A_1047 : i32
        %get3A_1049 = arith.index_cast %add3A_1048 : i32 to index
        %get3A_1050 = arith.constant 32 : index
        %get3A_1051 = tpu.vector_load %arg9[%get3A_1049, %get3A_1050] {strides = array<i32>} : memref<80x128xi32, #tpu.memory_space<vmem>>, vector<16xi32>,
        %bitcast3A_1052 = vector.bitcast %get3A_1051 : vector<16xi32> to vector<32xbf16>
        %mul3A_1053 = arith.mulf %bitcast3A_1046, %bitcast3A_1052 : vector<32xbf16>
        %add3A_1054 = arith.addf %add3A_1040, %mul3A_1053 : vector<32xbf16>
        %add3A_1055 = arith.constant 14 : i32
        %add3A_1056 = arith.addi %mul3A_231, %add3A_1055 : i32
        %get3A_1057 = arith.index_cast %add3A_1056 : i32 to index
        %get3A_1058 = arith.constant 48 : index
        %get3A_1059 = tpu.vector_load %arg8[%get3A_1057, %get3A_1058] {strides = array<i32>} : memref<80x128xi32, #tpu.memory_space<vmem>>, vector<16xi32>,
        %bitcast3A_1060 = vector.bitcast %get3A_1059 : vector<16xi32> to vector<32xbf16>
        %add3A_1061 = arith.constant 14 : i32
        %add3A_1062 = arith.addi %mul3A_231, %add3A_1061 : i32
        %get3A_1063 = arith.index_cast %add3A_1062 : i32 to index
        %get3A_1064 = arith.constant 48 : index
        %get3A_1065 = tpu.vector_load %arg9[%get3A_1063, %get3A_1064] {strides = array<i32>} : memref<80x128xi32, #tpu.memory_space<vmem>>, vector<16xi32>,
        %bitcast3A_1066 = vector.bitcast %get3A_1065 : vector<16xi32> to vector<32xbf16>
        %mul3A_1067 = arith.mulf %bitcast3A_1060, %bitcast3A_1066 : vector<32xbf16>
        %add3A_1068 = arith.addf %add3A_1054, %mul3A_1067 : vector<32xbf16>
        %bitcast3A_1069 = vector.bitcast %add3A_1068 : vector<32xbf16> to vector<16xi32>
        tpu.vector_store_idx %arg13[%broadcast_in_dim3A_126, %and3A_91], %bitcast3A_1069 : memref<16x16xi32, #tpu.memory_space<vmem>>[vector<16xi32>, vector<16xi32>], vector<16xi32>,
        %add3A_1070 = arith.constant 15 : i32
        %add3A_1071 = arith.addi %mul3A_231, %add3A_1070 : i32
        %get3A_1072 = arith.index_cast %add3A_1071 : i32 to index
        %get3A_1073 = arith.constant 0 : index
        %get3A_1074 = tpu.vector_load %arg8[%get3A_1072, %get3A_1073] {strides = array<i32>} : memref<80x128xi32, #tpu.memory_space<vmem>>, vector<16xi32>,
        %bitcast3A_1075 = vector.bitcast %get3A_1074 : vector<16xi32> to vector<32xbf16>
        %add3A_1076 = arith.constant 15 : i32
        %add3A_1077 = arith.addi %mul3A_231, %add3A_1076 : i32
        %get3A_1078 = arith.index_cast %add3A_1077 : i32 to index
        %get3A_1079 = arith.constant 0 : index
        %get3A_1080 = tpu.vector_load %arg9[%get3A_1078, %get3A_1079] {strides = array<i32>} : memref<80x128xi32, #tpu.memory_space<vmem>>, vector<16xi32>,
        %bitcast3A_1081 = vector.bitcast %get3A_1080 : vector<16xi32> to vector<32xbf16>
        %mul3A_1082 = arith.mulf %bitcast3A_1075, %bitcast3A_1081 : vector<32xbf16>
        %add3A_1083 = arith.constant 15 : i32
        %add3A_1084 = arith.addi %mul3A_231, %add3A_1083 : i32
        %get3A_1085 = arith.index_cast %add3A_1084 : i32 to index
        %get3A_1086 = arith.constant 16 : index
        %get3A_1087 = tpu.vector_load %arg8[%get3A_1085, %get3A_1086] {strides = array<i32>} : memref<80x128xi32, #tpu.memory_space<vmem>>, vector<16xi32>,
        %bitcast3A_1088 = vector.bitcast %get3A_1087 : vector<16xi32> to vector<32xbf16>
        %add3A_1089 = arith.constant 15 : i32
        %add3A_1090 = arith.addi %mul3A_231, %add3A_1089 : i32
        %get3A_1091 = arith.index_cast %add3A_1090 : i32 to index
        %get3A_1092 = arith.constant 16 : index
        %get3A_1093 = tpu.vector_load %arg9[%get3A_1091, %get3A_1092] {strides = array<i32>} : memref<80x128xi32, #tpu.memory_space<vmem>>, vector<16xi32>,
        %bitcast3A_1094 = vector.bitcast %get3A_1093 : vector<16xi32> to vector<32xbf16>
        %mul3A_1095 = arith.mulf %bitcast3A_1088, %bitcast3A_1094 : vector<32xbf16>
        %add3A_1096 = arith.addf %mul3A_1082, %mul3A_1095 : vector<32xbf16>
        %add3A_1097 = arith.constant 15 : i32
        %add3A_1098 = arith.addi %mul3A_231, %add3A_1097 : i32
        %get3A_1099 = arith.index_cast %add3A_1098 : i32 to index
        %get3A_1100 = arith.constant 32 : index
        %get3A_1101 = tpu.vector_load %arg8[%get3A_1099, %get3A_1100] {strides = array<i32>} : memref<80x128xi32, #tpu.memory_space<vmem>>, vector<16xi32>,
        %bitcast3A_1102 = vector.bitcast %get3A_1101 : vector<16xi32> to vector<32xbf16>
        %add3A_1103 = arith.constant 15 : i32
        %add3A_1104 = arith.addi %mul3A_231, %add3A_1103 : i32
        %get3A_1105 = arith.index_cast %add3A_1104 : i32 to index
        %get3A_1106 = arith.constant 32 : index
        %get3A_1107 = tpu.vector_load %arg9[%get3A_1105, %get3A_1106] {strides = array<i32>} : memref<80x128xi32, #tpu.memory_space<vmem>>, vector<16xi32>,
        %bitcast3A_1108 = vector.bitcast %get3A_1107 : vector<16xi32> to vector<32xbf16>
        %mul3A_1109 = arith.mulf %bitcast3A_1102, %bitcast3A_1108 : vector<32xbf16>
        %add3A_1110 = arith.addf %add3A_1096, %mul3A_1109 : vector<32xbf16>
        %add3A_1111 = arith.constant 15 : i32
        %add3A_1112 = arith.addi %mul3A_231, %add3A_1111 : i32
        %get3A_1113 = arith.index_cast %add3A_1112 : i32 to index
        %get3A_1114 = arith.constant 48 : index
        %get3A_1115 = tpu.vector_load %arg8[%get3A_1113, %get3A_1114] {strides = array<i32>} : memref<80x128xi32, #tpu.memory_space<vmem>>, vector<16xi32>,
        %bitcast3A_1116 = vector.bitcast %get3A_1115 : vector<16xi32> to vector<32xbf16>
        %add3A_1117 = arith.constant 15 : i32
        %add3A_1118 = arith.addi %mul3A_231, %add3A_1117 : i32
        %get3A_1119 = arith.index_cast %add3A_1118 : i32 to index
        %get3A_1120 = arith.constant 48 : index
        %get3A_1121 = tpu.vector_load %arg9[%get3A_1119, %get3A_1120] {strides = array<i32>} : memref<80x128xi32, #tpu.memory_space<vmem>>, vector<16xi32>,
        %bitcast3A_1122 = vector.bitcast %get3A_1121 : vector<16xi32> to vector<32xbf16>
        %mul3A_1123 = arith.mulf %bitcast3A_1116, %bitcast3A_1122 : vector<32xbf16>
        %add3A_1124 = arith.addf %add3A_1110, %mul3A_1123 : vector<32xbf16>
        %bitcast3A_1125 = vector.bitcast %add3A_1124 : vector<32xbf16> to vector<16xi32>
        tpu.vector_store_idx %arg13[%broadcast_in_dim3A_128, %and3A_97], %bitcast3A_1125 : memref<16x16xi32, #tpu.memory_space<vmem>>[vector<16xi32>, vector<16xi32>], vector<16xi32>,
        %gather3A = tpu.vector_load_idx %arg13[%iota3A, %and3A_7] : memref<16x16xi32, #tpu.memory_space<vmem>>[vector<16xi32>, vector<16xi32>], vector<16xi32>,
        %bitcast3A_1126 = vector.bitcast %gather3A : vector<16xi32> to vector<32xbf16>
        %gather3A_1127 = tpu.vector_load_idx %arg13[%iota3A, %and3A_13] : memref<16x16xi32, #tpu.memory_space<vmem>>[vector<16xi32>, vector<16xi32>], vector<16xi32>,
        %bitcast3A_1128 = vector.bitcast %gather3A_1127 : vector<16xi32> to vector<32xbf16>
        %gather3A_1129 = tpu.vector_load_idx %arg13[%iota3A, %and3A_19] : memref<16x16xi32, #tpu.memory_space<vmem>>[vector<16xi32>, vector<16xi32>], vector<16xi32>,
        %bitcast3A_1130 = vector.bitcast %gather3A_1129 : vector<16xi32> to vector<32xbf16>
        %gather3A_1131 = tpu.vector_load_idx %arg13[%iota3A, %and3A_25] : memref<16x16xi32, #tpu.memory_space<vmem>>[vector<16xi32>, vector<16xi32>], vector<16xi32>,
        %bitcast3A_1132 = vector.bitcast %gather3A_1131 : vector<16xi32> to vector<32xbf16>
        %gather3A_1133 = tpu.vector_load_idx %arg13[%iota3A, %and3A_31] : memref<16x16xi32, #tpu.memory_space<vmem>>[vector<16xi32>, vector<16xi32>], vector<16xi32>,
        %bitcast3A_1134 = vector.bitcast %gather3A_1133 : vector<16xi32> to vector<32xbf16>
        %gather3A_1135 = tpu.vector_load_idx %arg13[%iota3A, %and3A_37] : memref<16x16xi32, #tpu.memory_space<vmem>>[vector<16xi32>, vector<16xi32>], vector<16xi32>,
        %bitcast3A_1136 = vector.bitcast %gather3A_1135 : vector<16xi32> to vector<32xbf16>
        %gather3A_1137 = tpu.vector_load_idx %arg13[%iota3A, %and3A_43] : memref<16x16xi32, #tpu.memory_space<vmem>>[vector<16xi32>, vector<16xi32>], vector<16xi32>,
        %bitcast3A_1138 = vector.bitcast %gather3A_1137 : vector<16xi32> to vector<32xbf16>
        %gather3A_1139 = tpu.vector_load_idx %arg13[%iota3A, %and3A_49] : memref<16x16xi32, #tpu.memory_space<vmem>>[vector<16xi32>, vector<16xi32>], vector<16xi32>,
        %bitcast3A_1140 = vector.bitcast %gather3A_1139 : vector<16xi32> to vector<32xbf16>
        %gather3A_1141 = tpu.vector_load_idx %arg13[%iota3A, %and3A_55] : memref<16x16xi32, #tpu.memory_space<vmem>>[vector<16xi32>, vector<16xi32>], vector<16xi32>,
        %bitcast3A_1142 = vector.bitcast %gather3A_1141 : vector<16xi32> to vector<32xbf16>
        %gather3A_1143 = tpu.vector_load_idx %arg13[%iota3A, %and3A_61] : memref<16x16xi32, #tpu.memory_space<vmem>>[vector<16xi32>, vector<16xi32>], vector<16xi32>,
        %bitcast3A_1144 = vector.bitcast %gather3A_1143 : vector<16xi32> to vector<32xbf16>
        %gather3A_1145 = tpu.vector_load_idx %arg13[%iota3A, %and3A_67] : memref<16x16xi32, #tpu.memory_space<vmem>>[vector<16xi32>, vector<16xi32>], vector<16xi32>,
        %bitcast3A_1146 = vector.bitcast %gather3A_1145 : vector<16xi32> to vector<32xbf16>
        %gather3A_1147 = tpu.vector_load_idx %arg13[%iota3A, %and3A_73] : memref<16x16xi32, #tpu.memory_space<vmem>>[vector<16xi32>, vector<16xi32>], vector<16xi32>,
        %bitcast3A_1148 = vector.bitcast %gather3A_1147 : vector<16xi32> to vector<32xbf16>
        %gather3A_1149 = tpu.vector_load_idx %arg13[%iota3A, %and3A_79] : memref<16x16xi32, #tpu.memory_space<vmem>>[vector<16xi32>, vector<16xi32>], vector<16xi32>,
        %bitcast3A_1150 = vector.bitcast %gather3A_1149 : vector<16xi32> to vector<32xbf16>
        %gather3A_1151 = tpu.vector_load_idx %arg13[%iota3A, %and3A_85] : memref<16x16xi32, #tpu.memory_space<vmem>>[vector<16xi32>, vector<16xi32>], vector<16xi32>,
        %bitcast3A_1152 = vector.bitcast %gather3A_1151 : vector<16xi32> to vector<32xbf16>
        %gather3A_1153 = tpu.vector_load_idx %arg13[%iota3A, %and3A_91] : memref<16x16xi32, #tpu.memory_space<vmem>>[vector<16xi32>, vector<16xi32>], vector<16xi32>,
        %bitcast3A_1154 = vector.bitcast %gather3A_1153 : vector<16xi32> to vector<32xbf16>
        %gather3A_1155 = tpu.vector_load_idx %arg13[%iota3A, %and3A_97] : memref<16x16xi32, #tpu.memory_space<vmem>>[vector<16xi32>, vector<16xi32>], vector<16xi32>,
        %bitcast3A_1156 = vector.bitcast %gather3A_1155 : vector<16xi32> to vector<32xbf16>
        %add3A_1157 = arith.addf %bitcast3A_1126, %bitcast3A_1128 : vector<32xbf16>
        %add3A_1158 = arith.addf %bitcast3A_1130, %bitcast3A_1132 : vector<32xbf16>
        %add3A_1159 = arith.addf %bitcast3A_1134, %bitcast3A_1136 : vector<32xbf16>
        %add3A_1160 = arith.addf %bitcast3A_1138, %bitcast3A_1140 : vector<32xbf16>
        %add3A_1161 = arith.addf %bitcast3A_1142, %bitcast3A_1144 : vector<32xbf16>
        %add3A_1162 = arith.addf %bitcast3A_1146, %bitcast3A_1148 : vector<32xbf16>
        %add3A_1163 = arith.addf %bitcast3A_1150, %bitcast3A_1152 : vector<32xbf16>
        %add3A_1164 = arith.addf %bitcast3A_1154, %bitcast3A_1156 : vector<32xbf16>
        %add3A_1165 = arith.addf %add3A_1157, %add3A_1158 : vector<32xbf16>
        %add3A_1166 = arith.addf %add3A_1159, %add3A_1160 : vector<32xbf16>
        %add3A_1167 = arith.addf %add3A_1161, %add3A_1162 : vector<32xbf16>
        %add3A_1168 = arith.addf %add3A_1163, %add3A_1164 : vector<32xbf16>
        %add3A_1169 = arith.addf %add3A_1165, %add3A_1166 : vector<32xbf16>
        %add3A_1170 = arith.addf %add3A_1167, %add3A_1168 : vector<32xbf16>
        %add3A_1171 = arith.addf %add3A_1169, %add3A_1170 : vector<32xbf16>
        %unpack3A = tpu.unpack_subelements %add3A_1171, 0 {pack_format = #tpu.pack_format<interleaved>} : vector<32xbf16> -> vector<16xf32>
        %unpack3A_1172 = tpu.unpack_subelements %add3A_1171, 1 {pack_format = #tpu.pack_format<interleaved>} : vector<32xbf16> -> vector<16xf32>
        %add3A_1173 = arith.addf %unpack3A, %unpack3A_1172 : vector<16xf32>
        %add3A_1174 = arith.addi %mul3A_188, %mul3A_231 : i32
        %swap3A = arith.index_cast %add3A_1174 : i32 to index
        %swap3A_1175 = tpu.vector_load %arg12[%swap3A] {strides = array<i32>} : memref<10000xf32, #tpu.memory_space<vmem>>, vector<16xf32>,
        tpu.vector_store %arg12[%swap3A], %add3A_1173 {strides = array<i32>} : memref<10000xf32, #tpu.memory_space<vmem>>, vector<16xf32>,
      }
      %scan3A_194 = arith.constant 5 : i32
      %add3A_195 = arith.constant 2 : i32
      %add3A_196 = arith.addi %mul3A_162, %add3A_195 : i32
      %mul3A_197 = arith.constant 80 : i32
      %mul3A_198 = arith.muli %add3A_196, %mul3A_197 : i32
      %dma_start3A_199 = tpu.memref_slice %arg6[%mul3A_198] : memref<10000xi32, #tpu.memory_space<vmem>> -> memref<80xi32, #tpu.memory_space<vmem>>
      %dma_start3A_200 = arith.constant 0 : i32
      %dma_start3A_201 = arith.constant 0 : i32
      %dma_start3A_202 = tpu.memref_slice %arg2[%dma_start3A_200, %dma_start3A_201] : memref<10000x128xi32, #tpu.memory_space<hbm>> -> memref<10000x128xi32, #tpu.memory_space<hbm>>
      tpu.enqueue_indirect_dma source(%dma_start3A_202 : memref<10000x128xi32, #tpu.memory_space<hbm>>) target(%arg8 : memref<80x128xi32, #tpu.memory_space<vmem>>) offsets(%dma_start3A_199 : memref<80xi32, #tpu.memory_space<vmem>>) semaphore(%arg14 : memref<!tpu.dma_semaphore, #tpu.memory_space<semaphore_mem>>)
      %dma_start3A_203 = tpu.memref_slice %arg7[%mul3A_198] : memref<10000xi32, #tpu.memory_space<vmem>> -> memref<80xi32, #tpu.memory_space<vmem>>
      %dma_start3A_204 = arith.constant 0 : i32
      %dma_start3A_205 = arith.constant 0 : i32
      %dma_start3A_206 = tpu.memref_slice %arg2[%dma_start3A_204, %dma_start3A_205] : memref<10000x128xi32, #tpu.memory_space<hbm>> -> memref<10000x128xi32, #tpu.memory_space<hbm>>
      tpu.enqueue_indirect_dma source(%dma_start3A_206 : memref<10000x128xi32, #tpu.memory_space<hbm>>) target(%arg9 : memref<80x128xi32, #tpu.memory_space<vmem>>) offsets(%dma_start3A_203 : memref<80xi32, #tpu.memory_space<vmem>>) semaphore(%arg15 : memref<!tpu.dma_semaphore, #tpu.memory_space<semaphore_mem>>)
      %dma_wait3A_207 = arith.constant 0 : i32
      %dma_wait3A_208 = arith.constant 0 : i32
      %dma_wait3A_209 = tpu.memref_slice %arg2[%dma_wait3A_207, %dma_wait3A_208] : memref<10000x128xi32, #tpu.memory_space<hbm>> -> memref<80x128xi32, #tpu.memory_space<hbm>>
      %dma_wait3A_210 = arith.constant 0 : i32
      %dma_wait3A_211 = arith.constant 0 : i32
      %dma_wait3A_212 = tpu.memref_slice %arg2[%dma_wait3A_210, %dma_wait3A_211] : memref<10000x128xi32, #tpu.memory_space<hbm>> -> memref<80x128xi32, #tpu.memory_space<hbm>>
      tpu.wait_dma2 semaphore(%arg16 : memref<!tpu.dma_semaphore, #tpu.memory_space<semaphore_mem>>) src(%dma_wait3A_212 : memref<80x128xi32, #tpu.memory_space<hbm>>) dst(%arg10 : memref<80x128xi32, #tpu.memory_space<vmem>>)
      %dma_wait3A_213 = arith.constant 0 : i32
      %dma_wait3A_214 = arith.constant 0 : i32
      %dma_wait3A_215 = tpu.memref_slice %arg2[%dma_wait3A_213, %dma_wait3A_214] : memref<10000x128xi32, #tpu.memory_space<hbm>> -> memref<80x128xi32, #tpu.memory_space<hbm>>
      %dma_wait3A_216 = arith.constant 0 : i32
      %dma_wait3A_217 = arith.constant 0 : i32
      %dma_wait3A_218 = tpu.memref_slice %arg2[%dma_wait3A_216, %dma_wait3A_217] : memref<10000x128xi32, #tpu.memory_space<hbm>> -> memref<80x128xi32, #tpu.memory_space<hbm>>
      tpu.wait_dma2 semaphore(%arg17 : memref<!tpu.dma_semaphore, #tpu.memory_space<semaphore_mem>>) src(%dma_wait3A_218 : memref<80x128xi32, #tpu.memory_space<hbm>>) dst(%arg11 : memref<80x128xi32, #tpu.memory_space<vmem>>)
      %add3A_219 = arith.constant 1 : i32
      %add3A_220 = arith.addi %mul3A_162, %add3A_219 : i32
      %mul3A_221 = arith.constant 80 : i32
      %mul3A_222 = arith.muli %add3A_220, %mul3A_221 : i32
      %scan3A_223 = arith.constant 0 : i32
      %scan3A_224 = arith.constant 0 : i32
      %scan3A_225 = arith.constant 5 : i32
      %scan3A_226 = arith.addi %scan3A_224, %scan3A_225 : i32
      %scan3A_227 = arith.constant 1 : i32
      scf.for %scan3A_229 = %scan3A_224 to %scan3A_226 step %scan3A_227  : i32 {
        %mul3A_230 = arith.constant 16 : i32
        %mul3A_231 = arith.muli %scan3A_229, %mul3A_230 : i32
        %add3A_232 = arith.constant 0 : i32
        %add3A_233 = arith.addi %mul3A_231, %add3A_232 : i32
        %get3A = arith.index_cast %add3A_233 : i32 to index
        %get3A_234 = arith.constant 0 : index
        %get3A_235 = tpu.vector_load %arg10[%get3A, %get3A_234] {strides = array<i32>} : memref<80x128xi32, #tpu.memory_space<vmem>>, vector<16xi32>,
        %bitcast3A = vector.bitcast %get3A_235 : vector<16xi32> to vector<32xbf16>
        %add3A_236 = arith.constant 0 : i32
        %add3A_237 = arith.addi %mul3A_231, %add3A_236 : i32
        %get3A_238 = arith.index_cast %add3A_237 : i32 to index
        %get3A_239 = arith.constant 0 : index
        %get3A_240 = tpu.vector_load %arg11[%get3A_238, %get3A_239] {strides = array<i32>} : memref<80x128xi32, #tpu.memory_space<vmem>>, vector<16xi32>,
        %bitcast3A_241 = vector.bitcast %get3A_240 : vector<16xi32> to vector<32xbf16>
        %mul3A_242 = arith.mulf %bitcast3A, %bitcast3A_241 : vector<32xbf16>
        %add3A_243 = arith.constant 0 : i32
        %add3A_244 = arith.addi %mul3A_231, %add3A_243 : i32
        %get3A_245 = arith.index_cast %add3A_244 : i32 to index
        %get3A_246 = arith.constant 16 : index
        %get3A_247 = tpu.vector_load %arg10[%get3A_245, %get3A_246] {strides = array<i32>} : memref<80x128xi32, #tpu.memory_space<vmem>>, vector<16xi32>,
        %bitcast3A_248 = vector.bitcast %get3A_247 : vector<16xi32> to vector<32xbf16>
        %add3A_249 = arith.constant 0 : i32
        %add3A_250 = arith.addi %mul3A_231, %add3A_249 : i32
        %get3A_251 = arith.index_cast %add3A_250 : i32 to index
        %get3A_252 = arith.constant 16 : index
        %get3A_253 = tpu.vector_load %arg11[%get3A_251, %get3A_252] {strides = array<i32>} : memref<80x128xi32, #tpu.memory_space<vmem>>, vector<16xi32>,
        %bitcast3A_254 = vector.bitcast %get3A_253 : vector<16xi32> to vector<32xbf16>
        %mul3A_255 = arith.mulf %bitcast3A_248, %bitcast3A_254 : vector<32xbf16>
        %add3A_256 = arith.addf %mul3A_242, %mul3A_255 : vector<32xbf16>
        %add3A_257 = arith.constant 0 : i32
        %add3A_258 = arith.addi %mul3A_231, %add3A_257 : i32
        %get3A_259 = arith.index_cast %add3A_258 : i32 to index
        %get3A_260 = arith.constant 32 : index
        %get3A_261 = tpu.vector_load %arg10[%get3A_259, %get3A_260] {strides = array<i32>} : memref<80x128xi32, #tpu.memory_space<vmem>>, vector<16xi32>,
        %bitcast3A_262 = vector.bitcast %get3A_261 : vector<16xi32> to vector<32xbf16>
        %add3A_263 = arith.constant 0 : i32
        %add3A_264 = arith.addi %mul3A_231, %add3A_263 : i32
        %get3A_265 = arith.index_cast %add3A_264 : i32 to index
        %get3A_266 = arith.constant 32 : index
        %get3A_267 = tpu.vector_load %arg11[%get3A_265, %get3A_266] {strides = array<i32>} : memref<80x128xi32, #tpu.memory_space<vmem>>, vector<16xi32>,
        %bitcast3A_268 = vector.bitcast %get3A_267 : vector<16xi32> to vector<32xbf16>
        %mul3A_269 = arith.mulf %bitcast3A_262, %bitcast3A_268 : vector<32xbf16>
        %add3A_270 = arith.addf %add3A_256, %mul3A_269 : vector<32xbf16>
        %add3A_271 = arith.constant 0 : i32
        %add3A_272 = arith.addi %mul3A_231, %add3A_271 : i32
        %get3A_273 = arith.index_cast %add3A_272 : i32 to index
        %get3A_274 = arith.constant 48 : index
        %get3A_275 = tpu.vector_load %arg10[%get3A_273, %get3A_274] {strides = array<i32>} : memref<80x128xi32, #tpu.memory_space<vmem>>, vector<16xi32>,
        %bitcast3A_276 = vector.bitcast %get3A_275 : vector<16xi32> to vector<32xbf16>
        %add3A_277 = arith.constant 0 : i32
        %add3A_278 = arith.addi %mul3A_231, %add3A_277 : i32
        %get3A_279 = arith.index_cast %add3A_278 : i32 to index
        %get3A_280 = arith.constant 48 : index
        %get3A_281 = tpu.vector_load %arg11[%get3A_279, %get3A_280] {strides = array<i32>} : memref<80x128xi32, #tpu.memory_space<vmem>>, vector<16xi32>,
        %bitcast3A_282 = vector.bitcast %get3A_281 : vector<16xi32> to vector<32xbf16>
        %mul3A_283 = arith.mulf %bitcast3A_276, %bitcast3A_282 : vector<32xbf16>
        %add3A_284 = arith.addf %add3A_270, %mul3A_283 : vector<32xbf16>
        %bitcast3A_285 = vector.bitcast %add3A_284 : vector<32xbf16> to vector<16xi32>
        tpu.vector_store_idx %arg13[%broadcast_in_dim3A_98, %and3A_7], %bitcast3A_285 : memref<16x16xi32, #tpu.memory_space<vmem>>[vector<16xi32>, vector<16xi32>], vector<16xi32>,
        %add3A_286 = arith.constant 1 : i32
        %add3A_287 = arith.addi %mul3A_231, %add3A_286 : i32
        %get3A_288 = arith.index_cast %add3A_287 : i32 to index
        %get3A_289 = arith.constant 0 : index
        %get3A_290 = tpu.vector_load %arg10[%get3A_288, %get3A_289] {strides = array<i32>} : memref<80x128xi32, #tpu.memory_space<vmem>>, vector<16xi32>,
        %bitcast3A_291 = vector.bitcast %get3A_290 : vector<16xi32> to vector<32xbf16>
        %add3A_292 = arith.constant 1 : i32
        %add3A_293 = arith.addi %mul3A_231, %add3A_292 : i32
        %get3A_294 = arith.index_cast %add3A_293 : i32 to index
        %get3A_295 = arith.constant 0 : index
        %get3A_296 = tpu.vector_load %arg11[%get3A_294, %get3A_295] {strides = array<i32>} : memref<80x128xi32, #tpu.memory_space<vmem>>, vector<16xi32>,
        %bitcast3A_297 = vector.bitcast %get3A_296 : vector<16xi32> to vector<32xbf16>
        %mul3A_298 = arith.mulf %bitcast3A_291, %bitcast3A_297 : vector<32xbf16>
        %add3A_299 = arith.constant 1 : i32
        %add3A_300 = arith.addi %mul3A_231, %add3A_299 : i32
        %get3A_301 = arith.index_cast %add3A_300 : i32 to index
        %get3A_302 = arith.constant 16 : index
        %get3A_303 = tpu.vector_load %arg10[%get3A_301, %get3A_302] {strides = array<i32>} : memref<80x128xi32, #tpu.memory_space<vmem>>, vector<16xi32>,
        %bitcast3A_304 = vector.bitcast %get3A_303 : vector<16xi32> to vector<32xbf16>
        %add3A_305 = arith.constant 1 : i32
        %add3A_306 = arith.addi %mul3A_231, %add3A_305 : i32
        %get3A_307 = arith.index_cast %add3A_306 : i32 to index
        %get3A_308 = arith.constant 16 : index
        %get3A_309 = tpu.vector_load %arg11[%get3A_307, %get3A_308] {strides = array<i32>} : memref<80x128xi32, #tpu.memory_space<vmem>>, vector<16xi32>,
        %bitcast3A_310 = vector.bitcast %get3A_309 : vector<16xi32> to vector<32xbf16>
        %mul3A_311 = arith.mulf %bitcast3A_304, %bitcast3A_310 : vector<32xbf16>
        %add3A_312 = arith.addf %mul3A_298, %mul3A_311 : vector<32xbf16>
        %add3A_313 = arith.constant 1 : i32
        %add3A_314 = arith.addi %mul3A_231, %add3A_313 : i32
        %get3A_315 = arith.index_cast %add3A_314 : i32 to index
        %get3A_316 = arith.constant 32 : index
        %get3A_317 = tpu.vector_load %arg10[%get3A_315, %get3A_316] {strides = array<i32>} : memref<80x128xi32, #tpu.memory_space<vmem>>, vector<16xi32>,
        %bitcast3A_318 = vector.bitcast %get3A_317 : vector<16xi32> to vector<32xbf16>
        %add3A_319 = arith.constant 1 : i32
        %add3A_320 = arith.addi %mul3A_231, %add3A_319 : i32
        %get3A_321 = arith.index_cast %add3A_320 : i32 to index
        %get3A_322 = arith.constant 32 : index
        %get3A_323 = tpu.vector_load %arg11[%get3A_321, %get3A_322] {strides = array<i32>} : memref<80x128xi32, #tpu.memory_space<vmem>>, vector<16xi32>,
        %bitcast3A_324 = vector.bitcast %get3A_323 : vector<16xi32> to vector<32xbf16>
        %mul3A_325 = arith.mulf %bitcast3A_318, %bitcast3A_324 : vector<32xbf16>
        %add3A_326 = arith.addf %add3A_312, %mul3A_325 : vector<32xbf16>
        %add3A_327 = arith.constant 1 : i32
        %add3A_328 = arith.addi %mul3A_231, %add3A_327 : i32
        %get3A_329 = arith.index_cast %add3A_328 : i32 to index
        %get3A_330 = arith.constant 48 : index
        %get3A_331 = tpu.vector_load %arg10[%get3A_329, %get3A_330] {strides = array<i32>} : memref<80x128xi32, #tpu.memory_space<vmem>>, vector<16xi32>,
        %bitcast3A_332 = vector.bitcast %get3A_331 : vector<16xi32> to vector<32xbf16>
        %add3A_333 = arith.constant 1 : i32
        %add3A_334 = arith.addi %mul3A_231, %add3A_333 : i32
        %get3A_335 = arith.index_cast %add3A_334 : i32 to index
        %get3A_336 = arith.constant 48 : index
        %get3A_337 = tpu.vector_load %arg11[%get3A_335, %get3A_336] {strides = array<i32>} : memref<80x128xi32, #tpu.memory_space<vmem>>, vector<16xi32>,
        %bitcast3A_338 = vector.bitcast %get3A_337 : vector<16xi32> to vector<32xbf16>
        %mul3A_339 = arith.mulf %bitcast3A_332, %bitcast3A_338 : vector<32xbf16>
        %add3A_340 = arith.addf %add3A_326, %mul3A_339 : vector<32xbf16>
        %bitcast3A_341 = vector.bitcast %add3A_340 : vector<32xbf16> to vector<16xi32>
        tpu.vector_store_idx %arg13[%broadcast_in_dim3A_100, %and3A_13], %bitcast3A_341 : memref<16x16xi32, #tpu.memory_space<vmem>>[vector<16xi32>, vector<16xi32>], vector<16xi32>,
        %add3A_342 = arith.constant 2 : i32
        %add3A_343 = arith.addi %mul3A_231, %add3A_342 : i32
        %get3A_344 = arith.index_cast %add3A_343 : i32 to index
        %get3A_345 = arith.constant 0 : index
        %get3A_346 = tpu.vector_load %arg10[%get3A_344, %get3A_345] {strides = array<i32>} : memref<80x128xi32, #tpu.memory_space<vmem>>, vector<16xi32>,
        %bitcast3A_347 = vector.bitcast %get3A_346 : vector<16xi32> to vector<32xbf16>
        %add3A_348 = arith.constant 2 : i32
        %add3A_349 = arith.addi %mul3A_231, %add3A_348 : i32
        %get3A_350 = arith.index_cast %add3A_349 : i32 to index
        %get3A_351 = arith.constant 0 : index
        %get3A_352 = tpu.vector_load %arg11[%get3A_350, %get3A_351] {strides = array<i32>} : memref<80x128xi32, #tpu.memory_space<vmem>>, vector<16xi32>,
        %bitcast3A_353 = vector.bitcast %get3A_352 : vector<16xi32> to vector<32xbf16>
        %mul3A_354 = arith.mulf %bitcast3A_347, %bitcast3A_353 : vector<32xbf16>
        %add3A_355 = arith.constant 2 : i32
        %add3A_356 = arith.addi %mul3A_231, %add3A_355 : i32
        %get3A_357 = arith.index_cast %add3A_356 : i32 to index
        %get3A_358 = arith.constant 16 : index
        %get3A_359 = tpu.vector_load %arg10[%get3A_357, %get3A_358] {strides = array<i32>} : memref<80x128xi32, #tpu.memory_space<vmem>>, vector<16xi32>,
        %bitcast3A_360 = vector.bitcast %get3A_359 : vector<16xi32> to vector<32xbf16>
        %add3A_361 = arith.constant 2 : i32
        %add3A_362 = arith.addi %mul3A_231, %add3A_361 : i32
        %get3A_363 = arith.index_cast %add3A_362 : i32 to index
        %get3A_364 = arith.constant 16 : index
        %get3A_365 = tpu.vector_load %arg11[%get3A_363, %get3A_364] {strides = array<i32>} : memref<80x128xi32, #tpu.memory_space<vmem>>, vector<16xi32>,
        %bitcast3A_366 = vector.bitcast %get3A_365 : vector<16xi32> to vector<32xbf16>
        %mul3A_367 = arith.mulf %bitcast3A_360, %bitcast3A_366 : vector<32xbf16>
        %add3A_368 = arith.addf %mul3A_354, %mul3A_367 : vector<32xbf16>
        %add3A_369 = arith.constant 2 : i32
        %add3A_370 = arith.addi %mul3A_231, %add3A_369 : i32
        %get3A_371 = arith.index_cast %add3A_370 : i32 to index
        %get3A_372 = arith.constant 32 : index
        %get3A_373 = tpu.vector_load %arg10[%get3A_371, %get3A_372] {strides = array<i32>} : memref<80x128xi32, #tpu.memory_space<vmem>>, vector<16xi32>,
        %bitcast3A_374 = vector.bitcast %get3A_373 : vector<16xi32> to vector<32xbf16>
        %add3A_375 = arith.constant 2 : i32
        %add3A_376 = arith.addi %mul3A_231, %add3A_375 : i32
        %get3A_377 = arith.index_cast %add3A_376 : i32 to index
        %get3A_378 = arith.constant 32 : index
        %get3A_379 = tpu.vector_load %arg11[%get3A_377, %get3A_378] {strides = array<i32>} : memref<80x128xi32, #tpu.memory_space<vmem>>, vector<16xi32>,
        %bitcast3A_380 = vector.bitcast %get3A_379 : vector<16xi32> to vector<32xbf16>
        %mul3A_381 = arith.mulf %bitcast3A_374, %bitcast3A_380 : vector<32xbf16>
        %add3A_382 = arith.addf %add3A_368, %mul3A_381 : vector<32xbf16>
        %add3A_383 = arith.constant 2 : i32
        %add3A_384 = arith.addi %mul3A_231, %add3A_383 : i32
        %get3A_385 = arith.index_cast %add3A_384 : i32 to index
        %get3A_386 = arith.constant 48 : index
        %get3A_387 = tpu.vector_load %arg10[%get3A_385, %get3A_386] {strides = array<i32>} : memref<80x128xi32, #tpu.memory_space<vmem>>, vector<16xi32>,
        %bitcast3A_388 = vector.bitcast %get3A_387 : vector<16xi32> to vector<32xbf16>
        %add3A_389 = arith.constant 2 : i32
        %add3A_390 = arith.addi %mul3A_231, %add3A_389 : i32
        %get3A_391 = arith.index_cast %add3A_390 : i32 to index
        %get3A_392 = arith.constant 48 : index
        %get3A_393 = tpu.vector_load %arg11[%get3A_391, %get3A_392] {strides = array<i32>} : memref<80x128xi32, #tpu.memory_space<vmem>>, vector<16xi32>,
        %bitcast3A_394 = vector.bitcast %get3A_393 : vector<16xi32> to vector<32xbf16>
        %mul3A_395 = arith.mulf %bitcast3A_388, %bitcast3A_394 : vector<32xbf16>
        %add3A_396 = arith.addf %add3A_382, %mul3A_395 : vector<32xbf16>
        %bitcast3A_397 = vector.bitcast %add3A_396 : vector<32xbf16> to vector<16xi32>
        tpu.vector_store_idx %arg13[%broadcast_in_dim3A_102, %and3A_19], %bitcast3A_397 : memref<16x16xi32, #tpu.memory_space<vmem>>[vector<16xi32>, vector<16xi32>], vector<16xi32>,
        %add3A_398 = arith.constant 3 : i32
        %add3A_399 = arith.addi %mul3A_231, %add3A_398 : i32
        %get3A_400 = arith.index_cast %add3A_399 : i32 to index
        %get3A_401 = arith.constant 0 : index
        %get3A_402 = tpu.vector_load %arg10[%get3A_400, %get3A_401] {strides = array<i32>} : memref<80x128xi32, #tpu.memory_space<vmem>>, vector<16xi32>,
        %bitcast3A_403 = vector.bitcast %get3A_402 : vector<16xi32> to vector<32xbf16>
        %add3A_404 = arith.constant 3 : i32
        %add3A_405 = arith.addi %mul3A_231, %add3A_404 : i32
        %get3A_406 = arith.index_cast %add3A_405 : i32 to index
        %get3A_407 = arith.constant 0 : index
        %get3A_408 = tpu.vector_load %arg11[%get3A_406, %get3A_407] {strides = array<i32>} : memref<80x128xi32, #tpu.memory_space<vmem>>, vector<16xi32>,
        %bitcast3A_409 = vector.bitcast %get3A_408 : vector<16xi32> to vector<32xbf16>
        %mul3A_410 = arith.mulf %bitcast3A_403, %bitcast3A_409 : vector<32xbf16>
        %add3A_411 = arith.constant 3 : i32
        %add3A_412 = arith.addi %mul3A_231, %add3A_411 : i32
        %get3A_413 = arith.index_cast %add3A_412 : i32 to index
        %get3A_414 = arith.constant 16 : index
        %get3A_415 = tpu.vector_load %arg10[%get3A_413, %get3A_414] {strides = array<i32>} : memref<80x128xi32, #tpu.memory_space<vmem>>, vector<16xi32>,
        %bitcast3A_416 = vector.bitcast %get3A_415 : vector<16xi32> to vector<32xbf16>
        %add3A_417 = arith.constant 3 : i32
        %add3A_418 = arith.addi %mul3A_231, %add3A_417 : i32
        %get3A_419 = arith.index_cast %add3A_418 : i32 to index
        %get3A_420 = arith.constant 16 : index
        %get3A_421 = tpu.vector_load %arg11[%get3A_419, %get3A_420] {strides = array<i32>} : memref<80x128xi32, #tpu.memory_space<vmem>>, vector<16xi32>,
        %bitcast3A_422 = vector.bitcast %get3A_421 : vector<16xi32> to vector<32xbf16>
        %mul3A_423 = arith.mulf %bitcast3A_416, %bitcast3A_422 : vector<32xbf16>
        %add3A_424 = arith.addf %mul3A_410, %mul3A_423 : vector<32xbf16>
        %add3A_425 = arith.constant 3 : i32
        %add3A_426 = arith.addi %mul3A_231, %add3A_425 : i32
        %get3A_427 = arith.index_cast %add3A_426 : i32 to index
        %get3A_428 = arith.constant 32 : index
        %get3A_429 = tpu.vector_load %arg10[%get3A_427, %get3A_428] {strides = array<i32>} : memref<80x128xi32, #tpu.memory_space<vmem>>, vector<16xi32>,
        %bitcast3A_430 = vector.bitcast %get3A_429 : vector<16xi32> to vector<32xbf16>
        %add3A_431 = arith.constant 3 : i32
        %add3A_432 = arith.addi %mul3A_231, %add3A_431 : i32
        %get3A_433 = arith.index_cast %add3A_432 : i32 to index
        %get3A_434 = arith.constant 32 : index
        %get3A_435 = tpu.vector_load %arg11[%get3A_433, %get3A_434] {strides = array<i32>} : memref<80x128xi32, #tpu.memory_space<vmem>>, vector<16xi32>,
        %bitcast3A_436 = vector.bitcast %get3A_435 : vector<16xi32> to vector<32xbf16>
        %mul3A_437 = arith.mulf %bitcast3A_430, %bitcast3A_436 : vector<32xbf16>
        %add3A_438 = arith.addf %add3A_424, %mul3A_437 : vector<32xbf16>
        %add3A_439 = arith.constant 3 : i32
        %add3A_440 = arith.addi %mul3A_231, %add3A_439 : i32
        %get3A_441 = arith.index_cast %add3A_440 : i32 to index
        %get3A_442 = arith.constant 48 : index
        %get3A_443 = tpu.vector_load %arg10[%get3A_441, %get3A_442] {strides = array<i32>} : memref<80x128xi32, #tpu.memory_space<vmem>>, vector<16xi32>,
        %bitcast3A_444 = vector.bitcast %get3A_443 : vector<16xi32> to vector<32xbf16>
        %add3A_445 = arith.constant 3 : i32
        %add3A_446 = arith.addi %mul3A_231, %add3A_445 : i32
        %get3A_447 = arith.index_cast %add3A_446 : i32 to index
        %get3A_448 = arith.constant 48 : index
        %get3A_449 = tpu.vector_load %arg11[%get3A_447, %get3A_448] {strides = array<i32>} : memref<80x128xi32, #tpu.memory_space<vmem>>, vector<16xi32>,
        %bitcast3A_450 = vector.bitcast %get3A_449 : vector<16xi32> to vector<32xbf16>
        %mul3A_451 = arith.mulf %bitcast3A_444, %bitcast3A_450 : vector<32xbf16>
        %add3A_452 = arith.addf %add3A_438, %mul3A_451 : vector<32xbf16>
        %bitcast3A_453 = vector.bitcast %add3A_452 : vector<32xbf16> to vector<16xi32>
        tpu.vector_store_idx %arg13[%broadcast_in_dim3A_104, %and3A_25], %bitcast3A_453 : memref<16x16xi32, #tpu.memory_space<vmem>>[vector<16xi32>, vector<16xi32>], vector<16xi32>,
        %add3A_454 = arith.constant 4 : i32
        %add3A_455 = arith.addi %mul3A_231, %add3A_454 : i32
        %get3A_456 = arith.index_cast %add3A_455 : i32 to index
        %get3A_457 = arith.constant 0 : index
        %get3A_458 = tpu.vector_load %arg10[%get3A_456, %get3A_457] {strides = array<i32>} : memref<80x128xi32, #tpu.memory_space<vmem>>, vector<16xi32>,
        %bitcast3A_459 = vector.bitcast %get3A_458 : vector<16xi32> to vector<32xbf16>
        %add3A_460 = arith.constant 4 : i32
        %add3A_461 = arith.addi %mul3A_231, %add3A_460 : i32
        %get3A_462 = arith.index_cast %add3A_461 : i32 to index
        %get3A_463 = arith.constant 0 : index
        %get3A_464 = tpu.vector_load %arg11[%get3A_462, %get3A_463] {strides = array<i32>} : memref<80x128xi32, #tpu.memory_space<vmem>>, vector<16xi32>,
        %bitcast3A_465 = vector.bitcast %get3A_464 : vector<16xi32> to vector<32xbf16>
        %mul3A_466 = arith.mulf %bitcast3A_459, %bitcast3A_465 : vector<32xbf16>
        %add3A_467 = arith.constant 4 : i32
        %add3A_468 = arith.addi %mul3A_231, %add3A_467 : i32
        %get3A_469 = arith.index_cast %add3A_468 : i32 to index
        %get3A_470 = arith.constant 16 : index
        %get3A_471 = tpu.vector_load %arg10[%get3A_469, %get3A_470] {strides = array<i32>} : memref<80x128xi32, #tpu.memory_space<vmem>>, vector<16xi32>,
        %bitcast3A_472 = vector.bitcast %get3A_471 : vector<16xi32> to vector<32xbf16>
        %add3A_473 = arith.constant 4 : i32
        %add3A_474 = arith.addi %mul3A_231, %add3A_473 : i32
        %get3A_475 = arith.index_cast %add3A_474 : i32 to index
        %get3A_476 = arith.constant 16 : index
        %get3A_477 = tpu.vector_load %arg11[%get3A_475, %get3A_476] {strides = array<i32>} : memref<80x128xi32, #tpu.memory_space<vmem>>, vector<16xi32>,
        %bitcast3A_478 = vector.bitcast %get3A_477 : vector<16xi32> to vector<32xbf16>
        %mul3A_479 = arith.mulf %bitcast3A_472, %bitcast3A_478 : vector<32xbf16>
        %add3A_480 = arith.addf %mul3A_466, %mul3A_479 : vector<32xbf16>
        %add3A_481 = arith.constant 4 : i32
        %add3A_482 = arith.addi %mul3A_231, %add3A_481 : i32
        %get3A_483 = arith.index_cast %add3A_482 : i32 to index
        %get3A_484 = arith.constant 32 : index
        %get3A_485 = tpu.vector_load %arg10[%get3A_483, %get3A_484] {strides = array<i32>} : memref<80x128xi32, #tpu.memory_space<vmem>>, vector<16xi32>,
        %bitcast3A_486 = vector.bitcast %get3A_485 : vector<16xi32> to vector<32xbf16>
        %add3A_487 = arith.constant 4 : i32
        %add3A_488 = arith.addi %mul3A_231, %add3A_487 : i32
        %get3A_489 = arith.index_cast %add3A_488 : i32 to index
        %get3A_490 = arith.constant 32 : index
        %get3A_491 = tpu.vector_load %arg11[%get3A_489, %get3A_490] {strides = array<i32>} : memref<80x128xi32, #tpu.memory_space<vmem>>, vector<16xi32>,
        %bitcast3A_492 = vector.bitcast %get3A_491 : vector<16xi32> to vector<32xbf16>
        %mul3A_493 = arith.mulf %bitcast3A_486, %bitcast3A_492 : vector<32xbf16>
        %add3A_494 = arith.addf %add3A_480, %mul3A_493 : vector<32xbf16>
        %add3A_495 = arith.constant 4 : i32
        %add3A_496 = arith.addi %mul3A_231, %add3A_495 : i32
        %get3A_497 = arith.index_cast %add3A_496 : i32 to index
        %get3A_498 = arith.constant 48 : index
        %get3A_499 = tpu.vector_load %arg10[%get3A_497, %get3A_498] {strides = array<i32>} : memref<80x128xi32, #tpu.memory_space<vmem>>, vector<16xi32>,
        %bitcast3A_500 = vector.bitcast %get3A_499 : vector<16xi32> to vector<32xbf16>
        %add3A_501 = arith.constant 4 : i32
        %add3A_502 = arith.addi %mul3A_231, %add3A_501 : i32
        %get3A_503 = arith.index_cast %add3A_502 : i32 to index
        %get3A_504 = arith.constant 48 : index
        %get3A_505 = tpu.vector_load %arg11[%get3A_503, %get3A_504] {strides = array<i32>} : memref<80x128xi32, #tpu.memory_space<vmem>>, vector<16xi32>,
        %bitcast3A_506 = vector.bitcast %get3A_505 : vector<16xi32> to vector<32xbf16>
        %mul3A_507 = arith.mulf %bitcast3A_500, %bitcast3A_506 : vector<32xbf16>
        %add3A_508 = arith.addf %add3A_494, %mul3A_507 : vector<32xbf16>
        %bitcast3A_509 = vector.bitcast %add3A_508 : vector<32xbf16> to vector<16xi32>
        tpu.vector_store_idx %arg13[%broadcast_in_dim3A_106, %and3A_31], %bitcast3A_509 : memref<16x16xi32, #tpu.memory_space<vmem>>[vector<16xi32>, vector<16xi32>], vector<16xi32>,
        %add3A_510 = arith.constant 5 : i32
        %add3A_511 = arith.addi %mul3A_231, %add3A_510 : i32
        %get3A_512 = arith.index_cast %add3A_511 : i32 to index
        %get3A_513 = arith.constant 0 : index
        %get3A_514 = tpu.vector_load %arg10[%get3A_512, %get3A_513] {strides = array<i32>} : memref<80x128xi32, #tpu.memory_space<vmem>>, vector<16xi32>,
        %bitcast3A_515 = vector.bitcast %get3A_514 : vector<16xi32> to vector<32xbf16>
        %add3A_516 = arith.constant 5 : i32
        %add3A_517 = arith.addi %mul3A_231, %add3A_516 : i32
        %get3A_518 = arith.index_cast %add3A_517 : i32 to index
        %get3A_519 = arith.constant 0 : index
        %get3A_520 = tpu.vector_load %arg11[%get3A_518, %get3A_519] {strides = array<i32>} : memref<80x128xi32, #tpu.memory_space<vmem>>, vector<16xi32>,
        %bitcast3A_521 = vector.bitcast %get3A_520 : vector<16xi32> to vector<32xbf16>
        %mul3A_522 = arith.mulf %bitcast3A_515, %bitcast3A_521 : vector<32xbf16>
        %add3A_523 = arith.constant 5 : i32
        %add3A_524 = arith.addi %mul3A_231, %add3A_523 : i32
        %get3A_525 = arith.index_cast %add3A_524 : i32 to index
        %get3A_526 = arith.constant 16 : index
        %get3A_527 = tpu.vector_load %arg10[%get3A_525, %get3A_526] {strides = array<i32>} : memref<80x128xi32, #tpu.memory_space<vmem>>, vector<16xi32>,
        %bitcast3A_528 = vector.bitcast %get3A_527 : vector<16xi32> to vector<32xbf16>
        %add3A_529 = arith.constant 5 : i32
        %add3A_530 = arith.addi %mul3A_231, %add3A_529 : i32
        %get3A_531 = arith.index_cast %add3A_530 : i32 to index
        %get3A_532 = arith.constant 16 : index
        %get3A_533 = tpu.vector_load %arg11[%get3A_531, %get3A_532] {strides = array<i32>} : memref<80x128xi32, #tpu.memory_space<vmem>>, vector<16xi32>,
        %bitcast3A_534 = vector.bitcast %get3A_533 : vector<16xi32> to vector<32xbf16>
        %mul3A_535 = arith.mulf %bitcast3A_528, %bitcast3A_534 : vector<32xbf16>
        %add3A_536 = arith.addf %mul3A_522, %mul3A_535 : vector<32xbf16>
        %add3A_537 = arith.constant 5 : i32
        %add3A_538 = arith.addi %mul3A_231, %add3A_537 : i32
        %get3A_539 = arith.index_cast %add3A_538 : i32 to index
        %get3A_540 = arith.constant 32 : index
        %get3A_541 = tpu.vector_load %arg10[%get3A_539, %get3A_540] {strides = array<i32>} : memref<80x128xi32, #tpu.memory_space<vmem>>, vector<16xi32>,
        %bitcast3A_542 = vector.bitcast %get3A_541 : vector<16xi32> to vector<32xbf16>
        %add3A_543 = arith.constant 5 : i32
        %add3A_544 = arith.addi %mul3A_231, %add3A_543 : i32
        %get3A_545 = arith.index_cast %add3A_544 : i32 to index
        %get3A_546 = arith.constant 32 : index
        %get3A_547 = tpu.vector_load %arg11[%get3A_545, %get3A_546] {strides = array<i32>} : memref<80x128xi32, #tpu.memory_space<vmem>>, vector<16xi32>,
        %bitcast3A_548 = vector.bitcast %get3A_547 : vector<16xi32> to vector<32xbf16>
        %mul3A_549 = arith.mulf %bitcast3A_542, %bitcast3A_548 : vector<32xbf16>
        %add3A_550 = arith.addf %add3A_536, %mul3A_549 : vector<32xbf16>
        %add3A_551 = arith.constant 5 : i32
        %add3A_552 = arith.addi %mul3A_231, %add3A_551 : i32
        %get3A_553 = arith.index_cast %add3A_552 : i32 to index
        %get3A_554 = arith.constant 48 : index
        %get3A_555 = tpu.vector_load %arg10[%get3A_553, %get3A_554] {strides = array<i32>} : memref<80x128xi32, #tpu.memory_space<vmem>>, vector<16xi32>,
        %bitcast3A_556 = vector.bitcast %get3A_555 : vector<16xi32> to vector<32xbf16>
        %add3A_557 = arith.constant 5 : i32
        %add3A_558 = arith.addi %mul3A_231, %add3A_557 : i32
        %get3A_559 = arith.index_cast %add3A_558 : i32 to index
        %get3A_560 = arith.constant 48 : index
        %get3A_561 = tpu.vector_load %arg11[%get3A_559, %get3A_560] {strides = array<i32>} : memref<80x128xi32, #tpu.memory_space<vmem>>, vector<16xi32>,
        %bitcast3A_562 = vector.bitcast %get3A_561 : vector<16xi32> to vector<32xbf16>
        %mul3A_563 = arith.mulf %bitcast3A_556, %bitcast3A_562 : vector<32xbf16>
        %add3A_564 = arith.addf %add3A_550, %mul3A_563 : vector<32xbf16>
        %bitcast3A_565 = vector.bitcast %add3A_564 : vector<32xbf16> to vector<16xi32>
        tpu.vector_store_idx %arg13[%broadcast_in_dim3A_108, %and3A_37], %bitcast3A_565 : memref<16x16xi32, #tpu.memory_space<vmem>>[vector<16xi32>, vector<16xi32>], vector<16xi32>,
        %add3A_566 = arith.constant 6 : i32
        %add3A_567 = arith.addi %mul3A_231, %add3A_566 : i32
        %get3A_568 = arith.index_cast %add3A_567 : i32 to index
        %get3A_569 = arith.constant 0 : index
        %get3A_570 = tpu.vector_load %arg10[%get3A_568, %get3A_569] {strides = array<i32>} : memref<80x128xi32, #tpu.memory_space<vmem>>, vector<16xi32>,
        %bitcast3A_571 = vector.bitcast %get3A_570 : vector<16xi32> to vector<32xbf16>
        %add3A_572 = arith.constant 6 : i32
        %add3A_573 = arith.addi %mul3A_231, %add3A_572 : i32
        %get3A_574 = arith.index_cast %add3A_573 : i32 to index
        %get3A_575 = arith.constant 0 : index
        %get3A_576 = tpu.vector_load %arg11[%get3A_574, %get3A_575] {strides = array<i32>} : memref<80x128xi32, #tpu.memory_space<vmem>>, vector<16xi32>,
        %bitcast3A_577 = vector.bitcast %get3A_576 : vector<16xi32> to vector<32xbf16>
        %mul3A_578 = arith.mulf %bitcast3A_571, %bitcast3A_577 : vector<32xbf16>
        %add3A_579 = arith.constant 6 : i32
        %add3A_580 = arith.addi %mul3A_231, %add3A_579 : i32
        %get3A_581 = arith.index_cast %add3A_580 : i32 to index
        %get3A_582 = arith.constant 16 : index
        %get3A_583 = tpu.vector_load %arg10[%get3A_581, %get3A_582] {strides = array<i32>} : memref<80x128xi32, #tpu.memory_space<vmem>>, vector<16xi32>,
        %bitcast3A_584 = vector.bitcast %get3A_583 : vector<16xi32> to vector<32xbf16>
        %add3A_585 = arith.constant 6 : i32
        %add3A_586 = arith.addi %mul3A_231, %add3A_585 : i32
        %get3A_587 = arith.index_cast %add3A_586 : i32 to index
        %get3A_588 = arith.constant 16 : index
        %get3A_589 = tpu.vector_load %arg11[%get3A_587, %get3A_588] {strides = array<i32>} : memref<80x128xi32, #tpu.memory_space<vmem>>, vector<16xi32>,
        %bitcast3A_590 = vector.bitcast %get3A_589 : vector<16xi32> to vector<32xbf16>
        %mul3A_591 = arith.mulf %bitcast3A_584, %bitcast3A_590 : vector<32xbf16>
        %add3A_592 = arith.addf %mul3A_578, %mul3A_591 : vector<32xbf16>
        %add3A_593 = arith.constant 6 : i32
        %add3A_594 = arith.addi %mul3A_231, %add3A_593 : i32
        %get3A_595 = arith.index_cast %add3A_594 : i32 to index
        %get3A_596 = arith.constant 32 : index
        %get3A_597 = tpu.vector_load %arg10[%get3A_595, %get3A_596] {strides = array<i32>} : memref<80x128xi32, #tpu.memory_space<vmem>>, vector<16xi32>,
        %bitcast3A_598 = vector.bitcast %get3A_597 : vector<16xi32> to vector<32xbf16>
        %add3A_599 = arith.constant 6 : i32
        %add3A_600 = arith.addi %mul3A_231, %add3A_599 : i32
        %get3A_601 = arith.index_cast %add3A_600 : i32 to index
        %get3A_602 = arith.constant 32 : index
        %get3A_603 = tpu.vector_load %arg11[%get3A_601, %get3A_602] {strides = array<i32>} : memref<80x128xi32, #tpu.memory_space<vmem>>, vector<16xi32>,
        %bitcast3A_604 = vector.bitcast %get3A_603 : vector<16xi32> to vector<32xbf16>
        %mul3A_605 = arith.mulf %bitcast3A_598, %bitcast3A_604 : vector<32xbf16>
        %add3A_606 = arith.addf %add3A_592, %mul3A_605 : vector<32xbf16>
        %add3A_607 = arith.constant 6 : i32
        %add3A_608 = arith.addi %mul3A_231, %add3A_607 : i32
        %get3A_609 = arith.index_cast %add3A_608 : i32 to index
        %get3A_610 = arith.constant 48 : index
        %get3A_611 = tpu.vector_load %arg10[%get3A_609, %get3A_610] {strides = array<i32>} : memref<80x128xi32, #tpu.memory_space<vmem>>, vector<16xi32>,
        %bitcast3A_612 = vector.bitcast %get3A_611 : vector<16xi32> to vector<32xbf16>
        %add3A_613 = arith.constant 6 : i32
        %add3A_614 = arith.addi %mul3A_231, %add3A_613 : i32
        %get3A_615 = arith.index_cast %add3A_614 : i32 to index
        %get3A_616 = arith.constant 48 : index
        %get3A_617 = tpu.vector_load %arg11[%get3A_615, %get3A_616] {strides = array<i32>} : memref<80x128xi32, #tpu.memory_space<vmem>>, vector<16xi32>,
        %bitcast3A_618 = vector.bitcast %get3A_617 : vector<16xi32> to vector<32xbf16>
        %mul3A_619 = arith.mulf %bitcast3A_612, %bitcast3A_618 : vector<32xbf16>
        %add3A_620 = arith.addf %add3A_606, %mul3A_619 : vector<32xbf16>
        %bitcast3A_621 = vector.bitcast %add3A_620 : vector<32xbf16> to vector<16xi32>
        tpu.vector_store_idx %arg13[%broadcast_in_dim3A_110, %and3A_43], %bitcast3A_621 : memref<16x16xi32, #tpu.memory_space<vmem>>[vector<16xi32>, vector<16xi32>], vector<16xi32>,
        %add3A_622 = arith.constant 7 : i32
        %add3A_623 = arith.addi %mul3A_231, %add3A_622 : i32
        %get3A_624 = arith.index_cast %add3A_623 : i32 to index
        %get3A_625 = arith.constant 0 : index
        %get3A_626 = tpu.vector_load %arg10[%get3A_624, %get3A_625] {strides = array<i32>} : memref<80x128xi32, #tpu.memory_space<vmem>>, vector<16xi32>,
        %bitcast3A_627 = vector.bitcast %get3A_626 : vector<16xi32> to vector<32xbf16>
        %add3A_628 = arith.constant 7 : i32
        %add3A_629 = arith.addi %mul3A_231, %add3A_628 : i32
        %get3A_630 = arith.index_cast %add3A_629 : i32 to index
        %get3A_631 = arith.constant 0 : index
        %get3A_632 = tpu.vector_load %arg11[%get3A_630, %get3A_631] {strides = array<i32>} : memref<80x128xi32, #tpu.memory_space<vmem>>, vector<16xi32>,
        %bitcast3A_633 = vector.bitcast %get3A_632 : vector<16xi32> to vector<32xbf16>
        %mul3A_634 = arith.mulf %bitcast3A_627, %bitcast3A_633 : vector<32xbf16>
        %add3A_635 = arith.constant 7 : i32
        %add3A_636 = arith.addi %mul3A_231, %add3A_635 : i32
        %get3A_637 = arith.index_cast %add3A_636 : i32 to index
        %get3A_638 = arith.constant 16 : index
        %get3A_639 = tpu.vector_load %arg10[%get3A_637, %get3A_638] {strides = array<i32>} : memref<80x128xi32, #tpu.memory_space<vmem>>, vector<16xi32>,
        %bitcast3A_640 = vector.bitcast %get3A_639 : vector<16xi32> to vector<32xbf16>
        %add3A_641 = arith.constant 7 : i32
        %add3A_642 = arith.addi %mul3A_231, %add3A_641 : i32
        %get3A_643 = arith.index_cast %add3A_642 : i32 to index
        %get3A_644 = arith.constant 16 : index
        %get3A_645 = tpu.vector_load %arg11[%get3A_643, %get3A_644] {strides = array<i32>} : memref<80x128xi32, #tpu.memory_space<vmem>>, vector<16xi32>,
        %bitcast3A_646 = vector.bitcast %get3A_645 : vector<16xi32> to vector<32xbf16>
        %mul3A_647 = arith.mulf %bitcast3A_640, %bitcast3A_646 : vector<32xbf16>
        %add3A_648 = arith.addf %mul3A_634, %mul3A_647 : vector<32xbf16>
        %add3A_649 = arith.constant 7 : i32
        %add3A_650 = arith.addi %mul3A_231, %add3A_649 : i32
        %get3A_651 = arith.index_cast %add3A_650 : i32 to index
        %get3A_652 = arith.constant 32 : index
        %get3A_653 = tpu.vector_load %arg10[%get3A_651, %get3A_652] {strides = array<i32>} : memref<80x128xi32, #tpu.memory_space<vmem>>, vector<16xi32>,
        %bitcast3A_654 = vector.bitcast %get3A_653 : vector<16xi32> to vector<32xbf16>
        %add3A_655 = arith.constant 7 : i32
        %add3A_656 = arith.addi %mul3A_231, %add3A_655 : i32
        %get3A_657 = arith.index_cast %add3A_656 : i32 to index
        %get3A_658 = arith.constant 32 : index
        %get3A_659 = tpu.vector_load %arg11[%get3A_657, %get3A_658] {strides = array<i32>} : memref<80x128xi32, #tpu.memory_space<vmem>>, vector<16xi32>,
        %bitcast3A_660 = vector.bitcast %get3A_659 : vector<16xi32> to vector<32xbf16>
        %mul3A_661 = arith.mulf %bitcast3A_654, %bitcast3A_660 : vector<32xbf16>
        %add3A_662 = arith.addf %add3A_648, %mul3A_661 : vector<32xbf16>
        %add3A_663 = arith.constant 7 : i32
        %add3A_664 = arith.addi %mul3A_231, %add3A_663 : i32
        %get3A_665 = arith.index_cast %add3A_664 : i32 to index
        %get3A_666 = arith.constant 48 : index
        %get3A_667 = tpu.vector_load %arg10[%get3A_665, %get3A_666] {strides = array<i32>} : memref<80x128xi32, #tpu.memory_space<vmem>>, vector<16xi32>,
        %bitcast3A_668 = vector.bitcast %get3A_667 : vector<16xi32> to vector<32xbf16>
        %add3A_669 = arith.constant 7 : i32
        %add3A_670 = arith.addi %mul3A_231, %add3A_669 : i32
        %get3A_671 = arith.index_cast %add3A_670 : i32 to index
        %get3A_672 = arith.constant 48 : index
        %get3A_673 = tpu.vector_load %arg11[%get3A_671, %get3A_672] {strides = array<i32>} : memref<80x128xi32, #tpu.memory_space<vmem>>, vector<16xi32>,
        %bitcast3A_674 = vector.bitcast %get3A_673 : vector<16xi32> to vector<32xbf16>
        %mul3A_675 = arith.mulf %bitcast3A_668, %bitcast3A_674 : vector<32xbf16>
        %add3A_676 = arith.addf %add3A_662, %mul3A_675 : vector<32xbf16>
        %bitcast3A_677 = vector.bitcast %add3A_676 : vector<32xbf16> to vector<16xi32>
        tpu.vector_store_idx %arg13[%broadcast_in_dim3A_112, %and3A_49], %bitcast3A_677 : memref<16x16xi32, #tpu.memory_space<vmem>>[vector<16xi32>, vector<16xi32>], vector<16xi32>,
        %add3A_678 = arith.constant 8 : i32
        %add3A_679 = arith.addi %mul3A_231, %add3A_678 : i32
        %get3A_680 = arith.index_cast %add3A_679 : i32 to index
        %get3A_681 = arith.constant 0 : index
        %get3A_682 = tpu.vector_load %arg10[%get3A_680, %get3A_681] {strides = array<i32>} : memref<80x128xi32, #tpu.memory_space<vmem>>, vector<16xi32>,
        %bitcast3A_683 = vector.bitcast %get3A_682 : vector<16xi32> to vector<32xbf16>
        %add3A_684 = arith.constant 8 : i32
        %add3A_685 = arith.addi %mul3A_231, %add3A_684 : i32
        %get3A_686 = arith.index_cast %add3A_685 : i32 to index
        %get3A_687 = arith.constant 0 : index
        %get3A_688 = tpu.vector_load %arg11[%get3A_686, %get3A_687] {strides = array<i32>} : memref<80x128xi32, #tpu.memory_space<vmem>>, vector<16xi32>,
        %bitcast3A_689 = vector.bitcast %get3A_688 : vector<16xi32> to vector<32xbf16>
        %mul3A_690 = arith.mulf %bitcast3A_683, %bitcast3A_689 : vector<32xbf16>
        %add3A_691 = arith.constant 8 : i32
        %add3A_692 = arith.addi %mul3A_231, %add3A_691 : i32
        %get3A_693 = arith.index_cast %add3A_692 : i32 to index
        %get3A_694 = arith.constant 16 : index
        %get3A_695 = tpu.vector_load %arg10[%get3A_693, %get3A_694] {strides = array<i32>} : memref<80x128xi32, #tpu.memory_space<vmem>>, vector<16xi32>,
        %bitcast3A_696 = vector.bitcast %get3A_695 : vector<16xi32> to vector<32xbf16>
        %add3A_697 = arith.constant 8 : i32
        %add3A_698 = arith.addi %mul3A_231, %add3A_697 : i32
        %get3A_699 = arith.index_cast %add3A_698 : i32 to index
        %get3A_700 = arith.constant 16 : index
        %get3A_701 = tpu.vector_load %arg11[%get3A_699, %get3A_700] {strides = array<i32>} : memref<80x128xi32, #tpu.memory_space<vmem>>, vector<16xi32>,
        %bitcast3A_702 = vector.bitcast %get3A_701 : vector<16xi32> to vector<32xbf16>
        %mul3A_703 = arith.mulf %bitcast3A_696, %bitcast3A_702 : vector<32xbf16>
        %add3A_704 = arith.addf %mul3A_690, %mul3A_703 : vector<32xbf16>
        %add3A_705 = arith.constant 8 : i32
        %add3A_706 = arith.addi %mul3A_231, %add3A_705 : i32
        %get3A_707 = arith.index_cast %add3A_706 : i32 to index
        %get3A_708 = arith.constant 32 : index
        %get3A_709 = tpu.vector_load %arg10[%get3A_707, %get3A_708] {strides = array<i32>} : memref<80x128xi32, #tpu.memory_space<vmem>>, vector<16xi32>,
        %bitcast3A_710 = vector.bitcast %get3A_709 : vector<16xi32> to vector<32xbf16>
        %add3A_711 = arith.constant 8 : i32
        %add3A_712 = arith.addi %mul3A_231, %add3A_711 : i32
        %get3A_713 = arith.index_cast %add3A_712 : i32 to index
        %get3A_714 = arith.constant 32 : index
        %get3A_715 = tpu.vector_load %arg11[%get3A_713, %get3A_714] {strides = array<i32>} : memref<80x128xi32, #tpu.memory_space<vmem>>, vector<16xi32>,
        %bitcast3A_716 = vector.bitcast %get3A_715 : vector<16xi32> to vector<32xbf16>
        %mul3A_717 = arith.mulf %bitcast3A_710, %bitcast3A_716 : vector<32xbf16>
        %add3A_718 = arith.addf %add3A_704, %mul3A_717 : vector<32xbf16>
        %add3A_719 = arith.constant 8 : i32
        %add3A_720 = arith.addi %mul3A_231, %add3A_719 : i32
        %get3A_721 = arith.index_cast %add3A_720 : i32 to index
        %get3A_722 = arith.constant 48 : index
        %get3A_723 = tpu.vector_load %arg10[%get3A_721, %get3A_722] {strides = array<i32>} : memref<80x128xi32, #tpu.memory_space<vmem>>, vector<16xi32>,
        %bitcast3A_724 = vector.bitcast %get3A_723 : vector<16xi32> to vector<32xbf16>
        %add3A_725 = arith.constant 8 : i32
        %add3A_726 = arith.addi %mul3A_231, %add3A_725 : i32
        %get3A_727 = arith.index_cast %add3A_726 : i32 to index
        %get3A_728 = arith.constant 48 : index
        %get3A_729 = tpu.vector_load %arg11[%get3A_727, %get3A_728] {strides = array<i32>} : memref<80x128xi32, #tpu.memory_space<vmem>>, vector<16xi32>,
        %bitcast3A_730 = vector.bitcast %get3A_729 : vector<16xi32> to vector<32xbf16>
        %mul3A_731 = arith.mulf %bitcast3A_724, %bitcast3A_730 : vector<32xbf16>
        %add3A_732 = arith.addf %add3A_718, %mul3A_731 : vector<32xbf16>
        %bitcast3A_733 = vector.bitcast %add3A_732 : vector<32xbf16> to vector<16xi32>
        tpu.vector_store_idx %arg13[%broadcast_in_dim3A_114, %and3A_55], %bitcast3A_733 : memref<16x16xi32, #tpu.memory_space<vmem>>[vector<16xi32>, vector<16xi32>], vector<16xi32>,
        %add3A_734 = arith.constant 9 : i32
        %add3A_735 = arith.addi %mul3A_231, %add3A_734 : i32
        %get3A_736 = arith.index_cast %add3A_735 : i32 to index
        %get3A_737 = arith.constant 0 : index
        %get3A_738 = tpu.vector_load %arg10[%get3A_736, %get3A_737] {strides = array<i32>} : memref<80x128xi32, #tpu.memory_space<vmem>>, vector<16xi32>,
        %bitcast3A_739 = vector.bitcast %get3A_738 : vector<16xi32> to vector<32xbf16>
        %add3A_740 = arith.constant 9 : i32
        %add3A_741 = arith.addi %mul3A_231, %add3A_740 : i32
        %get3A_742 = arith.index_cast %add3A_741 : i32 to index
        %get3A_743 = arith.constant 0 : index
        %get3A_744 = tpu.vector_load %arg11[%get3A_742, %get3A_743] {strides = array<i32>} : memref<80x128xi32, #tpu.memory_space<vmem>>, vector<16xi32>,
        %bitcast3A_745 = vector.bitcast %get3A_744 : vector<16xi32> to vector<32xbf16>
        %mul3A_746 = arith.mulf %bitcast3A_739, %bitcast3A_745 : vector<32xbf16>
        %add3A_747 = arith.constant 9 : i32
        %add3A_748 = arith.addi %mul3A_231, %add3A_747 : i32
        %get3A_749 = arith.index_cast %add3A_748 : i32 to index
        %get3A_750 = arith.constant 16 : index
        %get3A_751 = tpu.vector_load %arg10[%get3A_749, %get3A_750] {strides = array<i32>} : memref<80x128xi32, #tpu.memory_space<vmem>>, vector<16xi32>,
        %bitcast3A_752 = vector.bitcast %get3A_751 : vector<16xi32> to vector<32xbf16>
        %add3A_753 = arith.constant 9 : i32
        %add3A_754 = arith.addi %mul3A_231, %add3A_753 : i32
        %get3A_755 = arith.index_cast %add3A_754 : i32 to index
        %get3A_756 = arith.constant 16 : index
        %get3A_757 = tpu.vector_load %arg11[%get3A_755, %get3A_756] {strides = array<i32>} : memref<80x128xi32, #tpu.memory_space<vmem>>, vector<16xi32>,
        %bitcast3A_758 = vector.bitcast %get3A_757 : vector<16xi32> to vector<32xbf16>
        %mul3A_759 = arith.mulf %bitcast3A_752, %bitcast3A_758 : vector<32xbf16>
        %add3A_760 = arith.addf %mul3A_746, %mul3A_759 : vector<32xbf16>
        %add3A_761 = arith.constant 9 : i32
        %add3A_762 = arith.addi %mul3A_231, %add3A_761 : i32
        %get3A_763 = arith.index_cast %add3A_762 : i32 to index
        %get3A_764 = arith.constant 32 : index
        %get3A_765 = tpu.vector_load %arg10[%get3A_763, %get3A_764] {strides = array<i32>} : memref<80x128xi32, #tpu.memory_space<vmem>>, vector<16xi32>,
        %bitcast3A_766 = vector.bitcast %get3A_765 : vector<16xi32> to vector<32xbf16>
        %add3A_767 = arith.constant 9 : i32
        %add3A_768 = arith.addi %mul3A_231, %add3A_767 : i32
        %get3A_769 = arith.index_cast %add3A_768 : i32 to index
        %get3A_770 = arith.constant 32 : index
        %get3A_771 = tpu.vector_load %arg11[%get3A_769, %get3A_770] {strides = array<i32>} : memref<80x128xi32, #tpu.memory_space<vmem>>, vector<16xi32>,
        %bitcast3A_772 = vector.bitcast %get3A_771 : vector<16xi32> to vector<32xbf16>
        %mul3A_773 = arith.mulf %bitcast3A_766, %bitcast3A_772 : vector<32xbf16>
        %add3A_774 = arith.addf %add3A_760, %mul3A_773 : vector<32xbf16>
        %add3A_775 = arith.constant 9 : i32
        %add3A_776 = arith.addi %mul3A_231, %add3A_775 : i32
        %get3A_777 = arith.index_cast %add3A_776 : i32 to index
        %get3A_778 = arith.constant 48 : index
        %get3A_779 = tpu.vector_load %arg10[%get3A_777, %get3A_778] {strides = array<i32>} : memref<80x128xi32, #tpu.memory_space<vmem>>, vector<16xi32>,
        %bitcast3A_780 = vector.bitcast %get3A_779 : vector<16xi32> to vector<32xbf16>
        %add3A_781 = arith.constant 9 : i32
        %add3A_782 = arith.addi %mul3A_231, %add3A_781 : i32
        %get3A_783 = arith.index_cast %add3A_782 : i32 to index
        %get3A_784 = arith.constant 48 : index
        %get3A_785 = tpu.vector_load %arg11[%get3A_783, %get3A_784] {strides = array<i32>} : memref<80x128xi32, #tpu.memory_space<vmem>>, vector<16xi32>,
        %bitcast3A_786 = vector.bitcast %get3A_785 : vector<16xi32> to vector<32xbf16>
        %mul3A_787 = arith.mulf %bitcast3A_780, %bitcast3A_786 : vector<32xbf16>
        %add3A_788 = arith.addf %add3A_774, %mul3A_787 : vector<32xbf16>
        %bitcast3A_789 = vector.bitcast %add3A_788 : vector<32xbf16> to vector<16xi32>
        tpu.vector_store_idx %arg13[%broadcast_in_dim3A_116, %and3A_61], %bitcast3A_789 : memref<16x16xi32, #tpu.memory_space<vmem>>[vector<16xi32>, vector<16xi32>], vector<16xi32>,
        %add3A_790 = arith.constant 10 : i32
        %add3A_791 = arith.addi %mul3A_231, %add3A_790 : i32
        %get3A_792 = arith.index_cast %add3A_791 : i32 to index
        %get3A_793 = arith.constant 0 : index
        %get3A_794 = tpu.vector_load %arg10[%get3A_792, %get3A_793] {strides = array<i32>} : memref<80x128xi32, #tpu.memory_space<vmem>>, vector<16xi32>,
        %bitcast3A_795 = vector.bitcast %get3A_794 : vector<16xi32> to vector<32xbf16>
        %add3A_796 = arith.constant 10 : i32
        %add3A_797 = arith.addi %mul3A_231, %add3A_796 : i32
        %get3A_798 = arith.index_cast %add3A_797 : i32 to index
        %get3A_799 = arith.constant 0 : index
        %get3A_800 = tpu.vector_load %arg11[%get3A_798, %get3A_799] {strides = array<i32>} : memref<80x128xi32, #tpu.memory_space<vmem>>, vector<16xi32>,
        %bitcast3A_801 = vector.bitcast %get3A_800 : vector<16xi32> to vector<32xbf16>
        %mul3A_802 = arith.mulf %bitcast3A_795, %bitcast3A_801 : vector<32xbf16>
        %add3A_803 = arith.constant 10 : i32
        %add3A_804 = arith.addi %mul3A_231, %add3A_803 : i32
        %get3A_805 = arith.index_cast %add3A_804 : i32 to index
        %get3A_806 = arith.constant 16 : index
        %get3A_807 = tpu.vector_load %arg10[%get3A_805, %get3A_806] {strides = array<i32>} : memref<80x128xi32, #tpu.memory_space<vmem>>, vector<16xi32>,
        %bitcast3A_808 = vector.bitcast %get3A_807 : vector<16xi32> to vector<32xbf16>
        %add3A_809 = arith.constant 10 : i32
        %add3A_810 = arith.addi %mul3A_231, %add3A_809 : i32
        %get3A_811 = arith.index_cast %add3A_810 : i32 to index
        %get3A_812 = arith.constant 16 : index
        %get3A_813 = tpu.vector_load %arg11[%get3A_811, %get3A_812] {strides = array<i32>} : memref<80x128xi32, #tpu.memory_space<vmem>>, vector<16xi32>,
        %bitcast3A_814 = vector.bitcast %get3A_813 : vector<16xi32> to vector<32xbf16>
        %mul3A_815 = arith.mulf %bitcast3A_808, %bitcast3A_814 : vector<32xbf16>
        %add3A_816 = arith.addf %mul3A_802, %mul3A_815 : vector<32xbf16>
        %add3A_817 = arith.constant 10 : i32
        %add3A_818 = arith.addi %mul3A_231, %add3A_817 : i32
        %get3A_819 = arith.index_cast %add3A_818 : i32 to index
        %get3A_820 = arith.constant 32 : index
        %get3A_821 = tpu.vector_load %arg10[%get3A_819, %get3A_820] {strides = array<i32>} : memref<80x128xi32, #tpu.memory_space<vmem>>, vector<16xi32>,
        %bitcast3A_822 = vector.bitcast %get3A_821 : vector<16xi32> to vector<32xbf16>
        %add3A_823 = arith.constant 10 : i32
        %add3A_824 = arith.addi %mul3A_231, %add3A_823 : i32
        %get3A_825 = arith.index_cast %add3A_824 : i32 to index
        %get3A_826 = arith.constant 32 : index
        %get3A_827 = tpu.vector_load %arg11[%get3A_825, %get3A_826] {strides = array<i32>} : memref<80x128xi32, #tpu.memory_space<vmem>>, vector<16xi32>,
        %bitcast3A_828 = vector.bitcast %get3A_827 : vector<16xi32> to vector<32xbf16>
        %mul3A_829 = arith.mulf %bitcast3A_822, %bitcast3A_828 : vector<32xbf16>
        %add3A_830 = arith.addf %add3A_816, %mul3A_829 : vector<32xbf16>
        %add3A_831 = arith.constant 10 : i32
        %add3A_832 = arith.addi %mul3A_231, %add3A_831 : i32
        %get3A_833 = arith.index_cast %add3A_832 : i32 to index
        %get3A_834 = arith.constant 48 : index
        %get3A_835 = tpu.vector_load %arg10[%get3A_833, %get3A_834] {strides = array<i32>} : memref<80x128xi32, #tpu.memory_space<vmem>>, vector<16xi32>,
        %bitcast3A_836 = vector.bitcast %get3A_835 : vector<16xi32> to vector<32xbf16>
        %add3A_837 = arith.constant 10 : i32
        %add3A_838 = arith.addi %mul3A_231, %add3A_837 : i32
        %get3A_839 = arith.index_cast %add3A_838 : i32 to index
        %get3A_840 = arith.constant 48 : index
        %get3A_841 = tpu.vector_load %arg11[%get3A_839, %get3A_840] {strides = array<i32>} : memref<80x128xi32, #tpu.memory_space<vmem>>, vector<16xi32>,
        %bitcast3A_842 = vector.bitcast %get3A_841 : vector<16xi32> to vector<32xbf16>
        %mul3A_843 = arith.mulf %bitcast3A_836, %bitcast3A_842 : vector<32xbf16>
        %add3A_844 = arith.addf %add3A_830, %mul3A_843 : vector<32xbf16>
        %bitcast3A_845 = vector.bitcast %add3A_844 : vector<32xbf16> to vector<16xi32>
        tpu.vector_store_idx %arg13[%broadcast_in_dim3A_118, %and3A_67], %bitcast3A_845 : memref<16x16xi32, #tpu.memory_space<vmem>>[vector<16xi32>, vector<16xi32>], vector<16xi32>,
        %add3A_846 = arith.constant 11 : i32
        %add3A_847 = arith.addi %mul3A_231, %add3A_846 : i32
        %get3A_848 = arith.index_cast %add3A_847 : i32 to index
        %get3A_849 = arith.constant 0 : index
        %get3A_850 = tpu.vector_load %arg10[%get3A_848, %get3A_849] {strides = array<i32>} : memref<80x128xi32, #tpu.memory_space<vmem>>, vector<16xi32>,
        %bitcast3A_851 = vector.bitcast %get3A_850 : vector<16xi32> to vector<32xbf16>
        %add3A_852 = arith.constant 11 : i32
        %add3A_853 = arith.addi %mul3A_231, %add3A_852 : i32
        %get3A_854 = arith.index_cast %add3A_853 : i32 to index
        %get3A_855 = arith.constant 0 : index
        %get3A_856 = tpu.vector_load %arg11[%get3A_854, %get3A_855] {strides = array<i32>} : memref<80x128xi32, #tpu.memory_space<vmem>>, vector<16xi32>,
        %bitcast3A_857 = vector.bitcast %get3A_856 : vector<16xi32> to vector<32xbf16>
        %mul3A_858 = arith.mulf %bitcast3A_851, %bitcast3A_857 : vector<32xbf16>
        %add3A_859 = arith.constant 11 : i32
        %add3A_860 = arith.addi %mul3A_231, %add3A_859 : i32
        %get3A_861 = arith.index_cast %add3A_860 : i32 to index
        %get3A_862 = arith.constant 16 : index
        %get3A_863 = tpu.vector_load %arg10[%get3A_861, %get3A_862] {strides = array<i32>} : memref<80x128xi32, #tpu.memory_space<vmem>>, vector<16xi32>,
        %bitcast3A_864 = vector.bitcast %get3A_863 : vector<16xi32> to vector<32xbf16>
        %add3A_865 = arith.constant 11 : i32
        %add3A_866 = arith.addi %mul3A_231, %add3A_865 : i32
        %get3A_867 = arith.index_cast %add3A_866 : i32 to index
        %get3A_868 = arith.constant 16 : index
        %get3A_869 = tpu.vector_load %arg11[%get3A_867, %get3A_868] {strides = array<i32>} : memref<80x128xi32, #tpu.memory_space<vmem>>, vector<16xi32>,
        %bitcast3A_870 = vector.bitcast %get3A_869 : vector<16xi32> to vector<32xbf16>
        %mul3A_871 = arith.mulf %bitcast3A_864, %bitcast3A_870 : vector<32xbf16>
        %add3A_872 = arith.addf %mul3A_858, %mul3A_871 : vector<32xbf16>
        %add3A_873 = arith.constant 11 : i32
        %add3A_874 = arith.addi %mul3A_231, %add3A_873 : i32
        %get3A_875 = arith.index_cast %add3A_874 : i32 to index
        %get3A_876 = arith.constant 32 : index
        %get3A_877 = tpu.vector_load %arg10[%get3A_875, %get3A_876] {strides = array<i32>} : memref<80x128xi32, #tpu.memory_space<vmem>>, vector<16xi32>,
        %bitcast3A_878 = vector.bitcast %get3A_877 : vector<16xi32> to vector<32xbf16>
        %add3A_879 = arith.constant 11 : i32
        %add3A_880 = arith.addi %mul3A_231, %add3A_879 : i32
        %get3A_881 = arith.index_cast %add3A_880 : i32 to index
        %get3A_882 = arith.constant 32 : index
        %get3A_883 = tpu.vector_load %arg11[%get3A_881, %get3A_882] {strides = array<i32>} : memref<80x128xi32, #tpu.memory_space<vmem>>, vector<16xi32>,
        %bitcast3A_884 = vector.bitcast %get3A_883 : vector<16xi32> to vector<32xbf16>
        %mul3A_885 = arith.mulf %bitcast3A_878, %bitcast3A_884 : vector<32xbf16>
        %add3A_886 = arith.addf %add3A_872, %mul3A_885 : vector<32xbf16>
        %add3A_887 = arith.constant 11 : i32
        %add3A_888 = arith.addi %mul3A_231, %add3A_887 : i32
        %get3A_889 = arith.index_cast %add3A_888 : i32 to index
        %get3A_890 = arith.constant 48 : index
        %get3A_891 = tpu.vector_load %arg10[%get3A_889, %get3A_890] {strides = array<i32>} : memref<80x128xi32, #tpu.memory_space<vmem>>, vector<16xi32>,
        %bitcast3A_892 = vector.bitcast %get3A_891 : vector<16xi32> to vector<32xbf16>
        %add3A_893 = arith.constant 11 : i32
        %add3A_894 = arith.addi %mul3A_231, %add3A_893 : i32
        %get3A_895 = arith.index_cast %add3A_894 : i32 to index
        %get3A_896 = arith.constant 48 : index
        %get3A_897 = tpu.vector_load %arg11[%get3A_895, %get3A_896] {strides = array<i32>} : memref<80x128xi32, #tpu.memory_space<vmem>>, vector<16xi32>,
        %bitcast3A_898 = vector.bitcast %get3A_897 : vector<16xi32> to vector<32xbf16>
        %mul3A_899 = arith.mulf %bitcast3A_892, %bitcast3A_898 : vector<32xbf16>
        %add3A_900 = arith.addf %add3A_886, %mul3A_899 : vector<32xbf16>
        %bitcast3A_901 = vector.bitcast %add3A_900 : vector<32xbf16> to vector<16xi32>
        tpu.vector_store_idx %arg13[%broadcast_in_dim3A_120, %and3A_73], %bitcast3A_901 : memref<16x16xi32, #tpu.memory_space<vmem>>[vector<16xi32>, vector<16xi32>], vector<16xi32>,
        %add3A_902 = arith.constant 12 : i32
        %add3A_903 = arith.addi %mul3A_231, %add3A_902 : i32
        %get3A_904 = arith.index_cast %add3A_903 : i32 to index
        %get3A_905 = arith.constant 0 : index
        %get3A_906 = tpu.vector_load %arg10[%get3A_904, %get3A_905] {strides = array<i32>} : memref<80x128xi32, #tpu.memory_space<vmem>>, vector<16xi32>,
        %bitcast3A_907 = vector.bitcast %get3A_906 : vector<16xi32> to vector<32xbf16>
        %add3A_908 = arith.constant 12 : i32
        %add3A_909 = arith.addi %mul3A_231, %add3A_908 : i32
        %get3A_910 = arith.index_cast %add3A_909 : i32 to index
        %get3A_911 = arith.constant 0 : index
        %get3A_912 = tpu.vector_load %arg11[%get3A_910, %get3A_911] {strides = array<i32>} : memref<80x128xi32, #tpu.memory_space<vmem>>, vector<16xi32>,
        %bitcast3A_913 = vector.bitcast %get3A_912 : vector<16xi32> to vector<32xbf16>
        %mul3A_914 = arith.mulf %bitcast3A_907, %bitcast3A_913 : vector<32xbf16>
        %add3A_915 = arith.constant 12 : i32
        %add3A_916 = arith.addi %mul3A_231, %add3A_915 : i32
        %get3A_917 = arith.index_cast %add3A_916 : i32 to index
        %get3A_918 = arith.constant 16 : index
        %get3A_919 = tpu.vector_load %arg10[%get3A_917, %get3A_918] {strides = array<i32>} : memref<80x128xi32, #tpu.memory_space<vmem>>, vector<16xi32>,
        %bitcast3A_920 = vector.bitcast %get3A_919 : vector<16xi32> to vector<32xbf16>
        %add3A_921 = arith.constant 12 : i32
        %add3A_922 = arith.addi %mul3A_231, %add3A_921 : i32
        %get3A_923 = arith.index_cast %add3A_922 : i32 to index
        %get3A_924 = arith.constant 16 : index
        %get3A_925 = tpu.vector_load %arg11[%get3A_923, %get3A_924] {strides = array<i32>} : memref<80x128xi32, #tpu.memory_space<vmem>>, vector<16xi32>,
        %bitcast3A_926 = vector.bitcast %get3A_925 : vector<16xi32> to vector<32xbf16>
        %mul3A_927 = arith.mulf %bitcast3A_920, %bitcast3A_926 : vector<32xbf16>
        %add3A_928 = arith.addf %mul3A_914, %mul3A_927 : vector<32xbf16>
        %add3A_929 = arith.constant 12 : i32
        %add3A_930 = arith.addi %mul3A_231, %add3A_929 : i32
        %get3A_931 = arith.index_cast %add3A_930 : i32 to index
        %get3A_932 = arith.constant 32 : index
        %get3A_933 = tpu.vector_load %arg10[%get3A_931, %get3A_932] {strides = array<i32>} : memref<80x128xi32, #tpu.memory_space<vmem>>, vector<16xi32>,
        %bitcast3A_934 = vector.bitcast %get3A_933 : vector<16xi32> to vector<32xbf16>
        %add3A_935 = arith.constant 12 : i32
        %add3A_936 = arith.addi %mul3A_231, %add3A_935 : i32
        %get3A_937 = arith.index_cast %add3A_936 : i32 to index
        %get3A_938 = arith.constant 32 : index
        %get3A_939 = tpu.vector_load %arg11[%get3A_937, %get3A_938] {strides = array<i32>} : memref<80x128xi32, #tpu.memory_space<vmem>>, vector<16xi32>,
        %bitcast3A_940 = vector.bitcast %get3A_939 : vector<16xi32> to vector<32xbf16>
        %mul3A_941 = arith.mulf %bitcast3A_934, %bitcast3A_940 : vector<32xbf16>
        %add3A_942 = arith.addf %add3A_928, %mul3A_941 : vector<32xbf16>
        %add3A_943 = arith.constant 12 : i32
        %add3A_944 = arith.addi %mul3A_231, %add3A_943 : i32
        %get3A_945 = arith.index_cast %add3A_944 : i32 to index
        %get3A_946 = arith.constant 48 : index
        %get3A_947 = tpu.vector_load %arg10[%get3A_945, %get3A_946] {strides = array<i32>} : memref<80x128xi32, #tpu.memory_space<vmem>>, vector<16xi32>,
        %bitcast3A_948 = vector.bitcast %get3A_947 : vector<16xi32> to vector<32xbf16>
        %add3A_949 = arith.constant 12 : i32
        %add3A_950 = arith.addi %mul3A_231, %add3A_949 : i32
        %get3A_951 = arith.index_cast %add3A_950 : i32 to index
        %get3A_952 = arith.constant 48 : index
        %get3A_953 = tpu.vector_load %arg11[%get3A_951, %get3A_952] {strides = array<i32>} : memref<80x128xi32, #tpu.memory_space<vmem>>, vector<16xi32>,
        %bitcast3A_954 = vector.bitcast %get3A_953 : vector<16xi32> to vector<32xbf16>
        %mul3A_955 = arith.mulf %bitcast3A_948, %bitcast3A_954 : vector<32xbf16>
        %add3A_956 = arith.addf %add3A_942, %mul3A_955 : vector<32xbf16>
        %bitcast3A_957 = vector.bitcast %add3A_956 : vector<32xbf16> to vector<16xi32>
        tpu.vector_store_idx %arg13[%broadcast_in_dim3A_122, %and3A_79], %bitcast3A_957 : memref<16x16xi32, #tpu.memory_space<vmem>>[vector<16xi32>, vector<16xi32>], vector<16xi32>,
        %add3A_958 = arith.constant 13 : i32
        %add3A_959 = arith.addi %mul3A_231, %add3A_958 : i32
        %get3A_960 = arith.index_cast %add3A_959 : i32 to index
        %get3A_961 = arith.constant 0 : index
        %get3A_962 = tpu.vector_load %arg10[%get3A_960, %get3A_961] {strides = array<i32>} : memref<80x128xi32, #tpu.memory_space<vmem>>, vector<16xi32>,
        %bitcast3A_963 = vector.bitcast %get3A_962 : vector<16xi32> to vector<32xbf16>
        %add3A_964 = arith.constant 13 : i32
        %add3A_965 = arith.addi %mul3A_231, %add3A_964 : i32
        %get3A_966 = arith.index_cast %add3A_965 : i32 to index
        %get3A_967 = arith.constant 0 : index
        %get3A_968 = tpu.vector_load %arg11[%get3A_966, %get3A_967] {strides = array<i32>} : memref<80x128xi32, #tpu.memory_space<vmem>>, vector<16xi32>,
        %bitcast3A_969 = vector.bitcast %get3A_968 : vector<16xi32> to vector<32xbf16>
        %mul3A_970 = arith.mulf %bitcast3A_963, %bitcast3A_969 : vector<32xbf16>
        %add3A_971 = arith.constant 13 : i32
        %add3A_972 = arith.addi %mul3A_231, %add3A_971 : i32
        %get3A_973 = arith.index_cast %add3A_972 : i32 to index
        %get3A_974 = arith.constant 16 : index
        %get3A_975 = tpu.vector_load %arg10[%get3A_973, %get3A_974] {strides = array<i32>} : memref<80x128xi32, #tpu.memory_space<vmem>>, vector<16xi32>,
        %bitcast3A_976 = vector.bitcast %get3A_975 : vector<16xi32> to vector<32xbf16>
        %add3A_977 = arith.constant 13 : i32
        %add3A_978 = arith.addi %mul3A_231, %add3A_977 : i32
        %get3A_979 = arith.index_cast %add3A_978 : i32 to index
        %get3A_980 = arith.constant 16 : index
        %get3A_981 = tpu.vector_load %arg11[%get3A_979, %get3A_980] {strides = array<i32>} : memref<80x128xi32, #tpu.memory_space<vmem>>, vector<16xi32>,
        %bitcast3A_982 = vector.bitcast %get3A_981 : vector<16xi32> to vector<32xbf16>
        %mul3A_983 = arith.mulf %bitcast3A_976, %bitcast3A_982 : vector<32xbf16>
        %add3A_984 = arith.addf %mul3A_970, %mul3A_983 : vector<32xbf16>
        %add3A_985 = arith.constant 13 : i32
        %add3A_986 = arith.addi %mul3A_231, %add3A_985 : i32
        %get3A_987 = arith.index_cast %add3A_986 : i32 to index
        %get3A_988 = arith.constant 32 : index
        %get3A_989 = tpu.vector_load %arg10[%get3A_987, %get3A_988] {strides = array<i32>} : memref<80x128xi32, #tpu.memory_space<vmem>>, vector<16xi32>,
        %bitcast3A_990 = vector.bitcast %get3A_989 : vector<16xi32> to vector<32xbf16>
        %add3A_991 = arith.constant 13 : i32
        %add3A_992 = arith.addi %mul3A_231, %add3A_991 : i32
        %get3A_993 = arith.index_cast %add3A_992 : i32 to index
        %get3A_994 = arith.constant 32 : index
        %get3A_995 = tpu.vector_load %arg11[%get3A_993, %get3A_994] {strides = array<i32>} : memref<80x128xi32, #tpu.memory_space<vmem>>, vector<16xi32>,
        %bitcast3A_996 = vector.bitcast %get3A_995 : vector<16xi32> to vector<32xbf16>
        %mul3A_997 = arith.mulf %bitcast3A_990, %bitcast3A_996 : vector<32xbf16>
        %add3A_998 = arith.addf %add3A_984, %mul3A_997 : vector<32xbf16>
        %add3A_999 = arith.constant 13 : i32
        %add3A_1000 = arith.addi %mul3A_231, %add3A_999 : i32
        %get3A_1001 = arith.index_cast %add3A_1000 : i32 to index
        %get3A_1002 = arith.constant 48 : index
        %get3A_1003 = tpu.vector_load %arg10[%get3A_1001, %get3A_1002] {strides = array<i32>} : memref<80x128xi32, #tpu.memory_space<vmem>>, vector<16xi32>,
        %bitcast3A_1004 = vector.bitcast %get3A_1003 : vector<16xi32> to vector<32xbf16>
        %add3A_1005 = arith.constant 13 : i32
        %add3A_1006 = arith.addi %mul3A_231, %add3A_1005 : i32
        %get3A_1007 = arith.index_cast %add3A_1006 : i32 to index
        %get3A_1008 = arith.constant 48 : index
        %get3A_1009 = tpu.vector_load %arg11[%get3A_1007, %get3A_1008] {strides = array<i32>} : memref<80x128xi32, #tpu.memory_space<vmem>>, vector<16xi32>,
        %bitcast3A_1010 = vector.bitcast %get3A_1009 : vector<16xi32> to vector<32xbf16>
        %mul3A_1011 = arith.mulf %bitcast3A_1004, %bitcast3A_1010 : vector<32xbf16>
        %add3A_1012 = arith.addf %add3A_998, %mul3A_1011 : vector<32xbf16>
        %bitcast3A_1013 = vector.bitcast %add3A_1012 : vector<32xbf16> to vector<16xi32>
        tpu.vector_store_idx %arg13[%broadcast_in_dim3A_124, %and3A_85], %bitcast3A_1013 : memref<16x16xi32, #tpu.memory_space<vmem>>[vector<16xi32>, vector<16xi32>], vector<16xi32>,
        %add3A_1014 = arith.constant 14 : i32
        %add3A_1015 = arith.addi %mul3A_231, %add3A_1014 : i32
        %get3A_1016 = arith.index_cast %add3A_1015 : i32 to index
        %get3A_1017 = arith.constant 0 : index
        %get3A_1018 = tpu.vector_load %arg10[%get3A_1016, %get3A_1017] {strides = array<i32>} : memref<80x128xi32, #tpu.memory_space<vmem>>, vector<16xi32>,
        %bitcast3A_1019 = vector.bitcast %get3A_1018 : vector<16xi32> to vector<32xbf16>
        %add3A_1020 = arith.constant 14 : i32
        %add3A_1021 = arith.addi %mul3A_231, %add3A_1020 : i32
        %get3A_1022 = arith.index_cast %add3A_1021 : i32 to index
        %get3A_1023 = arith.constant 0 : index
        %get3A_1024 = tpu.vector_load %arg11[%get3A_1022, %get3A_1023] {strides = array<i32>} : memref<80x128xi32, #tpu.memory_space<vmem>>, vector<16xi32>,
        %bitcast3A_1025 = vector.bitcast %get3A_1024 : vector<16xi32> to vector<32xbf16>
        %mul3A_1026 = arith.mulf %bitcast3A_1019, %bitcast3A_1025 : vector<32xbf16>
        %add3A_1027 = arith.constant 14 : i32
        %add3A_1028 = arith.addi %mul3A_231, %add3A_1027 : i32
        %get3A_1029 = arith.index_cast %add3A_1028 : i32 to index
        %get3A_1030 = arith.constant 16 : index
        %get3A_1031 = tpu.vector_load %arg10[%get3A_1029, %get3A_1030] {strides = array<i32>} : memref<80x128xi32, #tpu.memory_space<vmem>>, vector<16xi32>,
        %bitcast3A_1032 = vector.bitcast %get3A_1031 : vector<16xi32> to vector<32xbf16>
        %add3A_1033 = arith.constant 14 : i32
        %add3A_1034 = arith.addi %mul3A_231, %add3A_1033 : i32
        %get3A_1035 = arith.index_cast %add3A_1034 : i32 to index
        %get3A_1036 = arith.constant 16 : index
        %get3A_1037 = tpu.vector_load %arg11[%get3A_1035, %get3A_1036] {strides = array<i32>} : memref<80x128xi32, #tpu.memory_space<vmem>>, vector<16xi32>,
        %bitcast3A_1038 = vector.bitcast %get3A_1037 : vector<16xi32> to vector<32xbf16>
        %mul3A_1039 = arith.mulf %bitcast3A_1032, %bitcast3A_1038 : vector<32xbf16>
        %add3A_1040 = arith.addf %mul3A_1026, %mul3A_1039 : vector<32xbf16>
        %add3A_1041 = arith.constant 14 : i32
        %add3A_1042 = arith.addi %mul3A_231, %add3A_1041 : i32
        %get3A_1043 = arith.index_cast %add3A_1042 : i32 to index
        %get3A_1044 = arith.constant 32 : index
        %get3A_1045 = tpu.vector_load %arg10[%get3A_1043, %get3A_1044] {strides = array<i32>} : memref<80x128xi32, #tpu.memory_space<vmem>>, vector<16xi32>,
        %bitcast3A_1046 = vector.bitcast %get3A_1045 : vector<16xi32> to vector<32xbf16>
        %add3A_1047 = arith.constant 14 : i32
        %add3A_1048 = arith.addi %mul3A_231, %add3A_1047 : i32
        %get3A_1049 = arith.index_cast %add3A_1048 : i32 to index
        %get3A_1050 = arith.constant 32 : index
        %get3A_1051 = tpu.vector_load %arg11[%get3A_1049, %get3A_1050] {strides = array<i32>} : memref<80x128xi32, #tpu.memory_space<vmem>>, vector<16xi32>,
        %bitcast3A_1052 = vector.bitcast %get3A_1051 : vector<16xi32> to vector<32xbf16>
        %mul3A_1053 = arith.mulf %bitcast3A_1046, %bitcast3A_1052 : vector<32xbf16>
        %add3A_1054 = arith.addf %add3A_1040, %mul3A_1053 : vector<32xbf16>
        %add3A_1055 = arith.constant 14 : i32
        %add3A_1056 = arith.addi %mul3A_231, %add3A_1055 : i32
        %get3A_1057 = arith.index_cast %add3A_1056 : i32 to index
        %get3A_1058 = arith.constant 48 : index
        %get3A_1059 = tpu.vector_load %arg10[%get3A_1057, %get3A_1058] {strides = array<i32>} : memref<80x128xi32, #tpu.memory_space<vmem>>, vector<16xi32>,
        %bitcast3A_1060 = vector.bitcast %get3A_1059 : vector<16xi32> to vector<32xbf16>
        %add3A_1061 = arith.constant 14 : i32
        %add3A_1062 = arith.addi %mul3A_231, %add3A_1061 : i32
        %get3A_1063 = arith.index_cast %add3A_1062 : i32 to index
        %get3A_1064 = arith.constant 48 : index
        %get3A_1065 = tpu.vector_load %arg11[%get3A_1063, %get3A_1064] {strides = array<i32>} : memref<80x128xi32, #tpu.memory_space<vmem>>, vector<16xi32>,
        %bitcast3A_1066 = vector.bitcast %get3A_1065 : vector<16xi32> to vector<32xbf16>
        %mul3A_1067 = arith.mulf %bitcast3A_1060, %bitcast3A_1066 : vector<32xbf16>
        %add3A_1068 = arith.addf %add3A_1054, %mul3A_1067 : vector<32xbf16>
        %bitcast3A_1069 = vector.bitcast %add3A_1068 : vector<32xbf16> to vector<16xi32>
        tpu.vector_store_idx %arg13[%broadcast_in_dim3A_126, %and3A_91], %bitcast3A_1069 : memref<16x16xi32, #tpu.memory_space<vmem>>[vector<16xi32>, vector<16xi32>], vector<16xi32>,
        %add3A_1070 = arith.constant 15 : i32
        %add3A_1071 = arith.addi %mul3A_231, %add3A_1070 : i32
        %get3A_1072 = arith.index_cast %add3A_1071 : i32 to index
        %get3A_1073 = arith.constant 0 : index
        %get3A_1074 = tpu.vector_load %arg10[%get3A_1072, %get3A_1073] {strides = array<i32>} : memref<80x128xi32, #tpu.memory_space<vmem>>, vector<16xi32>,
        %bitcast3A_1075 = vector.bitcast %get3A_1074 : vector<16xi32> to vector<32xbf16>
        %add3A_1076 = arith.constant 15 : i32
        %add3A_1077 = arith.addi %mul3A_231, %add3A_1076 : i32
        %get3A_1078 = arith.index_cast %add3A_1077 : i32 to index
        %get3A_1079 = arith.constant 0 : index
        %get3A_1080 = tpu.vector_load %arg11[%get3A_1078, %get3A_1079] {strides = array<i32>} : memref<80x128xi32, #tpu.memory_space<vmem>>, vector<16xi32>,
        %bitcast3A_1081 = vector.bitcast %get3A_1080 : vector<16xi32> to vector<32xbf16>
        %mul3A_1082 = arith.mulf %bitcast3A_1075, %bitcast3A_1081 : vector<32xbf16>
        %add3A_1083 = arith.constant 15 : i32
        %add3A_1084 = arith.addi %mul3A_231, %add3A_1083 : i32
        %get3A_1085 = arith.index_cast %add3A_1084 : i32 to index
        %get3A_1086 = arith.constant 16 : index
        %get3A_1087 = tpu.vector_load %arg10[%get3A_1085, %get3A_1086] {strides = array<i32>} : memref<80x128xi32, #tpu.memory_space<vmem>>, vector<16xi32>,
        %bitcast3A_1088 = vector.bitcast %get3A_1087 : vector<16xi32> to vector<32xbf16>
        %add3A_1089 = arith.constant 15 : i32
        %add3A_1090 = arith.addi %mul3A_231, %add3A_1089 : i32
        %get3A_1091 = arith.index_cast %add3A_1090 : i32 to index
        %get3A_1092 = arith.constant 16 : index
        %get3A_1093 = tpu.vector_load %arg11[%get3A_1091, %get3A_1092] {strides = array<i32>} : memref<80x128xi32, #tpu.memory_space<vmem>>, vector<16xi32>,
        %bitcast3A_1094 = vector.bitcast %get3A_1093 : vector<16xi32> to vector<32xbf16>
        %mul3A_1095 = arith.mulf %bitcast3A_1088, %bitcast3A_1094 : vector<32xbf16>
        %add3A_1096 = arith.addf %mul3A_1082, %mul3A_1095 : vector<32xbf16>
        %add3A_1097 = arith.constant 15 : i32
        %add3A_1098 = arith.addi %mul3A_231, %add3A_1097 : i32
        %get3A_1099 = arith.index_cast %add3A_1098 : i32 to index
        %get3A_1100 = arith.constant 32 : index
        %get3A_1101 = tpu.vector_load %arg10[%get3A_1099, %get3A_1100] {strides = array<i32>} : memref<80x128xi32, #tpu.memory_space<vmem>>, vector<16xi32>,
        %bitcast3A_1102 = vector.bitcast %get3A_1101 : vector<16xi32> to vector<32xbf16>
        %add3A_1103 = arith.constant 15 : i32
        %add3A_1104 = arith.addi %mul3A_231, %add3A_1103 : i32
        %get3A_1105 = arith.index_cast %add3A_1104 : i32 to index
        %get3A_1106 = arith.constant 32 : index
        %get3A_1107 = tpu.vector_load %arg11[%get3A_1105, %get3A_1106] {strides = array<i32>} : memref<80x128xi32, #tpu.memory_space<vmem>>, vector<16xi32>,
        %bitcast3A_1108 = vector.bitcast %get3A_1107 : vector<16xi32> to vector<32xbf16>
        %mul3A_1109 = arith.mulf %bitcast3A_1102, %bitcast3A_1108 : vector<32xbf16>
        %add3A_1110 = arith.addf %add3A_1096, %mul3A_1109 : vector<32xbf16>
        %add3A_1111 = arith.constant 15 : i32
        %add3A_1112 = arith.addi %mul3A_231, %add3A_1111 : i32
        %get3A_1113 = arith.index_cast %add3A_1112 : i32 to index
        %get3A_1114 = arith.constant 48 : index
        %get3A_1115 = tpu.vector_load %arg10[%get3A_1113, %get3A_1114] {strides = array<i32>} : memref<80x128xi32, #tpu.memory_space<vmem>>, vector<16xi32>,
        %bitcast3A_1116 = vector.bitcast %get3A_1115 : vector<16xi32> to vector<32xbf16>
        %add3A_1117 = arith.constant 15 : i32
        %add3A_1118 = arith.addi %mul3A_231, %add3A_1117 : i32
        %get3A_1119 = arith.index_cast %add3A_1118 : i32 to index
        %get3A_1120 = arith.constant 48 : index
        %get3A_1121 = tpu.vector_load %arg11[%get3A_1119, %get3A_1120] {strides = array<i32>} : memref<80x128xi32, #tpu.memory_space<vmem>>, vector<16xi32>,
        %bitcast3A_1122 = vector.bitcast %get3A_1121 : vector<16xi32> to vector<32xbf16>
        %mul3A_1123 = arith.mulf %bitcast3A_1116, %bitcast3A_1122 : vector<32xbf16>
        %add3A_1124 = arith.addf %add3A_1110, %mul3A_1123 : vector<32xbf16>
        %bitcast3A_1125 = vector.bitcast %add3A_1124 : vector<32xbf16> to vector<16xi32>
        tpu.vector_store_idx %arg13[%broadcast_in_dim3A_128, %and3A_97], %bitcast3A_1125 : memref<16x16xi32, #tpu.memory_space<vmem>>[vector<16xi32>, vector<16xi32>], vector<16xi32>,
        %gather3A = tpu.vector_load_idx %arg13[%iota3A, %and3A_7] : memref<16x16xi32, #tpu.memory_space<vmem>>[vector<16xi32>, vector<16xi32>], vector<16xi32>,
        %bitcast3A_1126 = vector.bitcast %gather3A : vector<16xi32> to vector<32xbf16>
        %gather3A_1127 = tpu.vector_load_idx %arg13[%iota3A, %and3A_13] : memref<16x16xi32, #tpu.memory_space<vmem>>[vector<16xi32>, vector<16xi32>], vector<16xi32>,
        %bitcast3A_1128 = vector.bitcast %gather3A_1127 : vector<16xi32> to vector<32xbf16>
        %gather3A_1129 = tpu.vector_load_idx %arg13[%iota3A, %and3A_19] : memref<16x16xi32, #tpu.memory_space<vmem>>[vector<16xi32>, vector<16xi32>], vector<16xi32>,
        %bitcast3A_1130 = vector.bitcast %gather3A_1129 : vector<16xi32> to vector<32xbf16>
        %gather3A_1131 = tpu.vector_load_idx %arg13[%iota3A, %and3A_25] : memref<16x16xi32, #tpu.memory_space<vmem>>[vector<16xi32>, vector<16xi32>], vector<16xi32>,
        %bitcast3A_1132 = vector.bitcast %gather3A_1131 : vector<16xi32> to vector<32xbf16>
        %gather3A_1133 = tpu.vector_load_idx %arg13[%iota3A, %and3A_31] : memref<16x16xi32, #tpu.memory_space<vmem>>[vector<16xi32>, vector<16xi32>], vector<16xi32>,
        %bitcast3A_1134 = vector.bitcast %gather3A_1133 : vector<16xi32> to vector<32xbf16>
        %gather3A_1135 = tpu.vector_load_idx %arg13[%iota3A, %and3A_37] : memref<16x16xi32, #tpu.memory_space<vmem>>[vector<16xi32>, vector<16xi32>], vector<16xi32>,
        %bitcast3A_1136 = vector.bitcast %gather3A_1135 : vector<16xi32> to vector<32xbf16>
        %gather3A_1137 = tpu.vector_load_idx %arg13[%iota3A, %and3A_43] : memref<16x16xi32, #tpu.memory_space<vmem>>[vector<16xi32>, vector<16xi32>], vector<16xi32>,
        %bitcast3A_1138 = vector.bitcast %gather3A_1137 : vector<16xi32> to vector<32xbf16>
        %gather3A_1139 = tpu.vector_load_idx %arg13[%iota3A, %and3A_49] : memref<16x16xi32, #tpu.memory_space<vmem>>[vector<16xi32>, vector<16xi32>], vector<16xi32>,
        %bitcast3A_1140 = vector.bitcast %gather3A_1139 : vector<16xi32> to vector<32xbf16>
        %gather3A_1141 = tpu.vector_load_idx %arg13[%iota3A, %and3A_55] : memref<16x16xi32, #tpu.memory_space<vmem>>[vector<16xi32>, vector<16xi32>], vector<16xi32>,
        %bitcast3A_1142 = vector.bitcast %gather3A_1141 : vector<16xi32> to vector<32xbf16>
        %gather3A_1143 = tpu.vector_load_idx %arg13[%iota3A, %and3A_61] : memref<16x16xi32, #tpu.memory_space<vmem>>[vector<16xi32>, vector<16xi32>], vector<16xi32>,
        %bitcast3A_1144 = vector.bitcast %gather3A_1143 : vector<16xi32> to vector<32xbf16>
        %gather3A_1145 = tpu.vector_load_idx %arg13[%iota3A, %and3A_67] : memref<16x16xi32, #tpu.memory_space<vmem>>[vector<16xi32>, vector<16xi32>], vector<16xi32>,
        %bitcast3A_1146 = vector.bitcast %gather3A_1145 : vector<16xi32> to vector<32xbf16>
        %gather3A_1147 = tpu.vector_load_idx %arg13[%iota3A, %and3A_73] : memref<16x16xi32, #tpu.memory_space<vmem>>[vector<16xi32>, vector<16xi32>], vector<16xi32>,
        %bitcast3A_1148 = vector.bitcast %gather3A_1147 : vector<16xi32> to vector<32xbf16>
        %gather3A_1149 = tpu.vector_load_idx %arg13[%iota3A, %and3A_79] : memref<16x16xi32, #tpu.memory_space<vmem>>[vector<16xi32>, vector<16xi32>], vector<16xi32>,
        %bitcast3A_1150 = vector.bitcast %gather3A_1149 : vector<16xi32> to vector<32xbf16>
        %gather3A_1151 = tpu.vector_load_idx %arg13[%iota3A, %and3A_85] : memref<16x16xi32, #tpu.memory_space<vmem>>[vector<16xi32>, vector<16xi32>], vector<16xi32>,
        %bitcast3A_1152 = vector.bitcast %gather3A_1151 : vector<16xi32> to vector<32xbf16>
        %gather3A_1153 = tpu.vector_load_idx %arg13[%iota3A, %and3A_91] : memref<16x16xi32, #tpu.memory_space<vmem>>[vector<16xi32>, vector<16xi32>], vector<16xi32>,
        %bitcast3A_1154 = vector.bitcast %gather3A_1153 : vector<16xi32> to vector<32xbf16>
        %gather3A_1155 = tpu.vector_load_idx %arg13[%iota3A, %and3A_97] : memref<16x16xi32, #tpu.memory_space<vmem>>[vector<16xi32>, vector<16xi32>], vector<16xi32>,
        %bitcast3A_1156 = vector.bitcast %gather3A_1155 : vector<16xi32> to vector<32xbf16>
        %add3A_1157 = arith.addf %bitcast3A_1126, %bitcast3A_1128 : vector<32xbf16>
        %add3A_1158 = arith.addf %bitcast3A_1130, %bitcast3A_1132 : vector<32xbf16>
        %add3A_1159 = arith.addf %bitcast3A_1134, %bitcast3A_1136 : vector<32xbf16>
        %add3A_1160 = arith.addf %bitcast3A_1138, %bitcast3A_1140 : vector<32xbf16>
        %add3A_1161 = arith.addf %bitcast3A_1142, %bitcast3A_1144 : vector<32xbf16>
        %add3A_1162 = arith.addf %bitcast3A_1146, %bitcast3A_1148 : vector<32xbf16>
        %add3A_1163 = arith.addf %bitcast3A_1150, %bitcast3A_1152 : vector<32xbf16>
        %add3A_1164 = arith.addf %bitcast3A_1154, %bitcast3A_1156 : vector<32xbf16>
        %add3A_1165 = arith.addf %add3A_1157, %add3A_1158 : vector<32xbf16>
        %add3A_1166 = arith.addf %add3A_1159, %add3A_1160 : vector<32xbf16>
        %add3A_1167 = arith.addf %add3A_1161, %add3A_1162 : vector<32xbf16>
        %add3A_1168 = arith.addf %add3A_1163, %add3A_1164 : vector<32xbf16>
        %add3A_1169 = arith.addf %add3A_1165, %add3A_1166 : vector<32xbf16>
        %add3A_1170 = arith.addf %add3A_1167, %add3A_1168 : vector<32xbf16>
        %add3A_1171 = arith.addf %add3A_1169, %add3A_1170 : vector<32xbf16>
        %unpack3A = tpu.unpack_subelements %add3A_1171, 0 {pack_format = #tpu.pack_format<interleaved>} : vector<32xbf16> -> vector<16xf32>
        %unpack3A_1172 = tpu.unpack_subelements %add3A_1171, 1 {pack_format = #tpu.pack_format<interleaved>} : vector<32xbf16> -> vector<16xf32>
        %add3A_1173 = arith.addf %unpack3A, %unpack3A_1172 : vector<16xf32>
        %add3A_1174 = arith.addi %mul3A_222, %mul3A_231 : i32
        %swap3A = arith.index_cast %add3A_1174 : i32 to index
        %swap3A_1175 = tpu.vector_load %arg12[%swap3A] {strides = array<i32>} : memref<10000xf32, #tpu.memory_space<vmem>>, vector<16xf32>,
        tpu.vector_store %arg12[%swap3A], %add3A_1173 {strides = array<i32>} : memref<10000xf32, #tpu.memory_space<vmem>>, vector<16xf32>,
      }
      %scan3A_228 = arith.constant 5 : i32
    }
    %scan3A_142 = arith.constant 62 : i32
    %dma_wait3A = arith.constant 0 : i32
    %dma_wait3A_143 = arith.constant 0 : i32
    %dma_wait3A_144 = tpu.memref_slice %arg2[%dma_wait3A, %dma_wait3A_143] : memref<10000x128xi32, #tpu.memory_space<hbm>> -> memref<80x128xi32, #tpu.memory_space<hbm>>
    %dma_wait3A_145 = arith.constant 0 : i32
    %dma_wait3A_146 = arith.constant 0 : i32
    %dma_wait3A_147 = tpu.memref_slice %arg2[%dma_wait3A_145, %dma_wait3A_146] : memref<10000x128xi32, #tpu.memory_space<hbm>> -> memref<80x128xi32, #tpu.memory_space<hbm>>
    tpu.wait_dma2 semaphore(%arg14 : memref<!tpu.dma_semaphore, #tpu.memory_space<semaphore_mem>>) src(%dma_wait3A_147 : memref<80x128xi32, #tpu.memory_space<hbm>>) dst(%arg8 : memref<80x128xi32, #tpu.memory_space<vmem>>)
    %dma_wait3A_148 = arith.constant 0 : i32
    %dma_wait3A_149 = arith.constant 0 : i32
    %dma_wait3A_150 = tpu.memref_slice %arg2[%dma_wait3A_148, %dma_wait3A_149] : memref<10000x128xi32, #tpu.memory_space<hbm>> -> memref<80x128xi32, #tpu.memory_space<hbm>>
    %dma_wait3A_151 = arith.constant 0 : i32
    %dma_wait3A_152 = arith.constant 0 : i32
    %dma_wait3A_153 = tpu.memref_slice %arg2[%dma_wait3A_151, %dma_wait3A_152] : memref<10000x128xi32, #tpu.memory_space<hbm>> -> memref<80x128xi32, #tpu.memory_space<hbm>>
    tpu.wait_dma2 semaphore(%arg15 : memref<!tpu.dma_semaphore, #tpu.memory_space<semaphore_mem>>) src(%dma_wait3A_153 : memref<80x128xi32, #tpu.memory_space<hbm>>) dst(%arg9 : memref<80x128xi32, #tpu.memory_space<vmem>>)
    %scan3A_154 = arith.constant 0 : i32
    %scan3A_155 = arith.constant 0 : i32
    %scan3A_156 = arith.constant 5 : i32
    %scan3A_157 = arith.addi %scan3A_155, %scan3A_156 : i32
    %scan3A_158 = arith.constant 1 : i32
    scf.for %scan3A_160 = %scan3A_155 to %scan3A_157 step %scan3A_158  : i32 {
      %mul3A_161 = arith.constant 16 : i32
      %mul3A_162 = arith.muli %scan3A_160, %mul3A_161 : i32
      %add3A_163 = arith.constant 0 : i32
      %add3A_164 = arith.addi %mul3A_162, %add3A_163 : i32
      %get3A = arith.index_cast %add3A_164 : i32 to index
      %get3A_165 = arith.constant 0 : index
      %get3A_166 = tpu.vector_load %arg8[%get3A, %get3A_165] {strides = array<i32>} : memref<80x128xi32, #tpu.memory_space<vmem>>, vector<16xi32>,
      %bitcast3A = vector.bitcast %get3A_166 : vector<16xi32> to vector<32xbf16>
      %add3A_167 = arith.constant 0 : i32
      %add3A_168 = arith.addi %mul3A_162, %add3A_167 : i32
      %get3A_169 = arith.index_cast %add3A_168 : i32 to index
      %get3A_170 = arith.constant 0 : index
      %get3A_171 = tpu.vector_load %arg9[%get3A_169, %get3A_170] {strides = array<i32>} : memref<80x128xi32, #tpu.memory_space<vmem>>, vector<16xi32>,
      %bitcast3A_172 = vector.bitcast %get3A_171 : vector<16xi32> to vector<32xbf16>
      %mul3A_173 = arith.mulf %bitcast3A, %bitcast3A_172 : vector<32xbf16>
      %add3A_174 = arith.constant 0 : i32
      %add3A_175 = arith.addi %mul3A_162, %add3A_174 : i32
      %get3A_176 = arith.index_cast %add3A_175 : i32 to index
      %get3A_177 = arith.constant 16 : index
      %get3A_178 = tpu.vector_load %arg8[%get3A_176, %get3A_177] {strides = array<i32>} : memref<80x128xi32, #tpu.memory_space<vmem>>, vector<16xi32>,
      %bitcast3A_179 = vector.bitcast %get3A_178 : vector<16xi32> to vector<32xbf16>
      %add3A_180 = arith.constant 0 : i32
      %add3A_181 = arith.addi %mul3A_162, %add3A_180 : i32
      %get3A_182 = arith.index_cast %add3A_181 : i32 to index
      %get3A_183 = arith.constant 16 : index
      %get3A_184 = tpu.vector_load %arg9[%get3A_182, %get3A_183] {strides = array<i32>} : memref<80x128xi32, #tpu.memory_space<vmem>>, vector<16xi32>,
      %bitcast3A_185 = vector.bitcast %get3A_184 : vector<16xi32> to vector<32xbf16>
      %mul3A_186 = arith.mulf %bitcast3A_179, %bitcast3A_185 : vector<32xbf16>
      %add3A_187 = arith.addf %mul3A_173, %mul3A_186 : vector<32xbf16>
      %add3A_188 = arith.constant 0 : i32
      %add3A_189 = arith.addi %mul3A_162, %add3A_188 : i32
      %get3A_190 = arith.index_cast %add3A_189 : i32 to index
      %get3A_191 = arith.constant 32 : index
      %get3A_192 = tpu.vector_load %arg8[%get3A_190, %get3A_191] {strides = array<i32>} : memref<80x128xi32, #tpu.memory_space<vmem>>, vector<16xi32>,
      %bitcast3A_193 = vector.bitcast %get3A_192 : vector<16xi32> to vector<32xbf16>
      %add3A_194 = arith.constant 0 : i32
      %add3A_195 = arith.addi %mul3A_162, %add3A_194 : i32
      %get3A_196 = arith.index_cast %add3A_195 : i32 to index
      %get3A_197 = arith.constant 32 : index
      %get3A_198 = tpu.vector_load %arg9[%get3A_196, %get3A_197] {strides = array<i32>} : memref<80x128xi32, #tpu.memory_space<vmem>>, vector<16xi32>,
      %bitcast3A_199 = vector.bitcast %get3A_198 : vector<16xi32> to vector<32xbf16>
      %mul3A_200 = arith.mulf %bitcast3A_193, %bitcast3A_199 : vector<32xbf16>
      %add3A_201 = arith.addf %add3A_187, %mul3A_200 : vector<32xbf16>
      %add3A_202 = arith.constant 0 : i32
      %add3A_203 = arith.addi %mul3A_162, %add3A_202 : i32
      %get3A_204 = arith.index_cast %add3A_203 : i32 to index
      %get3A_205 = arith.constant 48 : index
      %get3A_206 = tpu.vector_load %arg8[%get3A_204, %get3A_205] {strides = array<i32>} : memref<80x128xi32, #tpu.memory_space<vmem>>, vector<16xi32>,
      %bitcast3A_207 = vector.bitcast %get3A_206 : vector<16xi32> to vector<32xbf16>
      %add3A_208 = arith.constant 0 : i32
      %add3A_209 = arith.addi %mul3A_162, %add3A_208 : i32
      %get3A_210 = arith.index_cast %add3A_209 : i32 to index
      %get3A_211 = arith.constant 48 : index
      %get3A_212 = tpu.vector_load %arg9[%get3A_210, %get3A_211] {strides = array<i32>} : memref<80x128xi32, #tpu.memory_space<vmem>>, vector<16xi32>,
      %bitcast3A_213 = vector.bitcast %get3A_212 : vector<16xi32> to vector<32xbf16>
      %mul3A_214 = arith.mulf %bitcast3A_207, %bitcast3A_213 : vector<32xbf16>
      %add3A_215 = arith.addf %add3A_201, %mul3A_214 : vector<32xbf16>
      %bitcast3A_216 = vector.bitcast %add3A_215 : vector<32xbf16> to vector<16xi32>
      tpu.vector_store_idx %arg13[%broadcast_in_dim3A_98, %and3A_7], %bitcast3A_216 : memref<16x16xi32, #tpu.memory_space<vmem>>[vector<16xi32>, vector<16xi32>], vector<16xi32>,
      %add3A_217 = arith.constant 1 : i32
      %add3A_218 = arith.addi %mul3A_162, %add3A_217 : i32
      %get3A_219 = arith.index_cast %add3A_218 : i32 to index
      %get3A_220 = arith.constant 0 : index
      %get3A_221 = tpu.vector_load %arg8[%get3A_219, %get3A_220] {strides = array<i32>} : memref<80x128xi32, #tpu.memory_space<vmem>>, vector<16xi32>,
      %bitcast3A_222 = vector.bitcast %get3A_221 : vector<16xi32> to vector<32xbf16>
      %add3A_223 = arith.constant 1 : i32
      %add3A_224 = arith.addi %mul3A_162, %add3A_223 : i32
      %get3A_225 = arith.index_cast %add3A_224 : i32 to index
      %get3A_226 = arith.constant 0 : index
      %get3A_227 = tpu.vector_load %arg9[%get3A_225, %get3A_226] {strides = array<i32>} : memref<80x128xi32, #tpu.memory_space<vmem>>, vector<16xi32>,
      %bitcast3A_228 = vector.bitcast %get3A_227 : vector<16xi32> to vector<32xbf16>
      %mul3A_229 = arith.mulf %bitcast3A_222, %bitcast3A_228 : vector<32xbf16>
      %add3A_230 = arith.constant 1 : i32
      %add3A_231 = arith.addi %mul3A_162, %add3A_230 : i32
      %get3A_232 = arith.index_cast %add3A_231 : i32 to index
      %get3A_233 = arith.constant 16 : index
      %get3A_234 = tpu.vector_load %arg8[%get3A_232, %get3A_233] {strides = array<i32>} : memref<80x128xi32, #tpu.memory_space<vmem>>, vector<16xi32>,
      %bitcast3A_235 = vector.bitcast %get3A_234 : vector<16xi32> to vector<32xbf16>
      %add3A_236 = arith.constant 1 : i32
      %add3A_237 = arith.addi %mul3A_162, %add3A_236 : i32
      %get3A_238 = arith.index_cast %add3A_237 : i32 to index
      %get3A_239 = arith.constant 16 : index
      %get3A_240 = tpu.vector_load %arg9[%get3A_238, %get3A_239] {strides = array<i32>} : memref<80x128xi32, #tpu.memory_space<vmem>>, vector<16xi32>,
      %bitcast3A_241 = vector.bitcast %get3A_240 : vector<16xi32> to vector<32xbf16>
      %mul3A_242 = arith.mulf %bitcast3A_235, %bitcast3A_241 : vector<32xbf16>
      %add3A_243 = arith.addf %mul3A_229, %mul3A_242 : vector<32xbf16>
      %add3A_244 = arith.constant 1 : i32
      %add3A_245 = arith.addi %mul3A_162, %add3A_244 : i32
      %get3A_246 = arith.index_cast %add3A_245 : i32 to index
      %get3A_247 = arith.constant 32 : index
      %get3A_248 = tpu.vector_load %arg8[%get3A_246, %get3A_247] {strides = array<i32>} : memref<80x128xi32, #tpu.memory_space<vmem>>, vector<16xi32>,
      %bitcast3A_249 = vector.bitcast %get3A_248 : vector<16xi32> to vector<32xbf16>
      %add3A_250 = arith.constant 1 : i32
      %add3A_251 = arith.addi %mul3A_162, %add3A_250 : i32
      %get3A_252 = arith.index_cast %add3A_251 : i32 to index
      %get3A_253 = arith.constant 32 : index
      %get3A_254 = tpu.vector_load %arg9[%get3A_252, %get3A_253] {strides = array<i32>} : memref<80x128xi32, #tpu.memory_space<vmem>>, vector<16xi32>,
      %bitcast3A_255 = vector.bitcast %get3A_254 : vector<16xi32> to vector<32xbf16>
      %mul3A_256 = arith.mulf %bitcast3A_249, %bitcast3A_255 : vector<32xbf16>
      %add3A_257 = arith.addf %add3A_243, %mul3A_256 : vector<32xbf16>
      %add3A_258 = arith.constant 1 : i32
      %add3A_259 = arith.addi %mul3A_162, %add3A_258 : i32
      %get3A_260 = arith.index_cast %add3A_259 : i32 to index
      %get3A_261 = arith.constant 48 : index
      %get3A_262 = tpu.vector_load %arg8[%get3A_260, %get3A_261] {strides = array<i32>} : memref<80x128xi32, #tpu.memory_space<vmem>>, vector<16xi32>,
      %bitcast3A_263 = vector.bitcast %get3A_262 : vector<16xi32> to vector<32xbf16>
      %add3A_264 = arith.constant 1 : i32
      %add3A_265 = arith.addi %mul3A_162, %add3A_264 : i32
      %get3A_266 = arith.index_cast %add3A_265 : i32 to index
      %get3A_267 = arith.constant 48 : index
      %get3A_268 = tpu.vector_load %arg9[%get3A_266, %get3A_267] {strides = array<i32>} : memref<80x128xi32, #tpu.memory_space<vmem>>, vector<16xi32>,
      %bitcast3A_269 = vector.bitcast %get3A_268 : vector<16xi32> to vector<32xbf16>
      %mul3A_270 = arith.mulf %bitcast3A_263, %bitcast3A_269 : vector<32xbf16>
      %add3A_271 = arith.addf %add3A_257, %mul3A_270 : vector<32xbf16>
      %bitcast3A_272 = vector.bitcast %add3A_271 : vector<32xbf16> to vector<16xi32>
      tpu.vector_store_idx %arg13[%broadcast_in_dim3A_100, %and3A_13], %bitcast3A_272 : memref<16x16xi32, #tpu.memory_space<vmem>>[vector<16xi32>, vector<16xi32>], vector<16xi32>,
      %add3A_273 = arith.constant 2 : i32
      %add3A_274 = arith.addi %mul3A_162, %add3A_273 : i32
      %get3A_275 = arith.index_cast %add3A_274 : i32 to index
      %get3A_276 = arith.constant 0 : index
      %get3A_277 = tpu.vector_load %arg8[%get3A_275, %get3A_276] {strides = array<i32>} : memref<80x128xi32, #tpu.memory_space<vmem>>, vector<16xi32>,
      %bitcast3A_278 = vector.bitcast %get3A_277 : vector<16xi32> to vector<32xbf16>
      %add3A_279 = arith.constant 2 : i32
      %add3A_280 = arith.addi %mul3A_162, %add3A_279 : i32
      %get3A_281 = arith.index_cast %add3A_280 : i32 to index
      %get3A_282 = arith.constant 0 : index
      %get3A_283 = tpu.vector_load %arg9[%get3A_281, %get3A_282] {strides = array<i32>} : memref<80x128xi32, #tpu.memory_space<vmem>>, vector<16xi32>,
      %bitcast3A_284 = vector.bitcast %get3A_283 : vector<16xi32> to vector<32xbf16>
      %mul3A_285 = arith.mulf %bitcast3A_278, %bitcast3A_284 : vector<32xbf16>
      %add3A_286 = arith.constant 2 : i32
      %add3A_287 = arith.addi %mul3A_162, %add3A_286 : i32
      %get3A_288 = arith.index_cast %add3A_287 : i32 to index
      %get3A_289 = arith.constant 16 : index
      %get3A_290 = tpu.vector_load %arg8[%get3A_288, %get3A_289] {strides = array<i32>} : memref<80x128xi32, #tpu.memory_space<vmem>>, vector<16xi32>,
      %bitcast3A_291 = vector.bitcast %get3A_290 : vector<16xi32> to vector<32xbf16>
      %add3A_292 = arith.constant 2 : i32
      %add3A_293 = arith.addi %mul3A_162, %add3A_292 : i32
      %get3A_294 = arith.index_cast %add3A_293 : i32 to index
      %get3A_295 = arith.constant 16 : index
      %get3A_296 = tpu.vector_load %arg9[%get3A_294, %get3A_295] {strides = array<i32>} : memref<80x128xi32, #tpu.memory_space<vmem>>, vector<16xi32>,
      %bitcast3A_297 = vector.bitcast %get3A_296 : vector<16xi32> to vector<32xbf16>
      %mul3A_298 = arith.mulf %bitcast3A_291, %bitcast3A_297 : vector<32xbf16>
      %add3A_299 = arith.addf %mul3A_285, %mul3A_298 : vector<32xbf16>
      %add3A_300 = arith.constant 2 : i32
      %add3A_301 = arith.addi %mul3A_162, %add3A_300 : i32
      %get3A_302 = arith.index_cast %add3A_301 : i32 to index
      %get3A_303 = arith.constant 32 : index
      %get3A_304 = tpu.vector_load %arg8[%get3A_302, %get3A_303] {strides = array<i32>} : memref<80x128xi32, #tpu.memory_space<vmem>>, vector<16xi32>,
      %bitcast3A_305 = vector.bitcast %get3A_304 : vector<16xi32> to vector<32xbf16>
      %add3A_306 = arith.constant 2 : i32
      %add3A_307 = arith.addi %mul3A_162, %add3A_306 : i32
      %get3A_308 = arith.index_cast %add3A_307 : i32 to index
      %get3A_309 = arith.constant 32 : index
      %get3A_310 = tpu.vector_load %arg9[%get3A_308, %get3A_309] {strides = array<i32>} : memref<80x128xi32, #tpu.memory_space<vmem>>, vector<16xi32>,
      %bitcast3A_311 = vector.bitcast %get3A_310 : vector<16xi32> to vector<32xbf16>
      %mul3A_312 = arith.mulf %bitcast3A_305, %bitcast3A_311 : vector<32xbf16>
      %add3A_313 = arith.addf %add3A_299, %mul3A_312 : vector<32xbf16>
      %add3A_314 = arith.constant 2 : i32
      %add3A_315 = arith.addi %mul3A_162, %add3A_314 : i32
      %get3A_316 = arith.index_cast %add3A_315 : i32 to index
      %get3A_317 = arith.constant 48 : index
      %get3A_318 = tpu.vector_load %arg8[%get3A_316, %get3A_317] {strides = array<i32>} : memref<80x128xi32, #tpu.memory_space<vmem>>, vector<16xi32>,
      %bitcast3A_319 = vector.bitcast %get3A_318 : vector<16xi32> to vector<32xbf16>
      %add3A_320 = arith.constant 2 : i32
      %add3A_321 = arith.addi %mul3A_162, %add3A_320 : i32
      %get3A_322 = arith.index_cast %add3A_321 : i32 to index
      %get3A_323 = arith.constant 48 : index
      %get3A_324 = tpu.vector_load %arg9[%get3A_322, %get3A_323] {strides = array<i32>} : memref<80x128xi32, #tpu.memory_space<vmem>>, vector<16xi32>,
      %bitcast3A_325 = vector.bitcast %get3A_324 : vector<16xi32> to vector<32xbf16>
      %mul3A_326 = arith.mulf %bitcast3A_319, %bitcast3A_325 : vector<32xbf16>
      %add3A_327 = arith.addf %add3A_313, %mul3A_326 : vector<32xbf16>
      %bitcast3A_328 = vector.bitcast %add3A_327 : vector<32xbf16> to vector<16xi32>
      tpu.vector_store_idx %arg13[%broadcast_in_dim3A_102, %and3A_19], %bitcast3A_328 : memref<16x16xi32, #tpu.memory_space<vmem>>[vector<16xi32>, vector<16xi32>], vector<16xi32>,
      %add3A_329 = arith.constant 3 : i32
      %add3A_330 = arith.addi %mul3A_162, %add3A_329 : i32
      %get3A_331 = arith.index_cast %add3A_330 : i32 to index
      %get3A_332 = arith.constant 0 : index
      %get3A_333 = tpu.vector_load %arg8[%get3A_331, %get3A_332] {strides = array<i32>} : memref<80x128xi32, #tpu.memory_space<vmem>>, vector<16xi32>,
      %bitcast3A_334 = vector.bitcast %get3A_333 : vector<16xi32> to vector<32xbf16>
      %add3A_335 = arith.constant 3 : i32
      %add3A_336 = arith.addi %mul3A_162, %add3A_335 : i32
      %get3A_337 = arith.index_cast %add3A_336 : i32 to index
      %get3A_338 = arith.constant 0 : index
      %get3A_339 = tpu.vector_load %arg9[%get3A_337, %get3A_338] {strides = array<i32>} : memref<80x128xi32, #tpu.memory_space<vmem>>, vector<16xi32>,
      %bitcast3A_340 = vector.bitcast %get3A_339 : vector<16xi32> to vector<32xbf16>
      %mul3A_341 = arith.mulf %bitcast3A_334, %bitcast3A_340 : vector<32xbf16>
      %add3A_342 = arith.constant 3 : i32
      %add3A_343 = arith.addi %mul3A_162, %add3A_342 : i32
      %get3A_344 = arith.index_cast %add3A_343 : i32 to index
      %get3A_345 = arith.constant 16 : index
      %get3A_346 = tpu.vector_load %arg8[%get3A_344, %get3A_345] {strides = array<i32>} : memref<80x128xi32, #tpu.memory_space<vmem>>, vector<16xi32>,
      %bitcast3A_347 = vector.bitcast %get3A_346 : vector<16xi32> to vector<32xbf16>
      %add3A_348 = arith.constant 3 : i32
      %add3A_349 = arith.addi %mul3A_162, %add3A_348 : i32
      %get3A_350 = arith.index_cast %add3A_349 : i32 to index
      %get3A_351 = arith.constant 16 : index
      %get3A_352 = tpu.vector_load %arg9[%get3A_350, %get3A_351] {strides = array<i32>} : memref<80x128xi32, #tpu.memory_space<vmem>>, vector<16xi32>,
      %bitcast3A_353 = vector.bitcast %get3A_352 : vector<16xi32> to vector<32xbf16>
      %mul3A_354 = arith.mulf %bitcast3A_347, %bitcast3A_353 : vector<32xbf16>
      %add3A_355 = arith.addf %mul3A_341, %mul3A_354 : vector<32xbf16>
      %add3A_356 = arith.constant 3 : i32
      %add3A_357 = arith.addi %mul3A_162, %add3A_356 : i32
      %get3A_358 = arith.index_cast %add3A_357 : i32 to index
      %get3A_359 = arith.constant 32 : index
      %get3A_360 = tpu.vector_load %arg8[%get3A_358, %get3A_359] {strides = array<i32>} : memref<80x128xi32, #tpu.memory_space<vmem>>, vector<16xi32>,
      %bitcast3A_361 = vector.bitcast %get3A_360 : vector<16xi32> to vector<32xbf16>
      %add3A_362 = arith.constant 3 : i32
      %add3A_363 = arith.addi %mul3A_162, %add3A_362 : i32
      %get3A_364 = arith.index_cast %add3A_363 : i32 to index
      %get3A_365 = arith.constant 32 : index
      %get3A_366 = tpu.vector_load %arg9[%get3A_364, %get3A_365] {strides = array<i32>} : memref<80x128xi32, #tpu.memory_space<vmem>>, vector<16xi32>,
      %bitcast3A_367 = vector.bitcast %get3A_366 : vector<16xi32> to vector<32xbf16>
      %mul3A_368 = arith.mulf %bitcast3A_361, %bitcast3A_367 : vector<32xbf16>
      %add3A_369 = arith.addf %add3A_355, %mul3A_368 : vector<32xbf16>
      %add3A_370 = arith.constant 3 : i32
      %add3A_371 = arith.addi %mul3A_162, %add3A_370 : i32
      %get3A_372 = arith.index_cast %add3A_371 : i32 to index
      %get3A_373 = arith.constant 48 : index
      %get3A_374 = tpu.vector_load %arg8[%get3A_372, %get3A_373] {strides = array<i32>} : memref<80x128xi32, #tpu.memory_space<vmem>>, vector<16xi32>,
      %bitcast3A_375 = vector.bitcast %get3A_374 : vector<16xi32> to vector<32xbf16>
      %add3A_376 = arith.constant 3 : i32
      %add3A_377 = arith.addi %mul3A_162, %add3A_376 : i32
      %get3A_378 = arith.index_cast %add3A_377 : i32 to index
      %get3A_379 = arith.constant 48 : index
      %get3A_380 = tpu.vector_load %arg9[%get3A_378, %get3A_379] {strides = array<i32>} : memref<80x128xi32, #tpu.memory_space<vmem>>, vector<16xi32>,
      %bitcast3A_381 = vector.bitcast %get3A_380 : vector<16xi32> to vector<32xbf16>
      %mul3A_382 = arith.mulf %bitcast3A_375, %bitcast3A_381 : vector<32xbf16>
      %add3A_383 = arith.addf %add3A_369, %mul3A_382 : vector<32xbf16>
      %bitcast3A_384 = vector.bitcast %add3A_383 : vector<32xbf16> to vector<16xi32>
      tpu.vector_store_idx %arg13[%broadcast_in_dim3A_104, %and3A_25], %bitcast3A_384 : memref<16x16xi32, #tpu.memory_space<vmem>>[vector<16xi32>, vector<16xi32>], vector<16xi32>,
      %add3A_385 = arith.constant 4 : i32
      %add3A_386 = arith.addi %mul3A_162, %add3A_385 : i32
      %get3A_387 = arith.index_cast %add3A_386 : i32 to index
      %get3A_388 = arith.constant 0 : index
      %get3A_389 = tpu.vector_load %arg8[%get3A_387, %get3A_388] {strides = array<i32>} : memref<80x128xi32, #tpu.memory_space<vmem>>, vector<16xi32>,
      %bitcast3A_390 = vector.bitcast %get3A_389 : vector<16xi32> to vector<32xbf16>
      %add3A_391 = arith.constant 4 : i32
      %add3A_392 = arith.addi %mul3A_162, %add3A_391 : i32
      %get3A_393 = arith.index_cast %add3A_392 : i32 to index
      %get3A_394 = arith.constant 0 : index
      %get3A_395 = tpu.vector_load %arg9[%get3A_393, %get3A_394] {strides = array<i32>} : memref<80x128xi32, #tpu.memory_space<vmem>>, vector<16xi32>,
      %bitcast3A_396 = vector.bitcast %get3A_395 : vector<16xi32> to vector<32xbf16>
      %mul3A_397 = arith.mulf %bitcast3A_390, %bitcast3A_396 : vector<32xbf16>
      %add3A_398 = arith.constant 4 : i32
      %add3A_399 = arith.addi %mul3A_162, %add3A_398 : i32
      %get3A_400 = arith.index_cast %add3A_399 : i32 to index
      %get3A_401 = arith.constant 16 : index
      %get3A_402 = tpu.vector_load %arg8[%get3A_400, %get3A_401] {strides = array<i32>} : memref<80x128xi32, #tpu.memory_space<vmem>>, vector<16xi32>,
      %bitcast3A_403 = vector.bitcast %get3A_402 : vector<16xi32> to vector<32xbf16>
      %add3A_404 = arith.constant 4 : i32
      %add3A_405 = arith.addi %mul3A_162, %add3A_404 : i32
      %get3A_406 = arith.index_cast %add3A_405 : i32 to index
      %get3A_407 = arith.constant 16 : index
      %get3A_408 = tpu.vector_load %arg9[%get3A_406, %get3A_407] {strides = array<i32>} : memref<80x128xi32, #tpu.memory_space<vmem>>, vector<16xi32>,
      %bitcast3A_409 = vector.bitcast %get3A_408 : vector<16xi32> to vector<32xbf16>
      %mul3A_410 = arith.mulf %bitcast3A_403, %bitcast3A_409 : vector<32xbf16>
      %add3A_411 = arith.addf %mul3A_397, %mul3A_410 : vector<32xbf16>
      %add3A_412 = arith.constant 4 : i32
      %add3A_413 = arith.addi %mul3A_162, %add3A_412 : i32
      %get3A_414 = arith.index_cast %add3A_413 : i32 to index
      %get3A_415 = arith.constant 32 : index
      %get3A_416 = tpu.vector_load %arg8[%get3A_414, %get3A_415] {strides = array<i32>} : memref<80x128xi32, #tpu.memory_space<vmem>>, vector<16xi32>,
      %bitcast3A_417 = vector.bitcast %get3A_416 : vector<16xi32> to vector<32xbf16>
      %add3A_418 = arith.constant 4 : i32
      %add3A_419 = arith.addi %mul3A_162, %add3A_418 : i32
      %get3A_420 = arith.index_cast %add3A_419 : i32 to index
      %get3A_421 = arith.constant 32 : index
      %get3A_422 = tpu.vector_load %arg9[%get3A_420, %get3A_421] {strides = array<i32>} : memref<80x128xi32, #tpu.memory_space<vmem>>, vector<16xi32>,
      %bitcast3A_423 = vector.bitcast %get3A_422 : vector<16xi32> to vector<32xbf16>
      %mul3A_424 = arith.mulf %bitcast3A_417, %bitcast3A_423 : vector<32xbf16>
      %add3A_425 = arith.addf %add3A_411, %mul3A_424 : vector<32xbf16>
      %add3A_426 = arith.constant 4 : i32
      %add3A_427 = arith.addi %mul3A_162, %add3A_426 : i32
      %get3A_428 = arith.index_cast %add3A_427 : i32 to index
      %get3A_429 = arith.constant 48 : index
      %get3A_430 = tpu.vector_load %arg8[%get3A_428, %get3A_429] {strides = array<i32>} : memref<80x128xi32, #tpu.memory_space<vmem>>, vector<16xi32>,
      %bitcast3A_431 = vector.bitcast %get3A_430 : vector<16xi32> to vector<32xbf16>
      %add3A_432 = arith.constant 4 : i32
      %add3A_433 = arith.addi %mul3A_162, %add3A_432 : i32
      %get3A_434 = arith.index_cast %add3A_433 : i32 to index
      %get3A_435 = arith.constant 48 : index
      %get3A_436 = tpu.vector_load %arg9[%get3A_434, %get3A_435] {strides = array<i32>} : memref<80x128xi32, #tpu.memory_space<vmem>>, vector<16xi32>,
      %bitcast3A_437 = vector.bitcast %get3A_436 : vector<16xi32> to vector<32xbf16>
      %mul3A_438 = arith.mulf %bitcast3A_431, %bitcast3A_437 : vector<32xbf16>
      %add3A_439 = arith.addf %add3A_425, %mul3A_438 : vector<32xbf16>
      %bitcast3A_440 = vector.bitcast %add3A_439 : vector<32xbf16> to vector<16xi32>
      tpu.vector_store_idx %arg13[%broadcast_in_dim3A_106, %and3A_31], %bitcast3A_440 : memref<16x16xi32, #tpu.memory_space<vmem>>[vector<16xi32>, vector<16xi32>], vector<16xi32>,
      %add3A_441 = arith.constant 5 : i32
      %add3A_442 = arith.addi %mul3A_162, %add3A_441 : i32
      %get3A_443 = arith.index_cast %add3A_442 : i32 to index
      %get3A_444 = arith.constant 0 : index
      %get3A_445 = tpu.vector_load %arg8[%get3A_443, %get3A_444] {strides = array<i32>} : memref<80x128xi32, #tpu.memory_space<vmem>>, vector<16xi32>,
      %bitcast3A_446 = vector.bitcast %get3A_445 : vector<16xi32> to vector<32xbf16>
      %add3A_447 = arith.constant 5 : i32
      %add3A_448 = arith.addi %mul3A_162, %add3A_447 : i32
      %get3A_449 = arith.index_cast %add3A_448 : i32 to index
      %get3A_450 = arith.constant 0 : index
      %get3A_451 = tpu.vector_load %arg9[%get3A_449, %get3A_450] {strides = array<i32>} : memref<80x128xi32, #tpu.memory_space<vmem>>, vector<16xi32>,
      %bitcast3A_452 = vector.bitcast %get3A_451 : vector<16xi32> to vector<32xbf16>
      %mul3A_453 = arith.mulf %bitcast3A_446, %bitcast3A_452 : vector<32xbf16>
      %add3A_454 = arith.constant 5 : i32
      %add3A_455 = arith.addi %mul3A_162, %add3A_454 : i32
      %get3A_456 = arith.index_cast %add3A_455 : i32 to index
      %get3A_457 = arith.constant 16 : index
      %get3A_458 = tpu.vector_load %arg8[%get3A_456, %get3A_457] {strides = array<i32>} : memref<80x128xi32, #tpu.memory_space<vmem>>, vector<16xi32>,
      %bitcast3A_459 = vector.bitcast %get3A_458 : vector<16xi32> to vector<32xbf16>
      %add3A_460 = arith.constant 5 : i32
      %add3A_461 = arith.addi %mul3A_162, %add3A_460 : i32
      %get3A_462 = arith.index_cast %add3A_461 : i32 to index
      %get3A_463 = arith.constant 16 : index
      %get3A_464 = tpu.vector_load %arg9[%get3A_462, %get3A_463] {strides = array<i32>} : memref<80x128xi32, #tpu.memory_space<vmem>>, vector<16xi32>,
      %bitcast3A_465 = vector.bitcast %get3A_464 : vector<16xi32> to vector<32xbf16>
      %mul3A_466 = arith.mulf %bitcast3A_459, %bitcast3A_465 : vector<32xbf16>
      %add3A_467 = arith.addf %mul3A_453, %mul3A_466 : vector<32xbf16>
      %add3A_468 = arith.constant 5 : i32
      %add3A_469 = arith.addi %mul3A_162, %add3A_468 : i32
      %get3A_470 = arith.index_cast %add3A_469 : i32 to index
      %get3A_471 = arith.constant 32 : index
      %get3A_472 = tpu.vector_load %arg8[%get3A_470, %get3A_471] {strides = array<i32>} : memref<80x128xi32, #tpu.memory_space<vmem>>, vector<16xi32>,
      %bitcast3A_473 = vector.bitcast %get3A_472 : vector<16xi32> to vector<32xbf16>
      %add3A_474 = arith.constant 5 : i32
      %add3A_475 = arith.addi %mul3A_162, %add3A_474 : i32
      %get3A_476 = arith.index_cast %add3A_475 : i32 to index
      %get3A_477 = arith.constant 32 : index
      %get3A_478 = tpu.vector_load %arg9[%get3A_476, %get3A_477] {strides = array<i32>} : memref<80x128xi32, #tpu.memory_space<vmem>>, vector<16xi32>,
      %bitcast3A_479 = vector.bitcast %get3A_478 : vector<16xi32> to vector<32xbf16>
      %mul3A_480 = arith.mulf %bitcast3A_473, %bitcast3A_479 : vector<32xbf16>
      %add3A_481 = arith.addf %add3A_467, %mul3A_480 : vector<32xbf16>
      %add3A_482 = arith.constant 5 : i32
      %add3A_483 = arith.addi %mul3A_162, %add3A_482 : i32
      %get3A_484 = arith.index_cast %add3A_483 : i32 to index
      %get3A_485 = arith.constant 48 : index
      %get3A_486 = tpu.vector_load %arg8[%get3A_484, %get3A_485] {strides = array<i32>} : memref<80x128xi32, #tpu.memory_space<vmem>>, vector<16xi32>,
      %bitcast3A_487 = vector.bitcast %get3A_486 : vector<16xi32> to vector<32xbf16>
      %add3A_488 = arith.constant 5 : i32
      %add3A_489 = arith.addi %mul3A_162, %add3A_488 : i32
      %get3A_490 = arith.index_cast %add3A_489 : i32 to index
      %get3A_491 = arith.constant 48 : index
      %get3A_492 = tpu.vector_load %arg9[%get3A_490, %get3A_491] {strides = array<i32>} : memref<80x128xi32, #tpu.memory_space<vmem>>, vector<16xi32>,
      %bitcast3A_493 = vector.bitcast %get3A_492 : vector<16xi32> to vector<32xbf16>
      %mul3A_494 = arith.mulf %bitcast3A_487, %bitcast3A_493 : vector<32xbf16>
      %add3A_495 = arith.addf %add3A_481, %mul3A_494 : vector<32xbf16>
      %bitcast3A_496 = vector.bitcast %add3A_495 : vector<32xbf16> to vector<16xi32>
      tpu.vector_store_idx %arg13[%broadcast_in_dim3A_108, %and3A_37], %bitcast3A_496 : memref<16x16xi32, #tpu.memory_space<vmem>>[vector<16xi32>, vector<16xi32>], vector<16xi32>,
      %add3A_497 = arith.constant 6 : i32
      %add3A_498 = arith.addi %mul3A_162, %add3A_497 : i32
      %get3A_499 = arith.index_cast %add3A_498 : i32 to index
      %get3A_500 = arith.constant 0 : index
      %get3A_501 = tpu.vector_load %arg8[%get3A_499, %get3A_500] {strides = array<i32>} : memref<80x128xi32, #tpu.memory_space<vmem>>, vector<16xi32>,
      %bitcast3A_502 = vector.bitcast %get3A_501 : vector<16xi32> to vector<32xbf16>
      %add3A_503 = arith.constant 6 : i32
      %add3A_504 = arith.addi %mul3A_162, %add3A_503 : i32
      %get3A_505 = arith.index_cast %add3A_504 : i32 to index
      %get3A_506 = arith.constant 0 : index
      %get3A_507 = tpu.vector_load %arg9[%get3A_505, %get3A_506] {strides = array<i32>} : memref<80x128xi32, #tpu.memory_space<vmem>>, vector<16xi32>,
      %bitcast3A_508 = vector.bitcast %get3A_507 : vector<16xi32> to vector<32xbf16>
      %mul3A_509 = arith.mulf %bitcast3A_502, %bitcast3A_508 : vector<32xbf16>
      %add3A_510 = arith.constant 6 : i32
      %add3A_511 = arith.addi %mul3A_162, %add3A_510 : i32
      %get3A_512 = arith.index_cast %add3A_511 : i32 to index
      %get3A_513 = arith.constant 16 : index
      %get3A_514 = tpu.vector_load %arg8[%get3A_512, %get3A_513] {strides = array<i32>} : memref<80x128xi32, #tpu.memory_space<vmem>>, vector<16xi32>,
      %bitcast3A_515 = vector.bitcast %get3A_514 : vector<16xi32> to vector<32xbf16>
      %add3A_516 = arith.constant 6 : i32
      %add3A_517 = arith.addi %mul3A_162, %add3A_516 : i32
      %get3A_518 = arith.index_cast %add3A_517 : i32 to index
      %get3A_519 = arith.constant 16 : index
      %get3A_520 = tpu.vector_load %arg9[%get3A_518, %get3A_519] {strides = array<i32>} : memref<80x128xi32, #tpu.memory_space<vmem>>, vector<16xi32>,
      %bitcast3A_521 = vector.bitcast %get3A_520 : vector<16xi32> to vector<32xbf16>
      %mul3A_522 = arith.mulf %bitcast3A_515, %bitcast3A_521 : vector<32xbf16>
      %add3A_523 = arith.addf %mul3A_509, %mul3A_522 : vector<32xbf16>
      %add3A_524 = arith.constant 6 : i32
      %add3A_525 = arith.addi %mul3A_162, %add3A_524 : i32
      %get3A_526 = arith.index_cast %add3A_525 : i32 to index
      %get3A_527 = arith.constant 32 : index
      %get3A_528 = tpu.vector_load %arg8[%get3A_526, %get3A_527] {strides = array<i32>} : memref<80x128xi32, #tpu.memory_space<vmem>>, vector<16xi32>,
      %bitcast3A_529 = vector.bitcast %get3A_528 : vector<16xi32> to vector<32xbf16>
      %add3A_530 = arith.constant 6 : i32
      %add3A_531 = arith.addi %mul3A_162, %add3A_530 : i32
      %get3A_532 = arith.index_cast %add3A_531 : i32 to index
      %get3A_533 = arith.constant 32 : index
      %get3A_534 = tpu.vector_load %arg9[%get3A_532, %get3A_533] {strides = array<i32>} : memref<80x128xi32, #tpu.memory_space<vmem>>, vector<16xi32>,
      %bitcast3A_535 = vector.bitcast %get3A_534 : vector<16xi32> to vector<32xbf16>
      %mul3A_536 = arith.mulf %bitcast3A_529, %bitcast3A_535 : vector<32xbf16>
      %add3A_537 = arith.addf %add3A_523, %mul3A_536 : vector<32xbf16>
      %add3A_538 = arith.constant 6 : i32
      %add3A_539 = arith.addi %mul3A_162, %add3A_538 : i32
      %get3A_540 = arith.index_cast %add3A_539 : i32 to index
      %get3A_541 = arith.constant 48 : index
      %get3A_542 = tpu.vector_load %arg8[%get3A_540, %get3A_541] {strides = array<i32>} : memref<80x128xi32, #tpu.memory_space<vmem>>, vector<16xi32>,
      %bitcast3A_543 = vector.bitcast %get3A_542 : vector<16xi32> to vector<32xbf16>
      %add3A_544 = arith.constant 6 : i32
      %add3A_545 = arith.addi %mul3A_162, %add3A_544 : i32
      %get3A_546 = arith.index_cast %add3A_545 : i32 to index
      %get3A_547 = arith.constant 48 : index
      %get3A_548 = tpu.vector_load %arg9[%get3A_546, %get3A_547] {strides = array<i32>} : memref<80x128xi32, #tpu.memory_space<vmem>>, vector<16xi32>,
      %bitcast3A_549 = vector.bitcast %get3A_548 : vector<16xi32> to vector<32xbf16>
      %mul3A_550 = arith.mulf %bitcast3A_543, %bitcast3A_549 : vector<32xbf16>
      %add3A_551 = arith.addf %add3A_537, %mul3A_550 : vector<32xbf16>
      %bitcast3A_552 = vector.bitcast %add3A_551 : vector<32xbf16> to vector<16xi32>
      tpu.vector_store_idx %arg13[%broadcast_in_dim3A_110, %and3A_43], %bitcast3A_552 : memref<16x16xi32, #tpu.memory_space<vmem>>[vector<16xi32>, vector<16xi32>], vector<16xi32>,
      %add3A_553 = arith.constant 7 : i32
      %add3A_554 = arith.addi %mul3A_162, %add3A_553 : i32
      %get3A_555 = arith.index_cast %add3A_554 : i32 to index
      %get3A_556 = arith.constant 0 : index
      %get3A_557 = tpu.vector_load %arg8[%get3A_555, %get3A_556] {strides = array<i32>} : memref<80x128xi32, #tpu.memory_space<vmem>>, vector<16xi32>,
      %bitcast3A_558 = vector.bitcast %get3A_557 : vector<16xi32> to vector<32xbf16>
      %add3A_559 = arith.constant 7 : i32
      %add3A_560 = arith.addi %mul3A_162, %add3A_559 : i32
      %get3A_561 = arith.index_cast %add3A_560 : i32 to index
      %get3A_562 = arith.constant 0 : index
      %get3A_563 = tpu.vector_load %arg9[%get3A_561, %get3A_562] {strides = array<i32>} : memref<80x128xi32, #tpu.memory_space<vmem>>, vector<16xi32>,
      %bitcast3A_564 = vector.bitcast %get3A_563 : vector<16xi32> to vector<32xbf16>
      %mul3A_565 = arith.mulf %bitcast3A_558, %bitcast3A_564 : vector<32xbf16>
      %add3A_566 = arith.constant 7 : i32
      %add3A_567 = arith.addi %mul3A_162, %add3A_566 : i32
      %get3A_568 = arith.index_cast %add3A_567 : i32 to index
      %get3A_569 = arith.constant 16 : index
      %get3A_570 = tpu.vector_load %arg8[%get3A_568, %get3A_569] {strides = array<i32>} : memref<80x128xi32, #tpu.memory_space<vmem>>, vector<16xi32>,
      %bitcast3A_571 = vector.bitcast %get3A_570 : vector<16xi32> to vector<32xbf16>
      %add3A_572 = arith.constant 7 : i32
      %add3A_573 = arith.addi %mul3A_162, %add3A_572 : i32
      %get3A_574 = arith.index_cast %add3A_573 : i32 to index
      %get3A_575 = arith.constant 16 : index
      %get3A_576 = tpu.vector_load %arg9[%get3A_574, %get3A_575] {strides = array<i32>} : memref<80x128xi32, #tpu.memory_space<vmem>>, vector<16xi32>,
      %bitcast3A_577 = vector.bitcast %get3A_576 : vector<16xi32> to vector<32xbf16>
      %mul3A_578 = arith.mulf %bitcast3A_571, %bitcast3A_577 : vector<32xbf16>
      %add3A_579 = arith.addf %mul3A_565, %mul3A_578 : vector<32xbf16>
      %add3A_580 = arith.constant 7 : i32
      %add3A_581 = arith.addi %mul3A_162, %add3A_580 : i32
      %get3A_582 = arith.index_cast %add3A_581 : i32 to index
      %get3A_583 = arith.constant 32 : index
      %get3A_584 = tpu.vector_load %arg8[%get3A_582, %get3A_583] {strides = array<i32>} : memref<80x128xi32, #tpu.memory_space<vmem>>, vector<16xi32>,
      %bitcast3A_585 = vector.bitcast %get3A_584 : vector<16xi32> to vector<32xbf16>
      %add3A_586 = arith.constant 7 : i32
      %add3A_587 = arith.addi %mul3A_162, %add3A_586 : i32
      %get3A_588 = arith.index_cast %add3A_587 : i32 to index
      %get3A_589 = arith.constant 32 : index
      %get3A_590 = tpu.vector_load %arg9[%get3A_588, %get3A_589] {strides = array<i32>} : memref<80x128xi32, #tpu.memory_space<vmem>>, vector<16xi32>,
      %bitcast3A_591 = vector.bitcast %get3A_590 : vector<16xi32> to vector<32xbf16>
      %mul3A_592 = arith.mulf %bitcast3A_585, %bitcast3A_591 : vector<32xbf16>
      %add3A_593 = arith.addf %add3A_579, %mul3A_592 : vector<32xbf16>
      %add3A_594 = arith.constant 7 : i32
      %add3A_595 = arith.addi %mul3A_162, %add3A_594 : i32
      %get3A_596 = arith.index_cast %add3A_595 : i32 to index
      %get3A_597 = arith.constant 48 : index
      %get3A_598 = tpu.vector_load %arg8[%get3A_596, %get3A_597] {strides = array<i32>} : memref<80x128xi32, #tpu.memory_space<vmem>>, vector<16xi32>,
      %bitcast3A_599 = vector.bitcast %get3A_598 : vector<16xi32> to vector<32xbf16>
      %add3A_600 = arith.constant 7 : i32
      %add3A_601 = arith.addi %mul3A_162, %add3A_600 : i32
      %get3A_602 = arith.index_cast %add3A_601 : i32 to index
      %get3A_603 = arith.constant 48 : index
      %get3A_604 = tpu.vector_load %arg9[%get3A_602, %get3A_603] {strides = array<i32>} : memref<80x128xi32, #tpu.memory_space<vmem>>, vector<16xi32>,
      %bitcast3A_605 = vector.bitcast %get3A_604 : vector<16xi32> to vector<32xbf16>
      %mul3A_606 = arith.mulf %bitcast3A_599, %bitcast3A_605 : vector<32xbf16>
      %add3A_607 = arith.addf %add3A_593, %mul3A_606 : vector<32xbf16>
      %bitcast3A_608 = vector.bitcast %add3A_607 : vector<32xbf16> to vector<16xi32>
      tpu.vector_store_idx %arg13[%broadcast_in_dim3A_112, %and3A_49], %bitcast3A_608 : memref<16x16xi32, #tpu.memory_space<vmem>>[vector<16xi32>, vector<16xi32>], vector<16xi32>,
      %add3A_609 = arith.constant 8 : i32
      %add3A_610 = arith.addi %mul3A_162, %add3A_609 : i32
      %get3A_611 = arith.index_cast %add3A_610 : i32 to index
      %get3A_612 = arith.constant 0 : index
      %get3A_613 = tpu.vector_load %arg8[%get3A_611, %get3A_612] {strides = array<i32>} : memref<80x128xi32, #tpu.memory_space<vmem>>, vector<16xi32>,
      %bitcast3A_614 = vector.bitcast %get3A_613 : vector<16xi32> to vector<32xbf16>
      %add3A_615 = arith.constant 8 : i32
      %add3A_616 = arith.addi %mul3A_162, %add3A_615 : i32
      %get3A_617 = arith.index_cast %add3A_616 : i32 to index
      %get3A_618 = arith.constant 0 : index
      %get3A_619 = tpu.vector_load %arg9[%get3A_617, %get3A_618] {strides = array<i32>} : memref<80x128xi32, #tpu.memory_space<vmem>>, vector<16xi32>,
      %bitcast3A_620 = vector.bitcast %get3A_619 : vector<16xi32> to vector<32xbf16>
      %mul3A_621 = arith.mulf %bitcast3A_614, %bitcast3A_620 : vector<32xbf16>
      %add3A_622 = arith.constant 8 : i32
      %add3A_623 = arith.addi %mul3A_162, %add3A_622 : i32
      %get3A_624 = arith.index_cast %add3A_623 : i32 to index
      %get3A_625 = arith.constant 16 : index
      %get3A_626 = tpu.vector_load %arg8[%get3A_624, %get3A_625] {strides = array<i32>} : memref<80x128xi32, #tpu.memory_space<vmem>>, vector<16xi32>,
      %bitcast3A_627 = vector.bitcast %get3A_626 : vector<16xi32> to vector<32xbf16>
      %add3A_628 = arith.constant 8 : i32
      %add3A_629 = arith.addi %mul3A_162, %add3A_628 : i32
      %get3A_630 = arith.index_cast %add3A_629 : i32 to index
      %get3A_631 = arith.constant 16 : index
      %get3A_632 = tpu.vector_load %arg9[%get3A_630, %get3A_631] {strides = array<i32>} : memref<80x128xi32, #tpu.memory_space<vmem>>, vector<16xi32>,
      %bitcast3A_633 = vector.bitcast %get3A_632 : vector<16xi32> to vector<32xbf16>
      %mul3A_634 = arith.mulf %bitcast3A_627, %bitcast3A_633 : vector<32xbf16>
      %add3A_635 = arith.addf %mul3A_621, %mul3A_634 : vector<32xbf16>
      %add3A_636 = arith.constant 8 : i32
      %add3A_637 = arith.addi %mul3A_162, %add3A_636 : i32
      %get3A_638 = arith.index_cast %add3A_637 : i32 to index
      %get3A_639 = arith.constant 32 : index
      %get3A_640 = tpu.vector_load %arg8[%get3A_638, %get3A_639] {strides = array<i32>} : memref<80x128xi32, #tpu.memory_space<vmem>>, vector<16xi32>,
      %bitcast3A_641 = vector.bitcast %get3A_640 : vector<16xi32> to vector<32xbf16>
      %add3A_642 = arith.constant 8 : i32
      %add3A_643 = arith.addi %mul3A_162, %add3A_642 : i32
      %get3A_644 = arith.index_cast %add3A_643 : i32 to index
      %get3A_645 = arith.constant 32 : index
      %get3A_646 = tpu.vector_load %arg9[%get3A_644, %get3A_645] {strides = array<i32>} : memref<80x128xi32, #tpu.memory_space<vmem>>, vector<16xi32>,
      %bitcast3A_647 = vector.bitcast %get3A_646 : vector<16xi32> to vector<32xbf16>
      %mul3A_648 = arith.mulf %bitcast3A_641, %bitcast3A_647 : vector<32xbf16>
      %add3A_649 = arith.addf %add3A_635, %mul3A_648 : vector<32xbf16>
      %add3A_650 = arith.constant 8 : i32
      %add3A_651 = arith.addi %mul3A_162, %add3A_650 : i32
      %get3A_652 = arith.index_cast %add3A_651 : i32 to index
      %get3A_653 = arith.constant 48 : index
      %get3A_654 = tpu.vector_load %arg8[%get3A_652, %get3A_653] {strides = array<i32>} : memref<80x128xi32, #tpu.memory_space<vmem>>, vector<16xi32>,
      %bitcast3A_655 = vector.bitcast %get3A_654 : vector<16xi32> to vector<32xbf16>
      %add3A_656 = arith.constant 8 : i32
      %add3A_657 = arith.addi %mul3A_162, %add3A_656 : i32
      %get3A_658 = arith.index_cast %add3A_657 : i32 to index
      %get3A_659 = arith.constant 48 : index
      %get3A_660 = tpu.vector_load %arg9[%get3A_658, %get3A_659] {strides = array<i32>} : memref<80x128xi32, #tpu.memory_space<vmem>>, vector<16xi32>,
      %bitcast3A_661 = vector.bitcast %get3A_660 : vector<16xi32> to vector<32xbf16>
      %mul3A_662 = arith.mulf %bitcast3A_655, %bitcast3A_661 : vector<32xbf16>
      %add3A_663 = arith.addf %add3A_649, %mul3A_662 : vector<32xbf16>
      %bitcast3A_664 = vector.bitcast %add3A_663 : vector<32xbf16> to vector<16xi32>
      tpu.vector_store_idx %arg13[%broadcast_in_dim3A_114, %and3A_55], %bitcast3A_664 : memref<16x16xi32, #tpu.memory_space<vmem>>[vector<16xi32>, vector<16xi32>], vector<16xi32>,
      %add3A_665 = arith.constant 9 : i32
      %add3A_666 = arith.addi %mul3A_162, %add3A_665 : i32
      %get3A_667 = arith.index_cast %add3A_666 : i32 to index
      %get3A_668 = arith.constant 0 : index
      %get3A_669 = tpu.vector_load %arg8[%get3A_667, %get3A_668] {strides = array<i32>} : memref<80x128xi32, #tpu.memory_space<vmem>>, vector<16xi32>,
      %bitcast3A_670 = vector.bitcast %get3A_669 : vector<16xi32> to vector<32xbf16>
      %add3A_671 = arith.constant 9 : i32
      %add3A_672 = arith.addi %mul3A_162, %add3A_671 : i32
      %get3A_673 = arith.index_cast %add3A_672 : i32 to index
      %get3A_674 = arith.constant 0 : index
      %get3A_675 = tpu.vector_load %arg9[%get3A_673, %get3A_674] {strides = array<i32>} : memref<80x128xi32, #tpu.memory_space<vmem>>, vector<16xi32>,
      %bitcast3A_676 = vector.bitcast %get3A_675 : vector<16xi32> to vector<32xbf16>
      %mul3A_677 = arith.mulf %bitcast3A_670, %bitcast3A_676 : vector<32xbf16>
      %add3A_678 = arith.constant 9 : i32
      %add3A_679 = arith.addi %mul3A_162, %add3A_678 : i32
      %get3A_680 = arith.index_cast %add3A_679 : i32 to index
      %get3A_681 = arith.constant 16 : index
      %get3A_682 = tpu.vector_load %arg8[%get3A_680, %get3A_681] {strides = array<i32>} : memref<80x128xi32, #tpu.memory_space<vmem>>, vector<16xi32>,
      %bitcast3A_683 = vector.bitcast %get3A_682 : vector<16xi32> to vector<32xbf16>
      %add3A_684 = arith.constant 9 : i32
      %add3A_685 = arith.addi %mul3A_162, %add3A_684 : i32
      %get3A_686 = arith.index_cast %add3A_685 : i32 to index
      %get3A_687 = arith.constant 16 : index
      %get3A_688 = tpu.vector_load %arg9[%get3A_686, %get3A_687] {strides = array<i32>} : memref<80x128xi32, #tpu.memory_space<vmem>>, vector<16xi32>,
      %bitcast3A_689 = vector.bitcast %get3A_688 : vector<16xi32> to vector<32xbf16>
      %mul3A_690 = arith.mulf %bitcast3A_683, %bitcast3A_689 : vector<32xbf16>
      %add3A_691 = arith.addf %mul3A_677, %mul3A_690 : vector<32xbf16>
      %add3A_692 = arith.constant 9 : i32
      %add3A_693 = arith.addi %mul3A_162, %add3A_692 : i32
      %get3A_694 = arith.index_cast %add3A_693 : i32 to index
      %get3A_695 = arith.constant 32 : index
      %get3A_696 = tpu.vector_load %arg8[%get3A_694, %get3A_695] {strides = array<i32>} : memref<80x128xi32, #tpu.memory_space<vmem>>, vector<16xi32>,
      %bitcast3A_697 = vector.bitcast %get3A_696 : vector<16xi32> to vector<32xbf16>
      %add3A_698 = arith.constant 9 : i32
      %add3A_699 = arith.addi %mul3A_162, %add3A_698 : i32
      %get3A_700 = arith.index_cast %add3A_699 : i32 to index
      %get3A_701 = arith.constant 32 : index
      %get3A_702 = tpu.vector_load %arg9[%get3A_700, %get3A_701] {strides = array<i32>} : memref<80x128xi32, #tpu.memory_space<vmem>>, vector<16xi32>,
      %bitcast3A_703 = vector.bitcast %get3A_702 : vector<16xi32> to vector<32xbf16>
      %mul3A_704 = arith.mulf %bitcast3A_697, %bitcast3A_703 : vector<32xbf16>
      %add3A_705 = arith.addf %add3A_691, %mul3A_704 : vector<32xbf16>
      %add3A_706 = arith.constant 9 : i32
      %add3A_707 = arith.addi %mul3A_162, %add3A_706 : i32
      %get3A_708 = arith.index_cast %add3A_707 : i32 to index
      %get3A_709 = arith.constant 48 : index
      %get3A_710 = tpu.vector_load %arg8[%get3A_708, %get3A_709] {strides = array<i32>} : memref<80x128xi32, #tpu.memory_space<vmem>>, vector<16xi32>,
      %bitcast3A_711 = vector.bitcast %get3A_710 : vector<16xi32> to vector<32xbf16>
      %add3A_712 = arith.constant 9 : i32
      %add3A_713 = arith.addi %mul3A_162, %add3A_712 : i32
      %get3A_714 = arith.index_cast %add3A_713 : i32 to index
      %get3A_715 = arith.constant 48 : index
      %get3A_716 = tpu.vector_load %arg9[%get3A_714, %get3A_715] {strides = array<i32>} : memref<80x128xi32, #tpu.memory_space<vmem>>, vector<16xi32>,
      %bitcast3A_717 = vector.bitcast %get3A_716 : vector<16xi32> to vector<32xbf16>
      %mul3A_718 = arith.mulf %bitcast3A_711, %bitcast3A_717 : vector<32xbf16>
      %add3A_719 = arith.addf %add3A_705, %mul3A_718 : vector<32xbf16>
      %bitcast3A_720 = vector.bitcast %add3A_719 : vector<32xbf16> to vector<16xi32>
      tpu.vector_store_idx %arg13[%broadcast_in_dim3A_116, %and3A_61], %bitcast3A_720 : memref<16x16xi32, #tpu.memory_space<vmem>>[vector<16xi32>, vector<16xi32>], vector<16xi32>,
      %add3A_721 = arith.constant 10 : i32
      %add3A_722 = arith.addi %mul3A_162, %add3A_721 : i32
      %get3A_723 = arith.index_cast %add3A_722 : i32 to index
      %get3A_724 = arith.constant 0 : index
      %get3A_725 = tpu.vector_load %arg8[%get3A_723, %get3A_724] {strides = array<i32>} : memref<80x128xi32, #tpu.memory_space<vmem>>, vector<16xi32>,
      %bitcast3A_726 = vector.bitcast %get3A_725 : vector<16xi32> to vector<32xbf16>
      %add3A_727 = arith.constant 10 : i32
      %add3A_728 = arith.addi %mul3A_162, %add3A_727 : i32
      %get3A_729 = arith.index_cast %add3A_728 : i32 to index
      %get3A_730 = arith.constant 0 : index
      %get3A_731 = tpu.vector_load %arg9[%get3A_729, %get3A_730] {strides = array<i32>} : memref<80x128xi32, #tpu.memory_space<vmem>>, vector<16xi32>,
      %bitcast3A_732 = vector.bitcast %get3A_731 : vector<16xi32> to vector<32xbf16>
      %mul3A_733 = arith.mulf %bitcast3A_726, %bitcast3A_732 : vector<32xbf16>
      %add3A_734 = arith.constant 10 : i32
      %add3A_735 = arith.addi %mul3A_162, %add3A_734 : i32
      %get3A_736 = arith.index_cast %add3A_735 : i32 to index
      %get3A_737 = arith.constant 16 : index
      %get3A_738 = tpu.vector_load %arg8[%get3A_736, %get3A_737] {strides = array<i32>} : memref<80x128xi32, #tpu.memory_space<vmem>>, vector<16xi32>,
      %bitcast3A_739 = vector.bitcast %get3A_738 : vector<16xi32> to vector<32xbf16>
      %add3A_740 = arith.constant 10 : i32
      %add3A_741 = arith.addi %mul3A_162, %add3A_740 : i32
      %get3A_742 = arith.index_cast %add3A_741 : i32 to index
      %get3A_743 = arith.constant 16 : index
      %get3A_744 = tpu.vector_load %arg9[%get3A_742, %get3A_743] {strides = array<i32>} : memref<80x128xi32, #tpu.memory_space<vmem>>, vector<16xi32>,
      %bitcast3A_745 = vector.bitcast %get3A_744 : vector<16xi32> to vector<32xbf16>
      %mul3A_746 = arith.mulf %bitcast3A_739, %bitcast3A_745 : vector<32xbf16>
      %add3A_747 = arith.addf %mul3A_733, %mul3A_746 : vector<32xbf16>
      %add3A_748 = arith.constant 10 : i32
      %add3A_749 = arith.addi %mul3A_162, %add3A_748 : i32
      %get3A_750 = arith.index_cast %add3A_749 : i32 to index
      %get3A_751 = arith.constant 32 : index
      %get3A_752 = tpu.vector_load %arg8[%get3A_750, %get3A_751] {strides = array<i32>} : memref<80x128xi32, #tpu.memory_space<vmem>>, vector<16xi32>,
      %bitcast3A_753 = vector.bitcast %get3A_752 : vector<16xi32> to vector<32xbf16>
      %add3A_754 = arith.constant 10 : i32
      %add3A_755 = arith.addi %mul3A_162, %add3A_754 : i32
      %get3A_756 = arith.index_cast %add3A_755 : i32 to index
      %get3A_757 = arith.constant 32 : index
      %get3A_758 = tpu.vector_load %arg9[%get3A_756, %get3A_757] {strides = array<i32>} : memref<80x128xi32, #tpu.memory_space<vmem>>, vector<16xi32>,
      %bitcast3A_759 = vector.bitcast %get3A_758 : vector<16xi32> to vector<32xbf16>
      %mul3A_760 = arith.mulf %bitcast3A_753, %bitcast3A_759 : vector<32xbf16>
      %add3A_761 = arith.addf %add3A_747, %mul3A_760 : vector<32xbf16>
      %add3A_762 = arith.constant 10 : i32
      %add3A_763 = arith.addi %mul3A_162, %add3A_762 : i32
      %get3A_764 = arith.index_cast %add3A_763 : i32 to index
      %get3A_765 = arith.constant 48 : index
      %get3A_766 = tpu.vector_load %arg8[%get3A_764, %get3A_765] {strides = array<i32>} : memref<80x128xi32, #tpu.memory_space<vmem>>, vector<16xi32>,
      %bitcast3A_767 = vector.bitcast %get3A_766 : vector<16xi32> to vector<32xbf16>
      %add3A_768 = arith.constant 10 : i32
      %add3A_769 = arith.addi %mul3A_162, %add3A_768 : i32
      %get3A_770 = arith.index_cast %add3A_769 : i32 to index
      %get3A_771 = arith.constant 48 : index
      %get3A_772 = tpu.vector_load %arg9[%get3A_770, %get3A_771] {strides = array<i32>} : memref<80x128xi32, #tpu.memory_space<vmem>>, vector<16xi32>,
      %bitcast3A_773 = vector.bitcast %get3A_772 : vector<16xi32> to vector<32xbf16>
      %mul3A_774 = arith.mulf %bitcast3A_767, %bitcast3A_773 : vector<32xbf16>
      %add3A_775 = arith.addf %add3A_761, %mul3A_774 : vector<32xbf16>
      %bitcast3A_776 = vector.bitcast %add3A_775 : vector<32xbf16> to vector<16xi32>
      tpu.vector_store_idx %arg13[%broadcast_in_dim3A_118, %and3A_67], %bitcast3A_776 : memref<16x16xi32, #tpu.memory_space<vmem>>[vector<16xi32>, vector<16xi32>], vector<16xi32>,
      %add3A_777 = arith.constant 11 : i32
      %add3A_778 = arith.addi %mul3A_162, %add3A_777 : i32
      %get3A_779 = arith.index_cast %add3A_778 : i32 to index
      %get3A_780 = arith.constant 0 : index
      %get3A_781 = tpu.vector_load %arg8[%get3A_779, %get3A_780] {strides = array<i32>} : memref<80x128xi32, #tpu.memory_space<vmem>>, vector<16xi32>,
      %bitcast3A_782 = vector.bitcast %get3A_781 : vector<16xi32> to vector<32xbf16>
      %add3A_783 = arith.constant 11 : i32
      %add3A_784 = arith.addi %mul3A_162, %add3A_783 : i32
      %get3A_785 = arith.index_cast %add3A_784 : i32 to index
      %get3A_786 = arith.constant 0 : index
      %get3A_787 = tpu.vector_load %arg9[%get3A_785, %get3A_786] {strides = array<i32>} : memref<80x128xi32, #tpu.memory_space<vmem>>, vector<16xi32>,
      %bitcast3A_788 = vector.bitcast %get3A_787 : vector<16xi32> to vector<32xbf16>
      %mul3A_789 = arith.mulf %bitcast3A_782, %bitcast3A_788 : vector<32xbf16>
      %add3A_790 = arith.constant 11 : i32
      %add3A_791 = arith.addi %mul3A_162, %add3A_790 : i32
      %get3A_792 = arith.index_cast %add3A_791 : i32 to index
      %get3A_793 = arith.constant 16 : index
      %get3A_794 = tpu.vector_load %arg8[%get3A_792, %get3A_793] {strides = array<i32>} : memref<80x128xi32, #tpu.memory_space<vmem>>, vector<16xi32>,
      %bitcast3A_795 = vector.bitcast %get3A_794 : vector<16xi32> to vector<32xbf16>
      %add3A_796 = arith.constant 11 : i32
      %add3A_797 = arith.addi %mul3A_162, %add3A_796 : i32
      %get3A_798 = arith.index_cast %add3A_797 : i32 to index
      %get3A_799 = arith.constant 16 : index
      %get3A_800 = tpu.vector_load %arg9[%get3A_798, %get3A_799] {strides = array<i32>} : memref<80x128xi32, #tpu.memory_space<vmem>>, vector<16xi32>,
      %bitcast3A_801 = vector.bitcast %get3A_800 : vector<16xi32> to vector<32xbf16>
      %mul3A_802 = arith.mulf %bitcast3A_795, %bitcast3A_801 : vector<32xbf16>
      %add3A_803 = arith.addf %mul3A_789, %mul3A_802 : vector<32xbf16>
      %add3A_804 = arith.constant 11 : i32
      %add3A_805 = arith.addi %mul3A_162, %add3A_804 : i32
      %get3A_806 = arith.index_cast %add3A_805 : i32 to index
      %get3A_807 = arith.constant 32 : index
      %get3A_808 = tpu.vector_load %arg8[%get3A_806, %get3A_807] {strides = array<i32>} : memref<80x128xi32, #tpu.memory_space<vmem>>, vector<16xi32>,
      %bitcast3A_809 = vector.bitcast %get3A_808 : vector<16xi32> to vector<32xbf16>
      %add3A_810 = arith.constant 11 : i32
      %add3A_811 = arith.addi %mul3A_162, %add3A_810 : i32
      %get3A_812 = arith.index_cast %add3A_811 : i32 to index
      %get3A_813 = arith.constant 32 : index
      %get3A_814 = tpu.vector_load %arg9[%get3A_812, %get3A_813] {strides = array<i32>} : memref<80x128xi32, #tpu.memory_space<vmem>>, vector<16xi32>,
      %bitcast3A_815 = vector.bitcast %get3A_814 : vector<16xi32> to vector<32xbf16>
      %mul3A_816 = arith.mulf %bitcast3A_809, %bitcast3A_815 : vector<32xbf16>
      %add3A_817 = arith.addf %add3A_803, %mul3A_816 : vector<32xbf16>
      %add3A_818 = arith.constant 11 : i32
      %add3A_819 = arith.addi %mul3A_162, %add3A_818 : i32
      %get3A_820 = arith.index_cast %add3A_819 : i32 to index
      %get3A_821 = arith.constant 48 : index
      %get3A_822 = tpu.vector_load %arg8[%get3A_820, %get3A_821] {strides = array<i32>} : memref<80x128xi32, #tpu.memory_space<vmem>>, vector<16xi32>,
      %bitcast3A_823 = vector.bitcast %get3A_822 : vector<16xi32> to vector<32xbf16>
      %add3A_824 = arith.constant 11 : i32
      %add3A_825 = arith.addi %mul3A_162, %add3A_824 : i32
      %get3A_826 = arith.index_cast %add3A_825 : i32 to index
      %get3A_827 = arith.constant 48 : index
      %get3A_828 = tpu.vector_load %arg9[%get3A_826, %get3A_827] {strides = array<i32>} : memref<80x128xi32, #tpu.memory_space<vmem>>, vector<16xi32>,
      %bitcast3A_829 = vector.bitcast %get3A_828 : vector<16xi32> to vector<32xbf16>
      %mul3A_830 = arith.mulf %bitcast3A_823, %bitcast3A_829 : vector<32xbf16>
      %add3A_831 = arith.addf %add3A_817, %mul3A_830 : vector<32xbf16>
      %bitcast3A_832 = vector.bitcast %add3A_831 : vector<32xbf16> to vector<16xi32>
      tpu.vector_store_idx %arg13[%broadcast_in_dim3A_120, %and3A_73], %bitcast3A_832 : memref<16x16xi32, #tpu.memory_space<vmem>>[vector<16xi32>, vector<16xi32>], vector<16xi32>,
      %add3A_833 = arith.constant 12 : i32
      %add3A_834 = arith.addi %mul3A_162, %add3A_833 : i32
      %get3A_835 = arith.index_cast %add3A_834 : i32 to index
      %get3A_836 = arith.constant 0 : index
      %get3A_837 = tpu.vector_load %arg8[%get3A_835, %get3A_836] {strides = array<i32>} : memref<80x128xi32, #tpu.memory_space<vmem>>, vector<16xi32>,
      %bitcast3A_838 = vector.bitcast %get3A_837 : vector<16xi32> to vector<32xbf16>
      %add3A_839 = arith.constant 12 : i32
      %add3A_840 = arith.addi %mul3A_162, %add3A_839 : i32
      %get3A_841 = arith.index_cast %add3A_840 : i32 to index
      %get3A_842 = arith.constant 0 : index
      %get3A_843 = tpu.vector_load %arg9[%get3A_841, %get3A_842] {strides = array<i32>} : memref<80x128xi32, #tpu.memory_space<vmem>>, vector<16xi32>,
      %bitcast3A_844 = vector.bitcast %get3A_843 : vector<16xi32> to vector<32xbf16>
      %mul3A_845 = arith.mulf %bitcast3A_838, %bitcast3A_844 : vector<32xbf16>
      %add3A_846 = arith.constant 12 : i32
      %add3A_847 = arith.addi %mul3A_162, %add3A_846 : i32
      %get3A_848 = arith.index_cast %add3A_847 : i32 to index
      %get3A_849 = arith.constant 16 : index
      %get3A_850 = tpu.vector_load %arg8[%get3A_848, %get3A_849] {strides = array<i32>} : memref<80x128xi32, #tpu.memory_space<vmem>>, vector<16xi32>,
      %bitcast3A_851 = vector.bitcast %get3A_850 : vector<16xi32> to vector<32xbf16>
      %add3A_852 = arith.constant 12 : i32
      %add3A_853 = arith.addi %mul3A_162, %add3A_852 : i32
      %get3A_854 = arith.index_cast %add3A_853 : i32 to index
      %get3A_855 = arith.constant 16 : index
      %get3A_856 = tpu.vector_load %arg9[%get3A_854, %get3A_855] {strides = array<i32>} : memref<80x128xi32, #tpu.memory_space<vmem>>, vector<16xi32>,
      %bitcast3A_857 = vector.bitcast %get3A_856 : vector<16xi32> to vector<32xbf16>
      %mul3A_858 = arith.mulf %bitcast3A_851, %bitcast3A_857 : vector<32xbf16>
      %add3A_859 = arith.addf %mul3A_845, %mul3A_858 : vector<32xbf16>
      %add3A_860 = arith.constant 12 : i32
      %add3A_861 = arith.addi %mul3A_162, %add3A_860 : i32
      %get3A_862 = arith.index_cast %add3A_861 : i32 to index
      %get3A_863 = arith.constant 32 : index
      %get3A_864 = tpu.vector_load %arg8[%get3A_862, %get3A_863] {strides = array<i32>} : memref<80x128xi32, #tpu.memory_space<vmem>>, vector<16xi32>,
      %bitcast3A_865 = vector.bitcast %get3A_864 : vector<16xi32> to vector<32xbf16>
      %add3A_866 = arith.constant 12 : i32
      %add3A_867 = arith.addi %mul3A_162, %add3A_866 : i32
      %get3A_868 = arith.index_cast %add3A_867 : i32 to index
      %get3A_869 = arith.constant 32 : index
      %get3A_870 = tpu.vector_load %arg9[%get3A_868, %get3A_869] {strides = array<i32>} : memref<80x128xi32, #tpu.memory_space<vmem>>, vector<16xi32>,
      %bitcast3A_871 = vector.bitcast %get3A_870 : vector<16xi32> to vector<32xbf16>
      %mul3A_872 = arith.mulf %bitcast3A_865, %bitcast3A_871 : vector<32xbf16>
      %add3A_873 = arith.addf %add3A_859, %mul3A_872 : vector<32xbf16>
      %add3A_874 = arith.constant 12 : i32
      %add3A_875 = arith.addi %mul3A_162, %add3A_874 : i32
      %get3A_876 = arith.index_cast %add3A_875 : i32 to index
      %get3A_877 = arith.constant 48 : index
      %get3A_878 = tpu.vector_load %arg8[%get3A_876, %get3A_877] {strides = array<i32>} : memref<80x128xi32, #tpu.memory_space<vmem>>, vector<16xi32>,
      %bitcast3A_879 = vector.bitcast %get3A_878 : vector<16xi32> to vector<32xbf16>
      %add3A_880 = arith.constant 12 : i32
      %add3A_881 = arith.addi %mul3A_162, %add3A_880 : i32
      %get3A_882 = arith.index_cast %add3A_881 : i32 to index
      %get3A_883 = arith.constant 48 : index
      %get3A_884 = tpu.vector_load %arg9[%get3A_882, %get3A_883] {strides = array<i32>} : memref<80x128xi32, #tpu.memory_space<vmem>>, vector<16xi32>,
      %bitcast3A_885 = vector.bitcast %get3A_884 : vector<16xi32> to vector<32xbf16>
      %mul3A_886 = arith.mulf %bitcast3A_879, %bitcast3A_885 : vector<32xbf16>
      %add3A_887 = arith.addf %add3A_873, %mul3A_886 : vector<32xbf16>
      %bitcast3A_888 = vector.bitcast %add3A_887 : vector<32xbf16> to vector<16xi32>
      tpu.vector_store_idx %arg13[%broadcast_in_dim3A_122, %and3A_79], %bitcast3A_888 : memref<16x16xi32, #tpu.memory_space<vmem>>[vector<16xi32>, vector<16xi32>], vector<16xi32>,
      %add3A_889 = arith.constant 13 : i32
      %add3A_890 = arith.addi %mul3A_162, %add3A_889 : i32
      %get3A_891 = arith.index_cast %add3A_890 : i32 to index
      %get3A_892 = arith.constant 0 : index
      %get3A_893 = tpu.vector_load %arg8[%get3A_891, %get3A_892] {strides = array<i32>} : memref<80x128xi32, #tpu.memory_space<vmem>>, vector<16xi32>,
      %bitcast3A_894 = vector.bitcast %get3A_893 : vector<16xi32> to vector<32xbf16>
      %add3A_895 = arith.constant 13 : i32
      %add3A_896 = arith.addi %mul3A_162, %add3A_895 : i32
      %get3A_897 = arith.index_cast %add3A_896 : i32 to index
      %get3A_898 = arith.constant 0 : index
      %get3A_899 = tpu.vector_load %arg9[%get3A_897, %get3A_898] {strides = array<i32>} : memref<80x128xi32, #tpu.memory_space<vmem>>, vector<16xi32>,
      %bitcast3A_900 = vector.bitcast %get3A_899 : vector<16xi32> to vector<32xbf16>
      %mul3A_901 = arith.mulf %bitcast3A_894, %bitcast3A_900 : vector<32xbf16>
      %add3A_902 = arith.constant 13 : i32
      %add3A_903 = arith.addi %mul3A_162, %add3A_902 : i32
      %get3A_904 = arith.index_cast %add3A_903 : i32 to index
      %get3A_905 = arith.constant 16 : index
      %get3A_906 = tpu.vector_load %arg8[%get3A_904, %get3A_905] {strides = array<i32>} : memref<80x128xi32, #tpu.memory_space<vmem>>, vector<16xi32>,
      %bitcast3A_907 = vector.bitcast %get3A_906 : vector<16xi32> to vector<32xbf16>
      %add3A_908 = arith.constant 13 : i32
      %add3A_909 = arith.addi %mul3A_162, %add3A_908 : i32
      %get3A_910 = arith.index_cast %add3A_909 : i32 to index
      %get3A_911 = arith.constant 16 : index
      %get3A_912 = tpu.vector_load %arg9[%get3A_910, %get3A_911] {strides = array<i32>} : memref<80x128xi32, #tpu.memory_space<vmem>>, vector<16xi32>,
      %bitcast3A_913 = vector.bitcast %get3A_912 : vector<16xi32> to vector<32xbf16>
      %mul3A_914 = arith.mulf %bitcast3A_907, %bitcast3A_913 : vector<32xbf16>
      %add3A_915 = arith.addf %mul3A_901, %mul3A_914 : vector<32xbf16>
      %add3A_916 = arith.constant 13 : i32
      %add3A_917 = arith.addi %mul3A_162, %add3A_916 : i32
      %get3A_918 = arith.index_cast %add3A_917 : i32 to index
      %get3A_919 = arith.constant 32 : index
      %get3A_920 = tpu.vector_load %arg8[%get3A_918, %get3A_919] {strides = array<i32>} : memref<80x128xi32, #tpu.memory_space<vmem>>, vector<16xi32>,
      %bitcast3A_921 = vector.bitcast %get3A_920 : vector<16xi32> to vector<32xbf16>
      %add3A_922 = arith.constant 13 : i32
      %add3A_923 = arith.addi %mul3A_162, %add3A_922 : i32
      %get3A_924 = arith.index_cast %add3A_923 : i32 to index
      %get3A_925 = arith.constant 32 : index
      %get3A_926 = tpu.vector_load %arg9[%get3A_924, %get3A_925] {strides = array<i32>} : memref<80x128xi32, #tpu.memory_space<vmem>>, vector<16xi32>,
      %bitcast3A_927 = vector.bitcast %get3A_926 : vector<16xi32> to vector<32xbf16>
      %mul3A_928 = arith.mulf %bitcast3A_921, %bitcast3A_927 : vector<32xbf16>
      %add3A_929 = arith.addf %add3A_915, %mul3A_928 : vector<32xbf16>
      %add3A_930 = arith.constant 13 : i32
      %add3A_931 = arith.addi %mul3A_162, %add3A_930 : i32
      %get3A_932 = arith.index_cast %add3A_931 : i32 to index
      %get3A_933 = arith.constant 48 : index
      %get3A_934 = tpu.vector_load %arg8[%get3A_932, %get3A_933] {strides = array<i32>} : memref<80x128xi32, #tpu.memory_space<vmem>>, vector<16xi32>,
      %bitcast3A_935 = vector.bitcast %get3A_934 : vector<16xi32> to vector<32xbf16>
      %add3A_936 = arith.constant 13 : i32
      %add3A_937 = arith.addi %mul3A_162, %add3A_936 : i32
      %get3A_938 = arith.index_cast %add3A_937 : i32 to index
      %get3A_939 = arith.constant 48 : index
      %get3A_940 = tpu.vector_load %arg9[%get3A_938, %get3A_939] {strides = array<i32>} : memref<80x128xi32, #tpu.memory_space<vmem>>, vector<16xi32>,
      %bitcast3A_941 = vector.bitcast %get3A_940 : vector<16xi32> to vector<32xbf16>
      %mul3A_942 = arith.mulf %bitcast3A_935, %bitcast3A_941 : vector<32xbf16>
      %add3A_943 = arith.addf %add3A_929, %mul3A_942 : vector<32xbf16>
      %bitcast3A_944 = vector.bitcast %add3A_943 : vector<32xbf16> to vector<16xi32>
      tpu.vector_store_idx %arg13[%broadcast_in_dim3A_124, %and3A_85], %bitcast3A_944 : memref<16x16xi32, #tpu.memory_space<vmem>>[vector<16xi32>, vector<16xi32>], vector<16xi32>,
      %add3A_945 = arith.constant 14 : i32
      %add3A_946 = arith.addi %mul3A_162, %add3A_945 : i32
      %get3A_947 = arith.index_cast %add3A_946 : i32 to index
      %get3A_948 = arith.constant 0 : index
      %get3A_949 = tpu.vector_load %arg8[%get3A_947, %get3A_948] {strides = array<i32>} : memref<80x128xi32, #tpu.memory_space<vmem>>, vector<16xi32>,
      %bitcast3A_950 = vector.bitcast %get3A_949 : vector<16xi32> to vector<32xbf16>
      %add3A_951 = arith.constant 14 : i32
      %add3A_952 = arith.addi %mul3A_162, %add3A_951 : i32
      %get3A_953 = arith.index_cast %add3A_952 : i32 to index
      %get3A_954 = arith.constant 0 : index
      %get3A_955 = tpu.vector_load %arg9[%get3A_953, %get3A_954] {strides = array<i32>} : memref<80x128xi32, #tpu.memory_space<vmem>>, vector<16xi32>,
      %bitcast3A_956 = vector.bitcast %get3A_955 : vector<16xi32> to vector<32xbf16>
      %mul3A_957 = arith.mulf %bitcast3A_950, %bitcast3A_956 : vector<32xbf16>
      %add3A_958 = arith.constant 14 : i32
      %add3A_959 = arith.addi %mul3A_162, %add3A_958 : i32
      %get3A_960 = arith.index_cast %add3A_959 : i32 to index
      %get3A_961 = arith.constant 16 : index
      %get3A_962 = tpu.vector_load %arg8[%get3A_960, %get3A_961] {strides = array<i32>} : memref<80x128xi32, #tpu.memory_space<vmem>>, vector<16xi32>,
      %bitcast3A_963 = vector.bitcast %get3A_962 : vector<16xi32> to vector<32xbf16>
      %add3A_964 = arith.constant 14 : i32
      %add3A_965 = arith.addi %mul3A_162, %add3A_964 : i32
      %get3A_966 = arith.index_cast %add3A_965 : i32 to index
      %get3A_967 = arith.constant 16 : index
      %get3A_968 = tpu.vector_load %arg9[%get3A_966, %get3A_967] {strides = array<i32>} : memref<80x128xi32, #tpu.memory_space<vmem>>, vector<16xi32>,
      %bitcast3A_969 = vector.bitcast %get3A_968 : vector<16xi32> to vector<32xbf16>
      %mul3A_970 = arith.mulf %bitcast3A_963, %bitcast3A_969 : vector<32xbf16>
      %add3A_971 = arith.addf %mul3A_957, %mul3A_970 : vector<32xbf16>
      %add3A_972 = arith.constant 14 : i32
      %add3A_973 = arith.addi %mul3A_162, %add3A_972 : i32
      %get3A_974 = arith.index_cast %add3A_973 : i32 to index
      %get3A_975 = arith.constant 32 : index
      %get3A_976 = tpu.vector_load %arg8[%get3A_974, %get3A_975] {strides = array<i32>} : memref<80x128xi32, #tpu.memory_space<vmem>>, vector<16xi32>,
      %bitcast3A_977 = vector.bitcast %get3A_976 : vector<16xi32> to vector<32xbf16>
      %add3A_978 = arith.constant 14 : i32
      %add3A_979 = arith.addi %mul3A_162, %add3A_978 : i32
      %get3A_980 = arith.index_cast %add3A_979 : i32 to index
      %get3A_981 = arith.constant 32 : index
      %get3A_982 = tpu.vector_load %arg9[%get3A_980, %get3A_981] {strides = array<i32>} : memref<80x128xi32, #tpu.memory_space<vmem>>, vector<16xi32>,
      %bitcast3A_983 = vector.bitcast %get3A_982 : vector<16xi32> to vector<32xbf16>
      %mul3A_984 = arith.mulf %bitcast3A_977, %bitcast3A_983 : vector<32xbf16>
      %add3A_985 = arith.addf %add3A_971, %mul3A_984 : vector<32xbf16>
      %add3A_986 = arith.constant 14 : i32
      %add3A_987 = arith.addi %mul3A_162, %add3A_986 : i32
      %get3A_988 = arith.index_cast %add3A_987 : i32 to index
      %get3A_989 = arith.constant 48 : index
      %get3A_990 = tpu.vector_load %arg8[%get3A_988, %get3A_989] {strides = array<i32>} : memref<80x128xi32, #tpu.memory_space<vmem>>, vector<16xi32>,
      %bitcast3A_991 = vector.bitcast %get3A_990 : vector<16xi32> to vector<32xbf16>
      %add3A_992 = arith.constant 14 : i32
      %add3A_993 = arith.addi %mul3A_162, %add3A_992 : i32
      %get3A_994 = arith.index_cast %add3A_993 : i32 to index
      %get3A_995 = arith.constant 48 : index
      %get3A_996 = tpu.vector_load %arg9[%get3A_994, %get3A_995] {strides = array<i32>} : memref<80x128xi32, #tpu.memory_space<vmem>>, vector<16xi32>,
      %bitcast3A_997 = vector.bitcast %get3A_996 : vector<16xi32> to vector<32xbf16>
      %mul3A_998 = arith.mulf %bitcast3A_991, %bitcast3A_997 : vector<32xbf16>
      %add3A_999 = arith.addf %add3A_985, %mul3A_998 : vector<32xbf16>
      %bitcast3A_1000 = vector.bitcast %add3A_999 : vector<32xbf16> to vector<16xi32>
      tpu.vector_store_idx %arg13[%broadcast_in_dim3A_126, %and3A_91], %bitcast3A_1000 : memref<16x16xi32, #tpu.memory_space<vmem>>[vector<16xi32>, vector<16xi32>], vector<16xi32>,
      %add3A_1001 = arith.constant 15 : i32
      %add3A_1002 = arith.addi %mul3A_162, %add3A_1001 : i32
      %get3A_1003 = arith.index_cast %add3A_1002 : i32 to index
      %get3A_1004 = arith.constant 0 : index
      %get3A_1005 = tpu.vector_load %arg8[%get3A_1003, %get3A_1004] {strides = array<i32>} : memref<80x128xi32, #tpu.memory_space<vmem>>, vector<16xi32>,
      %bitcast3A_1006 = vector.bitcast %get3A_1005 : vector<16xi32> to vector<32xbf16>
      %add3A_1007 = arith.constant 15 : i32
      %add3A_1008 = arith.addi %mul3A_162, %add3A_1007 : i32
      %get3A_1009 = arith.index_cast %add3A_1008 : i32 to index
      %get3A_1010 = arith.constant 0 : index
      %get3A_1011 = tpu.vector_load %arg9[%get3A_1009, %get3A_1010] {strides = array<i32>} : memref<80x128xi32, #tpu.memory_space<vmem>>, vector<16xi32>,
      %bitcast3A_1012 = vector.bitcast %get3A_1011 : vector<16xi32> to vector<32xbf16>
      %mul3A_1013 = arith.mulf %bitcast3A_1006, %bitcast3A_1012 : vector<32xbf16>
      %add3A_1014 = arith.constant 15 : i32
      %add3A_1015 = arith.addi %mul3A_162, %add3A_1014 : i32
      %get3A_1016 = arith.index_cast %add3A_1015 : i32 to index
      %get3A_1017 = arith.constant 16 : index
      %get3A_1018 = tpu.vector_load %arg8[%get3A_1016, %get3A_1017] {strides = array<i32>} : memref<80x128xi32, #tpu.memory_space<vmem>>, vector<16xi32>,
      %bitcast3A_1019 = vector.bitcast %get3A_1018 : vector<16xi32> to vector<32xbf16>
      %add3A_1020 = arith.constant 15 : i32
      %add3A_1021 = arith.addi %mul3A_162, %add3A_1020 : i32
      %get3A_1022 = arith.index_cast %add3A_1021 : i32 to index
      %get3A_1023 = arith.constant 16 : index
      %get3A_1024 = tpu.vector_load %arg9[%get3A_1022, %get3A_1023] {strides = array<i32>} : memref<80x128xi32, #tpu.memory_space<vmem>>, vector<16xi32>,
      %bitcast3A_1025 = vector.bitcast %get3A_1024 : vector<16xi32> to vector<32xbf16>
      %mul3A_1026 = arith.mulf %bitcast3A_1019, %bitcast3A_1025 : vector<32xbf16>
      %add3A_1027 = arith.addf %mul3A_1013, %mul3A_1026 : vector<32xbf16>
      %add3A_1028 = arith.constant 15 : i32
      %add3A_1029 = arith.addi %mul3A_162, %add3A_1028 : i32
      %get3A_1030 = arith.index_cast %add3A_1029 : i32 to index
      %get3A_1031 = arith.constant 32 : index
      %get3A_1032 = tpu.vector_load %arg8[%get3A_1030, %get3A_1031] {strides = array<i32>} : memref<80x128xi32, #tpu.memory_space<vmem>>, vector<16xi32>,
      %bitcast3A_1033 = vector.bitcast %get3A_1032 : vector<16xi32> to vector<32xbf16>
      %add3A_1034 = arith.constant 15 : i32
      %add3A_1035 = arith.addi %mul3A_162, %add3A_1034 : i32
      %get3A_1036 = arith.index_cast %add3A_1035 : i32 to index
      %get3A_1037 = arith.constant 32 : index
      %get3A_1038 = tpu.vector_load %arg9[%get3A_1036, %get3A_1037] {strides = array<i32>} : memref<80x128xi32, #tpu.memory_space<vmem>>, vector<16xi32>,
      %bitcast3A_1039 = vector.bitcast %get3A_1038 : vector<16xi32> to vector<32xbf16>
      %mul3A_1040 = arith.mulf %bitcast3A_1033, %bitcast3A_1039 : vector<32xbf16>
      %add3A_1041 = arith.addf %add3A_1027, %mul3A_1040 : vector<32xbf16>
      %add3A_1042 = arith.constant 15 : i32
      %add3A_1043 = arith.addi %mul3A_162, %add3A_1042 : i32
      %get3A_1044 = arith.index_cast %add3A_1043 : i32 to index
      %get3A_1045 = arith.constant 48 : index
      %get3A_1046 = tpu.vector_load %arg8[%get3A_1044, %get3A_1045] {strides = array<i32>} : memref<80x128xi32, #tpu.memory_space<vmem>>, vector<16xi32>,
      %bitcast3A_1047 = vector.bitcast %get3A_1046 : vector<16xi32> to vector<32xbf16>
      %add3A_1048 = arith.constant 15 : i32
      %add3A_1049 = arith.addi %mul3A_162, %add3A_1048 : i32
      %get3A_1050 = arith.index_cast %add3A_1049 : i32 to index
      %get3A_1051 = arith.constant 48 : index
      %get3A_1052 = tpu.vector_load %arg9[%get3A_1050, %get3A_1051] {strides = array<i32>} : memref<80x128xi32, #tpu.memory_space<vmem>>, vector<16xi32>,
      %bitcast3A_1053 = vector.bitcast %get3A_1052 : vector<16xi32> to vector<32xbf16>
      %mul3A_1054 = arith.mulf %bitcast3A_1047, %bitcast3A_1053 : vector<32xbf16>
      %add3A_1055 = arith.addf %add3A_1041, %mul3A_1054 : vector<32xbf16>
      %bitcast3A_1056 = vector.bitcast %add3A_1055 : vector<32xbf16> to vector<16xi32>
      tpu.vector_store_idx %arg13[%broadcast_in_dim3A_128, %and3A_97], %bitcast3A_1056 : memref<16x16xi32, #tpu.memory_space<vmem>>[vector<16xi32>, vector<16xi32>], vector<16xi32>,
      %gather3A = tpu.vector_load_idx %arg13[%iota3A, %and3A_7] : memref<16x16xi32, #tpu.memory_space<vmem>>[vector<16xi32>, vector<16xi32>], vector<16xi32>,
      %bitcast3A_1057 = vector.bitcast %gather3A : vector<16xi32> to vector<32xbf16>
      %gather3A_1058 = tpu.vector_load_idx %arg13[%iota3A, %and3A_13] : memref<16x16xi32, #tpu.memory_space<vmem>>[vector<16xi32>, vector<16xi32>], vector<16xi32>,
      %bitcast3A_1059 = vector.bitcast %gather3A_1058 : vector<16xi32> to vector<32xbf16>
      %gather3A_1060 = tpu.vector_load_idx %arg13[%iota3A, %and3A_19] : memref<16x16xi32, #tpu.memory_space<vmem>>[vector<16xi32>, vector<16xi32>], vector<16xi32>,
      %bitcast3A_1061 = vector.bitcast %gather3A_1060 : vector<16xi32> to vector<32xbf16>
      %gather3A_1062 = tpu.vector_load_idx %arg13[%iota3A, %and3A_25] : memref<16x16xi32, #tpu.memory_space<vmem>>[vector<16xi32>, vector<16xi32>], vector<16xi32>,
      %bitcast3A_1063 = vector.bitcast %gather3A_1062 : vector<16xi32> to vector<32xbf16>
      %gather3A_1064 = tpu.vector_load_idx %arg13[%iota3A, %and3A_31] : memref<16x16xi32, #tpu.memory_space<vmem>>[vector<16xi32>, vector<16xi32>], vector<16xi32>,
      %bitcast3A_1065 = vector.bitcast %gather3A_1064 : vector<16xi32> to vector<32xbf16>
      %gather3A_1066 = tpu.vector_load_idx %arg13[%iota3A, %and3A_37] : memref<16x16xi32, #tpu.memory_space<vmem>>[vector<16xi32>, vector<16xi32>], vector<16xi32>,
      %bitcast3A_1067 = vector.bitcast %gather3A_1066 : vector<16xi32> to vector<32xbf16>
      %gather3A_1068 = tpu.vector_load_idx %arg13[%iota3A, %and3A_43] : memref<16x16xi32, #tpu.memory_space<vmem>>[vector<16xi32>, vector<16xi32>], vector<16xi32>,
      %bitcast3A_1069 = vector.bitcast %gather3A_1068 : vector<16xi32> to vector<32xbf16>
      %gather3A_1070 = tpu.vector_load_idx %arg13[%iota3A, %and3A_49] : memref<16x16xi32, #tpu.memory_space<vmem>>[vector<16xi32>, vector<16xi32>], vector<16xi32>,
      %bitcast3A_1071 = vector.bitcast %gather3A_1070 : vector<16xi32> to vector<32xbf16>
      %gather3A_1072 = tpu.vector_load_idx %arg13[%iota3A, %and3A_55] : memref<16x16xi32, #tpu.memory_space<vmem>>[vector<16xi32>, vector<16xi32>], vector<16xi32>,
      %bitcast3A_1073 = vector.bitcast %gather3A_1072 : vector<16xi32> to vector<32xbf16>
      %gather3A_1074 = tpu.vector_load_idx %arg13[%iota3A, %and3A_61] : memref<16x16xi32, #tpu.memory_space<vmem>>[vector<16xi32>, vector<16xi32>], vector<16xi32>,
      %bitcast3A_1075 = vector.bitcast %gather3A_1074 : vector<16xi32> to vector<32xbf16>
      %gather3A_1076 = tpu.vector_load_idx %arg13[%iota3A, %and3A_67] : memref<16x16xi32, #tpu.memory_space<vmem>>[vector<16xi32>, vector<16xi32>], vector<16xi32>,
      %bitcast3A_1077 = vector.bitcast %gather3A_1076 : vector<16xi32> to vector<32xbf16>
      %gather3A_1078 = tpu.vector_load_idx %arg13[%iota3A, %and3A_73] : memref<16x16xi32, #tpu.memory_space<vmem>>[vector<16xi32>, vector<16xi32>], vector<16xi32>,
      %bitcast3A_1079 = vector.bitcast %gather3A_1078 : vector<16xi32> to vector<32xbf16>
      %gather3A_1080 = tpu.vector_load_idx %arg13[%iota3A, %and3A_79] : memref<16x16xi32, #tpu.memory_space<vmem>>[vector<16xi32>, vector<16xi32>], vector<16xi32>,
      %bitcast3A_1081 = vector.bitcast %gather3A_1080 : vector<16xi32> to vector<32xbf16>
      %gather3A_1082 = tpu.vector_load_idx %arg13[%iota3A, %and3A_85] : memref<16x16xi32, #tpu.memory_space<vmem>>[vector<16xi32>, vector<16xi32>], vector<16xi32>,
      %bitcast3A_1083 = vector.bitcast %gather3A_1082 : vector<16xi32> to vector<32xbf16>
      %gather3A_1084 = tpu.vector_load_idx %arg13[%iota3A, %and3A_91] : memref<16x16xi32, #tpu.memory_space<vmem>>[vector<16xi32>, vector<16xi32>], vector<16xi32>,
      %bitcast3A_1085 = vector.bitcast %gather3A_1084 : vector<16xi32> to vector<32xbf16>
      %gather3A_1086 = tpu.vector_load_idx %arg13[%iota3A, %and3A_97] : memref<16x16xi32, #tpu.memory_space<vmem>>[vector<16xi32>, vector<16xi32>], vector<16xi32>,
      %bitcast3A_1087 = vector.bitcast %gather3A_1086 : vector<16xi32> to vector<32xbf16>
      %add3A_1088 = arith.addf %bitcast3A_1057, %bitcast3A_1059 : vector<32xbf16>
      %add3A_1089 = arith.addf %bitcast3A_1061, %bitcast3A_1063 : vector<32xbf16>
      %add3A_1090 = arith.addf %bitcast3A_1065, %bitcast3A_1067 : vector<32xbf16>
      %add3A_1091 = arith.addf %bitcast3A_1069, %bitcast3A_1071 : vector<32xbf16>
      %add3A_1092 = arith.addf %bitcast3A_1073, %bitcast3A_1075 : vector<32xbf16>
      %add3A_1093 = arith.addf %bitcast3A_1077, %bitcast3A_1079 : vector<32xbf16>
      %add3A_1094 = arith.addf %bitcast3A_1081, %bitcast3A_1083 : vector<32xbf16>
      %add3A_1095 = arith.addf %bitcast3A_1085, %bitcast3A_1087 : vector<32xbf16>
      %add3A_1096 = arith.addf %add3A_1088, %add3A_1089 : vector<32xbf16>
      %add3A_1097 = arith.addf %add3A_1090, %add3A_1091 : vector<32xbf16>
      %add3A_1098 = arith.addf %add3A_1092, %add3A_1093 : vector<32xbf16>
      %add3A_1099 = arith.addf %add3A_1094, %add3A_1095 : vector<32xbf16>
      %add3A_1100 = arith.addf %add3A_1096, %add3A_1097 : vector<32xbf16>
      %add3A_1101 = arith.addf %add3A_1098, %add3A_1099 : vector<32xbf16>
      %add3A_1102 = arith.addf %add3A_1100, %add3A_1101 : vector<32xbf16>
      %unpack3A = tpu.unpack_subelements %add3A_1102, 0 {pack_format = #tpu.pack_format<interleaved>} : vector<32xbf16> -> vector<16xf32>
      %unpack3A_1103 = tpu.unpack_subelements %add3A_1102, 1 {pack_format = #tpu.pack_format<interleaved>} : vector<32xbf16> -> vector<16xf32>
      %add3A_1104 = arith.addf %unpack3A, %unpack3A_1103 : vector<16xf32>
      %add3A_1105 = arith.constant 9920 : i32
      %add3A_1106 = arith.addi %add3A_1105, %mul3A_162 : i32
      %swap3A = arith.index_cast %add3A_1106 : i32 to index
      %swap3A_1107 = tpu.vector_load %arg12[%swap3A] {strides = array<i32>} : memref<10000xf32, #tpu.memory_space<vmem>>, vector<16xf32>,
      tpu.vector_store %arg12[%swap3A], %add3A_1104 {strides = array<i32>} : memref<10000xf32, #tpu.memory_space<vmem>>, vector<16xf32>,
    }
    %scan3A_159 = arith.constant 5 : i32
    "tpu.region"() ({
      %run_scoped3A = tpu.sem_alloc : memref<!tpu.dma_semaphore, #tpu.memory_space<semaphore_mem>>
      %dma_start3A_160 = tpu.memref_slice %arg5[%mul3A_2] : memref<320000xf32, #tpu.memory_space<hbm>> -> memref<10000xf32, #tpu.memory_space<hbm>>
      %dma_start3A_161 = tpu.memref_slice %arg5[%mul3A_2] : memref<320000xf32, #tpu.memory_space<hbm>> -> memref<10000xf32, #tpu.memory_space<hbm>>
      tpu.enqueue_dma source(%arg12 : memref<10000xf32, #tpu.memory_space<vmem>>) target(%dma_start3A_161 : memref<10000xf32, #tpu.memory_space<hbm>>) target_semaphore(%run_scoped3A : memref<!tpu.dma_semaphore, #tpu.memory_space<semaphore_mem>>)
      %dma_wait3A_162 = tpu.memref_slice %arg5[%mul3A_2] : memref<320000xf32, #tpu.memory_space<hbm>> -> memref<10000xf32, #tpu.memory_space<hbm>>
      %dma_wait3A_163 = tpu.memref_slice %arg5[%mul3A_2] : memref<320000xf32, #tpu.memory_space<hbm>> -> memref<10000xf32, #tpu.memory_space<hbm>>
      tpu.wait_dma2 semaphore(%run_scoped3A : memref<!tpu.dma_semaphore, #tpu.memory_space<semaphore_mem>>) src(%arg12 : memref<10000xf32, #tpu.memory_space<vmem>>) dst(%dma_wait3A_163 : memref<10000xf32, #tpu.memory_space<hbm>>)
      tpu.yield
    }) : () -> ()
    return
  }
}

</mosaic_0001>

<sc_bundles>
// kernel: kernel.3.cloned.1.call-start
scs
__scs_entry_jumppad:
0x0: {  	(pc) =	sbr.rel $0x88, $3  }
0x1: {  	(tag) =	ssettag $0x0;
	lr =	simm.s32 $0x1  }
0x2: {  	[smem:$0x3F9F] =	sst lr;
	_ =	strace $0xD0000000  }
0x3: {  	_ = 	snop  }
0x4: {  	_ = 	snop  }
0x5: {  	_ = 	snop  }
0x6: {  	_ = 	snop  }
0x7: {  	_ = 	snop  }
__scs_overlays_trampoline_lowered:
0x8: {  	[smem:$0x3FAE] =	sst s0  }
0x9: {  	[smem:$0x3FAF] =	sst s1  }
0xa: {  	[smem:$0x3FB0] =	sst s2  }
0xb: {  	[smem:$0x3FB1] =	sst s3  }
0xc: {  	[smem:$0x3FB2] =	sst s4  }
0xd: {  	[smem:$0x3FB3] =	sst s5  }
0xe: {  	[smem:$0x3FB4] =	sst s6  }
0xf: {  	[smem:$0x3FB5] =	sst s7  }
0x10: {  	[smem:$0x3FB6] =	sst s8  }
0x11: {  	[smem:$0x3FB7] =	sst s9;
	s0 =	simm.s32 @!p0 $0x0  }
0x12: {  	s1 =	sld [smem:$0x3F9D];
	s0 =	simm.s32 @p0 $0x1  }
0x13: {  	[smem:$0x3FB8] =	sst s0;
	s0 =	simm.s32 @!p1 $0x0  }
0x14: {  	s2 =	sld [smem:$0x3F9C];
	s0 =	simm.s32 @p1 $0x1  }
0x15: {  	[smem:$0x3FB9] =	sst s0;
	s0 =	simm.s32 @!p2 $0x0  }
0x16: {  	s3 =	sld [smem:$0x3FDB];
	s0 =	simm.s32 @p2 $0x1  }
0x17: {  	s4 =	simm.s32 $0x1BF5;
	[smem:$0x3FBB] =	sst s0  }
0x18: {  	s0 =	sld [smem:$0x3F9E];
	_ =	swait.ge [sflag:s4], $0x0  }
0x19: {  	s7 =	sld [smem:$0x3F9F]  }
0x1a: {  	s8 =	sadd.s32 $0xFFFFE003, lr  }
0x1b: {  	s9 =	sadd.s32 $0xFFFFFEF7, lr;
	s5 =	simm.s32 $0xFFFFFFFF;
	p2 =	slt.u32 s8, $0xFFFFF086  }
0x1c: {  	p1 =	slt.u32 s9, $0xF7A;
	s5 =	simm.s32 @!p2 $0x0  }
0x1d: {  	s5 =	simm.s32 @p1 $0x1;
	p0 =	seq.s32 s7, s2  }
0x1e: {  	s7 =	smul.u32 @!p0 $0xF7A, s2;
	p2 =	seq.s32 @!p0 s5, $0x0  }
0x1f: {  	s9 =	smul.u32 $0xF7A, s1;
	s8 =	simm.s32 @!p0 $0x1BF5;
	p2 =	por !p2, p0  }
0x20: {  	[sflag:s8] =	ssyncset.s32 @!p0 $0xFFFFF086;
	s6 =	sadd.s32 @!p0 s3, s7;
	s7 =	simm.s32 @!p0 $0x108  }
0x21: {  	s3 =	sadd.s32 s3, s9;
	s6 =	sadd.s32 @!p0 $0x88, s6;
	s7 =	simm.s32 @p2 $0x1082  }
0x22: {  	[simem:s7], [sflag:s8] =	dma.local @!p0 [hbm:s6], $0xF7A  }
0x23: {  	s9 =	sor.u32 $0xD0000000, s2;
	s6 =	simm.s32 $0x108;
	_ =	swait.ge @!p0 [sflag:s8], $0x0  }
0x24: {  	s3 =	sadd.s32 $0x88, s3;
	s6 =	simm.s32 @!p1 $0x1082;
	[sflag:s4] =	ssyncset.s32 $0xFFFFF086  }
0x25: {  	[simem:s6], [sflag:s4] =	dma.local [hbm:s3], $0xF7A  }
0x26: {  	[smem:$0x3F9F] =	sst s1;
	(tag) =	ssettag s2;
	_ =	strace s9  }
0x27: {  	s1 =	sld [smem:$0x3FAF]  }
0x28: {  	s2 =	sld [smem:$0x3FB0]  }
0x29: {  	s4 =	sld [smem:$0x3FB2]  }
0x2a: {  	p0 =	seq.s32 s5, $0x0;
	s5 =	sld [smem:$0x3FB3]  }
0x2b: {  	s6 =	sld [smem:$0x3FB4]  }
0x2c: {  	s7 =	sld [smem:$0x3FB5]  }
0x2d: {  	s3 =	simm.s32 $0x108;
	s8 =	sld [smem:$0x3FB6]  }
0x2e: {  	s3 =	simm.s32 @!p0 $0x1082;
	s9 =	sld [smem:$0x3FB7]  }
0x2f: {  	lr =	sadd.s32 s0, s3;
	s0 =	sld [smem:$0x3FAE]  }
0x30: {  	s3 =	sld [smem:$0x3FB1]  }
0x31: {  	[smem:$0x3FBA] =	sst s10  }
0x32: {  	s10 =	sld [smem:$0x3FB8];
	_ =	sdelay $0x3  }
0x33: {  	p0 =	seq.s32 s10, $0x1;
	s10 =	sld [smem:$0x3FBA];
	_ =	sdelay $0x3  }
0x34: {  	[smem:$0x3FBA] =	sst s10  }
0x35: {  	s10 =	sld [smem:$0x3FB9];
	_ =	sdelay $0x3  }
0x36: {  	p1 =	seq.s32 s10, $0x1;
	s10 =	sld [smem:$0x3FBA];
	_ =	sdelay $0x3  }
0x37: {  	[smem:$0x3FBA] =	sst s10  }
0x38: {  	s10 =	sld [smem:$0x3FBB]  }
0x39: {  	_ = 	snop;
	(pc) =	sbr.ind lr, $3  }
0x3a: {  	_ = 	snop  }
0x3b: {  	_ = 	snop  }
0x3c: {  	p2 =	seq.s32 s10, $0x1;
	s10 =	sld [smem:$0x3FBA]  }
0x3d: {  	_ =	shalt  }
0x3e: {  	_ =	shalt  }
0x3f: {  	_ =	shalt  }
0x40: {  	_ =	shalt  }
0x41: {  	_ =	shalt  }
0x42: {  	_ =	shalt  }
0x43: {  	_ =	shalt  }
0x44: {  	_ =	shalt  }
0x45: {  	_ =	shalt  }
0x46: {  	_ =	shalt  }
0x47: {  	_ =	shalt  }
0x48: {  	_ =	shalt  }
0x49: {  	_ =	shalt  }
0x4a: {  	_ =	shalt  }
0x4b: {  	_ =	shalt  }
0x4c: {  	_ =	shalt  }
0x4d: {  	_ =	shalt  }
0x4e: {  	_ =	shalt  }
0x4f: {  	_ =	shalt  }
0x50: {  	_ =	shalt  }
0x51: {  	_ =	shalt  }
0x52: {  	_ =	shalt  }
0x53: {  	_ =	shalt  }
0x54: {  	_ =	shalt  }
0x55: {  	_ =	shalt  }
0x56: {  	_ =	shalt  }
0x57: {  	_ =	shalt  }
0x58: {  	_ =	shalt  }
0x59: {  	_ =	shalt  }
0x5a: {  	_ =	shalt  }
0x5b: {  	_ =	shalt  }
0x5c: {  	_ =	shalt  }
0x5d: {  	_ =	shalt  }
0x5e: {  	_ =	shalt  }
0x5f: {  	_ =	shalt  }
0x60: {  	_ =	shalt  }
0x61: {  	_ =	shalt  }
0x62: {  	_ =	shalt  }
0x63: {  	_ =	shalt  }
0x64: {  	_ =	shalt  }
0x65: {  	_ =	shalt  }
0x66: {  	_ =	shalt  }
0x67: {  	_ =	shalt  }
0x68: {  	_ =	shalt  }
0x69: {  	_ =	shalt  }
0x6a: {  	_ =	shalt  }
0x6b: {  	_ =	shalt  }
0x6c: {  	_ =	shalt  }
0x6d: {  	_ =	shalt  }
0x6e: {  	_ =	shalt  }
0x6f: {  	_ =	shalt  }
0x70: {  	_ =	shalt  }
0x71: {  	_ =	shalt  }
0x72: {  	_ =	shalt  }
0x73: {  	_ =	shalt  }
0x74: {  	_ =	shalt  }
0x75: {  	_ =	shalt  }
0x76: {  	_ =	shalt  }
0x77: {  	_ =	shalt  }
0x78: {  	_ =	shalt  }
0x79: {  	_ =	shalt  }
0x7a: {  	_ =	shalt  }
0x7b: {  	_ =	shalt  }
0x7c: {  	_ =	shalt  }
0x7d: {  	_ =	shalt  }
0x7e: {  	_ =	shalt  }
0x7f: {  	_ =	shalt  }
0x80: {  	_ =	shalt  }
0x81: {  	_ =	shalt  }
0x82: {  	_ =	shalt  }
0x83: {  	_ =	shalt  }
0x84: {  	_ =	shalt  }
0x85: {  	_ =	shalt  }
0x86: {  	_ =	shalt  }
0x87: {  	_ =	shalt  }
.Lfunc_end0:
.L_simem_size_0:
called_computation_lowered:
.L_overlay_start_0:
0x88: {  	s2 =	sld [smem:$0x3FD9]  }
0x89: {  	s3 =	sld [smem:$0x3FFE];
	_ =	sdelay $0x1  }
0x8a: {  	s1 =	srdreg.scid  }
0x8b: {  	s0 =	sand.u32 $0x1, s1  }
0x8c: {  	s16 =	sshll.u32 s0, $0xA;
	s2 =	sadd.s32 s3, s2  }
0x8d: {  	s2 =	sadd.s32 s2, s16  }
0x8e: {  	[smem:$0x3FC6] =	sst s2  }
0x8f: {  	_ = 	snop  }
0x90: {  	(tm) =	ssettm $0x1  }
0x91: {  	s17 =	sld [smem:$0x3FFB];
	_ =	sdelay $0x3  }
0x92: {  	_ =	strace s17  }
0x93: {  	s2 =	sld [smem:$0x3FFC];
	_ =	sdelay $0x3  }
0x94: {  	_ =	strace s2  }
0x95: {  	s2 =	sld [smem:$0x3FFD];
	_ =	sdelay $0x3  }
0x96: {  	_ =	strace s2  }
0x97: {  	_ =	strace $0x8FFFFFFF  }
0x98: {  	s18 =	sld [smem:$0x3FDB];
	_ =	sdelay $0x1  }
0x99: {  	s19 =	simm.s32 $_scs_section_size  }
0x9a: {  	s4 =	simm.s32 $_size__tile_overlayer_lowered;
	s5 =	simm.s32 $_tile_overlayer_lowered  }
0x9b: {  	s22 =	simm.s32 $0x1BFF;
	s21 =	sshll.u32 s5, $0x1;
	s2 =	sadd.s32 s19, s18  }
0x9c: {  	s6 =	simm.s32 $0x0;
	s20 =	sshll.u32 s4, $0x1;
	s4 =	sadd.s32 s21, s2  }
0x9d: {  	[timem:s6], [sflag:s22] =	dma.local [hbm:s4], s20  }
0x9e: {  	_ =	swait.ge [sflag:s22], s20  }
0x9f: {  	s3 =	ssub.s32 $0x0, s20;
	[sflag:s22] =	ssyncset.done $0x0  }
0xa0: {  	[sflag:s22] =	ssyncadd.s32 s3;
	_ =	sdelay $0x1  }
0xa1: {  	s23 =	simm.s32 $0x1B8B  }
0xa2: {  	_ =	swait.ge [sflag:s23], $0x1  }
0xa3: {  	[sflag:s23] =	ssyncset.done $0x0  }
0xa4: {  	s25 =	simm.s32 $0x1B8E;
	s24 =	sld [smem:$0x3FFE];
	[sflag:s23] =	ssyncadd.s32 $0xFFFFFFFF  }
0xa5: {  	s26 =	simm.s32 $execute0_lowered;
	[smem:$0x3FD2] =	sst s25  }
0xa6: {  	s4 =	sshll.u32 s26, $0x1;
	_ =	strace $0x80000046;
	[dreg:$0x1] =	wrdreg $0xFFFFFFFF  }
0xa7: {  	s28 =	simm.s32 $_size_execute0_lowered;
	s2 =	sadd.s32 s2, s4;
	[dreg:$0x0] =	wrdreg $0x0  }
0xa8: {  	s4 =	sshll.u32 s28, $0x1;
	[dreg:$0x2] =	wrdreg s2  }
0xa9: {  	[dreg:$0x3] =	wrdreg s4  }
0xaa: {  	[dreg:$0x4] =	wrdreg $0xC0  }
0xab: {  	_ =	task [dreg:s6], $0x5FFFF  }
0xac: {  	[dreg:$0x1] =	wrdreg $0xFFFFFFFF  }
0xad: {  	[dreg:$0x0] =	wrdreg $0x60  }
0xae: {  	[dreg:$0x2] =	wrdreg s24  }
0xaf: {  	[dreg:$0x3] =	wrdreg $0x9  }
0xb0: {  	_ =	task.clear_ibuf [dreg:s6], $0x4FFFF;
	_ =	strace $0x90000046  }
0xb1: {  	s29 =	simm.s32 $0x9;
	_ =	strace $0x80000048  }
0xb2: {  	_ =	swait.ge [sflag:s29], $0x1  }
0xb3: {  	[sflag:s29] =	ssyncadd.s32 $0xFFFFFFFF  }
0xb4: {  	_ =	strace $0x90000048  }
0xb5: {  	_ =	sfence  }
0xb6: {  	s30 =	sld [smem:$0x0];
	_ =	sdelay $0x2  }
0xb7: {  	s31 =	sshll.u32 s1, $0xD;
	s1 =	sshrl.u32 s1, $0x2  }
0xb8: {  	s3 =	sand.u32 $0x4000, s31;
	s1 =	sadd.s32 s1, s30  }
0xb9: {  	s0 =	sor.u32 s3, s0;
	s1 =	sshll.u32 s1, $0x11  }
0xba: {  	s0 =	sor.u32 s1, s0  }
0xbb: {  	s0 =	sadd.s32 $0x8F2B, s0  }
0xbc: {  	[sflag:s0] =	ssyncadd.remote.s32 $0x1  }
0xbd: {  	_ =	sfence.sel $0xFFFF  }
0xbe: {  	[dreg:$0x0] =	wrdreg $0xFFFFFFFF;
	(pc) =	sbr.abs _section_cstart, $3  }
0xbf: {  	[dreg:$0x1] =	wrdreg $0xFFFFFFFF  }
0xc0: {  	_ =	task.clear_ibuf [dreg:s6], $0x2FFFF;
	_ =	strace $0x9FFFFFFF  }
0xc1: {  	(tm) =	ssettm $0x7FFFFFFF  }
tec
execute0_lowered:
.L_overlay_start_1:
0x0: {  	(tag) =	ssettag $0x1  }
0x1: {  	v0 =	vimm.s32 $0x8C8B8A89  }
0x2: {  	v1 =	vimm.s32 $0x808F8E8D;
	v2 =	vimm.s32 $0x84838281;
	v3 =	vimm.s32 $0x88878685  }
0x3: {  	vm0 =	vcmask $0x1F10;
	vm12 =	vcmask $0x300;
	vm13 =	vcmask $0x704  }
0x4: {  	vm14 =	vcmask $0xB08;
	vm11 =	vcmask $0xF0C;
	vm10 =	vcmask $0x1310  }
0x5: {  	vm9 =	vcmask $0x1714;
	vm8 =	vcmask $0x1B18;
	vm7 =	vcmask $0x1F1C  }
0x6: {  	vm6 =	vcmask $0x2320;
	vm5 =	vcmask $0x2724;
	vm4 =	vcmask $0x2B28  }
0x7: {  	vm3 =	vcmask $0x2F2C;
	vm2 =	vcmask $0x3330;
	vm1 =	vcmask $0x3734  }
0x8: {  	vm15 =	vcmask $0x3B38;
	v4 =	vimm.s32 $0x203;
	v5 =	vimm.s32 $0x284  }
0x9: {  	v6 =	vimm.s32 $0x305;
	v7 =	vimm.s32 $0x386;
	v8 =	vimm.s32 $0x407  }
0xa: {  	v9 =	vimm.s32 $0x488;
	v10 =	vimm.s32 $0x509;
	v11 =	vimm.s32 $0x58A  }
0xb: {  	v12 =	vimm.s32 $0x60B;
	v13 =	vimm.s32 $0x68C;
	v14 =	vimm.s32 $0x70D  }
0xc: {  	v29 =	vimm.s32 $0x78E;
	v17 =	vimm.s32 $0x780;
	v18 =	vimm.s32 $0x781  }
0xd: {  	v19 =	vimm.s32 $0x782;
	v20 =	vimm.s32 $0x783;
	v21 =	vimm.s32 $0x784  }
0xe: {  	v22 =	vimm.s32 $0x785;
	v23 =	vimm.s32 $0x786;
	v24 =	vimm.s32 $0x787  }
0xf: {  	v25 =	vimm.s32 $0x788;
	v26 =	vimm.s32 $0x789;
	v27 =	vimm.s32 $0x78A  }
0x10: {  	v28 =	vimm.s32 $0x78B;
	v30 =	vimm.s32 $0x78C;
	v31 =	vimm.s32 $0x78D  }
0x11: {  	v0 =	vunpack.c.0.s8.s32 v0;
	v1 =	vunpack.c.0.s8.s32 v1;
	v2 =	vunpack.c.0.s8.s32 v2  }
0x12: {  	v3 =	vunpack.c.0.s8.s32 v3;
	v4 =	vsel vm12, $0x204, v4;
	v5 =	vsel vm12, $0x285, v5  }
0x13: {  	v6 =	vsel vm12, $0x306, v6;
	v7 =	vsel vm12, $0x387, v7;
	v8 =	vsel vm12, $0x408, v8  }
0x14: {  	v9 =	vsel vm12, $0x489, v9;
	v10 =	vsel vm12, $0x50A, v10;
	v11 =	vsel vm12, $0x58B, v11  }
0x15: {  	v12 =	vsel vm12, $0x60C, v12;
	v13 =	vsel vm12, $0x68D, v13;
	v14 =	vsel vm12, $0x70E, v14  }
0x16: {  	v15 =	vsel vm12, $0x78F, v29;
	v17 =	vsel vm12, $0x1, v17;
	v18 =	vsel vm12, $0x2, v18  }
0x17: {  	v19 =	vsel vm12, $0x3, v19;
	v20 =	vsel vm12, $0x4, v20;
	v21 =	vsel vm12, $0x5, v21  }
0x18: {  	v22 =	vsel vm12, $0x6, v22;
	v23 =	vsel vm12, $0x7, v23;
	v24 =	vsel vm12, $0x8, v24  }
0x19: {  	v25 =	vsel vm12, $0x9, v25;
	v26 =	vsel vm12, $0xA, v26;
	v27 =	vsel vm12, $0xB, v27  }
0x1a: {  	v28 =	vsel vm12, $0xC, v28;
	v30 =	vsel vm12, $0xD, v30;
	v31 =	vsel vm12, $0xE, v31  }
0x1b: {  	v29 =	vsel vm12, $0xF, v29;
	v4 =	vsel vm13, $0x205, v4;
	v5 =	vsel vm13, $0x286, v5  }
0x1c: {  	v6 =	vsel vm13, $0x307, v6;
	v7 =	vsel vm13, $0x388, v7;
	v8 =	vsel vm13, $0x409, v8  }
0x1d: {  	v9 =	vsel vm13, $0x48A, v9;
	v10 =	vsel vm13, $0x50B, v10;
	v11 =	vsel vm13, $0x58C, v11  }
0x1e: {  	v12 =	vsel vm13, $0x60D, v12;
	v13 =	vsel vm13, $0x68E, v13;
	v14 =	vsel vm13, $0x70F, v14  }
0x1f: {  	v15 =	vsel vm13, $0x780, v15;
	v17 =	vsel vm13, $0x82, v17;
	v18 =	vsel vm13, $0x83, v18  }
0x20: {  	v19 =	vsel vm13, $0x84, v19;
	v20 =	vsel vm13, $0x85, v20;
	v21 =	vsel vm13, $0x86, v21  }
0x21: {  	v22 =	vsel vm13, $0x87, v22;
	v23 =	vsel vm13, $0x88, v23;
	v24 =	vsel vm13, $0x89, v24  }
0x22: {  	v25 =	vsel vm13, $0x8A, v25;
	v26 =	vsel vm13, $0x8B, v26;
	v27 =	vsel vm13, $0x8C, v27  }
0x23: {  	v28 =	vsel vm13, $0x8D, v28;
	v30 =	vsel vm13, $0x8E, v30;
	v31 =	vsel vm13, $0x8F, v31  }
0x24: {  	v29 =	vsel vm13, $0x80, v29;
	v1 =	vsel vm0, v1, v0;
	v2 =	vsel vm0, v3, v2  }
0x25: {  	v0 =	vlaneseq.u32;
	v3 =	vimm.s32 $0x182;
	v4 =	vsel vm14, $0x206, v4  }
0x26: {  	v5 =	vsel vm14, $0x287, v5;
	v6 =	vsel vm14, $0x308, v6;
	v7 =	vsel vm14, $0x389, v7  }
0x27: {  	v8 =	vsel vm14, $0x40A, v8;
	v9 =	vsel vm14, $0x48B, v9;
	v10 =	vsel vm14, $0x50C, v10  }
0x28: {  	v11 =	vsel vm14, $0x58D, v11;
	v12 =	vsel vm14, $0x60E, v12;
	v13 =	vsel vm14, $0x68F, v13  }
0x29: {  	v14 =	vsel vm14, $0x700, v14;
	v15 =	vsel vm14, $0x781, v15;
	v17 =	vsel vm14, $0x103, v17  }
0x2a: {  	v18 =	vsel vm14, $0x104, v18;
	v19 =	vsel vm14, $0x105, v19;
	v20 =	vsel vm14, $0x106, v20  }
0x2b: {  	v21 =	vsel vm14, $0x107, v21;
	v22 =	vsel vm14, $0x108, v22;
	v23 =	vsel vm14, $0x109, v23  }
0x2c: {  	v24 =	vsel vm14, $0x10A, v24;
	v25 =	vsel vm14, $0x10B, v25;
	v26 =	vsel vm14, $0x10C, v26  }
0x2d: {  	v27 =	vsel vm14, $0x10D, v27;
	v28 =	vsel vm14, $0x10E, v28;
	v30 =	vsel vm14, $0x10F, v30  }
0x2e: {  	v31 =	vsel vm14, $0x100, v31;
	v29 =	vsel vm14, $0x101, v29;
	v1 =	vcombine.low v2, v1  }
0x2f: {  	v2 =	vimm.s32 $0x101;
	v3 =	vsel vm12, $0x183, v3;
	v4 =	vsel vm11, $0x207, v4  }
0x30: {  	v5 =	vsel vm11, $0x288, v5;
	v6 =	vsel vm11, $0x309, v6;
	v7 =	vsel vm11, $0x38A, v7  }
0x31: {  	v8 =	vsel vm11, $0x40B, v8;
	v9 =	vsel vm11, $0x48C, v9;
	v10 =	vsel vm11, $0x50D, v10  }
0x32: {  	v11 =	vsel vm11, $0x58E, v11;
	v12 =	vsel vm11, $0x60F, v12;
	v13 =	vsel vm11, $0x680, v13  }
0x33: {  	v14 =	vsel vm11, $0x701, v14;
	v15 =	vsel vm11, $0x782, v15;
	v16 =	vmul.u32 $0x81, v0  }
0x34: {  	v17 =	vsel vm11, $0x184, v17;
	v18 =	vsel vm11, $0x185, v18;
	v19 =	vsel vm11, $0x186, v19  }
0x35: {  	v20 =	vsel vm11, $0x187, v20;
	v21 =	vsel vm11, $0x188, v21;
	v22 =	vsel vm11, $0x189, v22  }
0x36: {  	v23 =	vsel vm11, $0x18A, v23;
	v24 =	vsel vm11, $0x18B, v24;
	v25 =	vsel vm11, $0x18C, v25  }
0x37: {  	v26 =	vsel vm11, $0x18D, v26;
	v27 =	vsel vm11, $0x18E, v27;
	v28 =	vsel vm11, $0x18F, v28  }
0x38: {  	v30 =	vsel vm11, $0x180, v30;
	v31 =	vsel vm11, $0x181, v31;
	v29 =	vsel vm11, $0x182, v29  }
0x39: {  	v2 =	vsel vm12, $0x102, v2;
	v3 =	vsel vm13, $0x184, v3;
	v4 =	vsel vm10, $0x208, v4  }
0x3a: {  	v5 =	vsel vm10, $0x289, v5;
	v6 =	vsel vm10, $0x30A, v6;
	v7 =	vsel vm10, $0x38B, v7  }
0x3b: {  	v8 =	vsel vm10, $0x40C, v8;
	v9 =	vsel vm10, $0x48D, v9;
	v10 =	vsel vm10, $0x50E, v10  }
0x3c: {  	v11 =	vsel vm10, $0x58F, v11;
	v12 =	vsel vm10, $0x600, v12;
	v13 =	vsel vm10, $0x681, v13  }
0x3d: {  	v14 =	vsel vm10, $0x702, v14;
	v15 =	vsel vm10, $0x783, v15;
	v17 =	vsel vm10, $0x205, v17  }
0x3e: {  	v18 =	vsel vm10, $0x206, v18;
	v19 =	vsel vm10, $0x207, v19;
	v20 =	vsel vm10, $0x208, v20  }
0x3f: {  	v21 =	vsel vm10, $0x209, v21;
	v22 =	vsel vm10, $0x20A, v22;
	v23 =	vsel vm10, $0x20B, v23  }
0x40: {  	v24 =	vsel vm10, $0x20C, v24;
	v25 =	vsel vm10, $0x20D, v25;
	v26 =	vsel vm10, $0x20E, v26  }
0x41: {  	v27 =	vsel vm10, $0x20F, v27;
	v28 =	vsel vm10, $0x200, v28;
	v30 =	vsel vm10, $0x201, v30  }
0x42: {  	v31 =	vsel vm10, $0x202, v31;
	v29 =	vsel vm10, $0x203, v29;
	v2 =	vsel vm13, $0x103, v2  }
0x43: {  	v3 =	vsel vm14, $0x185, v3;
	v1 =	vand.u32 $0xFF, v1;
	v4 =	vsel vm9, $0x209, v4  }
0x44: {  	v5 =	vsel vm9, $0x28A, v5;
	v6 =	vsel vm9, $0x30B, v6;
	v7 =	vsel vm9, $0x38C, v7  }
0x45: {  	v8 =	vsel vm9, $0x40D, v8;
	v9 =	vsel vm9, $0x48E, v9;
	v10 =	vsel vm9, $0x50F, v10  }
0x46: {  	v11 =	vsel vm9, $0x580, v11;
	v12 =	vsel vm9, $0x601, v12;
	v13 =	vsel vm9, $0x682, v13  }
0x47: {  	v14 =	vsel vm9, $0x703, v14;
	v15 =	vsel vm9, $0x784, v15;
	v17 =	vsel vm9, $0x286, v17  }
0x48: {  	v18 =	vsel vm9, $0x287, v18;
	v19 =	vsel vm9, $0x288, v19;
	v20 =	vsel vm9, $0x289, v20  }
0x49: {  	v21 =	vsel vm9, $0x28A, v21;
	v22 =	vsel vm9, $0x28B, v22;
	v23 =	vsel vm9, $0x28C, v23  }
0x4a: {  	v24 =	vsel vm9, $0x28D, v24;
	v25 =	vsel vm9, $0x28E, v25;
	v26 =	vsel vm9, $0x28F, v26  }
0x4b: {  	v27 =	vsel vm9, $0x280, v27;
	v28 =	vsel vm9, $0x281, v28;
	v30 =	vsel vm9, $0x282, v30  }
0x4c: {  	v31 =	vsel vm9, $0x283, v31;
	v29 =	vsel vm9, $0x284, v29;
	v2 =	vsel vm14, $0x104, v2  }
0x4d: {  	v3 =	vsel vm11, $0x186, v3;
	v4 =	vsel vm8, $0x20A, v4;
	v5 =	vsel vm8, $0x28B, v5  }
0x4e: {  	v6 =	vsel vm8, $0x30C, v6;
	v7 =	vsel vm8, $0x38D, v7;
	v8 =	vsel vm8, $0x40E, v8  }
0x4f: {  	v9 =	vsel vm8, $0x48F, v9;
	v10 =	vsel vm8, $0x500, v10;
	v11 =	vsel vm8, $0x581, v11  }
0x50: {  	v12 =	vsel vm8, $0x602, v12;
	v13 =	vsel vm8, $0x683, v13;
	v14 =	vsel vm8, $0x704, v14  }
0x51: {  	v15 =	vsel vm8, $0x785, v15;
	v17 =	vsel vm8, $0x307, v17;
	v18 =	vsel vm8, $0x308, v18  }
0x52: {  	v19 =	vsel vm8, $0x309, v19;
	v20 =	vsel vm8, $0x30A, v20;
	v21 =	vsel vm8, $0x30B, v21  }
0x53: {  	v22 =	vsel vm8, $0x30C, v22;
	v23 =	vsel vm8, $0x30D, v23;
	v24 =	vsel vm8, $0x30E, v24  }
0x54: {  	v25 =	vsel vm8, $0x30F, v25;
	v26 =	vsel vm8, $0x300, v26;
	v27 =	vsel vm8, $0x301, v27  }
0x55: {  	v28 =	vsel vm8, $0x302, v28;
	v30 =	vsel vm8, $0x303, v30;
	v31 =	vsel vm8, $0x304, v31  }
0x56: {  	v29 =	vsel vm8, $0x305, v29;
	v2 =	vsel vm11, $0x105, v2;
	v3 =	vsel vm10, $0x187, v3  }
0x57: {  	v4 =	vsel vm7, $0x20B, v4;
	v5 =	vsel vm7, $0x28C, v5;
	v6 =	vsel vm7, $0x30D, v6  }
0x58: {  	v7 =	vsel vm7, $0x38E, v7;
	v8 =	vsel vm7, $0x40F, v8;
	v9 =	vsel vm7, $0x480, v9  }
0x59: {  	v10 =	vsel vm7, $0x501, v10;
	v11 =	vsel vm7, $0x582, v11;
	v12 =	vsel vm7, $0x603, v12  }
0x5a: {  	v13 =	vsel vm7, $0x684, v13;
	v14 =	vsel vm7, $0x705, v14;
	v15 =	vsel vm7, $0x786, v15  }
0x5b: {  	v17 =	vsel vm7, $0x388, v17;
	v18 =	vsel vm7, $0x389, v18;
	v19 =	vsel vm7, $0x38A, v19  }
0x5c: {  	v20 =	vsel vm7, $0x38B, v20;
	v21 =	vsel vm7, $0x38C, v21;
	v22 =	vsel vm7, $0x38D, v22  }
0x5d: {  	v23 =	vsel vm7, $0x38E, v23;
	v24 =	vsel vm7, $0x38F, v24;
	v25 =	vsel vm7, $0x380, v25  }
0x5e: {  	v26 =	vsel vm7, $0x381, v26;
	v27 =	vsel vm7, $0x382, v27;
	v28 =	vsel vm7, $0x383, v28  }
0x5f: {  	v30 =	vsel vm7, $0x384, v30;
	v31 =	vsel vm7, $0x385, v31;
	v29 =	vsel vm7, $0x386, v29  }
0x60: {  	v2 =	vsel vm10, $0x106, v2;
	v3 =	vsel vm9, $0x188, v3;
	v4 =	vsel vm6, $0x20C, v4  }
0x61: {  	v5 =	vsel vm6, $0x28D, v5;
	v6 =	vsel vm6, $0x30E, v6;
	v7 =	vsel vm6, $0x38F, v7  }
0x62: {  	v8 =	vsel vm6, $0x400, v8;
	v9 =	vsel vm6, $0x481, v9;
	v10 =	vsel vm6, $0x502, v10  }
0x63: {  	v11 =	vsel vm6, $0x583, v11;
	v12 =	vsel vm6, $0x604, v12;
	v13 =	vsel vm6, $0x685, v13  }
0x64: {  	v14 =	vsel vm6, $0x706, v14;
	v15 =	vsel vm6, $0x787, v15;
	v17 =	vsel vm6, $0x409, v17  }
0x65: {  	v18 =	vsel vm6, $0x40A, v18;
	v19 =	vsel vm6, $0x40B, v19;
	v20 =	vsel vm6, $0x40C, v20  }
0x66: {  	v21 =	vsel vm6, $0x40D, v21;
	v22 =	vsel vm6, $0x40E, v22;
	v23 =	vsel vm6, $0x40F, v23  }
0x67: {  	v24 =	vsel vm6, $0x400, v24;
	v25 =	vsel vm6, $0x401, v25;
	v26 =	vsel vm6, $0x402, v26  }
0x68: {  	v27 =	vsel vm6, $0x403, v27;
	v28 =	vsel vm6, $0x404, v28;
	v30 =	vsel vm6, $0x405, v30  }
0x69: {  	v31 =	vsel vm6, $0x406, v31;
	v29 =	vsel vm6, $0x407, v29;
	v2 =	vsel vm9, $0x107, v2  }
0x6a: {  	v3 =	vsel vm8, $0x189, v3;
	v4 =	vsel vm5, $0x20D, v4;
	v5 =	vsel vm5, $0x28E, v5  }
0x6b: {  	v6 =	vsel vm5, $0x30F, v6;
	v7 =	vsel vm5, $0x380, v7;
	v8 =	vsel vm5, $0x401, v8  }
0x6c: {  	v9 =	vsel vm5, $0x482, v9;
	v10 =	vsel vm5, $0x503, v10;
	v11 =	vsel vm5, $0x584, v11  }
0x6d: {  	v12 =	vsel vm5, $0x605, v12;
	v13 =	vsel vm5, $0x686, v13;
	v14 =	vsel vm5, $0x707, v14  }
0x6e: {  	v15 =	vsel vm5, $0x788, v15;
	v17 =	vsel vm5, $0x48A, v17;
	v18 =	vsel vm5, $0x48B, v18  }
0x6f: {  	v19 =	vsel vm5, $0x48C, v19;
	v20 =	vsel vm5, $0x48D, v20;
	v21 =	vsel vm5, $0x48E, v21  }
0x70: {  	v22 =	vsel vm5, $0x48F, v22;
	v23 =	vsel vm5, $0x480, v23;
	v24 =	vsel vm5, $0x481, v24  }
0x71: {  	v25 =	vsel vm5, $0x482, v25;
	v26 =	vsel vm5, $0x483, v26;
	v27 =	vsel vm5, $0x484, v27  }
0x72: {  	v28 =	vsel vm5, $0x485, v28;
	v30 =	vsel vm5, $0x486, v30;
	v31 =	vsel vm5, $0x487, v31  }
0x73: {  	v29 =	vsel vm5, $0x488, v29;
	v2 =	vsel vm8, $0x108, v2;
	v3 =	vsel vm7, $0x18A, v3  }
0x74: {  	v4 =	vsel vm4, $0x20E, v4;
	v5 =	vsel vm4, $0x28F, v5;
	v6 =	vsel vm4, $0x300, v6  }
0x75: {  	v7 =	vsel vm4, $0x381, v7;
	v8 =	vsel vm4, $0x402, v8;
	v9 =	vsel vm4, $0x483, v9  }
0x76: {  	v10 =	vsel vm4, $0x504, v10;
	v11 =	vsel vm4, $0x585, v11;
	v12 =	vsel vm4, $0x606, v12  }
0x77: {  	v13 =	vsel vm4, $0x687, v13;
	v14 =	vsel vm4, $0x708, v14;
	v15 =	vsel vm4, $0x789, v15  }
0x78: {  	v17 =	vsel vm4, $0x50B, v17;
	v18 =	vsel vm4, $0x50C, v18;
	v19 =	vsel vm4, $0x50D, v19  }
0x79: {  	v20 =	vsel vm4, $0x50E, v20;
	v21 =	vsel vm4, $0x50F, v21;
	v22 =	vsel vm4, $0x500, v22  }
0x7a: {  	v23 =	vsel vm4, $0x501, v23;
	v24 =	vsel vm4, $0x502, v24;
	v25 =	vsel vm4, $0x503, v25  }
0x7b: {  	v26 =	vsel vm4, $0x504, v26;
	v27 =	vsel vm4, $0x505, v27;
	v28 =	vsel vm4, $0x506, v28  }
0x7c: {  	v30 =	vsel vm4, $0x507, v30;
	v31 =	vsel vm4, $0x508, v31;
	v29 =	vsel vm4, $0x509, v29  }
0x7d: {  	v2 =	vsel vm7, $0x109, v2;
	v3 =	vsel vm6, $0x18B, v3;
	v4 =	vsel vm3, $0x20F, v4  }
0x7e: {  	v5 =	vsel vm3, $0x280, v5;
	v6 =	vsel vm3, $0x301, v6;
	v7 =	vsel vm3, $0x382, v7  }
0x7f: {  	v8 =	vsel vm3, $0x403, v8;
	v9 =	vsel vm3, $0x484, v9;
	v10 =	vsel vm3, $0x505, v10  }
0x80: {  	v11 =	vsel vm3, $0x586, v11;
	v12 =	vsel vm3, $0x607, v12;
	v13 =	vsel vm3, $0x688, v13  }
0x81: {  	v14 =	vsel vm3, $0x709, v14;
	v15 =	vsel vm3, $0x78A, v15;
	v17 =	vsel vm3, $0x58C, v17  }
0x82: {  	v18 =	vsel vm3, $0x58D, v18;
	v19 =	vsel vm3, $0x58E, v19;
	v20 =	vsel vm3, $0x58F, v20  }
0x83: {  	v21 =	vsel vm3, $0x580, v21;
	v22 =	vsel vm3, $0x581, v22;
	v23 =	vsel vm3, $0x582, v23  }
0x84: {  	v24 =	vsel vm3, $0x583, v24;
	v25 =	vsel vm3, $0x584, v25;
	v26 =	vsel vm3, $0x585, v26  }
0x85: {  	v27 =	vsel vm3, $0x586, v27;
	v28 =	vsel vm3, $0x587, v28;
	v30 =	vsel vm3, $0x588, v30  }
0x86: {  	v31 =	vsel vm3, $0x589, v31;
	v29 =	vsel vm3, $0x58A, v29;
	v2 =	vsel vm6, $0x10A, v2  }
0x87: {  	v3 =	vsel vm5, $0x18C, v3;
	v4 =	vsel vm2, $0x200, v4;
	v5 =	vsel vm2, $0x281, v5  }
0x88: {  	v6 =	vsel vm2, $0x302, v6;
	v7 =	vsel vm2, $0x383, v7;
	v8 =	vsel vm2, $0x404, v8  }
0x89: {  	v9 =	vsel vm2, $0x485, v9;
	v10 =	vsel vm2, $0x506, v10;
	v11 =	vsel vm2, $0x587, v11  }
0x8a: {  	v12 =	vsel vm2, $0x608, v12;
	v13 =	vsel vm2, $0x689, v13;
	v14 =	vsel vm2, $0x70A, v14  }
0x8b: {  	v15 =	vsel vm2, $0x78B, v15;
	v17 =	vsel vm2, $0x60D, v17;
	v18 =	vsel vm2, $0x60E, v18  }
0x8c: {  	v19 =	vsel vm2, $0x60F, v19;
	v20 =	vsel vm2, $0x600, v20;
	v21 =	vsel vm2, $0x601, v21  }
0x8d: {  	v22 =	vsel vm2, $0x602, v22;
	v23 =	vsel vm2, $0x603, v23;
	v24 =	vsel vm2, $0x604, v24  }
0x8e: {  	v25 =	vsel vm2, $0x605, v25;
	v26 =	vsel vm2, $0x606, v26;
	v27 =	vsel vm2, $0x607, v27  }
0x8f: {  	v28 =	vsel vm2, $0x608, v28;
	v30 =	vsel vm2, $0x609, v30;
	v31 =	vsel vm2, $0x60A, v31  }
0x90: {  	v29 =	vsel vm2, $0x60B, v29;
	v2 =	vsel vm5, $0x10B, v2;
	v3 =	vsel vm4, $0x18D, v3  }
0x91: {  	v4 =	vsel vm1, $0x201, v4;
	v5 =	vsel vm1, $0x282, v5;
	v6 =	vsel vm1, $0x303, v6  }
0x92: {  	v7 =	vsel vm1, $0x384, v7;
	v8 =	vsel vm1, $0x405, v8;
	v9 =	vsel vm1, $0x486, v9  }
0x93: {  	v10 =	vsel vm1, $0x507, v10;
	v11 =	vsel vm1, $0x588, v11;
	v12 =	vsel vm1, $0x609, v12  }
0x94: {  	v13 =	vsel vm1, $0x68A, v13;
	v14 =	vsel vm1, $0x70B, v14;
	v15 =	vsel vm1, $0x78C, v15  }
0x95: {  	v17 =	vsel vm1, $0x68E, v17;
	v18 =	vsel vm1, $0x68F, v18;
	v19 =	vsel vm1, $0x680, v19  }
0x96: {  	v20 =	vsel vm1, $0x681, v20;
	v21 =	vsel vm1, $0x682, v21;
	v22 =	vsel vm1, $0x683, v22  }
0x97: {  	v23 =	vsel vm1, $0x684, v23;
	v24 =	vsel vm1, $0x685, v24;
	v25 =	vsel vm1, $0x686, v25  }
0x98: {  	v26 =	vsel vm1, $0x687, v26;
	v27 =	vsel vm1, $0x688, v27;
	v28 =	vsel vm1, $0x689, v28  }
0x99: {  	v30 =	vsel vm1, $0x68A, v30;
	v31 =	vsel vm1, $0x68B, v31;
	v32 =	vsel vm1, $0x68C, v29  }
0x9a: {  	s1 =	srdreg.scid;
	v2 =	vsel vm4, $0x10C, v2;
	v3 =	vsel vm3, $0x18E, v3;
	v4 =	vsel vm15, $0x202, v4  }
0x9b: {  	s0 =	stileid.u32;
	s4 =	rddreg [dreg:$0x0];
	v5 =	vsel vm15, $0x283, v5;
	v6 =	vsel vm15, $0x304, v6;
	v7 =	vsel vm15, $0x385, v7  }
0x9c: {  	s2 =	simm.s32 $0x0;
	s8 =	simm.s32 $0x5;
	s9 =	simm.s32 $0x2780;
	v8 =	vsel vm15, $0x406, v8;
	v9 =	vsel vm15, $0x487, v9;
	v10 =	vsel vm15, $0x508, v10  }
0x9d: {  	s10 =	simm.s32 $0x50;
	s11 =	simm.s32 $0x4F00;
	s12 =	simm.s32 $0x7700;
	v11 =	vsel vm15, $0x589, v11;
	v12 =	vsel vm15, $0x60A, v12;
	v13 =	vsel vm15, $0x68B, v13  }
0x9e: {  	s13 =	simm.s32 $0x9F00;
	s14 =	simm.s32 $0xC700;
	s15 =	simm.s32 $0x1;
	v14 =	vsel vm15, $0x70C, v14;
	v15 =	vsel vm15, $0x78D, v15;
	v17 =	vsel vm15, $0x70F, v17  }
0x9f: {  	s16 =	simm.s32 $0x2;
	s17 =	simm.s32 $0x11680;
	s18 =	simm.s32 $0x3;
	v18 =	vsel vm15, $0x700, v18;
	v19 =	vsel vm15, $0x701, v19;
	v20 =	vsel vm15, $0x702, v20  }
0xa0: {  	s19 =	simm.s32 $0x4;
	s3 =	sand.u32 $0x1, s1;
	s5 =	sshll.u32 s0, $0x1;
	v21 =	vsel vm15, $0x703, v21;
	v22 =	vsel vm15, $0x704, v22;
	v23 =	vsel vm15, $0x705, v23  }
0xa1: {  	s20 =	simm.s32 $0xEF00;
	s21 =	simm.s32 $0x0;
	s5 =	sor.u32 s3, s5;
	v24 =	vsel vm15, $0x706, v24;
	v25 =	vsel vm15, $0x707, v25;
	v26 =	vsel vm15, $0x708, v26  }
0xa2: {  	[smem:$0x7FF] =	sst s2;
	s6 =	ssub.s32 $0x2, s3;
	s5 =	smul.u32 $0x4E2, s5;
	v27 =	vsel vm15, $0x709, v27;
	v28 =	vsel vm15, $0x70A, v28;
	v2 =	vsel vm3, $0x10D, v2  }
0xa3: {  	s1 =	rddreg [dreg:$0x1];
	_ =	strace $0x80000047;
	s7 =	sshrl.u32 s6, $0x1;
	v29 =	vsel vm15, $0x70B, v30;
	v3 =	vsel vm2, $0x18F, v3;
	v2 =	vsel vm2, $0x10E, v2  }
0xa4: {  	s3 =	sadd.s32 $0x13C00, s4;
	s7 =	ssub.s32 s6, s7;
	s4 =	sadd.s32 s4, s5;
	v30 =	vsel vm15, $0x70C, v31;
	v3 =	vsel vm1, $0x180, v3;
	v2 =	vsel vm1, $0x10F, v2  }
0xa5: {  	s7 =	smax.u32 s7, $0x1;
	s5 =	sadd.s32 $0x9E00, s4;
	s6 =	sadd.s32 $0x3AE00, s4;
	v31 =	vsel vm15, $0x70D, v32;
	v3 =	vsel vm15, $0x181, v3;
	v2 =	vsel vm15, $0x100, v2  }
.LBB2_1:
0xa6: {  	[tilespmem:s2], [sflag:$0x5] =	stream.linear.gather [hbm4b:s5+s2], $0x2710, $0x38;
	[tilespmem:$0x11E80] =	vst v63  }
0xa7: {  	_ =	swait.ge [sflag:s8], $0x2710  }
0xa8: {  	[sflag:s8] =	ssyncset.done $0x0  }
0xa9: {  	[sflag:s8] =	ssyncadd.s32 $0xFFFFD8F0  }
0xaa: {  	[tilespmem:s9], [sflag:$0x5] =	stream.linear.gather [hbm4b:s4+s2], $0x2710, $0x38;
	[tilespmem:$0x11E80] =	vst v63  }
0xab: {  	_ =	swait.ge [sflag:s8], $0x2710  }
0xac: {  	[sflag:s8] =	ssyncset.done $0x0  }
0xad: {  	[sflag:s8] =	ssyncadd.s32 $0xFFFFD8F0  }
0xae: {  	[tilespmem:s11], [sflag:$0x1] =	stream.indirect.gather [hbm4b:s3+s10], $0x80, s2, s10, $0xb8;
	[tilespmem:$0x11E80] =	vst v63  }
0xaf: {  	s22 =	simm.s32 $0xEF50;
	s23 =	simm.s32 $0xEF00;
	s24 =	simm.s32 $0x0  }
0xb0: {  	[tilespmem:s12], [sflag:$0x2] =	stream.indirect.gather [hbm4b:s3+s10], $0x80, s9, s10, $0xb8;
	[tilespmem:$0x11E80] =	vst v63  }
.LBB2_2:
0xb1: {  	s25 =	smul.u32 $0xA0, s24;
	_ =	sdelay $0x1  }
0xb2: {  	s26 =	sadd.s32 $0x50, s25  }
0xb3: {  	[tilespmem:s13], [sflag:$0x3] =	stream.indirect.gather [hbm4b:s3+s10], $0x80, s26, s10, $0xb8;
	[tilespmem:$0x11E80] =	vst v63  }
0xb4: {  	s31 =	sadd.s32 $0x27D0, s25  }
0xb5: {  	[tilespmem:s14], [sflag:$0x4] =	stream.indirect.gather [hbm4b:s3+s10], $0x80, s31, s10, $0xb8;
	[tilespmem:$0x11E80] =	vst v63  }
0xb6: {  	_ =	swait.ge [sflag:s15], $0x2800  }
0xb7: {  	[sflag:s15] =	ssyncset.done $0x0  }
0xb8: {  	[sflag:s15] =	ssyncadd.s32 $0xFFFFD800  }
0xb9: {  	_ =	swait.ge [sflag:s16], $0x2800  }
0xba: {  	[sflag:s16] =	ssyncset.done $0x0  }
0xbb: {  	s28 =	smov.u32 s23;
	s26 =	simm.s32 $0x1EC0;
	[sflag:s16] =	ssyncadd.s32 $0xFFFFD800  }
.LBB2_3:
0xbc: {  	s29 =	sshra.s32 s26, $0x2  }
0xbd: {  	v32 =	vld [tilespmem:s29+$0x4750]  }
0xbe: {  	v33 =	vld [tilespmem:s29+$0x6F50]  }
0xbf: {  	v34 =	vld [tilespmem:s29+$0x4760]  }
0xc0: {  	v35 =	vld [tilespmem:s29+$0x6F60]  }
0xc1: {  	v36 =	vld [tilespmem:s29+$0x4770]  }
0xc2: {  	v37 =	vld [tilespmem:s29+$0x6F70]  }
0xc3: {  	v38 =	vld [tilespmem:s29+$0x4780]  }
0xc4: {  	v39 =	vld [tilespmem:s29+$0x6F80]  }
0xc5: {  	v32 =	vmul.bf16 v33, v32;
	v45 =	vmul.bf16 v35, v34;
	_ =	sdelay $0x1  }
0xc6: {  	v46 =	vmul.bf16 v37, v36;
	v32 =	vadd.bf16 v45, v32;
	_ =	sdelay $0x1  }
0xc7: {  	v47 =	vmul.bf16 v39, v38;
	v32 =	vadd.bf16 v46, v32;
	_ =	sdelay $0x1  }
0xc8: {  	v32 =	vadd.bf16 v47, v32;
	_ =	sdelay $0x1  }
0xc9: {  	[tilespmem:v0+s17+$0x0] =	vst.idx.msk $0xffff, v32  }
0xca: {  	v32 =	vld [tilespmem:s29+$0x47D0]  }
0xcb: {  	v48 =	vld [tilespmem:s29+$0x6FD0]  }
0xcc: {  	v49 =	vld [tilespmem:s29+$0x47E0]  }
0xcd: {  	v50 =	vld [tilespmem:s29+$0x6FE0]  }
0xce: {  	v51 =	vld [tilespmem:s29+$0x47F0]  }
0xcf: {  	v52 =	vld [tilespmem:s29+$0x6FF0]  }
0xd0: {  	v53 =	vld [tilespmem:s29+$0x4800]  }
0xd1: {  	v54 =	vld [tilespmem:s29+$0x7000]  }
0xd2: {  	v32 =	vmul.bf16 v48, v32;
	v55 =	vmul.bf16 v50, v49;
	_ =	sdelay $0x1  }
0xd3: {  	v56 =	vmul.bf16 v52, v51;
	v32 =	vadd.bf16 v55, v32;
	_ =	sdelay $0x1  }
0xd4: {  	v57 =	vmul.bf16 v54, v53;
	v32 =	vadd.bf16 v56, v32;
	_ =	sdelay $0x1  }
0xd5: {  	v32 =	vadd.bf16 v57, v32;
	_ =	sdelay $0x1  }
0xd6: {  	[tilespmem:v1+s17+$0x0] =	vst.idx.msk $0xffff, v32  }
0xd7: {  	v32 =	vld [tilespmem:s29+$0x4850]  }
0xd8: {  	v58 =	vld [tilespmem:s29+$0x7050]  }
0xd9: {  	v59 =	vld [tilespmem:s29+$0x4860]  }
0xda: {  	v60 =	vld [tilespmem:s29+$0x7060]  }
0xdb: {  	v61 =	vld [tilespmem:s29+$0x4870]  }
0xdc: {  	v62 =	vld [tilespmem:s29+$0x7070]  }
0xdd: {  	v63 =	vld [tilespmem:s29+$0x4880]  }
0xde: {  	v42 =	vld [tilespmem:s29+$0x7080]  }
0xdf: {  	v32 =	vmul.bf16 v58, v32;
	v43 =	vmul.bf16 v60, v59;
	_ =	sdelay $0x1  }
0xe0: {  	v44 =	vmul.bf16 v62, v61;
	v32 =	vadd.bf16 v43, v32;
	_ =	sdelay $0x1  }
0xe1: {  	v45 =	vmul.bf16 v42, v63;
	v32 =	vadd.bf16 v44, v32;
	_ =	sdelay $0x1  }
0xe2: {  	v32 =	vadd.bf16 v45, v32;
	_ =	sdelay $0x1  }
0xe3: {  	[tilespmem:v2+s17+$0x0] =	vst.idx.msk $0xffff, v32  }
0xe4: {  	v32 =	vld [tilespmem:s29+$0x48D0]  }
0xe5: {  	v46 =	vld [tilespmem:s29+$0x70D0]  }
0xe6: {  	v47 =	vld [tilespmem:s29+$0x48E0]  }
0xe7: {  	v48 =	vld [tilespmem:s29+$0x70E0]  }
0xe8: {  	v49 =	vld [tilespmem:s29+$0x48F0]  }
0xe9: {  	v50 =	vld [tilespmem:s29+$0x70F0]  }
0xea: {  	v51 =	vld [tilespmem:s29+$0x4900]  }
0xeb: {  	v52 =	vld [tilespmem:s29+$0x7100]  }
0xec: {  	v32 =	vmul.bf16 v46, v32;
	v53 =	vmul.bf16 v48, v47;
	_ =	sdelay $0x1  }
0xed: {  	v54 =	vmul.bf16 v50, v49;
	v32 =	vadd.bf16 v53, v32;
	_ =	sdelay $0x1  }
0xee: {  	v55 =	vmul.bf16 v52, v51;
	v32 =	vadd.bf16 v54, v32;
	_ =	sdelay $0x1  }
0xef: {  	v32 =	vadd.bf16 v55, v32;
	_ =	sdelay $0x1  }
0xf0: {  	[tilespmem:v3+s17+$0x0] =	vst.idx.msk $0xffff, v32  }
0xf1: {  	v32 =	vld [tilespmem:s29+$0x4950]  }
0xf2: {  	v56 =	vld [tilespmem:s29+$0x7150]  }
0xf3: {  	v57 =	vld [tilespmem:s29+$0x4960]  }
0xf4: {  	v58 =	vld [tilespmem:s29+$0x7160]  }
0xf5: {  	v59 =	vld [tilespmem:s29+$0x4970]  }
0xf6: {  	v60 =	vld [tilespmem:s29+$0x7170]  }
0xf7: {  	v61 =	vld [tilespmem:s29+$0x4980]  }
0xf8: {  	v62 =	vld [tilespmem:s29+$0x7180]  }
0xf9: {  	v32 =	vmul.bf16 v56, v32;
	v63 =	vmul.bf16 v58, v57;
	_ =	sdelay $0x1  }
0xfa: {  	v40 =	vmul.bf16 v60, v59;
	v32 =	vadd.bf16 v63, v32;
	_ =	sdelay $0x1  }
0xfb: {  	v41 =	vmul.bf16 v62, v61;
	v32 =	vadd.bf16 v40, v32;
	_ =	sdelay $0x1  }
0xfc: {  	v32 =	vadd.bf16 v41, v32;
	_ =	sdelay $0x1  }
0xfd: {  	[tilespmem:v4+s17+$0x0] =	vst.idx.msk $0xffff, v32  }
0xfe: {  	v32 =	vld [tilespmem:s29+$0x49D0]  }
0xff: {  	v42 =	vld [tilespmem:s29+$0x71D0]  }
0x100: {  	v43 =	vld [tilespmem:s29+$0x49E0]  }
0x101: {  	v44 =	vld [tilespmem:s29+$0x71E0]  }
0x102: {  	v45 =	vld [tilespmem:s29+$0x49F0]  }
0x103: {  	v46 =	vld [tilespmem:s29+$0x71F0]  }
0x104: {  	v47 =	vld [tilespmem:s29+$0x4A00]  }
0x105: {  	v48 =	vld [tilespmem:s29+$0x7200]  }
0x106: {  	v32 =	vmul.bf16 v42, v32;
	v49 =	vmul.bf16 v44, v43;
	_ =	sdelay $0x1  }
0x107: {  	v50 =	vmul.bf16 v46, v45;
	v32 =	vadd.bf16 v49, v32;
	_ =	sdelay $0x1  }
0x108: {  	v51 =	vmul.bf16 v48, v47;
	v32 =	vadd.bf16 v50, v32;
	_ =	sdelay $0x1  }
0x109: {  	v32 =	vadd.bf16 v51, v32;
	_ =	sdelay $0x1  }
0x10a: {  	[tilespmem:v5+s17+$0x0] =	vst.idx.msk $0xffff, v32  }
0x10b: {  	v32 =	vld [tilespmem:s29+$0x4A50]  }
0x10c: {  	v52 =	vld [tilespmem:s29+$0x7250]  }
0x10d: {  	v53 =	vld [tilespmem:s29+$0x4A60]  }
0x10e: {  	v54 =	vld [tilespmem:s29+$0x7260]  }
0x10f: {  	v55 =	vld [tilespmem:s29+$0x4A70]  }
0x110: {  	v56 =	vld [tilespmem:s29+$0x7270]  }
0x111: {  	v57 =	vld [tilespmem:s29+$0x4A80]  }
0x112: {  	v58 =	vld [tilespmem:s29+$0x7280]  }
0x113: {  	v32 =	vmul.bf16 v52, v32;
	v59 =	vmul.bf16 v54, v53;
	_ =	sdelay $0x1  }
0x114: {  	v60 =	vmul.bf16 v56, v55;
	v32 =	vadd.bf16 v59, v32;
	_ =	sdelay $0x1  }
0x115: {  	v61 =	vmul.bf16 v58, v57;
	v32 =	vadd.bf16 v60, v32;
	_ =	sdelay $0x1  }
0x116: {  	v32 =	vadd.bf16 v61, v32;
	_ =	sdelay $0x1  }
0x117: {  	[tilespmem:v6+s17+$0x0] =	vst.idx.msk $0xffff, v32  }
0x118: {  	v32 =	vld [tilespmem:s29+$0x4AD0]  }
0x119: {  	v62 =	vld [tilespmem:s29+$0x72D0]  }
0x11a: {  	v63 =	vld [tilespmem:s29+$0x4AE0]  }
0x11b: {  	v42 =	vld [tilespmem:s29+$0x72E0]  }
0x11c: {  	v43 =	vld [tilespmem:s29+$0x4AF0]  }
0x11d: {  	v44 =	vld [tilespmem:s29+$0x72F0]  }
0x11e: {  	v45 =	vld [tilespmem:s29+$0x4B00]  }
0x11f: {  	v46 =	vld [tilespmem:s29+$0x7300]  }
0x120: {  	v32 =	vmul.bf16 v62, v32;
	v47 =	vmul.bf16 v42, v63;
	_ =	sdelay $0x1  }
0x121: {  	v48 =	vmul.bf16 v44, v43;
	v32 =	vadd.bf16 v47, v32;
	_ =	sdelay $0x1  }
0x122: {  	v49 =	vmul.bf16 v46, v45;
	v32 =	vadd.bf16 v48, v32;
	_ =	sdelay $0x1  }
0x123: {  	v32 =	vadd.bf16 v49, v32;
	_ =	sdelay $0x1  }
0x124: {  	[tilespmem:v7+s17+$0x0] =	vst.idx.msk $0xffff, v32  }
0x125: {  	v32 =	vld [tilespmem:s29+$0x4B50]  }
0x126: {  	v50 =	vld [tilespmem:s29+$0x7350]  }
0x127: {  	v51 =	vld [tilespmem:s29+$0x4B60]  }
0x128: {  	v52 =	vld [tilespmem:s29+$0x7360]  }
0x129: {  	v53 =	vld [tilespmem:s29+$0x4B70]  }
0x12a: {  	v54 =	vld [tilespmem:s29+$0x7370]  }
0x12b: {  	v55 =	vld [tilespmem:s29+$0x4B80]  }
0x12c: {  	v56 =	vld [tilespmem:s29+$0x7380]  }
0x12d: {  	v32 =	vmul.bf16 v50, v32;
	v57 =	vmul.bf16 v52, v51;
	_ =	sdelay $0x1  }
0x12e: {  	v58 =	vmul.bf16 v54, v53;
	v32 =	vadd.bf16 v57, v32;
	_ =	sdelay $0x1  }
0x12f: {  	v59 =	vmul.bf16 v56, v55;
	v32 =	vadd.bf16 v58, v32;
	_ =	sdelay $0x1  }
0x130: {  	v32 =	vadd.bf16 v59, v32;
	_ =	sdelay $0x1  }
0x131: {  	[tilespmem:v8+s17+$0x0] =	vst.idx.msk $0xffff, v32  }
0x132: {  	v32 =	vld [tilespmem:s29+$0x4BD0]  }
0x133: {  	v60 =	vld [tilespmem:s29+$0x73D0]  }
0x134: {  	v61 =	vld [tilespmem:s29+$0x4BE0]  }
0x135: {  	v62 =	vld [tilespmem:s29+$0x73E0]  }
0x136: {  	v63 =	vld [tilespmem:s29+$0x4BF0]  }
0x137: {  	v42 =	vld [tilespmem:s29+$0x73F0]  }
0x138: {  	v43 =	vld [tilespmem:s29+$0x4C00]  }
0x139: {  	v44 =	vld [tilespmem:s29+$0x7400]  }
0x13a: {  	v32 =	vmul.bf16 v60, v32;
	v45 =	vmul.bf16 v62, v61;
	_ =	sdelay $0x1  }
0x13b: {  	v46 =	vmul.bf16 v42, v63;
	v32 =	vadd.bf16 v45, v32;
	_ =	sdelay $0x1  }
0x13c: {  	v47 =	vmul.bf16 v44, v43;
	v32 =	vadd.bf16 v46, v32;
	_ =	sdelay $0x1  }
0x13d: {  	v32 =	vadd.bf16 v47, v32;
	_ =	sdelay $0x1  }
0x13e: {  	[tilespmem:v9+s17+$0x0] =	vst.idx.msk $0xffff, v32  }
0x13f: {  	v32 =	vld [tilespmem:s29+$0x4C50]  }
0x140: {  	v48 =	vld [tilespmem:s29+$0x7450]  }
0x141: {  	v49 =	vld [tilespmem:s29+$0x4C60]  }
0x142: {  	v50 =	vld [tilespmem:s29+$0x7460]  }
0x143: {  	v51 =	vld [tilespmem:s29+$0x4C70]  }
0x144: {  	v52 =	vld [tilespmem:s29+$0x7470]  }
0x145: {  	v53 =	vld [tilespmem:s29+$0x4C80]  }
0x146: {  	v54 =	vld [tilespmem:s29+$0x7480]  }
0x147: {  	v32 =	vmul.bf16 v48, v32;
	v55 =	vmul.bf16 v50, v49;
	_ =	sdelay $0x1  }
0x148: {  	v56 =	vmul.bf16 v52, v51;
	v32 =	vadd.bf16 v55, v32;
	_ =	sdelay $0x1  }
0x149: {  	v57 =	vmul.bf16 v54, v53;
	v32 =	vadd.bf16 v56, v32;
	_ =	sdelay $0x1  }
0x14a: {  	v32 =	vadd.bf16 v57, v32;
	_ =	sdelay $0x1  }
0x14b: {  	[tilespmem:v10+s17+$0x0] =	vst.idx.msk $0xffff, v32  }
0x14c: {  	v32 =	vld [tilespmem:s29+$0x4CD0]  }
0x14d: {  	v58 =	vld [tilespmem:s29+$0x74D0]  }
0x14e: {  	v59 =	vld [tilespmem:s29+$0x4CE0]  }
0x14f: {  	v60 =	vld [tilespmem:s29+$0x74E0]  }
0x150: {  	v61 =	vld [tilespmem:s29+$0x4CF0]  }
0x151: {  	v62 =	vld [tilespmem:s29+$0x74F0]  }
0x152: {  	v63 =	vld [tilespmem:s29+$0x4D00]  }
0x153: {  	v42 =	vld [tilespmem:s29+$0x7500]  }
0x154: {  	v32 =	vmul.bf16 v58, v32;
	v43 =	vmul.bf16 v60, v59;
	_ =	sdelay $0x1  }
0x155: {  	v44 =	vmul.bf16 v62, v61;
	v32 =	vadd.bf16 v43, v32;
	_ =	sdelay $0x1  }
0x156: {  	v45 =	vmul.bf16 v42, v63;
	v32 =	vadd.bf16 v44, v32;
	_ =	sdelay $0x1  }
0x157: {  	v32 =	vadd.bf16 v45, v32;
	_ =	sdelay $0x1  }
0x158: {  	[tilespmem:v11+s17+$0x0] =	vst.idx.msk $0xffff, v32  }
0x159: {  	v32 =	vld [tilespmem:s29+$0x4D50]  }
0x15a: {  	v46 =	vld [tilespmem:s29+$0x7550]  }
0x15b: {  	v47 =	vld [tilespmem:s29+$0x4D60]  }
0x15c: {  	v48 =	vld [tilespmem:s29+$0x7560]  }
0x15d: {  	v49 =	vld [tilespmem:s29+$0x4D70]  }
0x15e: {  	v50 =	vld [tilespmem:s29+$0x7570]  }
0x15f: {  	v51 =	vld [tilespmem:s29+$0x4D80]  }
0x160: {  	v52 =	vld [tilespmem:s29+$0x7580]  }
0x161: {  	v32 =	vmul.bf16 v46, v32;
	v53 =	vmul.bf16 v48, v47;
	_ =	sdelay $0x1  }
0x162: {  	v54 =	vmul.bf16 v50, v49;
	v32 =	vadd.bf16 v53, v32;
	_ =	sdelay $0x1  }
0x163: {  	v55 =	vmul.bf16 v52, v51;
	v32 =	vadd.bf16 v54, v32;
	_ =	sdelay $0x1  }
0x164: {  	v32 =	vadd.bf16 v55, v32;
	_ =	sdelay $0x1  }
0x165: {  	[tilespmem:v12+s17+$0x0] =	vst.idx.msk $0xffff, v32  }
0x166: {  	v32 =	vld [tilespmem:s29+$0x4DD0]  }
0x167: {  	v56 =	vld [tilespmem:s29+$0x75D0]  }
0x168: {  	v57 =	vld [tilespmem:s29+$0x4DE0]  }
0x169: {  	v58 =	vld [tilespmem:s29+$0x75E0]  }
0x16a: {  	v59 =	vld [tilespmem:s29+$0x4DF0]  }
0x16b: {  	v60 =	vld [tilespmem:s29+$0x75F0]  }
0x16c: {  	v61 =	vld [tilespmem:s29+$0x4E00]  }
0x16d: {  	v62 =	vld [tilespmem:s29+$0x7600]  }
0x16e: {  	v32 =	vmul.bf16 v56, v32;
	v63 =	vmul.bf16 v58, v57;
	_ =	sdelay $0x1  }
0x16f: {  	v40 =	vmul.bf16 v60, v59;
	v32 =	vadd.bf16 v63, v32;
	_ =	sdelay $0x1  }
0x170: {  	v41 =	vmul.bf16 v62, v61;
	v32 =	vadd.bf16 v40, v32;
	_ =	sdelay $0x1  }
0x171: {  	v32 =	vadd.bf16 v41, v32;
	_ =	sdelay $0x1  }
0x172: {  	[tilespmem:v13+s17+$0x0] =	vst.idx.msk $0xffff, v32  }
0x173: {  	v32 =	vld [tilespmem:s29+$0x4E50]  }
0x174: {  	v42 =	vld [tilespmem:s29+$0x7650]  }
0x175: {  	v43 =	vld [tilespmem:s29+$0x4E60]  }
0x176: {  	v44 =	vld [tilespmem:s29+$0x7660]  }
0x177: {  	v45 =	vld [tilespmem:s29+$0x4E70]  }
0x178: {  	v46 =	vld [tilespmem:s29+$0x7670]  }
0x179: {  	v47 =	vld [tilespmem:s29+$0x4E80]  }
0x17a: {  	v48 =	vld [tilespmem:s29+$0x7680]  }
0x17b: {  	v32 =	vmul.bf16 v42, v32;
	v49 =	vmul.bf16 v44, v43;
	_ =	sdelay $0x1  }
0x17c: {  	v50 =	vmul.bf16 v46, v45;
	v32 =	vadd.bf16 v49, v32;
	_ =	sdelay $0x1  }
0x17d: {  	v51 =	vmul.bf16 v48, v47;
	v32 =	vadd.bf16 v50, v32;
	_ =	sdelay $0x1  }
0x17e: {  	v32 =	vadd.bf16 v51, v32;
	_ =	sdelay $0x1  }
0x17f: {  	[tilespmem:v14+s17+$0x0] =	vst.idx.msk $0xffff, v32  }
0x180: {  	v32 =	vld [tilespmem:s29+$0x4ED0]  }
0x181: {  	v52 =	vld [tilespmem:s29+$0x76D0]  }
0x182: {  	v53 =	vld [tilespmem:s29+$0x4EE0]  }
0x183: {  	v54 =	vld [tilespmem:s29+$0x76E0]  }
0x184: {  	v55 =	vld [tilespmem:s29+$0x4EF0]  }
0x185: {  	v56 =	vld [tilespmem:s29+$0x76F0]  }
0x186: {  	v57 =	vld [tilespmem:s29+$0x4F00]  }
0x187: {  	v58 =	vld [tilespmem:s29+$0x7700]  }
0x188: {  	v32 =	vmul.bf16 v52, v32;
	v59 =	vmul.bf16 v54, v53;
	_ =	sdelay $0x1  }
0x189: {  	v60 =	vmul.bf16 v56, v55;
	v32 =	vadd.bf16 v59, v32;
	_ =	sdelay $0x1  }
0x18a: {  	v61 =	vmul.bf16 v58, v57;
	v32 =	vadd.bf16 v60, v32;
	_ =	sdelay $0x1  }
0x18b: {  	v32 =	vadd.bf16 v61, v32;
	_ =	sdelay $0x1  }
0x18c: {  	[tilespmem:v15+s17+$0x0] =	vst.idx.msk $0xffff, v32  }
0x18d: {  	v32 =	vld.idx.msk [tilespmem:v16+s17+$0x0], $0xffff  }
0x18e: {  	v62 =	vld.idx.msk [tilespmem:v17+s17+$0x0], $0xffff  }
0x18f: {  	v63 =	vld.idx.msk [tilespmem:v18+s17+$0x0], $0xffff  }
0x190: {  	v48 =	vld.idx.msk [tilespmem:v19+s17+$0x0], $0xffff  }
0x191: {  	v49 =	vld.idx.msk [tilespmem:v20+s17+$0x0], $0xffff  }
0x192: {  	v50 =	vld.idx.msk [tilespmem:v21+s17+$0x0], $0xffff  }
0x193: {  	v51 =	vld.idx.msk [tilespmem:v22+s17+$0x0], $0xffff  }
0x194: {  	v52 =	vld.idx.msk [tilespmem:v23+s17+$0x0], $0xffff  }
0x195: {  	v40 =	vld.idx.msk [tilespmem:v24+s17+$0x0], $0xffff  }
0x196: {  	v41 =	vld.idx.msk [tilespmem:v25+s17+$0x0], $0xffff  }
0x197: {  	v42 =	vld.idx.msk [tilespmem:v26+s17+$0x0], $0xffff  }
0x198: {  	v43 =	vld.idx.msk [tilespmem:v27+s17+$0x0], $0xffff  }
0x199: {  	v44 =	vld.idx.msk [tilespmem:v28+s17+$0x0], $0xffff  }
0x19a: {  	v45 =	vld.idx.msk [tilespmem:v29+s17+$0x0], $0xffff  }
0x19b: {  	v46 =	vld.idx.msk [tilespmem:v30+s17+$0x0], $0xffff  }
0x19c: {  	v47 =	vld.idx.msk [tilespmem:v31+s17+$0x0], $0xffff;
	_ =	sdelay $0x1  }
0x19d: {  	v32 =	vadd.bf16 v62, v32;
	v53 =	vadd.bf16 v48, v63  }
0x19e: {  	v54 =	vadd.bf16 v50, v49;
	v55 =	vadd.bf16 v52, v51  }
0x19f: {  	v56 =	vadd.bf16 v41, v40;
	v57 =	vadd.bf16 v43, v42  }
0x1a0: {  	v58 =	vadd.bf16 v45, v44;
	v59 =	vadd.bf16 v47, v46  }
0x1a1: {  	v32 =	vadd.bf16 v53, v32;
	v60 =	vadd.bf16 v55, v54  }
0x1a2: {  	v61 =	vadd.bf16 v57, v56;
	v62 =	vadd.bf16 v59, v58;
	_ =	sdelay $0x1  }
0x1a3: {  	v32 =	vadd.bf16 v60, v32;
	v63 =	vadd.bf16 v62, v61;
	_ =	sdelay $0x1  }
0x1a4: {  	p0 =	sne.s32 s26, $0x9EC0;
	v32 =	vadd.bf16 v63, v32  }
.Ltmp0:
0x1a5: {  	_ = 	snop;
	(pc) =	sbr.rel @p0 .LBB2_3-.Ltmp0, $3  }
0x1a6: {  	v33 =	vunpack.i.u.bf16.f32 v32;
	v32 =	vunpack.i.l.bf16.f32 v32  }
0x1a7: {  	v32 =	vadd.f32 v32, v33;
	_ =	sdelay $0x1  }
0x1a8: {  	s26 =	sadd.s32 $0x2000, s26;
	[tilespmem:s28+$0x0] =	vst v32;
	s28 =	sadd.s32 $0x10, s28  }
0x1a9: {  	s26 =	sadd.s32 $0xA0, s25  }
0x1aa: {  	[tilespmem:s11], [sflag:$0x1] =	stream.indirect.gather [hbm4b:s3+s10], $0x80, s26, s10, $0xb8;
	[tilespmem:$0x11E80] =	vst v63  }
0x1ab: {  	s31 =	sadd.s32 $0x2820, s25  }
0x1ac: {  	[tilespmem:s12], [sflag:$0x2] =	stream.indirect.gather [hbm4b:s3+s10], $0x80, s31, s10, $0xb8;
	[tilespmem:$0x11E80] =	vst v63  }
0x1ad: {  	_ =	swait.ge [sflag:s18], $0x2800  }
0x1ae: {  	[sflag:s18] =	ssyncset.done $0x0  }
0x1af: {  	[sflag:s18] =	ssyncadd.s32 $0xFFFFD800  }
0x1b0: {  	_ =	swait.ge [sflag:s19], $0x2800  }
0x1b1: {  	[sflag:s19] =	ssyncset.done $0x0  }
0x1b2: {  	s25 =	simm.s32 $0x1EC0;
	s26 =	smov.u32 s22;
	[sflag:s19] =	ssyncadd.s32 $0xFFFFD800  }
.LBB2_5:
0x1b3: {  	s28 =	sshra.s32 s25, $0x2  }
0x1b4: {  	v32 =	vld [tilespmem:s28+$0x9750]  }
0x1b5: {  	v33 =	vld [tilespmem:s28+$0xBF50]  }
0x1b6: {  	v34 =	vld [tilespmem:s28+$0x9760]  }
0x1b7: {  	v35 =	vld [tilespmem:s28+$0xBF60]  }
0x1b8: {  	v36 =	vld [tilespmem:s28+$0x9770]  }
0x1b9: {  	v37 =	vld [tilespmem:s28+$0xBF70]  }
0x1ba: {  	v38 =	vld [tilespmem:s28+$0x9780]  }
0x1bb: {  	v39 =	vld [tilespmem:s28+$0xBF80]  }
0x1bc: {  	v32 =	vmul.bf16 v33, v32;
	v45 =	vmul.bf16 v35, v34;
	_ =	sdelay $0x1  }
0x1bd: {  	v46 =	vmul.bf16 v37, v36;
	v32 =	vadd.bf16 v45, v32;
	_ =	sdelay $0x1  }
0x1be: {  	v47 =	vmul.bf16 v39, v38;
	v32 =	vadd.bf16 v46, v32;
	_ =	sdelay $0x1  }
0x1bf: {  	v32 =	vadd.bf16 v47, v32;
	_ =	sdelay $0x1  }
0x1c0: {  	[tilespmem:v0+s17+$0x0] =	vst.idx.msk $0xffff, v32  }
0x1c1: {  	v32 =	vld [tilespmem:s28+$0x97D0]  }
0x1c2: {  	v48 =	vld [tilespmem:s28+$0xBFD0]  }
0x1c3: {  	v49 =	vld [tilespmem:s28+$0x97E0]  }
0x1c4: {  	v50 =	vld [tilespmem:s28+$0xBFE0]  }
0x1c5: {  	v51 =	vld [tilespmem:s28+$0x97F0]  }
0x1c6: {  	v52 =	vld [tilespmem:s28+$0xBFF0]  }
0x1c7: {  	v53 =	vld [tilespmem:s28+$0x9800]  }
0x1c8: {  	v54 =	vld [tilespmem:s28+$0xC000]  }
0x1c9: {  	v32 =	vmul.bf16 v48, v32;
	v55 =	vmul.bf16 v50, v49;
	_ =	sdelay $0x1  }
0x1ca: {  	v56 =	vmul.bf16 v52, v51;
	v32 =	vadd.bf16 v55, v32;
	_ =	sdelay $0x1  }
0x1cb: {  	v57 =	vmul.bf16 v54, v53;
	v32 =	vadd.bf16 v56, v32;
	_ =	sdelay $0x1  }
0x1cc: {  	v32 =	vadd.bf16 v57, v32;
	_ =	sdelay $0x1  }
0x1cd: {  	[tilespmem:v1+s17+$0x0] =	vst.idx.msk $0xffff, v32  }
0x1ce: {  	v32 =	vld [tilespmem:s28+$0x9850]  }
0x1cf: {  	v58 =	vld [tilespmem:s28+$0xC050]  }
0x1d0: {  	v59 =	vld [tilespmem:s28+$0x9860]  }
0x1d1: {  	v60 =	vld [tilespmem:s28+$0xC060]  }
0x1d2: {  	v61 =	vld [tilespmem:s28+$0x9870]  }
0x1d3: {  	v62 =	vld [tilespmem:s28+$0xC070]  }
0x1d4: {  	v63 =	vld [tilespmem:s28+$0x9880]  }
0x1d5: {  	v42 =	vld [tilespmem:s28+$0xC080]  }
0x1d6: {  	v32 =	vmul.bf16 v58, v32;
	v43 =	vmul.bf16 v60, v59;
	_ =	sdelay $0x1  }
0x1d7: {  	v44 =	vmul.bf16 v62, v61;
	v32 =	vadd.bf16 v43, v32;
	_ =	sdelay $0x1  }
0x1d8: {  	v45 =	vmul.bf16 v42, v63;
	v32 =	vadd.bf16 v44, v32;
	_ =	sdelay $0x1  }
0x1d9: {  	v32 =	vadd.bf16 v45, v32;
	_ =	sdelay $0x1  }
0x1da: {  	[tilespmem:v2+s17+$0x0] =	vst.idx.msk $0xffff, v32  }
0x1db: {  	v32 =	vld [tilespmem:s28+$0x98D0]  }
0x1dc: {  	v46 =	vld [tilespmem:s28+$0xC0D0]  }
0x1dd: {  	v47 =	vld [tilespmem:s28+$0x98E0]  }
0x1de: {  	v48 =	vld [tilespmem:s28+$0xC0E0]  }
0x1df: {  	v49 =	vld [tilespmem:s28+$0x98F0]  }
0x1e0: {  	v50 =	vld [tilespmem:s28+$0xC0F0]  }
0x1e1: {  	v51 =	vld [tilespmem:s28+$0x9900]  }
0x1e2: {  	v52 =	vld [tilespmem:s28+$0xC100]  }
0x1e3: {  	v32 =	vmul.bf16 v46, v32;
	v53 =	vmul.bf16 v48, v47;
	_ =	sdelay $0x1  }
0x1e4: {  	v54 =	vmul.bf16 v50, v49;
	v32 =	vadd.bf16 v53, v32;
	_ =	sdelay $0x1  }
0x1e5: {  	v55 =	vmul.bf16 v52, v51;
	v32 =	vadd.bf16 v54, v32;
	_ =	sdelay $0x1  }
0x1e6: {  	v32 =	vadd.bf16 v55, v32;
	_ =	sdelay $0x1  }
0x1e7: {  	[tilespmem:v3+s17+$0x0] =	vst.idx.msk $0xffff, v32  }
0x1e8: {  	v32 =	vld [tilespmem:s28+$0x9950]  }
0x1e9: {  	v56 =	vld [tilespmem:s28+$0xC150]  }
0x1ea: {  	v57 =	vld [tilespmem:s28+$0x9960]  }
0x1eb: {  	v58 =	vld [tilespmem:s28+$0xC160]  }
0x1ec: {  	v59 =	vld [tilespmem:s28+$0x9970]  }
0x1ed: {  	v60 =	vld [tilespmem:s28+$0xC170]  }
0x1ee: {  	v61 =	vld [tilespmem:s28+$0x9980]  }
0x1ef: {  	v62 =	vld [tilespmem:s28+$0xC180]  }
0x1f0: {  	v32 =	vmul.bf16 v56, v32;
	v63 =	vmul.bf16 v58, v57;
	_ =	sdelay $0x1  }
0x1f1: {  	v40 =	vmul.bf16 v60, v59;
	v32 =	vadd.bf16 v63, v32;
	_ =	sdelay $0x1  }
0x1f2: {  	v41 =	vmul.bf16 v62, v61;
	v32 =	vadd.bf16 v40, v32;
	_ =	sdelay $0x1  }
0x1f3: {  	v32 =	vadd.bf16 v41, v32;
	_ =	sdelay $0x1  }
0x1f4: {  	[tilespmem:v4+s17+$0x0] =	vst.idx.msk $0xffff, v32  }
0x1f5: {  	v32 =	vld [tilespmem:s28+$0x99D0]  }
0x1f6: {  	v42 =	vld [tilespmem:s28+$0xC1D0]  }
0x1f7: {  	v43 =	vld [tilespmem:s28+$0x99E0]  }
0x1f8: {  	v44 =	vld [tilespmem:s28+$0xC1E0]  }
0x1f9: {  	v45 =	vld [tilespmem:s28+$0x99F0]  }
0x1fa: {  	v46 =	vld [tilespmem:s28+$0xC1F0]  }
0x1fb: {  	v47 =	vld [tilespmem:s28+$0x9A00]  }
0x1fc: {  	v48 =	vld [tilespmem:s28+$0xC200]  }
0x1fd: {  	v32 =	vmul.bf16 v42, v32;
	v49 =	vmul.bf16 v44, v43;
	_ =	sdelay $0x1  }
0x1fe: {  	v50 =	vmul.bf16 v46, v45;
	v32 =	vadd.bf16 v49, v32;
	_ =	sdelay $0x1  }
0x1ff: {  	v51 =	vmul.bf16 v48, v47;
	v32 =	vadd.bf16 v50, v32;
	_ =	sdelay $0x1  }
0x200: {  	v32 =	vadd.bf16 v51, v32;
	_ =	sdelay $0x1  }
0x201: {  	[tilespmem:v5+s17+$0x0] =	vst.idx.msk $0xffff, v32  }
0x202: {  	v32 =	vld [tilespmem:s28+$0x9A50]  }
0x203: {  	v52 =	vld [tilespmem:s28+$0xC250]  }
0x204: {  	v53 =	vld [tilespmem:s28+$0x9A60]  }
0x205: {  	v54 =	vld [tilespmem:s28+$0xC260]  }
0x206: {  	v55 =	vld [tilespmem:s28+$0x9A70]  }
0x207: {  	v56 =	vld [tilespmem:s28+$0xC270]  }
0x208: {  	v57 =	vld [tilespmem:s28+$0x9A80]  }
0x209: {  	v58 =	vld [tilespmem:s28+$0xC280]  }
0x20a: {  	v32 =	vmul.bf16 v52, v32;
	v59 =	vmul.bf16 v54, v53;
	_ =	sdelay $0x1  }
0x20b: {  	v60 =	vmul.bf16 v56, v55;
	v32 =	vadd.bf16 v59, v32;
	_ =	sdelay $0x1  }
0x20c: {  	v61 =	vmul.bf16 v58, v57;
	v32 =	vadd.bf16 v60, v32;
	_ =	sdelay $0x1  }
0x20d: {  	v32 =	vadd.bf16 v61, v32;
	_ =	sdelay $0x1  }
0x20e: {  	[tilespmem:v6+s17+$0x0] =	vst.idx.msk $0xffff, v32  }
0x20f: {  	v32 =	vld [tilespmem:s28+$0x9AD0]  }
0x210: {  	v62 =	vld [tilespmem:s28+$0xC2D0]  }
0x211: {  	v63 =	vld [tilespmem:s28+$0x9AE0]  }
0x212: {  	v42 =	vld [tilespmem:s28+$0xC2E0]  }
0x213: {  	v43 =	vld [tilespmem:s28+$0x9AF0]  }
0x214: {  	v44 =	vld [tilespmem:s28+$0xC2F0]  }
0x215: {  	v45 =	vld [tilespmem:s28+$0x9B00]  }
0x216: {  	v46 =	vld [tilespmem:s28+$0xC300]  }
0x217: {  	v32 =	vmul.bf16 v62, v32;
	v47 =	vmul.bf16 v42, v63;
	_ =	sdelay $0x1  }
0x218: {  	v48 =	vmul.bf16 v44, v43;
	v32 =	vadd.bf16 v47, v32;
	_ =	sdelay $0x1  }
0x219: {  	v49 =	vmul.bf16 v46, v45;
	v32 =	vadd.bf16 v48, v32;
	_ =	sdelay $0x1  }
0x21a: {  	v32 =	vadd.bf16 v49, v32;
	_ =	sdelay $0x1  }
0x21b: {  	[tilespmem:v7+s17+$0x0] =	vst.idx.msk $0xffff, v32  }
0x21c: {  	v32 =	vld [tilespmem:s28+$0x9B50]  }
0x21d: {  	v50 =	vld [tilespmem:s28+$0xC350]  }
0x21e: {  	v51 =	vld [tilespmem:s28+$0x9B60]  }
0x21f: {  	v52 =	vld [tilespmem:s28+$0xC360]  }
0x220: {  	v53 =	vld [tilespmem:s28+$0x9B70]  }
0x221: {  	v54 =	vld [tilespmem:s28+$0xC370]  }
0x222: {  	v55 =	vld [tilespmem:s28+$0x9B80]  }
0x223: {  	v56 =	vld [tilespmem:s28+$0xC380]  }
0x224: {  	v32 =	vmul.bf16 v50, v32;
	v57 =	vmul.bf16 v52, v51;
	_ =	sdelay $0x1  }
0x225: {  	v58 =	vmul.bf16 v54, v53;
	v32 =	vadd.bf16 v57, v32;
	_ =	sdelay $0x1  }
0x226: {  	v59 =	vmul.bf16 v56, v55;
	v32 =	vadd.bf16 v58, v32;
	_ =	sdelay $0x1  }
0x227: {  	v32 =	vadd.bf16 v59, v32;
	_ =	sdelay $0x1  }
0x228: {  	[tilespmem:v8+s17+$0x0] =	vst.idx.msk $0xffff, v32  }
0x229: {  	v32 =	vld [tilespmem:s28+$0x9BD0]  }
0x22a: {  	v60 =	vld [tilespmem:s28+$0xC3D0]  }
0x22b: {  	v61 =	vld [tilespmem:s28+$0x9BE0]  }
0x22c: {  	v62 =	vld [tilespmem:s28+$0xC3E0]  }
0x22d: {  	v63 =	vld [tilespmem:s28+$0x9BF0]  }
0x22e: {  	v42 =	vld [tilespmem:s28+$0xC3F0]  }
0x22f: {  	v43 =	vld [tilespmem:s28+$0x9C00]  }
0x230: {  	v44 =	vld [tilespmem:s28+$0xC400]  }
0x231: {  	v32 =	vmul.bf16 v60, v32;
	v45 =	vmul.bf16 v62, v61;
	_ =	sdelay $0x1  }
0x232: {  	v46 =	vmul.bf16 v42, v63;
	v32 =	vadd.bf16 v45, v32;
	_ =	sdelay $0x1  }
0x233: {  	v47 =	vmul.bf16 v44, v43;
	v32 =	vadd.bf16 v46, v32;
	_ =	sdelay $0x1  }
0x234: {  	v32 =	vadd.bf16 v47, v32;
	_ =	sdelay $0x1  }
0x235: {  	[tilespmem:v9+s17+$0x0] =	vst.idx.msk $0xffff, v32  }
0x236: {  	v32 =	vld [tilespmem:s28+$0x9C50]  }
0x237: {  	v48 =	vld [tilespmem:s28+$0xC450]  }
0x238: {  	v49 =	vld [tilespmem:s28+$0x9C60]  }
0x239: {  	v50 =	vld [tilespmem:s28+$0xC460]  }
0x23a: {  	v51 =	vld [tilespmem:s28+$0x9C70]  }
0x23b: {  	v52 =	vld [tilespmem:s28+$0xC470]  }
0x23c: {  	v53 =	vld [tilespmem:s28+$0x9C80]  }
0x23d: {  	v54 =	vld [tilespmem:s28+$0xC480]  }
0x23e: {  	v32 =	vmul.bf16 v48, v32;
	v55 =	vmul.bf16 v50, v49;
	_ =	sdelay $0x1  }
0x23f: {  	v56 =	vmul.bf16 v52, v51;
	v32 =	vadd.bf16 v55, v32;
	_ =	sdelay $0x1  }
0x240: {  	v57 =	vmul.bf16 v54, v53;
	v32 =	vadd.bf16 v56, v32;
	_ =	sdelay $0x1  }
0x241: {  	v32 =	vadd.bf16 v57, v32;
	_ =	sdelay $0x1  }
0x242: {  	[tilespmem:v10+s17+$0x0] =	vst.idx.msk $0xffff, v32  }
0x243: {  	v32 =	vld [tilespmem:s28+$0x9CD0]  }
0x244: {  	v58 =	vld [tilespmem:s28+$0xC4D0]  }
0x245: {  	v59 =	vld [tilespmem:s28+$0x9CE0]  }
0x246: {  	v60 =	vld [tilespmem:s28+$0xC4E0]  }
0x247: {  	v61 =	vld [tilespmem:s28+$0x9CF0]  }
0x248: {  	v62 =	vld [tilespmem:s28+$0xC4F0]  }
0x249: {  	v63 =	vld [tilespmem:s28+$0x9D00]  }
0x24a: {  	v42 =	vld [tilespmem:s28+$0xC500]  }
0x24b: {  	v32 =	vmul.bf16 v58, v32;
	v43 =	vmul.bf16 v60, v59;
	_ =	sdelay $0x1  }
0x24c: {  	v44 =	vmul.bf16 v62, v61;
	v32 =	vadd.bf16 v43, v32;
	_ =	sdelay $0x1  }
0x24d: {  	v45 =	vmul.bf16 v42, v63;
	v32 =	vadd.bf16 v44, v32;
	_ =	sdelay $0x1  }
0x24e: {  	v32 =	vadd.bf16 v45, v32;
	_ =	sdelay $0x1  }
0x24f: {  	[tilespmem:v11+s17+$0x0] =	vst.idx.msk $0xffff, v32  }
0x250: {  	v32 =	vld [tilespmem:s28+$0x9D50]  }
0x251: {  	v46 =	vld [tilespmem:s28+$0xC550]  }
0x252: {  	v47 =	vld [tilespmem:s28+$0x9D60]  }
0x253: {  	v48 =	vld [tilespmem:s28+$0xC560]  }
0x254: {  	v49 =	vld [tilespmem:s28+$0x9D70]  }
0x255: {  	v50 =	vld [tilespmem:s28+$0xC570]  }
0x256: {  	v51 =	vld [tilespmem:s28+$0x9D80]  }
0x257: {  	v52 =	vld [tilespmem:s28+$0xC580]  }
0x258: {  	v32 =	vmul.bf16 v46, v32;
	v53 =	vmul.bf16 v48, v47;
	_ =	sdelay $0x1  }
0x259: {  	v54 =	vmul.bf16 v50, v49;
	v32 =	vadd.bf16 v53, v32;
	_ =	sdelay $0x1  }
0x25a: {  	v55 =	vmul.bf16 v52, v51;
	v32 =	vadd.bf16 v54, v32;
	_ =	sdelay $0x1  }
0x25b: {  	v32 =	vadd.bf16 v55, v32;
	_ =	sdelay $0x1  }
0x25c: {  	[tilespmem:v12+s17+$0x0] =	vst.idx.msk $0xffff, v32  }
0x25d: {  	v32 =	vld [tilespmem:s28+$0x9DD0]  }
0x25e: {  	v56 =	vld [tilespmem:s28+$0xC5D0]  }
0x25f: {  	v57 =	vld [tilespmem:s28+$0x9DE0]  }
0x260: {  	v58 =	vld [tilespmem:s28+$0xC5E0]  }
0x261: {  	v59 =	vld [tilespmem:s28+$0x9DF0]  }
0x262: {  	v60 =	vld [tilespmem:s28+$0xC5F0]  }
0x263: {  	v61 =	vld [tilespmem:s28+$0x9E00]  }
0x264: {  	v62 =	vld [tilespmem:s28+$0xC600]  }
0x265: {  	v32 =	vmul.bf16 v56, v32;
	v63 =	vmul.bf16 v58, v57;
	_ =	sdelay $0x1  }
0x266: {  	v40 =	vmul.bf16 v60, v59;
	v32 =	vadd.bf16 v63, v32;
	_ =	sdelay $0x1  }
0x267: {  	v41 =	vmul.bf16 v62, v61;
	v32 =	vadd.bf16 v40, v32;
	_ =	sdelay $0x1  }
0x268: {  	v32 =	vadd.bf16 v41, v32;
	_ =	sdelay $0x1  }
0x269: {  	[tilespmem:v13+s17+$0x0] =	vst.idx.msk $0xffff, v32  }
0x26a: {  	v32 =	vld [tilespmem:s28+$0x9E50]  }
0x26b: {  	v42 =	vld [tilespmem:s28+$0xC650]  }
0x26c: {  	v43 =	vld [tilespmem:s28+$0x9E60]  }
0x26d: {  	v44 =	vld [tilespmem:s28+$0xC660]  }
0x26e: {  	v45 =	vld [tilespmem:s28+$0x9E70]  }
0x26f: {  	v46 =	vld [tilespmem:s28+$0xC670]  }
0x270: {  	v47 =	vld [tilespmem:s28+$0x9E80]  }
0x271: {  	v48 =	vld [tilespmem:s28+$0xC680]  }
0x272: {  	v32 =	vmul.bf16 v42, v32;
	v49 =	vmul.bf16 v44, v43;
	_ =	sdelay $0x1  }
0x273: {  	v50 =	vmul.bf16 v46, v45;
	v32 =	vadd.bf16 v49, v32;
	_ =	sdelay $0x1  }
0x274: {  	v51 =	vmul.bf16 v48, v47;
	v32 =	vadd.bf16 v50, v32;
	_ =	sdelay $0x1  }
0x275: {  	v32 =	vadd.bf16 v51, v32;
	_ =	sdelay $0x1  }
0x276: {  	[tilespmem:v14+s17+$0x0] =	vst.idx.msk $0xffff, v32  }
0x277: {  	v32 =	vld [tilespmem:s28+$0x9ED0]  }
0x278: {  	v52 =	vld [tilespmem:s28+$0xC6D0]  }
0x279: {  	v53 =	vld [tilespmem:s28+$0x9EE0]  }
0x27a: {  	v54 =	vld [tilespmem:s28+$0xC6E0]  }
0x27b: {  	v55 =	vld [tilespmem:s28+$0x9EF0]  }
0x27c: {  	v56 =	vld [tilespmem:s28+$0xC6F0]  }
0x27d: {  	v57 =	vld [tilespmem:s28+$0x9F00]  }
0x27e: {  	v58 =	vld [tilespmem:s28+$0xC700]  }
0x27f: {  	v32 =	vmul.bf16 v52, v32;
	v59 =	vmul.bf16 v54, v53;
	_ =	sdelay $0x1  }
0x280: {  	v60 =	vmul.bf16 v56, v55;
	v32 =	vadd.bf16 v59, v32;
	_ =	sdelay $0x1  }
0x281: {  	v61 =	vmul.bf16 v58, v57;
	v32 =	vadd.bf16 v60, v32;
	_ =	sdelay $0x1  }
0x282: {  	v32 =	vadd.bf16 v61, v32;
	_ =	sdelay $0x1  }
0x283: {  	[tilespmem:v15+s17+$0x0] =	vst.idx.msk $0xffff, v32  }
0x284: {  	v32 =	vld.idx.msk [tilespmem:v16+s17+$0x0], $0xffff  }
0x285: {  	v62 =	vld.idx.msk [tilespmem:v17+s17+$0x0], $0xffff  }
0x286: {  	v63 =	vld.idx.msk [tilespmem:v18+s17+$0x0], $0xffff  }
0x287: {  	v48 =	vld.idx.msk [tilespmem:v19+s17+$0x0], $0xffff  }
0x288: {  	v49 =	vld.idx.msk [tilespmem:v20+s17+$0x0], $0xffff  }
0x289: {  	v50 =	vld.idx.msk [tilespmem:v21+s17+$0x0], $0xffff  }
0x28a: {  	v51 =	vld.idx.msk [tilespmem:v22+s17+$0x0], $0xffff  }
0x28b: {  	v52 =	vld.idx.msk [tilespmem:v23+s17+$0x0], $0xffff  }
0x28c: {  	v40 =	vld.idx.msk [tilespmem:v24+s17+$0x0], $0xffff  }
0x28d: {  	v41 =	vld.idx.msk [tilespmem:v25+s17+$0x0], $0xffff  }
0x28e: {  	v42 =	vld.idx.msk [tilespmem:v26+s17+$0x0], $0xffff  }
0x28f: {  	v43 =	vld.idx.msk [tilespmem:v27+s17+$0x0], $0xffff  }
0x290: {  	v44 =	vld.idx.msk [tilespmem:v28+s17+$0x0], $0xffff  }
0x291: {  	v45 =	vld.idx.msk [tilespmem:v29+s17+$0x0], $0xffff  }
0x292: {  	v46 =	vld.idx.msk [tilespmem:v30+s17+$0x0], $0xffff  }
0x293: {  	v47 =	vld.idx.msk [tilespmem:v31+s17+$0x0], $0xffff;
	_ =	sdelay $0x1  }
0x294: {  	v32 =	vadd.bf16 v62, v32;
	v53 =	vadd.bf16 v48, v63  }
0x295: {  	v54 =	vadd.bf16 v50, v49;
	v55 =	vadd.bf16 v52, v51  }
0x296: {  	v56 =	vadd.bf16 v41, v40;
	v57 =	vadd.bf16 v43, v42  }
0x297: {  	v58 =	vadd.bf16 v45, v44;
	v59 =	vadd.bf16 v47, v46  }
0x298: {  	v32 =	vadd.bf16 v53, v32;
	v60 =	vadd.bf16 v55, v54  }
0x299: {  	v61 =	vadd.bf16 v57, v56;
	v62 =	vadd.bf16 v59, v58;
	_ =	sdelay $0x1  }
0x29a: {  	v32 =	vadd.bf16 v60, v32;
	v63 =	vadd.bf16 v62, v61;
	_ =	sdelay $0x1  }
0x29b: {  	p0 =	sne.s32 s25, $0x9EC0;
	v32 =	vadd.bf16 v63, v32  }
.Ltmp1:
0x29c: {  	_ = 	snop;
	(pc) =	sbr.rel @p0 .LBB2_5-.Ltmp1, $3  }
0x29d: {  	v33 =	vunpack.i.u.bf16.f32 v32;
	v32 =	vunpack.i.l.bf16.f32 v32  }
0x29e: {  	v32 =	vadd.f32 v32, v33;
	_ =	sdelay $0x1  }
0x29f: {  	s25 =	sadd.s32 $0x2000, s25;
	[tilespmem:s26+$0x0] =	vst v32;
	s26 =	sadd.s32 $0x10, s26  }
0x2a0: {  	s24 =	sadd.s32 $0x1, s24  }
0x2a1: {  	p0 =	sne.s32 s24, $0x3E  }
.Ltmp2:
0x2a2: {  	_ = 	snop;
	(pc) =	sbr.rel @p0 .LBB2_2-.Ltmp2, $2  }
0x2a3: {  	_ =	sdelay $0x2  }
0x2a4: {  	s23 =	sadd.s32 $0xA0, s23;
	s22 =	sadd.s32 $0xA0, s22  }
0x2a5: {  	_ =	swait.ge [sflag:s15], $0x2800  }
0x2a6: {  	[sflag:s15] =	ssyncset.done $0x0  }
0x2a7: {  	[sflag:s15] =	ssyncadd.s32 $0xFFFFD800  }
0x2a8: {  	_ =	swait.ge [sflag:s16], $0x2800  }
0x2a9: {  	[sflag:s16] =	ssyncset.done $0x0  }
0x2aa: {  	s22 =	simm.s32 $0x1EC0;
	s23 =	simm.s32 $0x115C0;
	[sflag:s16] =	ssyncadd.s32 $0xFFFFD800  }
.LBB2_8:
0x2ab: {  	s24 =	sshra.s32 s22, $0x2  }
0x2ac: {  	v32 =	vld [tilespmem:s24+$0x4750]  }
0x2ad: {  	v33 =	vld [tilespmem:s24+$0x6F50]  }
0x2ae: {  	v34 =	vld [tilespmem:s24+$0x4760]  }
0x2af: {  	v35 =	vld [tilespmem:s24+$0x6F60]  }
0x2b0: {  	v36 =	vld [tilespmem:s24+$0x4770]  }
0x2b1: {  	v37 =	vld [tilespmem:s24+$0x6F70]  }
0x2b2: {  	v38 =	vld [tilespmem:s24+$0x4780]  }
0x2b3: {  	v39 =	vld [tilespmem:s24+$0x6F80]  }
0x2b4: {  	v32 =	vmul.bf16 v33, v32;
	v45 =	vmul.bf16 v35, v34;
	_ =	sdelay $0x1  }
0x2b5: {  	v46 =	vmul.bf16 v37, v36;
	v32 =	vadd.bf16 v45, v32;
	_ =	sdelay $0x1  }
0x2b6: {  	v47 =	vmul.bf16 v39, v38;
	v32 =	vadd.bf16 v46, v32;
	_ =	sdelay $0x1  }
0x2b7: {  	v32 =	vadd.bf16 v47, v32;
	_ =	sdelay $0x1  }
0x2b8: {  	[tilespmem:v0+s17+$0x0] =	vst.idx.msk $0xffff, v32  }
0x2b9: {  	v32 =	vld [tilespmem:s24+$0x47D0]  }
0x2ba: {  	v48 =	vld [tilespmem:s24+$0x6FD0]  }
0x2bb: {  	v49 =	vld [tilespmem:s24+$0x47E0]  }
0x2bc: {  	v50 =	vld [tilespmem:s24+$0x6FE0]  }
0x2bd: {  	v51 =	vld [tilespmem:s24+$0x47F0]  }
0x2be: {  	v52 =	vld [tilespmem:s24+$0x6FF0]  }
0x2bf: {  	v53 =	vld [tilespmem:s24+$0x4800]  }
0x2c0: {  	v54 =	vld [tilespmem:s24+$0x7000]  }
0x2c1: {  	v32 =	vmul.bf16 v48, v32;
	v55 =	vmul.bf16 v50, v49;
	_ =	sdelay $0x1  }
0x2c2: {  	v56 =	vmul.bf16 v52, v51;
	v32 =	vadd.bf16 v55, v32;
	_ =	sdelay $0x1  }
0x2c3: {  	v57 =	vmul.bf16 v54, v53;
	v32 =	vadd.bf16 v56, v32;
	_ =	sdelay $0x1  }
0x2c4: {  	v32 =	vadd.bf16 v57, v32;
	_ =	sdelay $0x1  }
0x2c5: {  	[tilespmem:v1+s17+$0x0] =	vst.idx.msk $0xffff, v32  }
0x2c6: {  	v32 =	vld [tilespmem:s24+$0x4850]  }
0x2c7: {  	v58 =	vld [tilespmem:s24+$0x7050]  }
0x2c8: {  	v59 =	vld [tilespmem:s24+$0x4860]  }
0x2c9: {  	v60 =	vld [tilespmem:s24+$0x7060]  }
0x2ca: {  	v61 =	vld [tilespmem:s24+$0x4870]  }
0x2cb: {  	v62 =	vld [tilespmem:s24+$0x7070]  }
0x2cc: {  	v63 =	vld [tilespmem:s24+$0x4880]  }
0x2cd: {  	v42 =	vld [tilespmem:s24+$0x7080]  }
0x2ce: {  	v32 =	vmul.bf16 v58, v32;
	v43 =	vmul.bf16 v60, v59;
	_ =	sdelay $0x1  }
0x2cf: {  	v44 =	vmul.bf16 v62, v61;
	v32 =	vadd.bf16 v43, v32;
	_ =	sdelay $0x1  }
0x2d0: {  	v45 =	vmul.bf16 v42, v63;
	v32 =	vadd.bf16 v44, v32;
	_ =	sdelay $0x1  }
0x2d1: {  	v32 =	vadd.bf16 v45, v32;
	_ =	sdelay $0x1  }
0x2d2: {  	[tilespmem:v2+s17+$0x0] =	vst.idx.msk $0xffff, v32  }
0x2d3: {  	v32 =	vld [tilespmem:s24+$0x48D0]  }
0x2d4: {  	v46 =	vld [tilespmem:s24+$0x70D0]  }
0x2d5: {  	v47 =	vld [tilespmem:s24+$0x48E0]  }
0x2d6: {  	v48 =	vld [tilespmem:s24+$0x70E0]  }
0x2d7: {  	v49 =	vld [tilespmem:s24+$0x48F0]  }
0x2d8: {  	v50 =	vld [tilespmem:s24+$0x70F0]  }
0x2d9: {  	v51 =	vld [tilespmem:s24+$0x4900]  }
0x2da: {  	v52 =	vld [tilespmem:s24+$0x7100]  }
0x2db: {  	v32 =	vmul.bf16 v46, v32;
	v53 =	vmul.bf16 v48, v47;
	_ =	sdelay $0x1  }
0x2dc: {  	v54 =	vmul.bf16 v50, v49;
	v32 =	vadd.bf16 v53, v32;
	_ =	sdelay $0x1  }
0x2dd: {  	v55 =	vmul.bf16 v52, v51;
	v32 =	vadd.bf16 v54, v32;
	_ =	sdelay $0x1  }
0x2de: {  	v32 =	vadd.bf16 v55, v32;
	_ =	sdelay $0x1  }
0x2df: {  	[tilespmem:v3+s17+$0x0] =	vst.idx.msk $0xffff, v32  }
0x2e0: {  	v32 =	vld [tilespmem:s24+$0x4950]  }
0x2e1: {  	v56 =	vld [tilespmem:s24+$0x7150]  }
0x2e2: {  	v57 =	vld [tilespmem:s24+$0x4960]  }
0x2e3: {  	v58 =	vld [tilespmem:s24+$0x7160]  }
0x2e4: {  	v59 =	vld [tilespmem:s24+$0x4970]  }
0x2e5: {  	v60 =	vld [tilespmem:s24+$0x7170]  }
0x2e6: {  	v61 =	vld [tilespmem:s24+$0x4980]  }
0x2e7: {  	v62 =	vld [tilespmem:s24+$0x7180]  }
0x2e8: {  	v32 =	vmul.bf16 v56, v32;
	v63 =	vmul.bf16 v58, v57;
	_ =	sdelay $0x1  }
0x2e9: {  	v40 =	vmul.bf16 v60, v59;
	v32 =	vadd.bf16 v63, v32;
	_ =	sdelay $0x1  }
0x2ea: {  	v41 =	vmul.bf16 v62, v61;
	v32 =	vadd.bf16 v40, v32;
	_ =	sdelay $0x1  }
0x2eb: {  	v32 =	vadd.bf16 v41, v32;
	_ =	sdelay $0x1  }
0x2ec: {  	[tilespmem:v4+s17+$0x0] =	vst.idx.msk $0xffff, v32  }
0x2ed: {  	v32 =	vld [tilespmem:s24+$0x49D0]  }
0x2ee: {  	v42 =	vld [tilespmem:s24+$0x71D0]  }
0x2ef: {  	v43 =	vld [tilespmem:s24+$0x49E0]  }
0x2f0: {  	v44 =	vld [tilespmem:s24+$0x71E0]  }
0x2f1: {  	v45 =	vld [tilespmem:s24+$0x49F0]  }
0x2f2: {  	v46 =	vld [tilespmem:s24+$0x71F0]  }
0x2f3: {  	v47 =	vld [tilespmem:s24+$0x4A00]  }
0x2f4: {  	v48 =	vld [tilespmem:s24+$0x7200]  }
0x2f5: {  	v32 =	vmul.bf16 v42, v32;
	v49 =	vmul.bf16 v44, v43;
	_ =	sdelay $0x1  }
0x2f6: {  	v50 =	vmul.bf16 v46, v45;
	v32 =	vadd.bf16 v49, v32;
	_ =	sdelay $0x1  }
0x2f7: {  	v51 =	vmul.bf16 v48, v47;
	v32 =	vadd.bf16 v50, v32;
	_ =	sdelay $0x1  }
0x2f8: {  	v32 =	vadd.bf16 v51, v32;
	_ =	sdelay $0x1  }
0x2f9: {  	[tilespmem:v5+s17+$0x0] =	vst.idx.msk $0xffff, v32  }
0x2fa: {  	v32 =	vld [tilespmem:s24+$0x4A50]  }
0x2fb: {  	v52 =	vld [tilespmem:s24+$0x7250]  }
0x2fc: {  	v53 =	vld [tilespmem:s24+$0x4A60]  }
0x2fd: {  	v54 =	vld [tilespmem:s24+$0x7260]  }
0x2fe: {  	v55 =	vld [tilespmem:s24+$0x4A70]  }
0x2ff: {  	v56 =	vld [tilespmem:s24+$0x7270]  }
0x300: {  	v57 =	vld [tilespmem:s24+$0x4A80]  }
0x301: {  	v58 =	vld [tilespmem:s24+$0x7280]  }
0x302: {  	v32 =	vmul.bf16 v52, v32;
	v59 =	vmul.bf16 v54, v53;
	_ =	sdelay $0x1  }
0x303: {  	v60 =	vmul.bf16 v56, v55;
	v32 =	vadd.bf16 v59, v32;
	_ =	sdelay $0x1  }
0x304: {  	v61 =	vmul.bf16 v58, v57;
	v32 =	vadd.bf16 v60, v32;
	_ =	sdelay $0x1  }
0x305: {  	v32 =	vadd.bf16 v61, v32;
	_ =	sdelay $0x1  }
0x306: {  	[tilespmem:v6+s17+$0x0] =	vst.idx.msk $0xffff, v32  }
0x307: {  	v32 =	vld [tilespmem:s24+$0x4AD0]  }
0x308: {  	v62 =	vld [tilespmem:s24+$0x72D0]  }
0x309: {  	v63 =	vld [tilespmem:s24+$0x4AE0]  }
0x30a: {  	v42 =	vld [tilespmem:s24+$0x72E0]  }
0x30b: {  	v43 =	vld [tilespmem:s24+$0x4AF0]  }
0x30c: {  	v44 =	vld [tilespmem:s24+$0x72F0]  }
0x30d: {  	v45 =	vld [tilespmem:s24+$0x4B00]  }
0x30e: {  	v46 =	vld [tilespmem:s24+$0x7300]  }
0x30f: {  	v32 =	vmul.bf16 v62, v32;
	v47 =	vmul.bf16 v42, v63;
	_ =	sdelay $0x1  }
0x310: {  	v48 =	vmul.bf16 v44, v43;
	v32 =	vadd.bf16 v47, v32;
	_ =	sdelay $0x1  }
0x311: {  	v49 =	vmul.bf16 v46, v45;
	v32 =	vadd.bf16 v48, v32;
	_ =	sdelay $0x1  }
0x312: {  	v32 =	vadd.bf16 v49, v32;
	_ =	sdelay $0x1  }
0x313: {  	[tilespmem:v7+s17+$0x0] =	vst.idx.msk $0xffff, v32  }
0x314: {  	v32 =	vld [tilespmem:s24+$0x4B50]  }
0x315: {  	v50 =	vld [tilespmem:s24+$0x7350]  }
0x316: {  	v51 =	vld [tilespmem:s24+$0x4B60]  }
0x317: {  	v52 =	vld [tilespmem:s24+$0x7360]  }
0x318: {  	v53 =	vld [tilespmem:s24+$0x4B70]  }
0x319: {  	v54 =	vld [tilespmem:s24+$0x7370]  }
0x31a: {  	v55 =	vld [tilespmem:s24+$0x4B80]  }
0x31b: {  	v56 =	vld [tilespmem:s24+$0x7380]  }
0x31c: {  	v32 =	vmul.bf16 v50, v32;
	v57 =	vmul.bf16 v52, v51;
	_ =	sdelay $0x1  }
0x31d: {  	v58 =	vmul.bf16 v54, v53;
	v32 =	vadd.bf16 v57, v32;
	_ =	sdelay $0x1  }
0x31e: {  	v59 =	vmul.bf16 v56, v55;
	v32 =	vadd.bf16 v58, v32;
	_ =	sdelay $0x1  }
0x31f: {  	v32 =	vadd.bf16 v59, v32;
	_ =	sdelay $0x1  }
0x320: {  	[tilespmem:v8+s17+$0x0] =	vst.idx.msk $0xffff, v32  }
0x321: {  	v32 =	vld [tilespmem:s24+$0x4BD0]  }
0x322: {  	v60 =	vld [tilespmem:s24+$0x73D0]  }
0x323: {  	v61 =	vld [tilespmem:s24+$0x4BE0]  }
0x324: {  	v62 =	vld [tilespmem:s24+$0x73E0]  }
0x325: {  	v63 =	vld [tilespmem:s24+$0x4BF0]  }
0x326: {  	v42 =	vld [tilespmem:s24+$0x73F0]  }
0x327: {  	v43 =	vld [tilespmem:s24+$0x4C00]  }
0x328: {  	v44 =	vld [tilespmem:s24+$0x7400]  }
0x329: {  	v32 =	vmul.bf16 v60, v32;
	v45 =	vmul.bf16 v62, v61;
	_ =	sdelay $0x1  }
0x32a: {  	v46 =	vmul.bf16 v42, v63;
	v32 =	vadd.bf16 v45, v32;
	_ =	sdelay $0x1  }
0x32b: {  	v47 =	vmul.bf16 v44, v43;
	v32 =	vadd.bf16 v46, v32;
	_ =	sdelay $0x1  }
0x32c: {  	v32 =	vadd.bf16 v47, v32;
	_ =	sdelay $0x1  }
0x32d: {  	[tilespmem:v9+s17+$0x0] =	vst.idx.msk $0xffff, v32  }
0x32e: {  	v32 =	vld [tilespmem:s24+$0x4C50]  }
0x32f: {  	v48 =	vld [tilespmem:s24+$0x7450]  }
0x330: {  	v49 =	vld [tilespmem:s24+$0x4C60]  }
0x331: {  	v50 =	vld [tilespmem:s24+$0x7460]  }
0x332: {  	v51 =	vld [tilespmem:s24+$0x4C70]  }
0x333: {  	v52 =	vld [tilespmem:s24+$0x7470]  }
0x334: {  	v53 =	vld [tilespmem:s24+$0x4C80]  }
0x335: {  	v54 =	vld [tilespmem:s24+$0x7480]  }
0x336: {  	v32 =	vmul.bf16 v48, v32;
	v55 =	vmul.bf16 v50, v49;
	_ =	sdelay $0x1  }
0x337: {  	v56 =	vmul.bf16 v52, v51;
	v32 =	vadd.bf16 v55, v32;
	_ =	sdelay $0x1  }
0x338: {  	v57 =	vmul.bf16 v54, v53;
	v32 =	vadd.bf16 v56, v32;
	_ =	sdelay $0x1  }
0x339: {  	v32 =	vadd.bf16 v57, v32;
	_ =	sdelay $0x1  }
0x33a: {  	[tilespmem:v10+s17+$0x0] =	vst.idx.msk $0xffff, v32  }
0x33b: {  	v32 =	vld [tilespmem:s24+$0x4CD0]  }
0x33c: {  	v58 =	vld [tilespmem:s24+$0x74D0]  }
0x33d: {  	v59 =	vld [tilespmem:s24+$0x4CE0]  }
0x33e: {  	v60 =	vld [tilespmem:s24+$0x74E0]  }
0x33f: {  	v61 =	vld [tilespmem:s24+$0x4CF0]  }
0x340: {  	v62 =	vld [tilespmem:s24+$0x74F0]  }
0x341: {  	v63 =	vld [tilespmem:s24+$0x4D00]  }
0x342: {  	v42 =	vld [tilespmem:s24+$0x7500]  }
0x343: {  	v32 =	vmul.bf16 v58, v32;
	v43 =	vmul.bf16 v60, v59;
	_ =	sdelay $0x1  }
0x344: {  	v44 =	vmul.bf16 v62, v61;
	v32 =	vadd.bf16 v43, v32;
	_ =	sdelay $0x1  }
0x345: {  	v45 =	vmul.bf16 v42, v63;
	v32 =	vadd.bf16 v44, v32;
	_ =	sdelay $0x1  }
0x346: {  	v32 =	vadd.bf16 v45, v32;
	_ =	sdelay $0x1  }
0x347: {  	[tilespmem:v11+s17+$0x0] =	vst.idx.msk $0xffff, v32  }
0x348: {  	v32 =	vld [tilespmem:s24+$0x4D50]  }
0x349: {  	v46 =	vld [tilespmem:s24+$0x7550]  }
0x34a: {  	v47 =	vld [tilespmem:s24+$0x4D60]  }
0x34b: {  	v48 =	vld [tilespmem:s24+$0x7560]  }
0x34c: {  	v49 =	vld [tilespmem:s24+$0x4D70]  }
0x34d: {  	v50 =	vld [tilespmem:s24+$0x7570]  }
0x34e: {  	v51 =	vld [tilespmem:s24+$0x4D80]  }
0x34f: {  	v52 =	vld [tilespmem:s24+$0x7580]  }
0x350: {  	v32 =	vmul.bf16 v46, v32;
	v53 =	vmul.bf16 v48, v47;
	_ =	sdelay $0x1  }
0x351: {  	v54 =	vmul.bf16 v50, v49;
	v32 =	vadd.bf16 v53, v32;
	_ =	sdelay $0x1  }
0x352: {  	v55 =	vmul.bf16 v52, v51;
	v32 =	vadd.bf16 v54, v32;
	_ =	sdelay $0x1  }
0x353: {  	v32 =	vadd.bf16 v55, v32;
	_ =	sdelay $0x1  }
0x354: {  	[tilespmem:v12+s17+$0x0] =	vst.idx.msk $0xffff, v32  }
0x355: {  	v32 =	vld [tilespmem:s24+$0x4DD0]  }
0x356: {  	v56 =	vld [tilespmem:s24+$0x75D0]  }
0x357: {  	v57 =	vld [tilespmem:s24+$0x4DE0]  }
0x358: {  	v58 =	vld [tilespmem:s24+$0x75E0]  }
0x359: {  	v59 =	vld [tilespmem:s24+$0x4DF0]  }
0x35a: {  	v60 =	vld [tilespmem:s24+$0x75F0]  }
0x35b: {  	v61 =	vld [tilespmem:s24+$0x4E00]  }
0x35c: {  	v62 =	vld [tilespmem:s24+$0x7600]  }
0x35d: {  	v32 =	vmul.bf16 v56, v32;
	v63 =	vmul.bf16 v58, v57;
	_ =	sdelay $0x1  }
0x35e: {  	v40 =	vmul.bf16 v60, v59;
	v32 =	vadd.bf16 v63, v32;
	_ =	sdelay $0x1  }
0x35f: {  	v41 =	vmul.bf16 v62, v61;
	v32 =	vadd.bf16 v40, v32;
	_ =	sdelay $0x1  }
0x360: {  	v32 =	vadd.bf16 v41, v32;
	_ =	sdelay $0x1  }
0x361: {  	[tilespmem:v13+s17+$0x0] =	vst.idx.msk $0xffff, v32  }
0x362: {  	v32 =	vld [tilespmem:s24+$0x4E50]  }
0x363: {  	v42 =	vld [tilespmem:s24+$0x7650]  }
0x364: {  	v43 =	vld [tilespmem:s24+$0x4E60]  }
0x365: {  	v44 =	vld [tilespmem:s24+$0x7660]  }
0x366: {  	v45 =	vld [tilespmem:s24+$0x4E70]  }
0x367: {  	v46 =	vld [tilespmem:s24+$0x7670]  }
0x368: {  	v47 =	vld [tilespmem:s24+$0x4E80]  }
0x369: {  	v48 =	vld [tilespmem:s24+$0x7680]  }
0x36a: {  	v32 =	vmul.bf16 v42, v32;
	v49 =	vmul.bf16 v44, v43;
	_ =	sdelay $0x1  }
0x36b: {  	v50 =	vmul.bf16 v46, v45;
	v32 =	vadd.bf16 v49, v32;
	_ =	sdelay $0x1  }
0x36c: {  	v51 =	vmul.bf16 v48, v47;
	v32 =	vadd.bf16 v50, v32;
	_ =	sdelay $0x1  }
0x36d: {  	v32 =	vadd.bf16 v51, v32;
	_ =	sdelay $0x1  }
0x36e: {  	[tilespmem:v14+s17+$0x0] =	vst.idx.msk $0xffff, v32  }
0x36f: {  	v32 =	vld [tilespmem:s24+$0x4ED0]  }
0x370: {  	v52 =	vld [tilespmem:s24+$0x76D0]  }
0x371: {  	v53 =	vld [tilespmem:s24+$0x4EE0]  }
0x372: {  	v54 =	vld [tilespmem:s24+$0x76E0]  }
0x373: {  	v55 =	vld [tilespmem:s24+$0x4EF0]  }
0x374: {  	v56 =	vld [tilespmem:s24+$0x76F0]  }
0x375: {  	v57 =	vld [tilespmem:s24+$0x4F00]  }
0x376: {  	v58 =	vld [tilespmem:s24+$0x7700]  }
0x377: {  	v32 =	vmul.bf16 v52, v32;
	v59 =	vmul.bf16 v54, v53;
	_ =	sdelay $0x1  }
0x378: {  	v60 =	vmul.bf16 v56, v55;
	v32 =	vadd.bf16 v59, v32;
	_ =	sdelay $0x1  }
0x379: {  	v61 =	vmul.bf16 v58, v57;
	v32 =	vadd.bf16 v60, v32;
	_ =	sdelay $0x1  }
0x37a: {  	v32 =	vadd.bf16 v61, v32;
	_ =	sdelay $0x1  }
0x37b: {  	[tilespmem:v15+s17+$0x0] =	vst.idx.msk $0xffff, v32  }
0x37c: {  	v32 =	vld.idx.msk [tilespmem:v16+s17+$0x0], $0xffff  }
0x37d: {  	v62 =	vld.idx.msk [tilespmem:v17+s17+$0x0], $0xffff  }
0x37e: {  	v63 =	vld.idx.msk [tilespmem:v18+s17+$0x0], $0xffff  }
0x37f: {  	v48 =	vld.idx.msk [tilespmem:v19+s17+$0x0], $0xffff  }
0x380: {  	v49 =	vld.idx.msk [tilespmem:v20+s17+$0x0], $0xffff  }
0x381: {  	v50 =	vld.idx.msk [tilespmem:v21+s17+$0x0], $0xffff  }
0x382: {  	v51 =	vld.idx.msk [tilespmem:v22+s17+$0x0], $0xffff  }
0x383: {  	v52 =	vld.idx.msk [tilespmem:v23+s17+$0x0], $0xffff  }
0x384: {  	v40 =	vld.idx.msk [tilespmem:v24+s17+$0x0], $0xffff  }
0x385: {  	v41 =	vld.idx.msk [tilespmem:v25+s17+$0x0], $0xffff  }
0x386: {  	v42 =	vld.idx.msk [tilespmem:v26+s17+$0x0], $0xffff  }
0x387: {  	v43 =	vld.idx.msk [tilespmem:v27+s17+$0x0], $0xffff  }
0x388: {  	v44 =	vld.idx.msk [tilespmem:v28+s17+$0x0], $0xffff  }
0x389: {  	v45 =	vld.idx.msk [tilespmem:v29+s17+$0x0], $0xffff  }
0x38a: {  	v46 =	vld.idx.msk [tilespmem:v30+s17+$0x0], $0xffff  }
0x38b: {  	v47 =	vld.idx.msk [tilespmem:v31+s17+$0x0], $0xffff;
	_ =	sdelay $0x1  }
0x38c: {  	v32 =	vadd.bf16 v62, v32;
	v53 =	vadd.bf16 v48, v63  }
0x38d: {  	v54 =	vadd.bf16 v50, v49;
	v55 =	vadd.bf16 v52, v51  }
0x38e: {  	v56 =	vadd.bf16 v41, v40;
	v57 =	vadd.bf16 v43, v42  }
0x38f: {  	v58 =	vadd.bf16 v45, v44;
	v59 =	vadd.bf16 v47, v46  }
0x390: {  	v32 =	vadd.bf16 v53, v32;
	v60 =	vadd.bf16 v55, v54  }
0x391: {  	v61 =	vadd.bf16 v57, v56;
	v62 =	vadd.bf16 v59, v58;
	_ =	sdelay $0x1  }
0x392: {  	v32 =	vadd.bf16 v60, v32;
	v63 =	vadd.bf16 v62, v61;
	_ =	sdelay $0x1  }
0x393: {  	p0 =	sne.s32 s22, $0x9EC0;
	v32 =	vadd.bf16 v63, v32  }
.Ltmp3:
0x394: {  	_ = 	snop;
	(pc) =	sbr.rel @p0 .LBB2_8-.Ltmp3, $3  }
0x395: {  	v33 =	vunpack.i.u.bf16.f32 v32;
	v32 =	vunpack.i.l.bf16.f32 v32  }
0x396: {  	v32 =	vadd.f32 v32, v33;
	_ =	sdelay $0x1  }
0x397: {  	s22 =	sadd.s32 $0x2000, s22;
	[tilespmem:s23+$0x0] =	vst v32;
	s23 =	sadd.s32 $0x10, s23  }
0x398: {  	s21 =	sadd.s32 $0x1, s21  }
0x399: {  	p0 =	sne.s32 s21, s7  }
.Ltmp4:
0x39a: {  	_ = 	snop;
	(pc) =	sbr.rel @p0 .LBB2_1-.Ltmp4, $4  }
0x39b: {  	[hbm4b:s6+s2] =	stream.linear.scatter [tilespmem:s20], [sflag:$0x5], $0x2710, $0x38;
	[tilespmem:$0x11E80] =	vst v63  }
0x39c: {  	_ =	swait.ge [sflag:s8], $0x2710  }
0x39d: {  	[sflag:s8] =	ssyncset.done $0x0  }
0x39e: {  	[sflag:s8] =	ssyncadd.s32 $0xFFFFD8F0  }
0x39f: {  	_ =	sfence.sel $0x180000  }
0x3a0: {  	[bflag:$0x0] =	sbarrier.arrive $0xFFFF  }
0x3a1: {  	p0 =	sne.s32 s0, $0x0;
	_ =	strace $0x90000047  }
0x3a2: {  	s0 =	sadd.s32 @!p0 $0x100000, s1;
	[bflag:$0x2] =	sbarrier.arrive $0xFFFF  }
0x3a3: {  	[sflag:s0] =	ssyncadd.tile.s32 @!p0 $0x1;
	_ =	shalt  }
.Lfunc_end2:
_tile_overlayer_lowered:
.L_overlay_start_2:
0x3a4: {  	(tag) =	ssettag $0x2  }
0x3a5: {  	s0 =	rddreg [dreg:$0x0];
	s2 =	stileid.u32  }
0x3a6: {  	s1 =	rddreg [dreg:$0x1];
	p0 =	sne.s32 s2, $0x0  }
0x3a7: {  	s3 =	rddreg [dreg:$0x2];
	[bflag:$0x3] =	sbarrier.arrive $0xFFFF;
	s2 =	simm.s32 @!p0 $0x1C05  }
0x3a8: {  	[timem:s3], [sflag:s2] =	dma.local @!p0 [hbm:s0], s1  }
0x3a9: {  	s0 =	simm.s32 @!p0 $0x5  }
0x3aa: {  	_ =	swait.ge @!p0 [sflag:s0], s1  }
0x3ab: {  	s1 =	ssub.s32 @!p0 $0x0, s1;
	[sflag:s0] =	ssyncset.done @!p0 $0x0  }
0x3ac: {  	[sflag:s0] =	ssyncadd.s32 @!p0 s1  }
0x3ad: {  	[bflag:$0x3] =	sbarrier.arrive $0xFFFF  }
0x3ae: {  	_ =	shalt  }

</sc_bundles>
